<compile_context>
chip_gen: v7x
topology: tpu7x:2x2x1
jax: 0.10.2.dev20260603
libtpu: 0.0.44.dev20260713+nightly
codegen_flags: <defaults>
</compile_context>

<pallas_src>
import functools

import numpy as np
import jax
import jax.numpy as jnp
from jax import lax
from jax.experimental import pallas as pl
from jax.experimental.pallas import tpu as pltpu
from jax.experimental.pallas import tpu_sc as plsc

_N = 10000
_E = 320000
_H = 128
_NP = 10240
_NW = 32
_EW = _E // _NW
_K = 80
_CH = _EW // _K
_TPS = _NP // 16
_DD = 128

_mesh = plsc.VectorSubcoreMesh(core_axis_name="c", subcore_axis_name="s")


@functools.partial(
    pl.kernel,
    out_type=jax.ShapeDtypeStruct((2, _NP, _DD), jnp.float32),
    mesh=_mesh,
    scratch_types=[
        [pltpu.VMEM((_K,), jnp.int32)] * 8,
        pltpu.VMEM((_K, _DD), jnp.float32),
        pltpu.VMEM_SHARED((_NP, _DD), jnp.float32),
        pltpu.SemaphoreType.DMA((8,)),
        pltpu.SemaphoreType.DMA((4,)),
    ],
)
def _sc_degree(col_hbm, zeros_hbm, ones_hbm, out_hbm, colv,
               onesv, acc, semC, semS):
    cid = lax.axis_index("c")
    sid = lax.axis_index("s")
    wid = sid * 2 + cid
    pltpu.sync_copy(zeros_hbm, acc.at[pl.ds(sid * _TPS, _TPS)])
    pltpu.sync_copy(ones_hbm, onesv)
    plsc.subcore_barrier()

    def csl(j):
        jq = jnp.minimum(j, _CH - 1)
        return col_hbm.at[pl.ds(wid * _EW + jq * _K, _K)]

    def step(j, u, wait_scatter=True):
        s8, s4, a8 = u % 8, u % 4, (u + 4) % 8
        if wait_scatter:
            pltpu.make_async_copy(onesv, acc.at[colv[a8]], semS.at[s4]).wait()
        pltpu.async_copy(csl(j + 4), colv[a8], semC.at[a8])
        pltpu.make_async_copy(csl(j), colv[s8], semC.at[s8]).wait()
        pltpu.async_copy(onesv, acc.at[colv[s8]], semS.at[s4], add=True)

    for u in range(4):
        pltpu.async_copy(csl(u), colv[u], semC.at[u])
    for u in range(8):
        step(u, u, wait_scatter=(u >= 4))

    def body(i, carry):
        for u in range(8):
            step(8 * i + u, u)
        return carry

    lax.fori_loop(1, 15, body, 0)
    for u in range(5):
        step(120 + u, u)
    for j, u in ((121, 1), (122, 2), (123, 3), (124, 0)):
        pltpu.make_async_copy(onesv, acc.at[colv[u % 8]], semS.at[u % 4]).wait()
    for j, a in ((125, 5), (126, 6), (127, 7), (128, 0)):
        pltpu.make_async_copy(csl(j), colv[a], semC.at[a]).wait()
    plsc.subcore_barrier()
    pltpu.sync_copy(acc.at[pl.ds(sid * _TPS, _TPS)],
                    out_hbm.at[cid, pl.ds(sid * _TPS, _TPS)])


@functools.partial(
    pl.kernel,
    out_type=jax.ShapeDtypeStruct((2, _NP, _H), jnp.float32),
    mesh=_mesh,
    scratch_types=[
        [pltpu.VMEM((_K,), jnp.int32)] * 4,
        [pltpu.VMEM((_K,), jnp.int32)] * 4,
        [pltpu.VMEM((_K, _H), jnp.float32)] * 4,
        pltpu.VMEM_SHARED((_NP, _H), jnp.float32),
        pltpu.SemaphoreType.DMA((4,)),
        pltpu.SemaphoreType.DMA((4,)),
        pltpu.SemaphoreType.DMA((4,)),
        pltpu.SemaphoreType.DMA((2,)),
    ],
)
def _sc_scatter(g_hbm, row_hbm, col_hbm, zeros_hbm, out_hbm,
                rowv, colv, buf, acc, semR, semG, semC, semS):
    cid = lax.axis_index("c")
    sid = lax.axis_index("s")
    wid = sid * 2 + cid
    for t in range(_TPS // 128):
        pltpu.sync_copy(zeros_hbm, acc.at[pl.ds(sid * _TPS + t * 128, 128)])
    plsc.subcore_barrier()

    def rsl(j):
        jq = jnp.minimum(j, _CH - 1)
        return row_hbm.at[pl.ds(wid * _EW + jq * _K, _K)]

    def csl(j):
        jq = jnp.minimum(j, _CH - 1)
        return col_hbm.at[pl.ds(wid * _EW + jq * _K, _K)]

    def step(j, u, wait_scatter=True):
        s4, s2, a4 = u % 4, u % 2, (u + 2) % 4
        if wait_scatter:
            pltpu.make_async_copy(buf[a4], acc.at[colv[a4]],
                                  semS.at[s2]).wait()
        pltpu.make_async_copy(rsl(j + 2), rowv[a4], semR.at[a4]).wait()
        pltpu.async_copy(g_hbm.at[rowv[a4]], buf[a4], semG.at[a4])
        pltpu.async_copy(csl(j + 2), colv[a4], semC.at[a4])
        pltpu.make_async_copy(g_hbm.at[rowv[s4]], buf[s4], semG.at[s4]).wait()
        pltpu.make_async_copy(csl(j), colv[s4], semC.at[s4]).wait()
        pltpu.async_copy(buf[s4], acc.at[colv[s4]], semS.at[s2], add=True)
        pltpu.async_copy(rsl(j + 4), rowv[s4], semR.at[s4])

    for u in range(4):
        pltpu.async_copy(rsl(u), rowv[u], semR.at[u])
    for u in range(2):
        pltpu.async_copy(csl(u), colv[u], semC.at[u])
        pltpu.make_async_copy(rsl(u), rowv[u], semR.at[u]).wait()
        pltpu.async_copy(g_hbm.at[rowv[u]], buf[u], semG.at[u])
    for u in range(4):
        step(u, u, wait_scatter=(u >= 2))

    def body(i, carry):
        for u in range(4):
            step(4 * i + u, u)
        return carry

    lax.fori_loop(1, 31, body, 0)
    step(124, 0)
    pltpu.make_async_copy(buf[3], acc.at[colv[3]], semS.at[1]).wait()
    pltpu.make_async_copy(buf[0], acc.at[colv[0]], semS.at[0]).wait()
    for j, a in ((125, 1), (126, 2)):
        pltpu.make_async_copy(g_hbm.at[rowv[a]], buf[a], semG.at[a]).wait()
        pltpu.make_async_copy(csl(j), colv[a], semC.at[a]).wait()
    for j, a in ((127, 3), (128, 0)):
        pltpu.make_async_copy(rsl(j), rowv[a], semR.at[a]).wait()
    plsc.subcore_barrier()
    pltpu.sync_copy(acc.at[pl.ds(sid * _TPS, _TPS)],
                    out_hbm.at[cid, pl.ds(sid * _TPS, _TPS)])


def _tc_embed_body(x_ref, w_ref, b_ref, bng_ref, bnb_ref, degp_ref,
                   g_out, dis_out):
    h = jnp.dot(x_ref[...], w_ref[...], preferred_element_type=jnp.float32)
    h = jnp.maximum(h + b_ref[...], 0.0)
    scale = bng_ref[...] * np.float32(1.0 / np.sqrt(1.0 + 1e-5))
    h = h * scale + bnb_ref[...]
    deg = degp_ref[0, :, 0:1] + degp_ref[1, :, 0:1]
    dis = lax.rsqrt(deg + 1.0)
    dis_out[...] = dis
    g_out[...] = h * dis


def _tc_head_body(sp_ref, g_ref, dis_ref, sgw_ref, sgb_ref, w1_ref, b1_ref,
                  w2_ref, b2_ref, w3_ref, b3_ref, out_ref):
    s = sp_ref[0] + sp_ref[1] + g_ref[...]
    agg = s * dis_ref[...]
    h = jnp.dot(agg, sgw_ref[...], preferred_element_type=jnp.float32)
    h = jnp.maximum(h + sgb_ref[...], 0.0)
    h = jnp.dot(h, w1_ref[...], preferred_element_type=jnp.float32)
    h = jnp.maximum(h + b1_ref[...], 0.0)
    h = jnp.dot(h, w2_ref[...], preferred_element_type=jnp.float32)
    h = jnp.maximum(h + b2_ref[...], 0.0)
    z = jnp.dot(h, w3_ref[...], preferred_element_type=jnp.float32)
    z = z + b3_ref[...]
    out_ref[...] = 1.0 / (1.0 + jnp.exp(-z))


_B1 = 2000
_G1 = _N // _B1


def kernel(x, emb_w, emb_b, bn_g, bn_b, sg_w, sg_b, l1_w, l1_b,
           l2_w, l2_b, l3_w, l3_b, edge_index):
    row = edge_index[0]
    col = edge_index[1]

    degp = _sc_degree(col,
                      jnp.zeros((_TPS, _DD), jnp.float32),
                      jnp.ones((_K, _DD), jnp.float32))

    g, dis = pl.pallas_call(
        _tc_embed_body,
        grid=(_G1,),
        in_specs=[
            pl.BlockSpec((_B1, _H), lambda i: (i, 0)),
            pl.BlockSpec((_H, _H), lambda i: (0, 0)),
            pl.BlockSpec((1, _H), lambda i: (0, 0)),
            pl.BlockSpec((1, _H), lambda i: (0, 0)),
            pl.BlockSpec((1, _H), lambda i: (0, 0)),
            pl.BlockSpec((2, _B1, _DD), lambda i: (0, i, 0)),
        ],
        out_specs=[
            pl.BlockSpec((_B1, _H), lambda i: (i, 0)),
            pl.BlockSpec((_B1, 1), lambda i: (i, 0)),
        ],
        out_shape=[
            jax.ShapeDtypeStruct((_N, _H), jnp.float32),
            jax.ShapeDtypeStruct((_N, 1), jnp.float32),
        ],
    )(x, emb_w, emb_b.reshape(1, _H), bn_g.reshape(1, _H),
      bn_b.reshape(1, _H), degp)

    sp = _sc_scatter(g, row, col, jnp.zeros((128, _H), jnp.float32))

    out = pl.pallas_call(
        _tc_head_body,
        grid=(_G1,),
        in_specs=[
            pl.BlockSpec((2, _B1, _H), lambda i: (0, i, 0)),
            pl.BlockSpec((_B1, _H), lambda i: (i, 0)),
            pl.BlockSpec((_B1, 1), lambda i: (i, 0)),
            pl.BlockSpec((_H, _H), lambda i: (0, 0)),
            pl.BlockSpec((1, _H), lambda i: (0, 0)),
            pl.BlockSpec((_H, 64), lambda i: (0, 0)),
            pl.BlockSpec((1, 64), lambda i: (0, 0)),
            pl.BlockSpec((64, 32), lambda i: (0, 0)),
            pl.BlockSpec((1, 32), lambda i: (0, 0)),
            pl.BlockSpec((32, 18), lambda i: (0, 0)),
            pl.BlockSpec((1, 18), lambda i: (0, 0)),
        ],
        out_specs=pl.BlockSpec((_B1, 18), lambda i: (i, 0)),
        out_shape=jax.ShapeDtypeStruct((_N, 18), jnp.float32),
    )(sp, g, dis, sg_w, sg_b.reshape(1, _H), l1_w, l1_b.reshape(1, 64),
      l2_w, l2_b.reshape(1, 32), l3_w, l3_b.reshape(1, 18))
    return out

# --- scband reference (transcript-rebuilt; emitter-appended) ---
"""Pipeline reference for scband-sgcnet-18854906429734 (READ-ONLY COPY).

The authoritative reference and input builder live on the scoring server;
editing this copy changes nothing except your own understanding.
"""

import jax, jax.numpy as jnp
import numpy as np

N = 10000
E = 320000
D_IN = 128
H = 128

def setup_inputs(seed: int = 0):
    key = jax.random.key(seed)
    ks = jax.random.split(key, 8)
    x = jax.random.normal(ks[0], (N, D_IN), dtype=jnp.float32)
    edge_index = jax.random.randint(ks[1], (2, E), 0, N).astype(jnp.int32)

    def lin(k, fi, fo):
        s = 1.0 / np.sqrt(fi)
        k1, k2 = jax.random.split(k)
        w = jax.random.uniform(k1, (fi, fo), minval=-s, maxval=s, dtype=jnp.float32)
        b = jax.random.uniform(k2, (fo,), minval=-s, maxval=s, dtype=jnp.float32)
        return w, b

    emb_w, emb_b = lin(ks[2], D_IN, H)
    sg_w, sg_b = lin(ks[3], H, H)
    l1_w, l1_b = lin(ks[4], H, 64)
    l2_w, l2_b = lin(ks[5], 64, 32)
    l3_w, l3_b = lin(ks[6], 32, 18)
    bn_g = jnp.ones((H,), jnp.float32)
    bn_b = jnp.zeros((H,), jnp.float32)
    return {"x": x, "emb_w": emb_w, "emb_b": emb_b, "bn_g": bn_g, "bn_b": bn_b,
            "sg_w": sg_w, "sg_b": sg_b, "l1_w": l1_w, "l1_b": l1_b,
            "l2_w": l2_w, "l2_b": l2_b, "l3_w": l3_w, "l3_b": l3_b,
            "edge_index": edge_index}

def _forward(x, emb_w, emb_b, bn_g, bn_b, sg_w, sg_b, l1_w, l1_b, l2_w, l2_b, l3_w, l3_b, edge_index):
    # embedding: Linear -> ReLU -> BatchNorm1d (eval mode: running_mean=0, running_var=1)
    h = jax.nn.relu(x @ emb_w + emb_b)
    h = (h / jnp.sqrt(1.0 + 1e-05)) * bn_g + bn_b
    # SGConv (K=1, add_self_loops=True), GCN normalization
    loop = jnp.arange(N, dtype=edge_index.dtype)
    row = jnp.concatenate([edge_index[0], loop])
    col = jnp.concatenate([edge_index[1], loop])
    ew = jnp.ones(row.shape[0], dtype=jnp.float32)
    deg = jax.ops.segment_sum(ew, col, num_segments=N)
    dis = 1.0 / jnp.sqrt(deg)  # deg >= 1 thanks to self loops
    norm = dis[row] * dis[col]
    msg = h[row] * norm[:, None]
    agg = jax.ops.segment_sum(msg, col, num_segments=N)
    h = agg @ sg_w + sg_b
    h = jax.nn.relu(h)
    # MLP head (bn1/bn2 are defined in the torch module but unused in forward)
    h = jax.nn.relu(h @ l1_w + l1_b)
    h = jax.nn.relu(h @ l2_w + l2_b)
    # dropout is identity in eval mode
    return jax.nn.sigmoid(h @ l3_w + l3_b)

def reference(x, emb_w, emb_b, bn_g, bn_b, sg_w, sg_b, l1_w, l1_b, l2_w, l2_b, l3_w, l3_b, edge_index):
    return _forward(x, emb_w, emb_b, bn_g, bn_b, sg_w, sg_b, l1_w, l1_b, l2_w, l2_b, l3_w, l3_b, edge_index)

if __name__ == "__main__":
    import jax
    _d = setup_inputs()
    print(jax.jit(kernel)(*tuple(_d.values())))

</pallas_src>

<mosaic_0001>
#map = affine_map<(d0, d1) -> (0, 0)>
#map1 = affine_map<(d0, d1) -> (0)>
#map2 = affine_map<(d0, d1) -> (0, 0, 0)>
module attributes {stable_mosaic.version = 14 : i64} {
  func.func @_sc_scatter(%arg0: i32, %arg1: i32, %arg2: memref<10000x128xf32, #tpu.memory_space<hbm>>, %arg3: memref<320000xi32, #tpu.memory_space<hbm>>, %arg4: memref<320000xi32, #tpu.memory_space<hbm>>, %arg5: memref<128x128xf32, #tpu.memory_space<hbm>>, %arg6: memref<2x10240x128xf32, #tpu.memory_space<hbm>>, %arg7: memref<80xi32, #tpu.memory_space<vmem>>, %arg8: memref<80xi32, #tpu.memory_space<vmem>>, %arg9: memref<80xi32, #tpu.memory_space<vmem>>, %arg10: memref<80xi32, #tpu.memory_space<vmem>>, %arg11: memref<80xi32, #tpu.memory_space<vmem>>, %arg12: memref<80xi32, #tpu.memory_space<vmem>>, %arg13: memref<80xi32, #tpu.memory_space<vmem>>, %arg14: memref<80xi32, #tpu.memory_space<vmem>>, %arg15: memref<80x128xf32, #tpu.memory_space<vmem>>, %arg16: memref<80x128xf32, #tpu.memory_space<vmem>>, %arg17: memref<80x128xf32, #tpu.memory_space<vmem>>, %arg18: memref<80x128xf32, #tpu.memory_space<vmem>>, %arg19: memref<10240x128xf32, #tpu.memory_space<vmem_shared>>, %arg20: memref<4x!tpu.dma_semaphore, #tpu.memory_space<semaphore_mem>>, %arg21: memref<4x!tpu.dma_semaphore, #tpu.memory_space<semaphore_mem>>, %arg22: memref<4x!tpu.dma_semaphore, #tpu.memory_space<semaphore_mem>>, %arg23: memref<2x!tpu.dma_semaphore, #tpu.memory_space<semaphore_mem>>) attributes {dimension_semantics = [#tpu.dimension_semantics<core_parallel>, #tpu.dimension_semantics<subcore_parallel>], iteration_bounds = array<i64: 2, 16>, scalar_prefetch = 0 : i64, scratch_operands = 17 : i64, tpu.core_type = #tpu.core_type<sc_vector_subcore>, window_params = [{transform_indices = #map}, {transform_indices = #map1}, {transform_indices = #map1}, {transform_indices = #map}, {transform_indices = #map2}]} {
    %mul3A = arith.constant 2 : i32
    %mul3A_0 = arith.muli %arg1, %mul3A : i32
    %add3A = arith.addi %mul3A_0, %arg0 : i32
    %mul3A_1 = arith.constant 640 : i32
    %mul3A_2 = arith.muli %arg1, %mul3A_1 : i32
    %add3A_3 = arith.constant 0 : i32
    %add3A_4 = arith.addi %mul3A_2, %add3A_3 : i32
    "tpu.region"() ({
      %run_scoped3A = tpu.sem_alloc : memref<!tpu.dma_semaphore, #tpu.memory_space<semaphore_mem>>
      %dma_start3A_588 = arith.constant 0 : i32
      %dma_start3A_589 = tpu.memref_slice %arg19[%add3A_4, %dma_start3A_588] : memref<10240x128xf32, #tpu.memory_space<vmem_shared>> -> memref<128x128xf32, #tpu.memory_space<vmem_shared>>
      tpu.enqueue_dma source(%arg5 : memref<128x128xf32, #tpu.memory_space<hbm>>) target(%dma_start3A_589 : memref<128x128xf32, #tpu.memory_space<vmem_shared>>) target_semaphore(%run_scoped3A : memref<!tpu.dma_semaphore, #tpu.memory_space<semaphore_mem>>)
      %dma_wait3A_590 = arith.constant 0 : i32
      %dma_wait3A_591 = tpu.memref_slice %arg19[%add3A_4, %dma_wait3A_590] : memref<10240x128xf32, #tpu.memory_space<vmem_shared>> -> memref<128x128xf32, #tpu.memory_space<vmem_shared>>
      tpu.wait_dma2 semaphore(%run_scoped3A : memref<!tpu.dma_semaphore, #tpu.memory_space<semaphore_mem>>) src(%arg5 : memref<128x128xf32, #tpu.memory_space<hbm>>) dst(%dma_wait3A_591 : memref<128x128xf32, #tpu.memory_space<vmem_shared>>)
      tpu.yield
    }) : () -> ()
    %mul3A_5 = arith.constant 640 : i32
    %mul3A_6 = arith.muli %arg1, %mul3A_5 : i32
    %add3A_7 = arith.constant 128 : i32
    %add3A_8 = arith.addi %mul3A_6, %add3A_7 : i32
    "tpu.region"() ({
      %run_scoped3A = tpu.sem_alloc : memref<!tpu.dma_semaphore, #tpu.memory_space<semaphore_mem>>
      %dma_start3A_588 = arith.constant 0 : i32
      %dma_start3A_589 = tpu.memref_slice %arg19[%add3A_8, %dma_start3A_588] : memref<10240x128xf32, #tpu.memory_space<vmem_shared>> -> memref<128x128xf32, #tpu.memory_space<vmem_shared>>
      tpu.enqueue_dma source(%arg5 : memref<128x128xf32, #tpu.memory_space<hbm>>) target(%dma_start3A_589 : memref<128x128xf32, #tpu.memory_space<vmem_shared>>) target_semaphore(%run_scoped3A : memref<!tpu.dma_semaphore, #tpu.memory_space<semaphore_mem>>)
      %dma_wait3A_590 = arith.constant 0 : i32
      %dma_wait3A_591 = tpu.memref_slice %arg19[%add3A_8, %dma_wait3A_590] : memref<10240x128xf32, #tpu.memory_space<vmem_shared>> -> memref<128x128xf32, #tpu.memory_space<vmem_shared>>
      tpu.wait_dma2 semaphore(%run_scoped3A : memref<!tpu.dma_semaphore, #tpu.memory_space<semaphore_mem>>) src(%arg5 : memref<128x128xf32, #tpu.memory_space<hbm>>) dst(%dma_wait3A_591 : memref<128x128xf32, #tpu.memory_space<vmem_shared>>)
      tpu.yield
    }) : () -> ()
    %mul3A_9 = arith.constant 640 : i32
    %mul3A_10 = arith.muli %arg1, %mul3A_9 : i32
    %add3A_11 = arith.constant 256 : i32
    %add3A_12 = arith.addi %mul3A_10, %add3A_11 : i32
    "tpu.region"() ({
      %run_scoped3A = tpu.sem_alloc : memref<!tpu.dma_semaphore, #tpu.memory_space<semaphore_mem>>
      %dma_start3A_588 = arith.constant 0 : i32
      %dma_start3A_589 = tpu.memref_slice %arg19[%add3A_12, %dma_start3A_588] : memref<10240x128xf32, #tpu.memory_space<vmem_shared>> -> memref<128x128xf32, #tpu.memory_space<vmem_shared>>
      tpu.enqueue_dma source(%arg5 : memref<128x128xf32, #tpu.memory_space<hbm>>) target(%dma_start3A_589 : memref<128x128xf32, #tpu.memory_space<vmem_shared>>) target_semaphore(%run_scoped3A : memref<!tpu.dma_semaphore, #tpu.memory_space<semaphore_mem>>)
      %dma_wait3A_590 = arith.constant 0 : i32
      %dma_wait3A_591 = tpu.memref_slice %arg19[%add3A_12, %dma_wait3A_590] : memref<10240x128xf32, #tpu.memory_space<vmem_shared>> -> memref<128x128xf32, #tpu.memory_space<vmem_shared>>
      tpu.wait_dma2 semaphore(%run_scoped3A : memref<!tpu.dma_semaphore, #tpu.memory_space<semaphore_mem>>) src(%arg5 : memref<128x128xf32, #tpu.memory_space<hbm>>) dst(%dma_wait3A_591 : memref<128x128xf32, #tpu.memory_space<vmem_shared>>)
      tpu.yield
    }) : () -> ()
    %mul3A_13 = arith.constant 640 : i32
    %mul3A_14 = arith.muli %arg1, %mul3A_13 : i32
    %add3A_15 = arith.constant 384 : i32
    %add3A_16 = arith.addi %mul3A_14, %add3A_15 : i32
    "tpu.region"() ({
      %run_scoped3A = tpu.sem_alloc : memref<!tpu.dma_semaphore, #tpu.memory_space<semaphore_mem>>
      %dma_start3A_588 = arith.constant 0 : i32
      %dma_start3A_589 = tpu.memref_slice %arg19[%add3A_16, %dma_start3A_588] : memref<10240x128xf32, #tpu.memory_space<vmem_shared>> -> memref<128x128xf32, #tpu.memory_space<vmem_shared>>
      tpu.enqueue_dma source(%arg5 : memref<128x128xf32, #tpu.memory_space<hbm>>) target(%dma_start3A_589 : memref<128x128xf32, #tpu.memory_space<vmem_shared>>) target_semaphore(%run_scoped3A : memref<!tpu.dma_semaphore, #tpu.memory_space<semaphore_mem>>)
      %dma_wait3A_590 = arith.constant 0 : i32
      %dma_wait3A_591 = tpu.memref_slice %arg19[%add3A_16, %dma_wait3A_590] : memref<10240x128xf32, #tpu.memory_space<vmem_shared>> -> memref<128x128xf32, #tpu.memory_space<vmem_shared>>
      tpu.wait_dma2 semaphore(%run_scoped3A : memref<!tpu.dma_semaphore, #tpu.memory_space<semaphore_mem>>) src(%arg5 : memref<128x128xf32, #tpu.memory_space<hbm>>) dst(%dma_wait3A_591 : memref<128x128xf32, #tpu.memory_space<vmem_shared>>)
      tpu.yield
    }) : () -> ()
    %mul3A_17 = arith.constant 640 : i32
    %mul3A_18 = arith.muli %arg1, %mul3A_17 : i32
    %add3A_19 = arith.constant 512 : i32
    %add3A_20 = arith.addi %mul3A_18, %add3A_19 : i32
    "tpu.region"() ({
      %run_scoped3A = tpu.sem_alloc : memref<!tpu.dma_semaphore, #tpu.memory_space<semaphore_mem>>
      %dma_start3A_588 = arith.constant 0 : i32
      %dma_start3A_589 = tpu.memref_slice %arg19[%add3A_20, %dma_start3A_588] : memref<10240x128xf32, #tpu.memory_space<vmem_shared>> -> memref<128x128xf32, #tpu.memory_space<vmem_shared>>
      tpu.enqueue_dma source(%arg5 : memref<128x128xf32, #tpu.memory_space<hbm>>) target(%dma_start3A_589 : memref<128x128xf32, #tpu.memory_space<vmem_shared>>) target_semaphore(%run_scoped3A : memref<!tpu.dma_semaphore, #tpu.memory_space<semaphore_mem>>)
      %dma_wait3A_590 = arith.constant 0 : i32
      %dma_wait3A_591 = tpu.memref_slice %arg19[%add3A_20, %dma_wait3A_590] : memref<10240x128xf32, #tpu.memory_space<vmem_shared>> -> memref<128x128xf32, #tpu.memory_space<vmem_shared>>
      tpu.wait_dma2 semaphore(%run_scoped3A : memref<!tpu.dma_semaphore, #tpu.memory_space<semaphore_mem>>) src(%arg5 : memref<128x128xf32, #tpu.memory_space<hbm>>) dst(%dma_wait3A_591 : memref<128x128xf32, #tpu.memory_space<vmem_shared>>)
      tpu.yield
    }) : () -> ()
    %barrier3A = arith.constant 0 : index
    tpu.barrier barrier_id(%barrier3A)
    %min3A = arith.constant 0 : i32
    %min3A_21 = arith.constant 124 : i32
    %min3A_22 = arith.minsi %min3A, %min3A_21 : i32
    %mul3A_23 = arith.constant 10000 : i32
    %mul3A_24 = arith.muli %add3A, %mul3A_23 : i32
    %mul3A_25 = arith.constant 80 : i32
    %mul3A_26 = arith.muli %min3A_22, %mul3A_25 : i32
    %add3A_27 = arith.addi %mul3A_24, %mul3A_26 : i32
    %dma_start3A = arith.constant 0 : i32
    %dma_start3A_28 = tpu.memref_slice %arg3[%add3A_27] : memref<320000xi32, #tpu.memory_space<hbm>> -> memref<80xi32, #tpu.memory_space<hbm>>
    %dma_start3A_29 = tpu.memref_slice %arg20[%dma_start3A] : memref<4x!tpu.dma_semaphore, #tpu.memory_space<semaphore_mem>> -> memref<1x!tpu.dma_semaphore, #tpu.memory_space<semaphore_mem>>
    %dma_start3A_30 = tpu.memref_squeeze %dma_start3A_29 : memref<1x!tpu.dma_semaphore, #tpu.memory_space<semaphore_mem>> -> memref<!tpu.dma_semaphore, #tpu.memory_space<semaphore_mem>>
    %dma_start3A_31 = tpu.memref_slice %arg3[%add3A_27] : memref<320000xi32, #tpu.memory_space<hbm>> -> memref<80xi32, #tpu.memory_space<hbm>>
    tpu.enqueue_dma source(%dma_start3A_31 : memref<80xi32, #tpu.memory_space<hbm>>) target(%arg7 : memref<80xi32, #tpu.memory_space<vmem>>) target_semaphore(%dma_start3A_30 : memref<!tpu.dma_semaphore, #tpu.memory_space<semaphore_mem>>)
    %min3A_32 = arith.constant 1 : i32
    %min3A_33 = arith.constant 124 : i32
    %min3A_34 = arith.minsi %min3A_32, %min3A_33 : i32
    %mul3A_35 = arith.constant 10000 : i32
    %mul3A_36 = arith.muli %add3A, %mul3A_35 : i32
    %mul3A_37 = arith.constant 80 : i32
    %mul3A_38 = arith.muli %min3A_34, %mul3A_37 : i32
    %add3A_39 = arith.addi %mul3A_36, %mul3A_38 : i32
    %dma_start3A_40 = arith.constant 1 : i32
    %dma_start3A_41 = tpu.memref_slice %arg3[%add3A_39] : memref<320000xi32, #tpu.memory_space<hbm>> -> memref<80xi32, #tpu.memory_space<hbm>>
    %dma_start3A_42 = tpu.memref_slice %arg20[%dma_start3A_40] : memref<4x!tpu.dma_semaphore, #tpu.memory_space<semaphore_mem>> -> memref<1x!tpu.dma_semaphore, #tpu.memory_space<semaphore_mem>>
    %dma_start3A_43 = tpu.memref_squeeze %dma_start3A_42 : memref<1x!tpu.dma_semaphore, #tpu.memory_space<semaphore_mem>> -> memref<!tpu.dma_semaphore, #tpu.memory_space<semaphore_mem>>
    %dma_start3A_44 = tpu.memref_slice %arg3[%add3A_39] : memref<320000xi32, #tpu.memory_space<hbm>> -> memref<80xi32, #tpu.memory_space<hbm>>
    tpu.enqueue_dma source(%dma_start3A_44 : memref<80xi32, #tpu.memory_space<hbm>>) target(%arg8 : memref<80xi32, #tpu.memory_space<vmem>>) target_semaphore(%dma_start3A_43 : memref<!tpu.dma_semaphore, #tpu.memory_space<semaphore_mem>>)
    %min3A_45 = arith.constant 2 : i32
    %min3A_46 = arith.constant 124 : i32
    %min3A_47 = arith.minsi %min3A_45, %min3A_46 : i32
    %mul3A_48 = arith.constant 10000 : i32
    %mul3A_49 = arith.muli %add3A, %mul3A_48 : i32
    %mul3A_50 = arith.constant 80 : i32
    %mul3A_51 = arith.muli %min3A_47, %mul3A_50 : i32
    %add3A_52 = arith.addi %mul3A_49, %mul3A_51 : i32
    %dma_start3A_53 = arith.constant 2 : i32
    %dma_start3A_54 = tpu.memref_slice %arg3[%add3A_52] : memref<320000xi32, #tpu.memory_space<hbm>> -> memref<80xi32, #tpu.memory_space<hbm>>
    %dma_start3A_55 = tpu.memref_slice %arg20[%dma_start3A_53] : memref<4x!tpu.dma_semaphore, #tpu.memory_space<semaphore_mem>> -> memref<1x!tpu.dma_semaphore, #tpu.memory_space<semaphore_mem>>
    %dma_start3A_56 = tpu.memref_squeeze %dma_start3A_55 : memref<1x!tpu.dma_semaphore, #tpu.memory_space<semaphore_mem>> -> memref<!tpu.dma_semaphore, #tpu.memory_space<semaphore_mem>>
    %dma_start3A_57 = tpu.memref_slice %arg3[%add3A_52] : memref<320000xi32, #tpu.memory_space<hbm>> -> memref<80xi32, #tpu.memory_space<hbm>>
    tpu.enqueue_dma source(%dma_start3A_57 : memref<80xi32, #tpu.memory_space<hbm>>) target(%arg9 : memref<80xi32, #tpu.memory_space<vmem>>) target_semaphore(%dma_start3A_56 : memref<!tpu.dma_semaphore, #tpu.memory_space<semaphore_mem>>)
    %min3A_58 = arith.constant 3 : i32
    %min3A_59 = arith.constant 124 : i32
    %min3A_60 = arith.minsi %min3A_58, %min3A_59 : i32
    %mul3A_61 = arith.constant 10000 : i32
    %mul3A_62 = arith.muli %add3A, %mul3A_61 : i32
    %mul3A_63 = arith.constant 80 : i32
    %mul3A_64 = arith.muli %min3A_60, %mul3A_63 : i32
    %add3A_65 = arith.addi %mul3A_62, %mul3A_64 : i32
    %dma_start3A_66 = arith.constant 3 : i32
    %dma_start3A_67 = tpu.memref_slice %arg3[%add3A_65] : memref<320000xi32, #tpu.memory_space<hbm>> -> memref<80xi32, #tpu.memory_space<hbm>>
    %dma_start3A_68 = tpu.memref_slice %arg20[%dma_start3A_66] : memref<4x!tpu.dma_semaphore, #tpu.memory_space<semaphore_mem>> -> memref<1x!tpu.dma_semaphore, #tpu.memory_space<semaphore_mem>>
    %dma_start3A_69 = tpu.memref_squeeze %dma_start3A_68 : memref<1x!tpu.dma_semaphore, #tpu.memory_space<semaphore_mem>> -> memref<!tpu.dma_semaphore, #tpu.memory_space<semaphore_mem>>
    %dma_start3A_70 = tpu.memref_slice %arg3[%add3A_65] : memref<320000xi32, #tpu.memory_space<hbm>> -> memref<80xi32, #tpu.memory_space<hbm>>
    tpu.enqueue_dma source(%dma_start3A_70 : memref<80xi32, #tpu.memory_space<hbm>>) target(%arg10 : memref<80xi32, #tpu.memory_space<vmem>>) target_semaphore(%dma_start3A_69 : memref<!tpu.dma_semaphore, #tpu.memory_space<semaphore_mem>>)
    %min3A_71 = arith.constant 0 : i32
    %min3A_72 = arith.constant 124 : i32
    %min3A_73 = arith.minsi %min3A_71, %min3A_72 : i32
    %mul3A_74 = arith.constant 10000 : i32
    %mul3A_75 = arith.muli %add3A, %mul3A_74 : i32
    %mul3A_76 = arith.constant 80 : i32
    %mul3A_77 = arith.muli %min3A_73, %mul3A_76 : i32
    %add3A_78 = arith.addi %mul3A_75, %mul3A_77 : i32
    %dma_start3A_79 = arith.constant 0 : i32
    %dma_start3A_80 = tpu.memref_slice %arg4[%add3A_78] : memref<320000xi32, #tpu.memory_space<hbm>> -> memref<80xi32, #tpu.memory_space<hbm>>
    %dma_start3A_81 = tpu.memref_slice %arg22[%dma_start3A_79] : memref<4x!tpu.dma_semaphore, #tpu.memory_space<semaphore_mem>> -> memref<1x!tpu.dma_semaphore, #tpu.memory_space<semaphore_mem>>
    %dma_start3A_82 = tpu.memref_squeeze %dma_start3A_81 : memref<1x!tpu.dma_semaphore, #tpu.memory_space<semaphore_mem>> -> memref<!tpu.dma_semaphore, #tpu.memory_space<semaphore_mem>>
    %dma_start3A_83 = tpu.memref_slice %arg4[%add3A_78] : memref<320000xi32, #tpu.memory_space<hbm>> -> memref<80xi32, #tpu.memory_space<hbm>>
    tpu.enqueue_dma source(%dma_start3A_83 : memref<80xi32, #tpu.memory_space<hbm>>) target(%arg11 : memref<80xi32, #tpu.memory_space<vmem>>) target_semaphore(%dma_start3A_82 : memref<!tpu.dma_semaphore, #tpu.memory_space<semaphore_mem>>)
    %min3A_84 = arith.constant 0 : i32
    %min3A_85 = arith.constant 124 : i32
    %min3A_86 = arith.minsi %min3A_84, %min3A_85 : i32
    %mul3A_87 = arith.constant 10000 : i32
    %mul3A_88 = arith.muli %add3A, %mul3A_87 : i32
    %mul3A_89 = arith.constant 80 : i32
    %mul3A_90 = arith.muli %min3A_86, %mul3A_89 : i32
    %add3A_91 = arith.addi %mul3A_88, %mul3A_90 : i32
    %dma_wait3A = arith.constant 0 : i32
    %dma_wait3A_92 = tpu.memref_slice %arg3[%add3A_91] : memref<320000xi32, #tpu.memory_space<hbm>> -> memref<80xi32, #tpu.memory_space<hbm>>
    %dma_wait3A_93 = tpu.memref_slice %arg20[%dma_wait3A] : memref<4x!tpu.dma_semaphore, #tpu.memory_space<semaphore_mem>> -> memref<1x!tpu.dma_semaphore, #tpu.memory_space<semaphore_mem>>
    %dma_wait3A_94 = tpu.memref_squeeze %dma_wait3A_93 : memref<1x!tpu.dma_semaphore, #tpu.memory_space<semaphore_mem>> -> memref<!tpu.dma_semaphore, #tpu.memory_space<semaphore_mem>>
    %dma_wait3A_95 = tpu.memref_slice %arg3[%add3A_91] : memref<320000xi32, #tpu.memory_space<hbm>> -> memref<80xi32, #tpu.memory_space<hbm>>
    tpu.wait_dma2 semaphore(%dma_wait3A_94 : memref<!tpu.dma_semaphore, #tpu.memory_space<semaphore_mem>>) src(%dma_wait3A_95 : memref<80xi32, #tpu.memory_space<hbm>>) dst(%arg7 : memref<80xi32, #tpu.memory_space<vmem>>)
    %dma_start3A_96 = arith.constant 0 : i32
    %dma_start3A_97 = arith.constant 0 : i32
    %dma_start3A_98 = arith.constant 0 : i32
    %dma_start3A_99 = tpu.memref_slice %arg2[%dma_start3A_97, %dma_start3A_98] : memref<10000x128xf32, #tpu.memory_space<hbm>> -> memref<10000x128xf32, #tpu.memory_space<hbm>>
    %dma_start3A_100 = tpu.memref_slice %arg21[%dma_start3A_96] : memref<4x!tpu.dma_semaphore, #tpu.memory_space<semaphore_mem>> -> memref<1x!tpu.dma_semaphore, #tpu.memory_space<semaphore_mem>>
    %dma_start3A_101 = tpu.memref_squeeze %dma_start3A_100 : memref<1x!tpu.dma_semaphore, #tpu.memory_space<semaphore_mem>> -> memref<!tpu.dma_semaphore, #tpu.memory_space<semaphore_mem>>
    tpu.enqueue_indirect_dma source(%dma_start3A_99 : memref<10000x128xf32, #tpu.memory_space<hbm>>) target(%arg15 : memref<80x128xf32, #tpu.memory_space<vmem>>) offsets(%arg7 : memref<80xi32, #tpu.memory_space<vmem>>) semaphore(%dma_start3A_101 : memref<!tpu.dma_semaphore, #tpu.memory_space<semaphore_mem>>)
    %min3A_102 = arith.constant 1 : i32
    %min3A_103 = arith.constant 124 : i32
    %min3A_104 = arith.minsi %min3A_102, %min3A_103 : i32
    %mul3A_105 = arith.constant 10000 : i32
    %mul3A_106 = arith.muli %add3A, %mul3A_105 : i32
    %mul3A_107 = arith.constant 80 : i32
    %mul3A_108 = arith.muli %min3A_104, %mul3A_107 : i32
    %add3A_109 = arith.addi %mul3A_106, %mul3A_108 : i32
    %dma_start3A_110 = arith.constant 1 : i32
    %dma_start3A_111 = tpu.memref_slice %arg4[%add3A_109] : memref<320000xi32, #tpu.memory_space<hbm>> -> memref<80xi32, #tpu.memory_space<hbm>>
    %dma_start3A_112 = tpu.memref_slice %arg22[%dma_start3A_110] : memref<4x!tpu.dma_semaphore, #tpu.memory_space<semaphore_mem>> -> memref<1x!tpu.dma_semaphore, #tpu.memory_space<semaphore_mem>>
    %dma_start3A_113 = tpu.memref_squeeze %dma_start3A_112 : memref<1x!tpu.dma_semaphore, #tpu.memory_space<semaphore_mem>> -> memref<!tpu.dma_semaphore, #tpu.memory_space<semaphore_mem>>
    %dma_start3A_114 = tpu.memref_slice %arg4[%add3A_109] : memref<320000xi32, #tpu.memory_space<hbm>> -> memref<80xi32, #tpu.memory_space<hbm>>
    tpu.enqueue_dma source(%dma_start3A_114 : memref<80xi32, #tpu.memory_space<hbm>>) target(%arg12 : memref<80xi32, #tpu.memory_space<vmem>>) target_semaphore(%dma_start3A_113 : memref<!tpu.dma_semaphore, #tpu.memory_space<semaphore_mem>>)
    %min3A_115 = arith.constant 1 : i32
    %min3A_116 = arith.constant 124 : i32
    %min3A_117 = arith.minsi %min3A_115, %min3A_116 : i32
    %mul3A_118 = arith.constant 10000 : i32
    %mul3A_119 = arith.muli %add3A, %mul3A_118 : i32
    %mul3A_120 = arith.constant 80 : i32
    %mul3A_121 = arith.muli %min3A_117, %mul3A_120 : i32
    %add3A_122 = arith.addi %mul3A_119, %mul3A_121 : i32
    %dma_wait3A_123 = arith.constant 1 : i32
    %dma_wait3A_124 = tpu.memref_slice %arg3[%add3A_122] : memref<320000xi32, #tpu.memory_space<hbm>> -> memref<80xi32, #tpu.memory_space<hbm>>
    %dma_wait3A_125 = tpu.memref_slice %arg20[%dma_wait3A_123] : memref<4x!tpu.dma_semaphore, #tpu.memory_space<semaphore_mem>> -> memref<1x!tpu.dma_semaphore, #tpu.memory_space<semaphore_mem>>
    %dma_wait3A_126 = tpu.memref_squeeze %dma_wait3A_125 : memref<1x!tpu.dma_semaphore, #tpu.memory_space<semaphore_mem>> -> memref<!tpu.dma_semaphore, #tpu.memory_space<semaphore_mem>>
    %dma_wait3A_127 = tpu.memref_slice %arg3[%add3A_122] : memref<320000xi32, #tpu.memory_space<hbm>> -> memref<80xi32, #tpu.memory_space<hbm>>
    tpu.wait_dma2 semaphore(%dma_wait3A_126 : memref<!tpu.dma_semaphore, #tpu.memory_space<semaphore_mem>>) src(%dma_wait3A_127 : memref<80xi32, #tpu.memory_space<hbm>>) dst(%arg8 : memref<80xi32, #tpu.memory_space<vmem>>)
    %dma_start3A_128 = arith.constant 1 : i32
    %dma_start3A_129 = arith.constant 0 : i32
    %dma_start3A_130 = arith.constant 0 : i32
    %dma_start3A_131 = tpu.memref_slice %arg2[%dma_start3A_129, %dma_start3A_130] : memref<10000x128xf32, #tpu.memory_space<hbm>> -> memref<10000x128xf32, #tpu.memory_space<hbm>>
    %dma_start3A_132 = tpu.memref_slice %arg21[%dma_start3A_128] : memref<4x!tpu.dma_semaphore, #tpu.memory_space<semaphore_mem>> -> memref<1x!tpu.dma_semaphore, #tpu.memory_space<semaphore_mem>>
    %dma_start3A_133 = tpu.memref_squeeze %dma_start3A_132 : memref<1x!tpu.dma_semaphore, #tpu.memory_space<semaphore_mem>> -> memref<!tpu.dma_semaphore, #tpu.memory_space<semaphore_mem>>
    tpu.enqueue_indirect_dma source(%dma_start3A_131 : memref<10000x128xf32, #tpu.memory_space<hbm>>) target(%arg16 : memref<80x128xf32, #tpu.memory_space<vmem>>) offsets(%arg8 : memref<80xi32, #tpu.memory_space<vmem>>) semaphore(%dma_start3A_133 : memref<!tpu.dma_semaphore, #tpu.memory_space<semaphore_mem>>)
    %min3A_134 = arith.constant 2 : i32
    %min3A_135 = arith.constant 124 : i32
    %min3A_136 = arith.minsi %min3A_134, %min3A_135 : i32
    %mul3A_137 = arith.constant 10000 : i32
    %mul3A_138 = arith.muli %add3A, %mul3A_137 : i32
    %mul3A_139 = arith.constant 80 : i32
    %mul3A_140 = arith.muli %min3A_136, %mul3A_139 : i32
    %add3A_141 = arith.addi %mul3A_138, %mul3A_140 : i32
    %dma_wait3A_142 = arith.constant 2 : i32
    %dma_wait3A_143 = tpu.memref_slice %arg3[%add3A_141] : memref<320000xi32, #tpu.memory_space<hbm>> -> memref<80xi32, #tpu.memory_space<hbm>>
    %dma_wait3A_144 = tpu.memref_slice %arg20[%dma_wait3A_142] : memref<4x!tpu.dma_semaphore, #tpu.memory_space<semaphore_mem>> -> memref<1x!tpu.dma_semaphore, #tpu.memory_space<semaphore_mem>>
    %dma_wait3A_145 = tpu.memref_squeeze %dma_wait3A_144 : memref<1x!tpu.dma_semaphore, #tpu.memory_space<semaphore_mem>> -> memref<!tpu.dma_semaphore, #tpu.memory_space<semaphore_mem>>
    %dma_wait3A_146 = tpu.memref_slice %arg3[%add3A_141] : memref<320000xi32, #tpu.memory_space<hbm>> -> memref<80xi32, #tpu.memory_space<hbm>>
    tpu.wait_dma2 semaphore(%dma_wait3A_145 : memref<!tpu.dma_semaphore, #tpu.memory_space<semaphore_mem>>) src(%dma_wait3A_146 : memref<80xi32, #tpu.memory_space<hbm>>) dst(%arg9 : memref<80xi32, #tpu.memory_space<vmem>>)
    %dma_start3A_147 = arith.constant 2 : i32
    %dma_start3A_148 = arith.constant 0 : i32
    %dma_start3A_149 = arith.constant 0 : i32
    %dma_start3A_150 = tpu.memref_slice %arg2[%dma_start3A_148, %dma_start3A_149] : memref<10000x128xf32, #tpu.memory_space<hbm>> -> memref<10000x128xf32, #tpu.memory_space<hbm>>
    %dma_start3A_151 = tpu.memref_slice %arg21[%dma_start3A_147] : memref<4x!tpu.dma_semaphore, #tpu.memory_space<semaphore_mem>> -> memref<1x!tpu.dma_semaphore, #tpu.memory_space<semaphore_mem>>
    %dma_start3A_152 = tpu.memref_squeeze %dma_start3A_151 : memref<1x!tpu.dma_semaphore, #tpu.memory_space<semaphore_mem>> -> memref<!tpu.dma_semaphore, #tpu.memory_space<semaphore_mem>>
    tpu.enqueue_indirect_dma source(%dma_start3A_150 : memref<10000x128xf32, #tpu.memory_space<hbm>>) target(%arg17 : memref<80x128xf32, #tpu.memory_space<vmem>>) offsets(%arg9 : memref<80xi32, #tpu.memory_space<vmem>>) semaphore(%dma_start3A_152 : memref<!tpu.dma_semaphore, #tpu.memory_space<semaphore_mem>>)
    %min3A_153 = arith.constant 2 : i32
    %min3A_154 = arith.constant 124 : i32
    %min3A_155 = arith.minsi %min3A_153, %min3A_154 : i32
    %mul3A_156 = arith.constant 10000 : i32
    %mul3A_157 = arith.muli %add3A, %mul3A_156 : i32
    %mul3A_158 = arith.constant 80 : i32
    %mul3A_159 = arith.muli %min3A_155, %mul3A_158 : i32
    %add3A_160 = arith.addi %mul3A_157, %mul3A_159 : i32
    %dma_start3A_161 = arith.constant 2 : i32
    %dma_start3A_162 = tpu.memref_slice %arg4[%add3A_160] : memref<320000xi32, #tpu.memory_space<hbm>> -> memref<80xi32, #tpu.memory_space<hbm>>
    %dma_start3A_163 = tpu.memref_slice %arg22[%dma_start3A_161] : memref<4x!tpu.dma_semaphore, #tpu.memory_space<semaphore_mem>> -> memref<1x!tpu.dma_semaphore, #tpu.memory_space<semaphore_mem>>
    %dma_start3A_164 = tpu.memref_squeeze %dma_start3A_163 : memref<1x!tpu.dma_semaphore, #tpu.memory_space<semaphore_mem>> -> memref<!tpu.dma_semaphore, #tpu.memory_space<semaphore_mem>>
    %dma_start3A_165 = tpu.memref_slice %arg4[%add3A_160] : memref<320000xi32, #tpu.memory_space<hbm>> -> memref<80xi32, #tpu.memory_space<hbm>>
    tpu.enqueue_dma source(%dma_start3A_165 : memref<80xi32, #tpu.memory_space<hbm>>) target(%arg13 : memref<80xi32, #tpu.memory_space<vmem>>) target_semaphore(%dma_start3A_164 : memref<!tpu.dma_semaphore, #tpu.memory_space<semaphore_mem>>)
    %dma_wait3A_166 = arith.constant 0 : i32
    %dma_wait3A_167 = arith.constant 0 : i32
    %dma_wait3A_168 = arith.constant 0 : i32
    %dma_wait3A_169 = tpu.memref_slice %arg2[%dma_wait3A_167, %dma_wait3A_168] : memref<10000x128xf32, #tpu.memory_space<hbm>> -> memref<10000x128xf32, #tpu.memory_space<hbm>>
    %dma_wait3A_170 = tpu.memref_slice %arg21[%dma_wait3A_166] : memref<4x!tpu.dma_semaphore, #tpu.memory_space<semaphore_mem>> -> memref<1x!tpu.dma_semaphore, #tpu.memory_space<semaphore_mem>>
    %dma_wait3A_171 = tpu.memref_squeeze %dma_wait3A_170 : memref<1x!tpu.dma_semaphore, #tpu.memory_space<semaphore_mem>> -> memref<!tpu.dma_semaphore, #tpu.memory_space<semaphore_mem>>
    tpu.wait_indirect_dma semaphore(%dma_wait3A_171 : memref<!tpu.dma_semaphore, #tpu.memory_space<semaphore_mem>>) src(%dma_wait3A_169 : memref<10000x128xf32, #tpu.memory_space<hbm>>) dst(%arg15 : memref<80x128xf32, #tpu.memory_space<vmem>>)
    %min3A_172 = arith.constant 0 : i32
    %min3A_173 = arith.constant 124 : i32
    %min3A_174 = arith.minsi %min3A_172, %min3A_173 : i32
    %mul3A_175 = arith.constant 10000 : i32
    %mul3A_176 = arith.muli %add3A, %mul3A_175 : i32
    %mul3A_177 = arith.constant 80 : i32
    %mul3A_178 = arith.muli %min3A_174, %mul3A_177 : i32
    %add3A_179 = arith.addi %mul3A_176, %mul3A_178 : i32
    %dma_wait3A_180 = arith.constant 0 : i32
    %dma_wait3A_181 = tpu.memref_slice %arg4[%add3A_179] : memref<320000xi32, #tpu.memory_space<hbm>> -> memref<80xi32, #tpu.memory_space<hbm>>
    %dma_wait3A_182 = tpu.memref_slice %arg22[%dma_wait3A_180] : memref<4x!tpu.dma_semaphore, #tpu.memory_space<semaphore_mem>> -> memref<1x!tpu.dma_semaphore, #tpu.memory_space<semaphore_mem>>
    %dma_wait3A_183 = tpu.memref_squeeze %dma_wait3A_182 : memref<1x!tpu.dma_semaphore, #tpu.memory_space<semaphore_mem>> -> memref<!tpu.dma_semaphore, #tpu.memory_space<semaphore_mem>>
    %dma_wait3A_184 = tpu.memref_slice %arg4[%add3A_179] : memref<320000xi32, #tpu.memory_space<hbm>> -> memref<80xi32, #tpu.memory_space<hbm>>
    tpu.wait_dma2 semaphore(%dma_wait3A_183 : memref<!tpu.dma_semaphore, #tpu.memory_space<semaphore_mem>>) src(%dma_wait3A_184 : memref<80xi32, #tpu.memory_space<hbm>>) dst(%arg11 : memref<80xi32, #tpu.memory_space<vmem>>)
    %dma_start3A_185 = arith.constant 0 : i32
    %dma_start3A_186 = arith.constant 0 : i32
    %dma_start3A_187 = arith.constant 0 : i32
    %dma_start3A_188 = tpu.memref_slice %arg19[%dma_start3A_186, %dma_start3A_187] : memref<10240x128xf32, #tpu.memory_space<vmem_shared>> -> memref<10240x128xf32, #tpu.memory_space<vmem_shared>>
    %dma_start3A_189 = tpu.memref_slice %arg23[%dma_start3A_185] : memref<2x!tpu.dma_semaphore, #tpu.memory_space<semaphore_mem>> -> memref<1x!tpu.dma_semaphore, #tpu.memory_space<semaphore_mem>>
    %dma_start3A_190 = tpu.memref_squeeze %dma_start3A_189 : memref<1x!tpu.dma_semaphore, #tpu.memory_space<semaphore_mem>> -> memref<!tpu.dma_semaphore, #tpu.memory_space<semaphore_mem>>
    tpu.enqueue_indirect_dma source(%arg15 : memref<80x128xf32, #tpu.memory_space<vmem>>) target(%dma_start3A_188 : memref<10240x128xf32, #tpu.memory_space<vmem_shared>>) offsets(%arg11 : memref<80xi32, #tpu.memory_space<vmem>>) semaphore(%dma_start3A_190 : memref<!tpu.dma_semaphore, #tpu.memory_space<semaphore_mem>>) {add = true}
    %min3A_191 = arith.constant 4 : i32
    %min3A_192 = arith.constant 124 : i32
    %min3A_193 = arith.minsi %min3A_191, %min3A_192 : i32
    %mul3A_194 = arith.constant 10000 : i32
    %mul3A_195 = arith.muli %add3A, %mul3A_194 : i32
    %mul3A_196 = arith.constant 80 : i32
    %mul3A_197 = arith.muli %min3A_193, %mul3A_196 : i32
    %add3A_198 = arith.addi %mul3A_195, %mul3A_197 : i32
    %dma_start3A_199 = arith.constant 0 : i32
    %dma_start3A_200 = tpu.memref_slice %arg3[%add3A_198] : memref<320000xi32, #tpu.memory_space<hbm>> -> memref<80xi32, #tpu.memory_space<hbm>>
    %dma_start3A_201 = tpu.memref_slice %arg20[%dma_start3A_199] : memref<4x!tpu.dma_semaphore, #tpu.memory_space<semaphore_mem>> -> memref<1x!tpu.dma_semaphore, #tpu.memory_space<semaphore_mem>>
    %dma_start3A_202 = tpu.memref_squeeze %dma_start3A_201 : memref<1x!tpu.dma_semaphore, #tpu.memory_space<semaphore_mem>> -> memref<!tpu.dma_semaphore, #tpu.memory_space<semaphore_mem>>
    %dma_start3A_203 = tpu.memref_slice %arg3[%add3A_198] : memref<320000xi32, #tpu.memory_space<hbm>> -> memref<80xi32, #tpu.memory_space<hbm>>
    tpu.enqueue_dma source(%dma_start3A_203 : memref<80xi32, #tpu.memory_space<hbm>>) target(%arg7 : memref<80xi32, #tpu.memory_space<vmem>>) target_semaphore(%dma_start3A_202 : memref<!tpu.dma_semaphore, #tpu.memory_space<semaphore_mem>>)
    %min3A_204 = arith.constant 3 : i32
    %min3A_205 = arith.constant 124 : i32
    %min3A_206 = arith.minsi %min3A_204, %min3A_205 : i32
    %mul3A_207 = arith.constant 10000 : i32
    %mul3A_208 = arith.muli %add3A, %mul3A_207 : i32
    %mul3A_209 = arith.constant 80 : i32
    %mul3A_210 = arith.muli %min3A_206, %mul3A_209 : i32
    %add3A_211 = arith.addi %mul3A_208, %mul3A_210 : i32
    %dma_wait3A_212 = arith.constant 3 : i32
    %dma_wait3A_213 = tpu.memref_slice %arg3[%add3A_211] : memref<320000xi32, #tpu.memory_space<hbm>> -> memref<80xi32, #tpu.memory_space<hbm>>
    %dma_wait3A_214 = tpu.memref_slice %arg20[%dma_wait3A_212] : memref<4x!tpu.dma_semaphore, #tpu.memory_space<semaphore_mem>> -> memref<1x!tpu.dma_semaphore, #tpu.memory_space<semaphore_mem>>
    %dma_wait3A_215 = tpu.memref_squeeze %dma_wait3A_214 : memref<1x!tpu.dma_semaphore, #tpu.memory_space<semaphore_mem>> -> memref<!tpu.dma_semaphore, #tpu.memory_space<semaphore_mem>>
    %dma_wait3A_216 = tpu.memref_slice %arg3[%add3A_211] : memref<320000xi32, #tpu.memory_space<hbm>> -> memref<80xi32, #tpu.memory_space<hbm>>
    tpu.wait_dma2 semaphore(%dma_wait3A_215 : memref<!tpu.dma_semaphore, #tpu.memory_space<semaphore_mem>>) src(%dma_wait3A_216 : memref<80xi32, #tpu.memory_space<hbm>>) dst(%arg10 : memref<80xi32, #tpu.memory_space<vmem>>)
    %dma_start3A_217 = arith.constant 3 : i32
    %dma_start3A_218 = arith.constant 0 : i32
    %dma_start3A_219 = arith.constant 0 : i32
    %dma_start3A_220 = tpu.memref_slice %arg2[%dma_start3A_218, %dma_start3A_219] : memref<10000x128xf32, #tpu.memory_space<hbm>> -> memref<10000x128xf32, #tpu.memory_space<hbm>>
    %dma_start3A_221 = tpu.memref_slice %arg21[%dma_start3A_217] : memref<4x!tpu.dma_semaphore, #tpu.memory_space<semaphore_mem>> -> memref<1x!tpu.dma_semaphore, #tpu.memory_space<semaphore_mem>>
    %dma_start3A_222 = tpu.memref_squeeze %dma_start3A_221 : memref<1x!tpu.dma_semaphore, #tpu.memory_space<semaphore_mem>> -> memref<!tpu.dma_semaphore, #tpu.memory_space<semaphore_mem>>
    tpu.enqueue_indirect_dma source(%dma_start3A_220 : memref<10000x128xf32, #tpu.memory_space<hbm>>) target(%arg18 : memref<80x128xf32, #tpu.memory_space<vmem>>) offsets(%arg10 : memref<80xi32, #tpu.memory_space<vmem>>) semaphore(%dma_start3A_222 : memref<!tpu.dma_semaphore, #tpu.memory_space<semaphore_mem>>)
    %min3A_223 = arith.constant 3 : i32
    %min3A_224 = arith.constant 124 : i32
    %min3A_225 = arith.minsi %min3A_223, %min3A_224 : i32
    %mul3A_226 = arith.constant 10000 : i32
    %mul3A_227 = arith.muli %add3A, %mul3A_226 : i32
    %mul3A_228 = arith.constant 80 : i32
    %mul3A_229 = arith.muli %min3A_225, %mul3A_228 : i32
    %add3A_230 = arith.addi %mul3A_227, %mul3A_229 : i32
    %dma_start3A_231 = arith.constant 3 : i32
    %dma_start3A_232 = tpu.memref_slice %arg4[%add3A_230] : memref<320000xi32, #tpu.memory_space<hbm>> -> memref<80xi32, #tpu.memory_space<hbm>>
    %dma_start3A_233 = tpu.memref_slice %arg22[%dma_start3A_231] : memref<4x!tpu.dma_semaphore, #tpu.memory_space<semaphore_mem>> -> memref<1x!tpu.dma_semaphore, #tpu.memory_space<semaphore_mem>>
    %dma_start3A_234 = tpu.memref_squeeze %dma_start3A_233 : memref<1x!tpu.dma_semaphore, #tpu.memory_space<semaphore_mem>> -> memref<!tpu.dma_semaphore, #tpu.memory_space<semaphore_mem>>
    %dma_start3A_235 = tpu.memref_slice %arg4[%add3A_230] : memref<320000xi32, #tpu.memory_space<hbm>> -> memref<80xi32, #tpu.memory_space<hbm>>
    tpu.enqueue_dma source(%dma_start3A_235 : memref<80xi32, #tpu.memory_space<hbm>>) target(%arg14 : memref<80xi32, #tpu.memory_space<vmem>>) target_semaphore(%dma_start3A_234 : memref<!tpu.dma_semaphore, #tpu.memory_space<semaphore_mem>>)
    %dma_wait3A_236 = arith.constant 1 : i32
    %dma_wait3A_237 = arith.constant 0 : i32
    %dma_wait3A_238 = arith.constant 0 : i32
    %dma_wait3A_239 = tpu.memref_slice %arg2[%dma_wait3A_237, %dma_wait3A_238] : memref<10000x128xf32, #tpu.memory_space<hbm>> -> memref<10000x128xf32, #tpu.memory_space<hbm>>
    %dma_wait3A_240 = tpu.memref_slice %arg21[%dma_wait3A_236] : memref<4x!tpu.dma_semaphore, #tpu.memory_space<semaphore_mem>> -> memref<1x!tpu.dma_semaphore, #tpu.memory_space<semaphore_mem>>
    %dma_wait3A_241 = tpu.memref_squeeze %dma_wait3A_240 : memref<1x!tpu.dma_semaphore, #tpu.memory_space<semaphore_mem>> -> memref<!tpu.dma_semaphore, #tpu.memory_space<semaphore_mem>>
    tpu.wait_indirect_dma semaphore(%dma_wait3A_241 : memref<!tpu.dma_semaphore, #tpu.memory_space<semaphore_mem>>) src(%dma_wait3A_239 : memref<10000x128xf32, #tpu.memory_space<hbm>>) dst(%arg16 : memref<80x128xf32, #tpu.memory_space<vmem>>)
    %min3A_242 = arith.constant 1 : i32
    %min3A_243 = arith.constant 124 : i32
    %min3A_244 = arith.minsi %min3A_242, %min3A_243 : i32
    %mul3A_245 = arith.constant 10000 : i32
    %mul3A_246 = arith.muli %add3A, %mul3A_245 : i32
    %mul3A_247 = arith.constant 80 : i32
    %mul3A_248 = arith.muli %min3A_244, %mul3A_247 : i32
    %add3A_249 = arith.addi %mul3A_246, %mul3A_248 : i32
    %dma_wait3A_250 = arith.constant 1 : i32
    %dma_wait3A_251 = tpu.memref_slice %arg4[%add3A_249] : memref<320000xi32, #tpu.memory_space<hbm>> -> memref<80xi32, #tpu.memory_space<hbm>>
    %dma_wait3A_252 = tpu.memref_slice %arg22[%dma_wait3A_250] : memref<4x!tpu.dma_semaphore, #tpu.memory_space<semaphore_mem>> -> memref<1x!tpu.dma_semaphore, #tpu.memory_space<semaphore_mem>>
    %dma_wait3A_253 = tpu.memref_squeeze %dma_wait3A_252 : memref<1x!tpu.dma_semaphore, #tpu.memory_space<semaphore_mem>> -> memref<!tpu.dma_semaphore, #tpu.memory_space<semaphore_mem>>
    %dma_wait3A_254 = tpu.memref_slice %arg4[%add3A_249] : memref<320000xi32, #tpu.memory_space<hbm>> -> memref<80xi32, #tpu.memory_space<hbm>>
    tpu.wait_dma2 semaphore(%dma_wait3A_253 : memref<!tpu.dma_semaphore, #tpu.memory_space<semaphore_mem>>) src(%dma_wait3A_254 : memref<80xi32, #tpu.memory_space<hbm>>) dst(%arg12 : memref<80xi32, #tpu.memory_space<vmem>>)
    %dma_start3A_255 = arith.constant 1 : i32
    %dma_start3A_256 = arith.constant 0 : i32
    %dma_start3A_257 = arith.constant 0 : i32
    %dma_start3A_258 = tpu.memref_slice %arg19[%dma_start3A_256, %dma_start3A_257] : memref<10240x128xf32, #tpu.memory_space<vmem_shared>> -> memref<10240x128xf32, #tpu.memory_space<vmem_shared>>
    %dma_start3A_259 = tpu.memref_slice %arg23[%dma_start3A_255] : memref<2x!tpu.dma_semaphore, #tpu.memory_space<semaphore_mem>> -> memref<1x!tpu.dma_semaphore, #tpu.memory_space<semaphore_mem>>
    %dma_start3A_260 = tpu.memref_squeeze %dma_start3A_259 : memref<1x!tpu.dma_semaphore, #tpu.memory_space<semaphore_mem>> -> memref<!tpu.dma_semaphore, #tpu.memory_space<semaphore_mem>>
    tpu.enqueue_indirect_dma source(%arg16 : memref<80x128xf32, #tpu.memory_space<vmem>>) target(%dma_start3A_258 : memref<10240x128xf32, #tpu.memory_space<vmem_shared>>) offsets(%arg12 : memref<80xi32, #tpu.memory_space<vmem>>) semaphore(%dma_start3A_260 : memref<!tpu.dma_semaphore, #tpu.memory_space<semaphore_mem>>) {add = true}
    %min3A_261 = arith.constant 5 : i32
    %min3A_262 = arith.constant 124 : i32
    %min3A_263 = arith.minsi %min3A_261, %min3A_262 : i32
    %mul3A_264 = arith.constant 10000 : i32
    %mul3A_265 = arith.muli %add3A, %mul3A_264 : i32
    %mul3A_266 = arith.constant 80 : i32
    %mul3A_267 = arith.muli %min3A_263, %mul3A_266 : i32
    %add3A_268 = arith.addi %mul3A_265, %mul3A_267 : i32
    %dma_start3A_269 = arith.constant 1 : i32
    %dma_start3A_270 = tpu.memref_slice %arg3[%add3A_268] : memref<320000xi32, #tpu.memory_space<hbm>> -> memref<80xi32, #tpu.memory_space<hbm>>
    %dma_start3A_271 = tpu.memref_slice %arg20[%dma_start3A_269] : memref<4x!tpu.dma_semaphore, #tpu.memory_space<semaphore_mem>> -> memref<1x!tpu.dma_semaphore, #tpu.memory_space<semaphore_mem>>
    %dma_start3A_272 = tpu.memref_squeeze %dma_start3A_271 : memref<1x!tpu.dma_semaphore, #tpu.memory_space<semaphore_mem>> -> memref<!tpu.dma_semaphore, #tpu.memory_space<semaphore_mem>>
    %dma_start3A_273 = tpu.memref_slice %arg3[%add3A_268] : memref<320000xi32, #tpu.memory_space<hbm>> -> memref<80xi32, #tpu.memory_space<hbm>>
    tpu.enqueue_dma source(%dma_start3A_273 : memref<80xi32, #tpu.memory_space<hbm>>) target(%arg8 : memref<80xi32, #tpu.memory_space<vmem>>) target_semaphore(%dma_start3A_272 : memref<!tpu.dma_semaphore, #tpu.memory_space<semaphore_mem>>)
    %dma_wait3A_274 = arith.constant 0 : i32
    %dma_wait3A_275 = arith.constant 0 : i32
    %dma_wait3A_276 = arith.constant 0 : i32
    %dma_wait3A_277 = tpu.memref_slice %arg19[%dma_wait3A_275, %dma_wait3A_276] : memref<10240x128xf32, #tpu.memory_space<vmem_shared>> -> memref<10240x128xf32, #tpu.memory_space<vmem_shared>>
    %dma_wait3A_278 = tpu.memref_slice %arg23[%dma_wait3A_274] : memref<2x!tpu.dma_semaphore, #tpu.memory_space<semaphore_mem>> -> memref<1x!tpu.dma_semaphore, #tpu.memory_space<semaphore_mem>>
    %dma_wait3A_279 = tpu.memref_squeeze %dma_wait3A_278 : memref<1x!tpu.dma_semaphore, #tpu.memory_space<semaphore_mem>> -> memref<!tpu.dma_semaphore, #tpu.memory_space<semaphore_mem>>
    tpu.wait_indirect_dma semaphore(%dma_wait3A_279 : memref<!tpu.dma_semaphore, #tpu.memory_space<semaphore_mem>>) src(%arg15 : memref<80x128xf32, #tpu.memory_space<vmem>>) dst(%dma_wait3A_277 : memref<10240x128xf32, #tpu.memory_space<vmem_shared>>)
    %min3A_280 = arith.constant 4 : i32
    %min3A_281 = arith.constant 124 : i32
    %min3A_282 = arith.minsi %min3A_280, %min3A_281 : i32
    %mul3A_283 = arith.constant 10000 : i32
    %mul3A_284 = arith.muli %add3A, %mul3A_283 : i32
    %mul3A_285 = arith.constant 80 : i32
    %mul3A_286 = arith.muli %min3A_282, %mul3A_285 : i32
    %add3A_287 = arith.addi %mul3A_284, %mul3A_286 : i32
    %dma_wait3A_288 = arith.constant 0 : i32
    %dma_wait3A_289 = tpu.memref_slice %arg3[%add3A_287] : memref<320000xi32, #tpu.memory_space<hbm>> -> memref<80xi32, #tpu.memory_space<hbm>>
    %dma_wait3A_290 = tpu.memref_slice %arg20[%dma_wait3A_288] : memref<4x!tpu.dma_semaphore, #tpu.memory_space<semaphore_mem>> -> memref<1x!tpu.dma_semaphore, #tpu.memory_space<semaphore_mem>>
    %dma_wait3A_291 = tpu.memref_squeeze %dma_wait3A_290 : memref<1x!tpu.dma_semaphore, #tpu.memory_space<semaphore_mem>> -> memref<!tpu.dma_semaphore, #tpu.memory_space<semaphore_mem>>
    %dma_wait3A_292 = tpu.memref_slice %arg3[%add3A_287] : memref<320000xi32, #tpu.memory_space<hbm>> -> memref<80xi32, #tpu.memory_space<hbm>>
    tpu.wait_dma2 semaphore(%dma_wait3A_291 : memref<!tpu.dma_semaphore, #tpu.memory_space<semaphore_mem>>) src(%dma_wait3A_292 : memref<80xi32, #tpu.memory_space<hbm>>) dst(%arg7 : memref<80xi32, #tpu.memory_space<vmem>>)
    %dma_start3A_293 = arith.constant 0 : i32
    %dma_start3A_294 = arith.constant 0 : i32
    %dma_start3A_295 = arith.constant 0 : i32
    %dma_start3A_296 = tpu.memref_slice %arg2[%dma_start3A_294, %dma_start3A_295] : memref<10000x128xf32, #tpu.memory_space<hbm>> -> memref<10000x128xf32, #tpu.memory_space<hbm>>
    %dma_start3A_297 = tpu.memref_slice %arg21[%dma_start3A_293] : memref<4x!tpu.dma_semaphore, #tpu.memory_space<semaphore_mem>> -> memref<1x!tpu.dma_semaphore, #tpu.memory_space<semaphore_mem>>
    %dma_start3A_298 = tpu.memref_squeeze %dma_start3A_297 : memref<1x!tpu.dma_semaphore, #tpu.memory_space<semaphore_mem>> -> memref<!tpu.dma_semaphore, #tpu.memory_space<semaphore_mem>>
    tpu.enqueue_indirect_dma source(%dma_start3A_296 : memref<10000x128xf32, #tpu.memory_space<hbm>>) target(%arg15 : memref<80x128xf32, #tpu.memory_space<vmem>>) offsets(%arg7 : memref<80xi32, #tpu.memory_space<vmem>>) semaphore(%dma_start3A_298 : memref<!tpu.dma_semaphore, #tpu.memory_space<semaphore_mem>>)
    %min3A_299 = arith.constant 4 : i32
    %min3A_300 = arith.constant 124 : i32
    %min3A_301 = arith.minsi %min3A_299, %min3A_300 : i32
    %mul3A_302 = arith.constant 10000 : i32
    %mul3A_303 = arith.muli %add3A, %mul3A_302 : i32
    %mul3A_304 = arith.constant 80 : i32
    %mul3A_305 = arith.muli %min3A_301, %mul3A_304 : i32
    %add3A_306 = arith.addi %mul3A_303, %mul3A_305 : i32
    %dma_start3A_307 = arith.constant 0 : i32
    %dma_start3A_308 = tpu.memref_slice %arg4[%add3A_306] : memref<320000xi32, #tpu.memory_space<hbm>> -> memref<80xi32, #tpu.memory_space<hbm>>
    %dma_start3A_309 = tpu.memref_slice %arg22[%dma_start3A_307] : memref<4x!tpu.dma_semaphore, #tpu.memory_space<semaphore_mem>> -> memref<1x!tpu.dma_semaphore, #tpu.memory_space<semaphore_mem>>
    %dma_start3A_310 = tpu.memref_squeeze %dma_start3A_309 : memref<1x!tpu.dma_semaphore, #tpu.memory_space<semaphore_mem>> -> memref<!tpu.dma_semaphore, #tpu.memory_space<semaphore_mem>>
    %dma_start3A_311 = tpu.memref_slice %arg4[%add3A_306] : memref<320000xi32, #tpu.memory_space<hbm>> -> memref<80xi32, #tpu.memory_space<hbm>>
    tpu.enqueue_dma source(%dma_start3A_311 : memref<80xi32, #tpu.memory_space<hbm>>) target(%arg11 : memref<80xi32, #tpu.memory_space<vmem>>) target_semaphore(%dma_start3A_310 : memref<!tpu.dma_semaphore, #tpu.memory_space<semaphore_mem>>)
    %dma_wait3A_312 = arith.constant 2 : i32
    %dma_wait3A_313 = arith.constant 0 : i32
    %dma_wait3A_314 = arith.constant 0 : i32
    %dma_wait3A_315 = tpu.memref_slice %arg2[%dma_wait3A_313, %dma_wait3A_314] : memref<10000x128xf32, #tpu.memory_space<hbm>> -> memref<10000x128xf32, #tpu.memory_space<hbm>>
    %dma_wait3A_316 = tpu.memref_slice %arg21[%dma_wait3A_312] : memref<4x!tpu.dma_semaphore, #tpu.memory_space<semaphore_mem>> -> memref<1x!tpu.dma_semaphore, #tpu.memory_space<semaphore_mem>>
    %dma_wait3A_317 = tpu.memref_squeeze %dma_wait3A_316 : memref<1x!tpu.dma_semaphore, #tpu.memory_space<semaphore_mem>> -> memref<!tpu.dma_semaphore, #tpu.memory_space<semaphore_mem>>
    tpu.wait_indirect_dma semaphore(%dma_wait3A_317 : memref<!tpu.dma_semaphore, #tpu.memory_space<semaphore_mem>>) src(%dma_wait3A_315 : memref<10000x128xf32, #tpu.memory_space<hbm>>) dst(%arg17 : memref<80x128xf32, #tpu.memory_space<vmem>>)
    %min3A_318 = arith.constant 2 : i32
    %min3A_319 = arith.constant 124 : i32
    %min3A_320 = arith.minsi %min3A_318, %min3A_319 : i32
    %mul3A_321 = arith.constant 10000 : i32
    %mul3A_322 = arith.muli %add3A, %mul3A_321 : i32
    %mul3A_323 = arith.constant 80 : i32
    %mul3A_324 = arith.muli %min3A_320, %mul3A_323 : i32
    %add3A_325 = arith.addi %mul3A_322, %mul3A_324 : i32
    %dma_wait3A_326 = arith.constant 2 : i32
    %dma_wait3A_327 = tpu.memref_slice %arg4[%add3A_325] : memref<320000xi32, #tpu.memory_space<hbm>> -> memref<80xi32, #tpu.memory_space<hbm>>
    %dma_wait3A_328 = tpu.memref_slice %arg22[%dma_wait3A_326] : memref<4x!tpu.dma_semaphore, #tpu.memory_space<semaphore_mem>> -> memref<1x!tpu.dma_semaphore, #tpu.memory_space<semaphore_mem>>
    %dma_wait3A_329 = tpu.memref_squeeze %dma_wait3A_328 : memref<1x!tpu.dma_semaphore, #tpu.memory_space<semaphore_mem>> -> memref<!tpu.dma_semaphore, #tpu.memory_space<semaphore_mem>>
    %dma_wait3A_330 = tpu.memref_slice %arg4[%add3A_325] : memref<320000xi32, #tpu.memory_space<hbm>> -> memref<80xi32, #tpu.memory_space<hbm>>
    tpu.wait_dma2 semaphore(%dma_wait3A_329 : memref<!tpu.dma_semaphore, #tpu.memory_space<semaphore_mem>>) src(%dma_wait3A_330 : memref<80xi32, #tpu.memory_space<hbm>>) dst(%arg13 : memref<80xi32, #tpu.memory_space<vmem>>)
    %dma_start3A_331 = arith.constant 0 : i32
    %dma_start3A_332 = arith.constant 0 : i32
    %dma_start3A_333 = arith.constant 0 : i32
    %dma_start3A_334 = tpu.memref_slice %arg19[%dma_start3A_332, %dma_start3A_333] : memref<10240x128xf32, #tpu.memory_space<vmem_shared>> -> memref<10240x128xf32, #tpu.memory_space<vmem_shared>>
    %dma_start3A_335 = tpu.memref_slice %arg23[%dma_start3A_331] : memref<2x!tpu.dma_semaphore, #tpu.memory_space<semaphore_mem>> -> memref<1x!tpu.dma_semaphore, #tpu.memory_space<semaphore_mem>>
    %dma_start3A_336 = tpu.memref_squeeze %dma_start3A_335 : memref<1x!tpu.dma_semaphore, #tpu.memory_space<semaphore_mem>> -> memref<!tpu.dma_semaphore, #tpu.memory_space<semaphore_mem>>
    tpu.enqueue_indirect_dma source(%arg17 : memref<80x128xf32, #tpu.memory_space<vmem>>) target(%dma_start3A_334 : memref<10240x128xf32, #tpu.memory_space<vmem_shared>>) offsets(%arg13 : memref<80xi32, #tpu.memory_space<vmem>>) semaphore(%dma_start3A_336 : memref<!tpu.dma_semaphore, #tpu.memory_space<semaphore_mem>>) {add = true}
    %min3A_337 = arith.constant 6 : i32
    %min3A_338 = arith.constant 124 : i32
    %min3A_339 = arith.minsi %min3A_337, %min3A_338 : i32
    %mul3A_340 = arith.constant 10000 : i32
    %mul3A_341 = arith.muli %add3A, %mul3A_340 : i32
    %mul3A_342 = arith.constant 80 : i32
    %mul3A_343 = arith.muli %min3A_339, %mul3A_342 : i32
    %add3A_344 = arith.addi %mul3A_341, %mul3A_343 : i32
    %dma_start3A_345 = arith.constant 2 : i32
    %dma_start3A_346 = tpu.memref_slice %arg3[%add3A_344] : memref<320000xi32, #tpu.memory_space<hbm>> -> memref<80xi32, #tpu.memory_space<hbm>>
    %dma_start3A_347 = tpu.memref_slice %arg20[%dma_start3A_345] : memref<4x!tpu.dma_semaphore, #tpu.memory_space<semaphore_mem>> -> memref<1x!tpu.dma_semaphore, #tpu.memory_space<semaphore_mem>>
    %dma_start3A_348 = tpu.memref_squeeze %dma_start3A_347 : memref<1x!tpu.dma_semaphore, #tpu.memory_space<semaphore_mem>> -> memref<!tpu.dma_semaphore, #tpu.memory_space<semaphore_mem>>
    %dma_start3A_349 = tpu.memref_slice %arg3[%add3A_344] : memref<320000xi32, #tpu.memory_space<hbm>> -> memref<80xi32, #tpu.memory_space<hbm>>
    tpu.enqueue_dma source(%dma_start3A_349 : memref<80xi32, #tpu.memory_space<hbm>>) target(%arg9 : memref<80xi32, #tpu.memory_space<vmem>>) target_semaphore(%dma_start3A_348 : memref<!tpu.dma_semaphore, #tpu.memory_space<semaphore_mem>>)
    %dma_wait3A_350 = arith.constant 1 : i32
    %dma_wait3A_351 = arith.constant 0 : i32
    %dma_wait3A_352 = arith.constant 0 : i32
    %dma_wait3A_353 = tpu.memref_slice %arg19[%dma_wait3A_351, %dma_wait3A_352] : memref<10240x128xf32, #tpu.memory_space<vmem_shared>> -> memref<10240x128xf32, #tpu.memory_space<vmem_shared>>
    %dma_wait3A_354 = tpu.memref_slice %arg23[%dma_wait3A_350] : memref<2x!tpu.dma_semaphore, #tpu.memory_space<semaphore_mem>> -> memref<1x!tpu.dma_semaphore, #tpu.memory_space<semaphore_mem>>
    %dma_wait3A_355 = tpu.memref_squeeze %dma_wait3A_354 : memref<1x!tpu.dma_semaphore, #tpu.memory_space<semaphore_mem>> -> memref<!tpu.dma_semaphore, #tpu.memory_space<semaphore_mem>>
    tpu.wait_indirect_dma semaphore(%dma_wait3A_355 : memref<!tpu.dma_semaphore, #tpu.memory_space<semaphore_mem>>) src(%arg16 : memref<80x128xf32, #tpu.memory_space<vmem>>) dst(%dma_wait3A_353 : memref<10240x128xf32, #tpu.memory_space<vmem_shared>>)
    %min3A_356 = arith.constant 5 : i32
    %min3A_357 = arith.constant 124 : i32
    %min3A_358 = arith.minsi %min3A_356, %min3A_357 : i32
    %mul3A_359 = arith.constant 10000 : i32
    %mul3A_360 = arith.muli %add3A, %mul3A_359 : i32
    %mul3A_361 = arith.constant 80 : i32
    %mul3A_362 = arith.muli %min3A_358, %mul3A_361 : i32
    %add3A_363 = arith.addi %mul3A_360, %mul3A_362 : i32
    %dma_wait3A_364 = arith.constant 1 : i32
    %dma_wait3A_365 = tpu.memref_slice %arg3[%add3A_363] : memref<320000xi32, #tpu.memory_space<hbm>> -> memref<80xi32, #tpu.memory_space<hbm>>
    %dma_wait3A_366 = tpu.memref_slice %arg20[%dma_wait3A_364] : memref<4x!tpu.dma_semaphore, #tpu.memory_space<semaphore_mem>> -> memref<1x!tpu.dma_semaphore, #tpu.memory_space<semaphore_mem>>
    %dma_wait3A_367 = tpu.memref_squeeze %dma_wait3A_366 : memref<1x!tpu.dma_semaphore, #tpu.memory_space<semaphore_mem>> -> memref<!tpu.dma_semaphore, #tpu.memory_space<semaphore_mem>>
    %dma_wait3A_368 = tpu.memref_slice %arg3[%add3A_363] : memref<320000xi32, #tpu.memory_space<hbm>> -> memref<80xi32, #tpu.memory_space<hbm>>
    tpu.wait_dma2 semaphore(%dma_wait3A_367 : memref<!tpu.dma_semaphore, #tpu.memory_space<semaphore_mem>>) src(%dma_wait3A_368 : memref<80xi32, #tpu.memory_space<hbm>>) dst(%arg8 : memref<80xi32, #tpu.memory_space<vmem>>)
    %dma_start3A_369 = arith.constant 1 : i32
    %dma_start3A_370 = arith.constant 0 : i32
    %dma_start3A_371 = arith.constant 0 : i32
    %dma_start3A_372 = tpu.memref_slice %arg2[%dma_start3A_370, %dma_start3A_371] : memref<10000x128xf32, #tpu.memory_space<hbm>> -> memref<10000x128xf32, #tpu.memory_space<hbm>>
    %dma_start3A_373 = tpu.memref_slice %arg21[%dma_start3A_369] : memref<4x!tpu.dma_semaphore, #tpu.memory_space<semaphore_mem>> -> memref<1x!tpu.dma_semaphore, #tpu.memory_space<semaphore_mem>>
    %dma_start3A_374 = tpu.memref_squeeze %dma_start3A_373 : memref<1x!tpu.dma_semaphore, #tpu.memory_space<semaphore_mem>> -> memref<!tpu.dma_semaphore, #tpu.memory_space<semaphore_mem>>
    tpu.enqueue_indirect_dma source(%dma_start3A_372 : memref<10000x128xf32, #tpu.memory_space<hbm>>) target(%arg16 : memref<80x128xf32, #tpu.memory_space<vmem>>) offsets(%arg8 : memref<80xi32, #tpu.memory_space<vmem>>) semaphore(%dma_start3A_374 : memref<!tpu.dma_semaphore, #tpu.memory_space<semaphore_mem>>)
    %min3A_375 = arith.constant 5 : i32
    %min3A_376 = arith.constant 124 : i32
    %min3A_377 = arith.minsi %min3A_375, %min3A_376 : i32
    %mul3A_378 = arith.constant 10000 : i32
    %mul3A_379 = arith.muli %add3A, %mul3A_378 : i32
    %mul3A_380 = arith.constant 80 : i32
    %mul3A_381 = arith.muli %min3A_377, %mul3A_380 : i32
    %add3A_382 = arith.addi %mul3A_379, %mul3A_381 : i32
    %dma_start3A_383 = arith.constant 1 : i32
    %dma_start3A_384 = tpu.memref_slice %arg4[%add3A_382] : memref<320000xi32, #tpu.memory_space<hbm>> -> memref<80xi32, #tpu.memory_space<hbm>>
    %dma_start3A_385 = tpu.memref_slice %arg22[%dma_start3A_383] : memref<4x!tpu.dma_semaphore, #tpu.memory_space<semaphore_mem>> -> memref<1x!tpu.dma_semaphore, #tpu.memory_space<semaphore_mem>>
    %dma_start3A_386 = tpu.memref_squeeze %dma_start3A_385 : memref<1x!tpu.dma_semaphore, #tpu.memory_space<semaphore_mem>> -> memref<!tpu.dma_semaphore, #tpu.memory_space<semaphore_mem>>
    %dma_start3A_387 = tpu.memref_slice %arg4[%add3A_382] : memref<320000xi32, #tpu.memory_space<hbm>> -> memref<80xi32, #tpu.memory_space<hbm>>
    tpu.enqueue_dma source(%dma_start3A_387 : memref<80xi32, #tpu.memory_space<hbm>>) target(%arg12 : memref<80xi32, #tpu.memory_space<vmem>>) target_semaphore(%dma_start3A_386 : memref<!tpu.dma_semaphore, #tpu.memory_space<semaphore_mem>>)
    %dma_wait3A_388 = arith.constant 3 : i32
    %dma_wait3A_389 = arith.constant 0 : i32
    %dma_wait3A_390 = arith.constant 0 : i32
    %dma_wait3A_391 = tpu.memref_slice %arg2[%dma_wait3A_389, %dma_wait3A_390] : memref<10000x128xf32, #tpu.memory_space<hbm>> -> memref<10000x128xf32, #tpu.memory_space<hbm>>
    %dma_wait3A_392 = tpu.memref_slice %arg21[%dma_wait3A_388] : memref<4x!tpu.dma_semaphore, #tpu.memory_space<semaphore_mem>> -> memref<1x!tpu.dma_semaphore, #tpu.memory_space<semaphore_mem>>
    %dma_wait3A_393 = tpu.memref_squeeze %dma_wait3A_392 : memref<1x!tpu.dma_semaphore, #tpu.memory_space<semaphore_mem>> -> memref<!tpu.dma_semaphore, #tpu.memory_space<semaphore_mem>>
    tpu.wait_indirect_dma semaphore(%dma_wait3A_393 : memref<!tpu.dma_semaphore, #tpu.memory_space<semaphore_mem>>) src(%dma_wait3A_391 : memref<10000x128xf32, #tpu.memory_space<hbm>>) dst(%arg18 : memref<80x128xf32, #tpu.memory_space<vmem>>)
    %min3A_394 = arith.constant 3 : i32
    %min3A_395 = arith.constant 124 : i32
    %min3A_396 = arith.minsi %min3A_394, %min3A_395 : i32
    %mul3A_397 = arith.constant 10000 : i32
    %mul3A_398 = arith.muli %add3A, %mul3A_397 : i32
    %mul3A_399 = arith.constant 80 : i32
    %mul3A_400 = arith.muli %min3A_396, %mul3A_399 : i32
    %add3A_401 = arith.addi %mul3A_398, %mul3A_400 : i32
    %dma_wait3A_402 = arith.constant 3 : i32
    %dma_wait3A_403 = tpu.memref_slice %arg4[%add3A_401] : memref<320000xi32, #tpu.memory_space<hbm>> -> memref<80xi32, #tpu.memory_space<hbm>>
    %dma_wait3A_404 = tpu.memref_slice %arg22[%dma_wait3A_402] : memref<4x!tpu.dma_semaphore, #tpu.memory_space<semaphore_mem>> -> memref<1x!tpu.dma_semaphore, #tpu.memory_space<semaphore_mem>>
    %dma_wait3A_405 = tpu.memref_squeeze %dma_wait3A_404 : memref<1x!tpu.dma_semaphore, #tpu.memory_space<semaphore_mem>> -> memref<!tpu.dma_semaphore, #tpu.memory_space<semaphore_mem>>
    %dma_wait3A_406 = tpu.memref_slice %arg4[%add3A_401] : memref<320000xi32, #tpu.memory_space<hbm>> -> memref<80xi32, #tpu.memory_space<hbm>>
    tpu.wait_dma2 semaphore(%dma_wait3A_405 : memref<!tpu.dma_semaphore, #tpu.memory_space<semaphore_mem>>) src(%dma_wait3A_406 : memref<80xi32, #tpu.memory_space<hbm>>) dst(%arg14 : memref<80xi32, #tpu.memory_space<vmem>>)
    %dma_start3A_407 = arith.constant 1 : i32
    %dma_start3A_408 = arith.constant 0 : i32
    %dma_start3A_409 = arith.constant 0 : i32
    %dma_start3A_410 = tpu.memref_slice %arg19[%dma_start3A_408, %dma_start3A_409] : memref<10240x128xf32, #tpu.memory_space<vmem_shared>> -> memref<10240x128xf32, #tpu.memory_space<vmem_shared>>
    %dma_start3A_411 = tpu.memref_slice %arg23[%dma_start3A_407] : memref<2x!tpu.dma_semaphore, #tpu.memory_space<semaphore_mem>> -> memref<1x!tpu.dma_semaphore, #tpu.memory_space<semaphore_mem>>
    %dma_start3A_412 = tpu.memref_squeeze %dma_start3A_411 : memref<1x!tpu.dma_semaphore, #tpu.memory_space<semaphore_mem>> -> memref<!tpu.dma_semaphore, #tpu.memory_space<semaphore_mem>>
    tpu.enqueue_indirect_dma source(%arg18 : memref<80x128xf32, #tpu.memory_space<vmem>>) target(%dma_start3A_410 : memref<10240x128xf32, #tpu.memory_space<vmem_shared>>) offsets(%arg14 : memref<80xi32, #tpu.memory_space<vmem>>) semaphore(%dma_start3A_412 : memref<!tpu.dma_semaphore, #tpu.memory_space<semaphore_mem>>) {add = true}
    %min3A_413 = arith.constant 7 : i32
    %min3A_414 = arith.constant 124 : i32
    %min3A_415 = arith.minsi %min3A_413, %min3A_414 : i32
    %mul3A_416 = arith.constant 10000 : i32
    %mul3A_417 = arith.muli %add3A, %mul3A_416 : i32
    %mul3A_418 = arith.constant 80 : i32
    %mul3A_419 = arith.muli %min3A_415, %mul3A_418 : i32
    %add3A_420 = arith.addi %mul3A_417, %mul3A_419 : i32
    %dma_start3A_421 = arith.constant 3 : i32
    %dma_start3A_422 = tpu.memref_slice %arg3[%add3A_420] : memref<320000xi32, #tpu.memory_space<hbm>> -> memref<80xi32, #tpu.memory_space<hbm>>
    %dma_start3A_423 = tpu.memref_slice %arg20[%dma_start3A_421] : memref<4x!tpu.dma_semaphore, #tpu.memory_space<semaphore_mem>> -> memref<1x!tpu.dma_semaphore, #tpu.memory_space<semaphore_mem>>
    %dma_start3A_424 = tpu.memref_squeeze %dma_start3A_423 : memref<1x!tpu.dma_semaphore, #tpu.memory_space<semaphore_mem>> -> memref<!tpu.dma_semaphore, #tpu.memory_space<semaphore_mem>>
    %dma_start3A_425 = tpu.memref_slice %arg3[%add3A_420] : memref<320000xi32, #tpu.memory_space<hbm>> -> memref<80xi32, #tpu.memory_space<hbm>>
    tpu.enqueue_dma source(%dma_start3A_425 : memref<80xi32, #tpu.memory_space<hbm>>) target(%arg10 : memref<80xi32, #tpu.memory_space<vmem>>) target_semaphore(%dma_start3A_424 : memref<!tpu.dma_semaphore, #tpu.memory_space<semaphore_mem>>)
    %scan3A = arith.constant 0 : i32
    %scan3A_426 = arith.constant 1 : i32
    %scan3A_427 = arith.constant 30 : i32
    %scan3A_428 = arith.addi %scan3A_426, %scan3A_427 : i32
    %scan3A_429 = arith.constant 1 : i32
    scf.for %scan3A_588 = %scan3A_426 to %scan3A_428 step %scan3A_429  : i32 {
      %mul3A_589 = arith.constant 4 : i32
      %mul3A_590 = arith.muli %mul3A_589, %scan3A_588 : i32
      %add3A_591 = arith.constant 0 : i32
      %add3A_592 = arith.addi %mul3A_590, %add3A_591 : i32
      %dma_wait3A_593 = arith.constant 0 : i32
      %dma_wait3A_594 = arith.constant 0 : i32
      %dma_wait3A_595 = arith.constant 0 : i32
      %dma_wait3A_596 = tpu.memref_slice %arg19[%dma_wait3A_594, %dma_wait3A_595] : memref<10240x128xf32, #tpu.memory_space<vmem_shared>> -> memref<10240x128xf32, #tpu.memory_space<vmem_shared>>
      %dma_wait3A_597 = tpu.memref_slice %arg23[%dma_wait3A_593] : memref<2x!tpu.dma_semaphore, #tpu.memory_space<semaphore_mem>> -> memref<1x!tpu.dma_semaphore, #tpu.memory_space<semaphore_mem>>
      %dma_wait3A_598 = tpu.memref_squeeze %dma_wait3A_597 : memref<1x!tpu.dma_semaphore, #tpu.memory_space<semaphore_mem>> -> memref<!tpu.dma_semaphore, #tpu.memory_space<semaphore_mem>>
      tpu.wait_indirect_dma semaphore(%dma_wait3A_598 : memref<!tpu.dma_semaphore, #tpu.memory_space<semaphore_mem>>) src(%arg17 : memref<80x128xf32, #tpu.memory_space<vmem>>) dst(%dma_wait3A_596 : memref<10240x128xf32, #tpu.memory_space<vmem_shared>>)
      %add3A_599 = arith.constant 2 : i32
      %add3A_600 = arith.addi %add3A_592, %add3A_599 : i32
      %min3A_601 = arith.constant 124 : i32
      %min3A_602 = arith.minsi %add3A_600, %min3A_601 : i32
      %mul3A_603 = arith.constant 10000 : i32
      %mul3A_604 = arith.muli %add3A, %mul3A_603 : i32
      %mul3A_605 = arith.constant 80 : i32
      %mul3A_606 = arith.muli %min3A_602, %mul3A_605 : i32
      %add3A_607 = arith.addi %mul3A_604, %mul3A_606 : i32
      %dma_wait3A_608 = arith.constant 2 : i32
      %dma_wait3A_609 = tpu.memref_slice %arg3[%add3A_607] : memref<320000xi32, #tpu.memory_space<hbm>> -> memref<80xi32, #tpu.memory_space<hbm>>
      %dma_wait3A_610 = tpu.memref_slice %arg20[%dma_wait3A_608] : memref<4x!tpu.dma_semaphore, #tpu.memory_space<semaphore_mem>> -> memref<1x!tpu.dma_semaphore, #tpu.memory_space<semaphore_mem>>
      %dma_wait3A_611 = tpu.memref_squeeze %dma_wait3A_610 : memref<1x!tpu.dma_semaphore, #tpu.memory_space<semaphore_mem>> -> memref<!tpu.dma_semaphore, #tpu.memory_space<semaphore_mem>>
      %dma_wait3A_612 = tpu.memref_slice %arg3[%add3A_607] : memref<320000xi32, #tpu.memory_space<hbm>> -> memref<80xi32, #tpu.memory_space<hbm>>
      tpu.wait_dma2 semaphore(%dma_wait3A_611 : memref<!tpu.dma_semaphore, #tpu.memory_space<semaphore_mem>>) src(%dma_wait3A_612 : memref<80xi32, #tpu.memory_space<hbm>>) dst(%arg9 : memref<80xi32, #tpu.memory_space<vmem>>)
      %dma_start3A_613 = arith.constant 2 : i32
      %dma_start3A_614 = arith.constant 0 : i32
      %dma_start3A_615 = arith.constant 0 : i32
      %dma_start3A_616 = tpu.memref_slice %arg2[%dma_start3A_614, %dma_start3A_615] : memref<10000x128xf32, #tpu.memory_space<hbm>> -> memref<10000x128xf32, #tpu.memory_space<hbm>>
      %dma_start3A_617 = tpu.memref_slice %arg21[%dma_start3A_613] : memref<4x!tpu.dma_semaphore, #tpu.memory_space<semaphore_mem>> -> memref<1x!tpu.dma_semaphore, #tpu.memory_space<semaphore_mem>>
      %dma_start3A_618 = tpu.memref_squeeze %dma_start3A_617 : memref<1x!tpu.dma_semaphore, #tpu.memory_space<semaphore_mem>> -> memref<!tpu.dma_semaphore, #tpu.memory_space<semaphore_mem>>
      tpu.enqueue_indirect_dma source(%dma_start3A_616 : memref<10000x128xf32, #tpu.memory_space<hbm>>) target(%arg17 : memref<80x128xf32, #tpu.memory_space<vmem>>) offsets(%arg9 : memref<80xi32, #tpu.memory_space<vmem>>) semaphore(%dma_start3A_618 : memref<!tpu.dma_semaphore, #tpu.memory_space<semaphore_mem>>)
      %add3A_619 = arith.constant 2 : i32
      %add3A_620 = arith.addi %add3A_592, %add3A_619 : i32
      %min3A_621 = arith.constant 124 : i32
      %min3A_622 = arith.minsi %add3A_620, %min3A_621 : i32
      %mul3A_623 = arith.constant 10000 : i32
      %mul3A_624 = arith.muli %add3A, %mul3A_623 : i32
      %mul3A_625 = arith.constant 80 : i32
      %mul3A_626 = arith.muli %min3A_622, %mul3A_625 : i32
      %add3A_627 = arith.addi %mul3A_624, %mul3A_626 : i32
      %dma_start3A_628 = arith.constant 2 : i32
      %dma_start3A_629 = tpu.memref_slice %arg4[%add3A_627] : memref<320000xi32, #tpu.memory_space<hbm>> -> memref<80xi32, #tpu.memory_space<hbm>>
      %dma_start3A_630 = tpu.memref_slice %arg22[%dma_start3A_628] : memref<4x!tpu.dma_semaphore, #tpu.memory_space<semaphore_mem>> -> memref<1x!tpu.dma_semaphore, #tpu.memory_space<semaphore_mem>>
      %dma_start3A_631 = tpu.memref_squeeze %dma_start3A_630 : memref<1x!tpu.dma_semaphore, #tpu.memory_space<semaphore_mem>> -> memref<!tpu.dma_semaphore, #tpu.memory_space<semaphore_mem>>
      %dma_start3A_632 = tpu.memref_slice %arg4[%add3A_627] : memref<320000xi32, #tpu.memory_space<hbm>> -> memref<80xi32, #tpu.memory_space<hbm>>
      tpu.enqueue_dma source(%dma_start3A_632 : memref<80xi32, #tpu.memory_space<hbm>>) target(%arg13 : memref<80xi32, #tpu.memory_space<vmem>>) target_semaphore(%dma_start3A_631 : memref<!tpu.dma_semaphore, #tpu.memory_space<semaphore_mem>>)
      %dma_wait3A_633 = arith.constant 0 : i32
      %dma_wait3A_634 = arith.constant 0 : i32
      %dma_wait3A_635 = arith.constant 0 : i32
      %dma_wait3A_636 = tpu.memref_slice %arg2[%dma_wait3A_634, %dma_wait3A_635] : memref<10000x128xf32, #tpu.memory_space<hbm>> -> memref<10000x128xf32, #tpu.memory_space<hbm>>
      %dma_wait3A_637 = tpu.memref_slice %arg21[%dma_wait3A_633] : memref<4x!tpu.dma_semaphore, #tpu.memory_space<semaphore_mem>> -> memref<1x!tpu.dma_semaphore, #tpu.memory_space<semaphore_mem>>
      %dma_wait3A_638 = tpu.memref_squeeze %dma_wait3A_637 : memref<1x!tpu.dma_semaphore, #tpu.memory_space<semaphore_mem>> -> memref<!tpu.dma_semaphore, #tpu.memory_space<semaphore_mem>>
      tpu.wait_indirect_dma semaphore(%dma_wait3A_638 : memref<!tpu.dma_semaphore, #tpu.memory_space<semaphore_mem>>) src(%dma_wait3A_636 : memref<10000x128xf32, #tpu.memory_space<hbm>>) dst(%arg15 : memref<80x128xf32, #tpu.memory_space<vmem>>)
      %min3A_639 = arith.constant 124 : i32
      %min3A_640 = arith.minsi %add3A_592, %min3A_639 : i32
      %mul3A_641 = arith.constant 10000 : i32
      %mul3A_642 = arith.muli %add3A, %mul3A_641 : i32
      %mul3A_643 = arith.constant 80 : i32
      %mul3A_644 = arith.muli %min3A_640, %mul3A_643 : i32
      %add3A_645 = arith.addi %mul3A_642, %mul3A_644 : i32
      %dma_wait3A_646 = arith.constant 0 : i32
      %dma_wait3A_647 = tpu.memref_slice %arg4[%add3A_645] : memref<320000xi32, #tpu.memory_space<hbm>> -> memref<80xi32, #tpu.memory_space<hbm>>
      %dma_wait3A_648 = tpu.memref_slice %arg22[%dma_wait3A_646] : memref<4x!tpu.dma_semaphore, #tpu.memory_space<semaphore_mem>> -> memref<1x!tpu.dma_semaphore, #tpu.memory_space<semaphore_mem>>
      %dma_wait3A_649 = tpu.memref_squeeze %dma_wait3A_648 : memref<1x!tpu.dma_semaphore, #tpu.memory_space<semaphore_mem>> -> memref<!tpu.dma_semaphore, #tpu.memory_space<semaphore_mem>>
      %dma_wait3A_650 = tpu.memref_slice %arg4[%add3A_645] : memref<320000xi32, #tpu.memory_space<hbm>> -> memref<80xi32, #tpu.memory_space<hbm>>
      tpu.wait_dma2 semaphore(%dma_wait3A_649 : memref<!tpu.dma_semaphore, #tpu.memory_space<semaphore_mem>>) src(%dma_wait3A_650 : memref<80xi32, #tpu.memory_space<hbm>>) dst(%arg11 : memref<80xi32, #tpu.memory_space<vmem>>)
      %dma_start3A_651 = arith.constant 0 : i32
      %dma_start3A_652 = arith.constant 0 : i32
      %dma_start3A_653 = arith.constant 0 : i32
      %dma_start3A_654 = tpu.memref_slice %arg19[%dma_start3A_652, %dma_start3A_653] : memref<10240x128xf32, #tpu.memory_space<vmem_shared>> -> memref<10240x128xf32, #tpu.memory_space<vmem_shared>>
      %dma_start3A_655 = tpu.memref_slice %arg23[%dma_start3A_651] : memref<2x!tpu.dma_semaphore, #tpu.memory_space<semaphore_mem>> -> memref<1x!tpu.dma_semaphore, #tpu.memory_space<semaphore_mem>>
      %dma_start3A_656 = tpu.memref_squeeze %dma_start3A_655 : memref<1x!tpu.dma_semaphore, #tpu.memory_space<semaphore_mem>> -> memref<!tpu.dma_semaphore, #tpu.memory_space<semaphore_mem>>
      tpu.enqueue_indirect_dma source(%arg15 : memref<80x128xf32, #tpu.memory_space<vmem>>) target(%dma_start3A_654 : memref<10240x128xf32, #tpu.memory_space<vmem_shared>>) offsets(%arg11 : memref<80xi32, #tpu.memory_space<vmem>>) semaphore(%dma_start3A_656 : memref<!tpu.dma_semaphore, #tpu.memory_space<semaphore_mem>>) {add = true}
      %add3A_657 = arith.constant 4 : i32
      %add3A_658 = arith.addi %add3A_592, %add3A_657 : i32
      %min3A_659 = arith.constant 124 : i32
      %min3A_660 = arith.minsi %add3A_658, %min3A_659 : i32
      %mul3A_661 = arith.constant 10000 : i32
      %mul3A_662 = arith.muli %add3A, %mul3A_661 : i32
      %mul3A_663 = arith.constant 80 : i32
      %mul3A_664 = arith.muli %min3A_660, %mul3A_663 : i32
      %add3A_665 = arith.addi %mul3A_662, %mul3A_664 : i32
      %dma_start3A_666 = arith.constant 0 : i32
      %dma_start3A_667 = tpu.memref_slice %arg3[%add3A_665] : memref<320000xi32, #tpu.memory_space<hbm>> -> memref<80xi32, #tpu.memory_space<hbm>>
      %dma_start3A_668 = tpu.memref_slice %arg20[%dma_start3A_666] : memref<4x!tpu.dma_semaphore, #tpu.memory_space<semaphore_mem>> -> memref<1x!tpu.dma_semaphore, #tpu.memory_space<semaphore_mem>>
      %dma_start3A_669 = tpu.memref_squeeze %dma_start3A_668 : memref<1x!tpu.dma_semaphore, #tpu.memory_space<semaphore_mem>> -> memref<!tpu.dma_semaphore, #tpu.memory_space<semaphore_mem>>
      %dma_start3A_670 = tpu.memref_slice %arg3[%add3A_665] : memref<320000xi32, #tpu.memory_space<hbm>> -> memref<80xi32, #tpu.memory_space<hbm>>
      tpu.enqueue_dma source(%dma_start3A_670 : memref<80xi32, #tpu.memory_space<hbm>>) target(%arg7 : memref<80xi32, #tpu.memory_space<vmem>>) target_semaphore(%dma_start3A_669 : memref<!tpu.dma_semaphore, #tpu.memory_space<semaphore_mem>>)
      %mul3A_671 = arith.constant 4 : i32
      %mul3A_672 = arith.muli %mul3A_671, %scan3A_588 : i32
      %add3A_673 = arith.constant 1 : i32
      %add3A_674 = arith.addi %mul3A_672, %add3A_673 : i32
      %dma_wait3A_675 = arith.constant 1 : i32
      %dma_wait3A_676 = arith.constant 0 : i32
      %dma_wait3A_677 = arith.constant 0 : i32
      %dma_wait3A_678 = tpu.memref_slice %arg19[%dma_wait3A_676, %dma_wait3A_677] : memref<10240x128xf32, #tpu.memory_space<vmem_shared>> -> memref<10240x128xf32, #tpu.memory_space<vmem_shared>>
      %dma_wait3A_679 = tpu.memref_slice %arg23[%dma_wait3A_675] : memref<2x!tpu.dma_semaphore, #tpu.memory_space<semaphore_mem>> -> memref<1x!tpu.dma_semaphore, #tpu.memory_space<semaphore_mem>>
      %dma_wait3A_680 = tpu.memref_squeeze %dma_wait3A_679 : memref<1x!tpu.dma_semaphore, #tpu.memory_space<semaphore_mem>> -> memref<!tpu.dma_semaphore, #tpu.memory_space<semaphore_mem>>
      tpu.wait_indirect_dma semaphore(%dma_wait3A_680 : memref<!tpu.dma_semaphore, #tpu.memory_space<semaphore_mem>>) src(%arg18 : memref<80x128xf32, #tpu.memory_space<vmem>>) dst(%dma_wait3A_678 : memref<10240x128xf32, #tpu.memory_space<vmem_shared>>)
      %add3A_681 = arith.constant 2 : i32
      %add3A_682 = arith.addi %add3A_674, %add3A_681 : i32
      %min3A_683 = arith.constant 124 : i32
      %min3A_684 = arith.minsi %add3A_682, %min3A_683 : i32
      %mul3A_685 = arith.constant 10000 : i32
      %mul3A_686 = arith.muli %add3A, %mul3A_685 : i32
      %mul3A_687 = arith.constant 80 : i32
      %mul3A_688 = arith.muli %min3A_684, %mul3A_687 : i32
      %add3A_689 = arith.addi %mul3A_686, %mul3A_688 : i32
      %dma_wait3A_690 = arith.constant 3 : i32
      %dma_wait3A_691 = tpu.memref_slice %arg3[%add3A_689] : memref<320000xi32, #tpu.memory_space<hbm>> -> memref<80xi32, #tpu.memory_space<hbm>>
      %dma_wait3A_692 = tpu.memref_slice %arg20[%dma_wait3A_690] : memref<4x!tpu.dma_semaphore, #tpu.memory_space<semaphore_mem>> -> memref<1x!tpu.dma_semaphore, #tpu.memory_space<semaphore_mem>>
      %dma_wait3A_693 = tpu.memref_squeeze %dma_wait3A_692 : memref<1x!tpu.dma_semaphore, #tpu.memory_space<semaphore_mem>> -> memref<!tpu.dma_semaphore, #tpu.memory_space<semaphore_mem>>
      %dma_wait3A_694 = tpu.memref_slice %arg3[%add3A_689] : memref<320000xi32, #tpu.memory_space<hbm>> -> memref<80xi32, #tpu.memory_space<hbm>>
      tpu.wait_dma2 semaphore(%dma_wait3A_693 : memref<!tpu.dma_semaphore, #tpu.memory_space<semaphore_mem>>) src(%dma_wait3A_694 : memref<80xi32, #tpu.memory_space<hbm>>) dst(%arg10 : memref<80xi32, #tpu.memory_space<vmem>>)
      %dma_start3A_695 = arith.constant 3 : i32
      %dma_start3A_696 = arith.constant 0 : i32
      %dma_start3A_697 = arith.constant 0 : i32
      %dma_start3A_698 = tpu.memref_slice %arg2[%dma_start3A_696, %dma_start3A_697] : memref<10000x128xf32, #tpu.memory_space<hbm>> -> memref<10000x128xf32, #tpu.memory_space<hbm>>
      %dma_start3A_699 = tpu.memref_slice %arg21[%dma_start3A_695] : memref<4x!tpu.dma_semaphore, #tpu.memory_space<semaphore_mem>> -> memref<1x!tpu.dma_semaphore, #tpu.memory_space<semaphore_mem>>
      %dma_start3A_700 = tpu.memref_squeeze %dma_start3A_699 : memref<1x!tpu.dma_semaphore, #tpu.memory_space<semaphore_mem>> -> memref<!tpu.dma_semaphore, #tpu.memory_space<semaphore_mem>>
      tpu.enqueue_indirect_dma source(%dma_start3A_698 : memref<10000x128xf32, #tpu.memory_space<hbm>>) target(%arg18 : memref<80x128xf32, #tpu.memory_space<vmem>>) offsets(%arg10 : memref<80xi32, #tpu.memory_space<vmem>>) semaphore(%dma_start3A_700 : memref<!tpu.dma_semaphore, #tpu.memory_space<semaphore_mem>>)
      %add3A_701 = arith.constant 2 : i32
      %add3A_702 = arith.addi %add3A_674, %add3A_701 : i32
      %min3A_703 = arith.constant 124 : i32
      %min3A_704 = arith.minsi %add3A_702, %min3A_703 : i32
      %mul3A_705 = arith.constant 10000 : i32
      %mul3A_706 = arith.muli %add3A, %mul3A_705 : i32
      %mul3A_707 = arith.constant 80 : i32
      %mul3A_708 = arith.muli %min3A_704, %mul3A_707 : i32
      %add3A_709 = arith.addi %mul3A_706, %mul3A_708 : i32
      %dma_start3A_710 = arith.constant 3 : i32
      %dma_start3A_711 = tpu.memref_slice %arg4[%add3A_709] : memref<320000xi32, #tpu.memory_space<hbm>> -> memref<80xi32, #tpu.memory_space<hbm>>
      %dma_start3A_712 = tpu.memref_slice %arg22[%dma_start3A_710] : memref<4x!tpu.dma_semaphore, #tpu.memory_space<semaphore_mem>> -> memref<1x!tpu.dma_semaphore, #tpu.memory_space<semaphore_mem>>
      %dma_start3A_713 = tpu.memref_squeeze %dma_start3A_712 : memref<1x!tpu.dma_semaphore, #tpu.memory_space<semaphore_mem>> -> memref<!tpu.dma_semaphore, #tpu.memory_space<semaphore_mem>>
      %dma_start3A_714 = tpu.memref_slice %arg4[%add3A_709] : memref<320000xi32, #tpu.memory_space<hbm>> -> memref<80xi32, #tpu.memory_space<hbm>>
      tpu.enqueue_dma source(%dma_start3A_714 : memref<80xi32, #tpu.memory_space<hbm>>) target(%arg14 : memref<80xi32, #tpu.memory_space<vmem>>) target_semaphore(%dma_start3A_713 : memref<!tpu.dma_semaphore, #tpu.memory_space<semaphore_mem>>)
      %dma_wait3A_715 = arith.constant 1 : i32
      %dma_wait3A_716 = arith.constant 0 : i32
      %dma_wait3A_717 = arith.constant 0 : i32
      %dma_wait3A_718 = tpu.memref_slice %arg2[%dma_wait3A_716, %dma_wait3A_717] : memref<10000x128xf32, #tpu.memory_space<hbm>> -> memref<10000x128xf32, #tpu.memory_space<hbm>>
      %dma_wait3A_719 = tpu.memref_slice %arg21[%dma_wait3A_715] : memref<4x!tpu.dma_semaphore, #tpu.memory_space<semaphore_mem>> -> memref<1x!tpu.dma_semaphore, #tpu.memory_space<semaphore_mem>>
      %dma_wait3A_720 = tpu.memref_squeeze %dma_wait3A_719 : memref<1x!tpu.dma_semaphore, #tpu.memory_space<semaphore_mem>> -> memref<!tpu.dma_semaphore, #tpu.memory_space<semaphore_mem>>
      tpu.wait_indirect_dma semaphore(%dma_wait3A_720 : memref<!tpu.dma_semaphore, #tpu.memory_space<semaphore_mem>>) src(%dma_wait3A_718 : memref<10000x128xf32, #tpu.memory_space<hbm>>) dst(%arg16 : memref<80x128xf32, #tpu.memory_space<vmem>>)
      %min3A_721 = arith.constant 124 : i32
      %min3A_722 = arith.minsi %add3A_674, %min3A_721 : i32
      %mul3A_723 = arith.constant 10000 : i32
      %mul3A_724 = arith.muli %add3A, %mul3A_723 : i32
      %mul3A_725 = arith.constant 80 : i32
      %mul3A_726 = arith.muli %min3A_722, %mul3A_725 : i32
      %add3A_727 = arith.addi %mul3A_724, %mul3A_726 : i32
      %dma_wait3A_728 = arith.constant 1 : i32
      %dma_wait3A_729 = tpu.memref_slice %arg4[%add3A_727] : memref<320000xi32, #tpu.memory_space<hbm>> -> memref<80xi32, #tpu.memory_space<hbm>>
      %dma_wait3A_730 = tpu.memref_slice %arg22[%dma_wait3A_728] : memref<4x!tpu.dma_semaphore, #tpu.memory_space<semaphore_mem>> -> memref<1x!tpu.dma_semaphore, #tpu.memory_space<semaphore_mem>>
      %dma_wait3A_731 = tpu.memref_squeeze %dma_wait3A_730 : memref<1x!tpu.dma_semaphore, #tpu.memory_space<semaphore_mem>> -> memref<!tpu.dma_semaphore, #tpu.memory_space<semaphore_mem>>
      %dma_wait3A_732 = tpu.memref_slice %arg4[%add3A_727] : memref<320000xi32, #tpu.memory_space<hbm>> -> memref<80xi32, #tpu.memory_space<hbm>>
      tpu.wait_dma2 semaphore(%dma_wait3A_731 : memref<!tpu.dma_semaphore, #tpu.memory_space<semaphore_mem>>) src(%dma_wait3A_732 : memref<80xi32, #tpu.memory_space<hbm>>) dst(%arg12 : memref<80xi32, #tpu.memory_space<vmem>>)
      %dma_start3A_733 = arith.constant 1 : i32
      %dma_start3A_734 = arith.constant 0 : i32
      %dma_start3A_735 = arith.constant 0 : i32
      %dma_start3A_736 = tpu.memref_slice %arg19[%dma_start3A_734, %dma_start3A_735] : memref<10240x128xf32, #tpu.memory_space<vmem_shared>> -> memref<10240x128xf32, #tpu.memory_space<vmem_shared>>
      %dma_start3A_737 = tpu.memref_slice %arg23[%dma_start3A_733] : memref<2x!tpu.dma_semaphore, #tpu.memory_space<semaphore_mem>> -> memref<1x!tpu.dma_semaphore, #tpu.memory_space<semaphore_mem>>
      %dma_start3A_738 = tpu.memref_squeeze %dma_start3A_737 : memref<1x!tpu.dma_semaphore, #tpu.memory_space<semaphore_mem>> -> memref<!tpu.dma_semaphore, #tpu.memory_space<semaphore_mem>>
      tpu.enqueue_indirect_dma source(%arg16 : memref<80x128xf32, #tpu.memory_space<vmem>>) target(%dma_start3A_736 : memref<10240x128xf32, #tpu.memory_space<vmem_shared>>) offsets(%arg12 : memref<80xi32, #tpu.memory_space<vmem>>) semaphore(%dma_start3A_738 : memref<!tpu.dma_semaphore, #tpu.memory_space<semaphore_mem>>) {add = true}
      %add3A_739 = arith.constant 4 : i32
      %add3A_740 = arith.addi %add3A_674, %add3A_739 : i32
      %min3A_741 = arith.constant 124 : i32
      %min3A_742 = arith.minsi %add3A_740, %min3A_741 : i32
      %mul3A_743 = arith.constant 10000 : i32
      %mul3A_744 = arith.muli %add3A, %mul3A_743 : i32
      %mul3A_745 = arith.constant 80 : i32
      %mul3A_746 = arith.muli %min3A_742, %mul3A_745 : i32
      %add3A_747 = arith.addi %mul3A_744, %mul3A_746 : i32
      %dma_start3A_748 = arith.constant 1 : i32
      %dma_start3A_749 = tpu.memref_slice %arg3[%add3A_747] : memref<320000xi32, #tpu.memory_space<hbm>> -> memref<80xi32, #tpu.memory_space<hbm>>
      %dma_start3A_750 = tpu.memref_slice %arg20[%dma_start3A_748] : memref<4x!tpu.dma_semaphore, #tpu.memory_space<semaphore_mem>> -> memref<1x!tpu.dma_semaphore, #tpu.memory_space<semaphore_mem>>
      %dma_start3A_751 = tpu.memref_squeeze %dma_start3A_750 : memref<1x!tpu.dma_semaphore, #tpu.memory_space<semaphore_mem>> -> memref<!tpu.dma_semaphore, #tpu.memory_space<semaphore_mem>>
      %dma_start3A_752 = tpu.memref_slice %arg3[%add3A_747] : memref<320000xi32, #tpu.memory_space<hbm>> -> memref<80xi32, #tpu.memory_space<hbm>>
      tpu.enqueue_dma source(%dma_start3A_752 : memref<80xi32, #tpu.memory_space<hbm>>) target(%arg8 : memref<80xi32, #tpu.memory_space<vmem>>) target_semaphore(%dma_start3A_751 : memref<!tpu.dma_semaphore, #tpu.memory_space<semaphore_mem>>)
      %mul3A_753 = arith.constant 4 : i32
      %mul3A_754 = arith.muli %mul3A_753, %scan3A_588 : i32
      %add3A_755 = arith.constant 2 : i32
      %add3A_756 = arith.addi %mul3A_754, %add3A_755 : i32
      %dma_wait3A_757 = arith.constant 0 : i32
      %dma_wait3A_758 = arith.constant 0 : i32
      %dma_wait3A_759 = arith.constant 0 : i32
      %dma_wait3A_760 = tpu.memref_slice %arg19[%dma_wait3A_758, %dma_wait3A_759] : memref<10240x128xf32, #tpu.memory_space<vmem_shared>> -> memref<10240x128xf32, #tpu.memory_space<vmem_shared>>
      %dma_wait3A_761 = tpu.memref_slice %arg23[%dma_wait3A_757] : memref<2x!tpu.dma_semaphore, #tpu.memory_space<semaphore_mem>> -> memref<1x!tpu.dma_semaphore, #tpu.memory_space<semaphore_mem>>
      %dma_wait3A_762 = tpu.memref_squeeze %dma_wait3A_761 : memref<1x!tpu.dma_semaphore, #tpu.memory_space<semaphore_mem>> -> memref<!tpu.dma_semaphore, #tpu.memory_space<semaphore_mem>>
      tpu.wait_indirect_dma semaphore(%dma_wait3A_762 : memref<!tpu.dma_semaphore, #tpu.memory_space<semaphore_mem>>) src(%arg15 : memref<80x128xf32, #tpu.memory_space<vmem>>) dst(%dma_wait3A_760 : memref<10240x128xf32, #tpu.memory_space<vmem_shared>>)
      %add3A_763 = arith.constant 2 : i32
      %add3A_764 = arith.addi %add3A_756, %add3A_763 : i32
      %min3A_765 = arith.constant 124 : i32
      %min3A_766 = arith.minsi %add3A_764, %min3A_765 : i32
      %mul3A_767 = arith.constant 10000 : i32
      %mul3A_768 = arith.muli %add3A, %mul3A_767 : i32
      %mul3A_769 = arith.constant 80 : i32
      %mul3A_770 = arith.muli %min3A_766, %mul3A_769 : i32
      %add3A_771 = arith.addi %mul3A_768, %mul3A_770 : i32
      %dma_wait3A_772 = arith.constant 0 : i32
      %dma_wait3A_773 = tpu.memref_slice %arg3[%add3A_771] : memref<320000xi32, #tpu.memory_space<hbm>> -> memref<80xi32, #tpu.memory_space<hbm>>
      %dma_wait3A_774 = tpu.memref_slice %arg20[%dma_wait3A_772] : memref<4x!tpu.dma_semaphore, #tpu.memory_space<semaphore_mem>> -> memref<1x!tpu.dma_semaphore, #tpu.memory_space<semaphore_mem>>
      %dma_wait3A_775 = tpu.memref_squeeze %dma_wait3A_774 : memref<1x!tpu.dma_semaphore, #tpu.memory_space<semaphore_mem>> -> memref<!tpu.dma_semaphore, #tpu.memory_space<semaphore_mem>>
      %dma_wait3A_776 = tpu.memref_slice %arg3[%add3A_771] : memref<320000xi32, #tpu.memory_space<hbm>> -> memref<80xi32, #tpu.memory_space<hbm>>
      tpu.wait_dma2 semaphore(%dma_wait3A_775 : memref<!tpu.dma_semaphore, #tpu.memory_space<semaphore_mem>>) src(%dma_wait3A_776 : memref<80xi32, #tpu.memory_space<hbm>>) dst(%arg7 : memref<80xi32, #tpu.memory_space<vmem>>)
      %dma_start3A_777 = arith.constant 0 : i32
      %dma_start3A_778 = arith.constant 0 : i32
      %dma_start3A_779 = arith.constant 0 : i32
      %dma_start3A_780 = tpu.memref_slice %arg2[%dma_start3A_778, %dma_start3A_779] : memref<10000x128xf32, #tpu.memory_space<hbm>> -> memref<10000x128xf32, #tpu.memory_space<hbm>>
      %dma_start3A_781 = tpu.memref_slice %arg21[%dma_start3A_777] : memref<4x!tpu.dma_semaphore, #tpu.memory_space<semaphore_mem>> -> memref<1x!tpu.dma_semaphore, #tpu.memory_space<semaphore_mem>>
      %dma_start3A_782 = tpu.memref_squeeze %dma_start3A_781 : memref<1x!tpu.dma_semaphore, #tpu.memory_space<semaphore_mem>> -> memref<!tpu.dma_semaphore, #tpu.memory_space<semaphore_mem>>
      tpu.enqueue_indirect_dma source(%dma_start3A_780 : memref<10000x128xf32, #tpu.memory_space<hbm>>) target(%arg15 : memref<80x128xf32, #tpu.memory_space<vmem>>) offsets(%arg7 : memref<80xi32, #tpu.memory_space<vmem>>) semaphore(%dma_start3A_782 : memref<!tpu.dma_semaphore, #tpu.memory_space<semaphore_mem>>)
      %add3A_783 = arith.constant 2 : i32
      %add3A_784 = arith.addi %add3A_756, %add3A_783 : i32
      %min3A_785 = arith.constant 124 : i32
      %min3A_786 = arith.minsi %add3A_784, %min3A_785 : i32
      %mul3A_787 = arith.constant 10000 : i32
      %mul3A_788 = arith.muli %add3A, %mul3A_787 : i32
      %mul3A_789 = arith.constant 80 : i32
      %mul3A_790 = arith.muli %min3A_786, %mul3A_789 : i32
      %add3A_791 = arith.addi %mul3A_788, %mul3A_790 : i32
      %dma_start3A_792 = arith.constant 0 : i32
      %dma_start3A_793 = tpu.memref_slice %arg4[%add3A_791] : memref<320000xi32, #tpu.memory_space<hbm>> -> memref<80xi32, #tpu.memory_space<hbm>>
      %dma_start3A_794 = tpu.memref_slice %arg22[%dma_start3A_792] : memref<4x!tpu.dma_semaphore, #tpu.memory_space<semaphore_mem>> -> memref<1x!tpu.dma_semaphore, #tpu.memory_space<semaphore_mem>>
      %dma_start3A_795 = tpu.memref_squeeze %dma_start3A_794 : memref<1x!tpu.dma_semaphore, #tpu.memory_space<semaphore_mem>> -> memref<!tpu.dma_semaphore, #tpu.memory_space<semaphore_mem>>
      %dma_start3A_796 = tpu.memref_slice %arg4[%add3A_791] : memref<320000xi32, #tpu.memory_space<hbm>> -> memref<80xi32, #tpu.memory_space<hbm>>
      tpu.enqueue_dma source(%dma_start3A_796 : memref<80xi32, #tpu.memory_space<hbm>>) target(%arg11 : memref<80xi32, #tpu.memory_space<vmem>>) target_semaphore(%dma_start3A_795 : memref<!tpu.dma_semaphore, #tpu.memory_space<semaphore_mem>>)
      %dma_wait3A_797 = arith.constant 2 : i32
      %dma_wait3A_798 = arith.constant 0 : i32
      %dma_wait3A_799 = arith.constant 0 : i32
      %dma_wait3A_800 = tpu.memref_slice %arg2[%dma_wait3A_798, %dma_wait3A_799] : memref<10000x128xf32, #tpu.memory_space<hbm>> -> memref<10000x128xf32, #tpu.memory_space<hbm>>
      %dma_wait3A_801 = tpu.memref_slice %arg21[%dma_wait3A_797] : memref<4x!tpu.dma_semaphore, #tpu.memory_space<semaphore_mem>> -> memref<1x!tpu.dma_semaphore, #tpu.memory_space<semaphore_mem>>
      %dma_wait3A_802 = tpu.memref_squeeze %dma_wait3A_801 : memref<1x!tpu.dma_semaphore, #tpu.memory_space<semaphore_mem>> -> memref<!tpu.dma_semaphore, #tpu.memory_space<semaphore_mem>>
      tpu.wait_indirect_dma semaphore(%dma_wait3A_802 : memref<!tpu.dma_semaphore, #tpu.memory_space<semaphore_mem>>) src(%dma_wait3A_800 : memref<10000x128xf32, #tpu.memory_space<hbm>>) dst(%arg17 : memref<80x128xf32, #tpu.memory_space<vmem>>)
      %min3A_803 = arith.constant 124 : i32
      %min3A_804 = arith.minsi %add3A_756, %min3A_803 : i32
      %mul3A_805 = arith.constant 10000 : i32
      %mul3A_806 = arith.muli %add3A, %mul3A_805 : i32
      %mul3A_807 = arith.constant 80 : i32
      %mul3A_808 = arith.muli %min3A_804, %mul3A_807 : i32
      %add3A_809 = arith.addi %mul3A_806, %mul3A_808 : i32
      %dma_wait3A_810 = arith.constant 2 : i32
      %dma_wait3A_811 = tpu.memref_slice %arg4[%add3A_809] : memref<320000xi32, #tpu.memory_space<hbm>> -> memref<80xi32, #tpu.memory_space<hbm>>
      %dma_wait3A_812 = tpu.memref_slice %arg22[%dma_wait3A_810] : memref<4x!tpu.dma_semaphore, #tpu.memory_space<semaphore_mem>> -> memref<1x!tpu.dma_semaphore, #tpu.memory_space<semaphore_mem>>
      %dma_wait3A_813 = tpu.memref_squeeze %dma_wait3A_812 : memref<1x!tpu.dma_semaphore, #tpu.memory_space<semaphore_mem>> -> memref<!tpu.dma_semaphore, #tpu.memory_space<semaphore_mem>>
      %dma_wait3A_814 = tpu.memref_slice %arg4[%add3A_809] : memref<320000xi32, #tpu.memory_space<hbm>> -> memref<80xi32, #tpu.memory_space<hbm>>
      tpu.wait_dma2 semaphore(%dma_wait3A_813 : memref<!tpu.dma_semaphore, #tpu.memory_space<semaphore_mem>>) src(%dma_wait3A_814 : memref<80xi32, #tpu.memory_space<hbm>>) dst(%arg13 : memref<80xi32, #tpu.memory_space<vmem>>)
      %dma_start3A_815 = arith.constant 0 : i32
      %dma_start3A_816 = arith.constant 0 : i32
      %dma_start3A_817 = arith.constant 0 : i32
      %dma_start3A_818 = tpu.memref_slice %arg19[%dma_start3A_816, %dma_start3A_817] : memref<10240x128xf32, #tpu.memory_space<vmem_shared>> -> memref<10240x128xf32, #tpu.memory_space<vmem_shared>>
      %dma_start3A_819 = tpu.memref_slice %arg23[%dma_start3A_815] : memref<2x!tpu.dma_semaphore, #tpu.memory_space<semaphore_mem>> -> memref<1x!tpu.dma_semaphore, #tpu.memory_space<semaphore_mem>>
      %dma_start3A_820 = tpu.memref_squeeze %dma_start3A_819 : memref<1x!tpu.dma_semaphore, #tpu.memory_space<semaphore_mem>> -> memref<!tpu.dma_semaphore, #tpu.memory_space<semaphore_mem>>
      tpu.enqueue_indirect_dma source(%arg17 : memref<80x128xf32, #tpu.memory_space<vmem>>) target(%dma_start3A_818 : memref<10240x128xf32, #tpu.memory_space<vmem_shared>>) offsets(%arg13 : memref<80xi32, #tpu.memory_space<vmem>>) semaphore(%dma_start3A_820 : memref<!tpu.dma_semaphore, #tpu.memory_space<semaphore_mem>>) {add = true}
      %add3A_821 = arith.constant 4 : i32
      %add3A_822 = arith.addi %add3A_756, %add3A_821 : i32
      %min3A_823 = arith.constant 124 : i32
      %min3A_824 = arith.minsi %add3A_822, %min3A_823 : i32
      %mul3A_825 = arith.constant 10000 : i32
      %mul3A_826 = arith.muli %add3A, %mul3A_825 : i32
      %mul3A_827 = arith.constant 80 : i32
      %mul3A_828 = arith.muli %min3A_824, %mul3A_827 : i32
      %add3A_829 = arith.addi %mul3A_826, %mul3A_828 : i32
      %dma_start3A_830 = arith.constant 2 : i32
      %dma_start3A_831 = tpu.memref_slice %arg3[%add3A_829] : memref<320000xi32, #tpu.memory_space<hbm>> -> memref<80xi32, #tpu.memory_space<hbm>>
      %dma_start3A_832 = tpu.memref_slice %arg20[%dma_start3A_830] : memref<4x!tpu.dma_semaphore, #tpu.memory_space<semaphore_mem>> -> memref<1x!tpu.dma_semaphore, #tpu.memory_space<semaphore_mem>>
      %dma_start3A_833 = tpu.memref_squeeze %dma_start3A_832 : memref<1x!tpu.dma_semaphore, #tpu.memory_space<semaphore_mem>> -> memref<!tpu.dma_semaphore, #tpu.memory_space<semaphore_mem>>
      %dma_start3A_834 = tpu.memref_slice %arg3[%add3A_829] : memref<320000xi32, #tpu.memory_space<hbm>> -> memref<80xi32, #tpu.memory_space<hbm>>
      tpu.enqueue_dma source(%dma_start3A_834 : memref<80xi32, #tpu.memory_space<hbm>>) target(%arg9 : memref<80xi32, #tpu.memory_space<vmem>>) target_semaphore(%dma_start3A_833 : memref<!tpu.dma_semaphore, #tpu.memory_space<semaphore_mem>>)
      %mul3A_835 = arith.constant 4 : i32
      %mul3A_836 = arith.muli %mul3A_835, %scan3A_588 : i32
      %add3A_837 = arith.constant 3 : i32
      %add3A_838 = arith.addi %mul3A_836, %add3A_837 : i32
      %dma_wait3A_839 = arith.constant 1 : i32
      %dma_wait3A_840 = arith.constant 0 : i32
      %dma_wait3A_841 = arith.constant 0 : i32
      %dma_wait3A_842 = tpu.memref_slice %arg19[%dma_wait3A_840, %dma_wait3A_841] : memref<10240x128xf32, #tpu.memory_space<vmem_shared>> -> memref<10240x128xf32, #tpu.memory_space<vmem_shared>>
      %dma_wait3A_843 = tpu.memref_slice %arg23[%dma_wait3A_839] : memref<2x!tpu.dma_semaphore, #tpu.memory_space<semaphore_mem>> -> memref<1x!tpu.dma_semaphore, #tpu.memory_space<semaphore_mem>>
      %dma_wait3A_844 = tpu.memref_squeeze %dma_wait3A_843 : memref<1x!tpu.dma_semaphore, #tpu.memory_space<semaphore_mem>> -> memref<!tpu.dma_semaphore, #tpu.memory_space<semaphore_mem>>
      tpu.wait_indirect_dma semaphore(%dma_wait3A_844 : memref<!tpu.dma_semaphore, #tpu.memory_space<semaphore_mem>>) src(%arg16 : memref<80x128xf32, #tpu.memory_space<vmem>>) dst(%dma_wait3A_842 : memref<10240x128xf32, #tpu.memory_space<vmem_shared>>)
      %add3A_845 = arith.constant 2 : i32
      %add3A_846 = arith.addi %add3A_838, %add3A_845 : i32
      %min3A_847 = arith.constant 124 : i32
      %min3A_848 = arith.minsi %add3A_846, %min3A_847 : i32
      %mul3A_849 = arith.constant 10000 : i32
      %mul3A_850 = arith.muli %add3A, %mul3A_849 : i32
      %mul3A_851 = arith.constant 80 : i32
      %mul3A_852 = arith.muli %min3A_848, %mul3A_851 : i32
      %add3A_853 = arith.addi %mul3A_850, %mul3A_852 : i32
      %dma_wait3A_854 = arith.constant 1 : i32
      %dma_wait3A_855 = tpu.memref_slice %arg3[%add3A_853] : memref<320000xi32, #tpu.memory_space<hbm>> -> memref<80xi32, #tpu.memory_space<hbm>>
      %dma_wait3A_856 = tpu.memref_slice %arg20[%dma_wait3A_854] : memref<4x!tpu.dma_semaphore, #tpu.memory_space<semaphore_mem>> -> memref<1x!tpu.dma_semaphore, #tpu.memory_space<semaphore_mem>>
      %dma_wait3A_857 = tpu.memref_squeeze %dma_wait3A_856 : memref<1x!tpu.dma_semaphore, #tpu.memory_space<semaphore_mem>> -> memref<!tpu.dma_semaphore, #tpu.memory_space<semaphore_mem>>
      %dma_wait3A_858 = tpu.memref_slice %arg3[%add3A_853] : memref<320000xi32, #tpu.memory_space<hbm>> -> memref<80xi32, #tpu.memory_space<hbm>>
      tpu.wait_dma2 semaphore(%dma_wait3A_857 : memref<!tpu.dma_semaphore, #tpu.memory_space<semaphore_mem>>) src(%dma_wait3A_858 : memref<80xi32, #tpu.memory_space<hbm>>) dst(%arg8 : memref<80xi32, #tpu.memory_space<vmem>>)
      %dma_start3A_859 = arith.constant 1 : i32
      %dma_start3A_860 = arith.constant 0 : i32
      %dma_start3A_861 = arith.constant 0 : i32
      %dma_start3A_862 = tpu.memref_slice %arg2[%dma_start3A_860, %dma_start3A_861] : memref<10000x128xf32, #tpu.memory_space<hbm>> -> memref<10000x128xf32, #tpu.memory_space<hbm>>
      %dma_start3A_863 = tpu.memref_slice %arg21[%dma_start3A_859] : memref<4x!tpu.dma_semaphore, #tpu.memory_space<semaphore_mem>> -> memref<1x!tpu.dma_semaphore, #tpu.memory_space<semaphore_mem>>
      %dma_start3A_864 = tpu.memref_squeeze %dma_start3A_863 : memref<1x!tpu.dma_semaphore, #tpu.memory_space<semaphore_mem>> -> memref<!tpu.dma_semaphore, #tpu.memory_space<semaphore_mem>>
      tpu.enqueue_indirect_dma source(%dma_start3A_862 : memref<10000x128xf32, #tpu.memory_space<hbm>>) target(%arg16 : memref<80x128xf32, #tpu.memory_space<vmem>>) offsets(%arg8 : memref<80xi32, #tpu.memory_space<vmem>>) semaphore(%dma_start3A_864 : memref<!tpu.dma_semaphore, #tpu.memory_space<semaphore_mem>>)
      %add3A_865 = arith.constant 2 : i32
      %add3A_866 = arith.addi %add3A_838, %add3A_865 : i32
      %min3A_867 = arith.constant 124 : i32
      %min3A_868 = arith.minsi %add3A_866, %min3A_867 : i32
      %mul3A_869 = arith.constant 10000 : i32
      %mul3A_870 = arith.muli %add3A, %mul3A_869 : i32
      %mul3A_871 = arith.constant 80 : i32
      %mul3A_872 = arith.muli %min3A_868, %mul3A_871 : i32
      %add3A_873 = arith.addi %mul3A_870, %mul3A_872 : i32
      %dma_start3A_874 = arith.constant 1 : i32
      %dma_start3A_875 = tpu.memref_slice %arg4[%add3A_873] : memref<320000xi32, #tpu.memory_space<hbm>> -> memref<80xi32, #tpu.memory_space<hbm>>
      %dma_start3A_876 = tpu.memref_slice %arg22[%dma_start3A_874] : memref<4x!tpu.dma_semaphore, #tpu.memory_space<semaphore_mem>> -> memref<1x!tpu.dma_semaphore, #tpu.memory_space<semaphore_mem>>
      %dma_start3A_877 = tpu.memref_squeeze %dma_start3A_876 : memref<1x!tpu.dma_semaphore, #tpu.memory_space<semaphore_mem>> -> memref<!tpu.dma_semaphore, #tpu.memory_space<semaphore_mem>>
      %dma_start3A_878 = tpu.memref_slice %arg4[%add3A_873] : memref<320000xi32, #tpu.memory_space<hbm>> -> memref<80xi32, #tpu.memory_space<hbm>>
      tpu.enqueue_dma source(%dma_start3A_878 : memref<80xi32, #tpu.memory_space<hbm>>) target(%arg12 : memref<80xi32, #tpu.memory_space<vmem>>) target_semaphore(%dma_start3A_877 : memref<!tpu.dma_semaphore, #tpu.memory_space<semaphore_mem>>)
      %dma_wait3A_879 = arith.constant 3 : i32
      %dma_wait3A_880 = arith.constant 0 : i32
      %dma_wait3A_881 = arith.constant 0 : i32
      %dma_wait3A_882 = tpu.memref_slice %arg2[%dma_wait3A_880, %dma_wait3A_881] : memref<10000x128xf32, #tpu.memory_space<hbm>> -> memref<10000x128xf32, #tpu.memory_space<hbm>>
      %dma_wait3A_883 = tpu.memref_slice %arg21[%dma_wait3A_879] : memref<4x!tpu.dma_semaphore, #tpu.memory_space<semaphore_mem>> -> memref<1x!tpu.dma_semaphore, #tpu.memory_space<semaphore_mem>>
      %dma_wait3A_884 = tpu.memref_squeeze %dma_wait3A_883 : memref<1x!tpu.dma_semaphore, #tpu.memory_space<semaphore_mem>> -> memref<!tpu.dma_semaphore, #tpu.memory_space<semaphore_mem>>
      tpu.wait_indirect_dma semaphore(%dma_wait3A_884 : memref<!tpu.dma_semaphore, #tpu.memory_space<semaphore_mem>>) src(%dma_wait3A_882 : memref<10000x128xf32, #tpu.memory_space<hbm>>) dst(%arg18 : memref<80x128xf32, #tpu.memory_space<vmem>>)
      %min3A_885 = arith.constant 124 : i32
      %min3A_886 = arith.minsi %add3A_838, %min3A_885 : i32
      %mul3A_887 = arith.constant 10000 : i32
      %mul3A_888 = arith.muli %add3A, %mul3A_887 : i32
      %mul3A_889 = arith.constant 80 : i32
      %mul3A_890 = arith.muli %min3A_886, %mul3A_889 : i32
      %add3A_891 = arith.addi %mul3A_888, %mul3A_890 : i32
      %dma_wait3A_892 = arith.constant 3 : i32
      %dma_wait3A_893 = tpu.memref_slice %arg4[%add3A_891] : memref<320000xi32, #tpu.memory_space<hbm>> -> memref<80xi32, #tpu.memory_space<hbm>>
      %dma_wait3A_894 = tpu.memref_slice %arg22[%dma_wait3A_892] : memref<4x!tpu.dma_semaphore, #tpu.memory_space<semaphore_mem>> -> memref<1x!tpu.dma_semaphore, #tpu.memory_space<semaphore_mem>>
      %dma_wait3A_895 = tpu.memref_squeeze %dma_wait3A_894 : memref<1x!tpu.dma_semaphore, #tpu.memory_space<semaphore_mem>> -> memref<!tpu.dma_semaphore, #tpu.memory_space<semaphore_mem>>
      %dma_wait3A_896 = tpu.memref_slice %arg4[%add3A_891] : memref<320000xi32, #tpu.memory_space<hbm>> -> memref<80xi32, #tpu.memory_space<hbm>>
      tpu.wait_dma2 semaphore(%dma_wait3A_895 : memref<!tpu.dma_semaphore, #tpu.memory_space<semaphore_mem>>) src(%dma_wait3A_896 : memref<80xi32, #tpu.memory_space<hbm>>) dst(%arg14 : memref<80xi32, #tpu.memory_space<vmem>>)
      %dma_start3A_897 = arith.constant 1 : i32
      %dma_start3A_898 = arith.constant 0 : i32
      %dma_start3A_899 = arith.constant 0 : i32
      %dma_start3A_900 = tpu.memref_slice %arg19[%dma_start3A_898, %dma_start3A_899] : memref<10240x128xf32, #tpu.memory_space<vmem_shared>> -> memref<10240x128xf32, #tpu.memory_space<vmem_shared>>
      %dma_start3A_901 = tpu.memref_slice %arg23[%dma_start3A_897] : memref<2x!tpu.dma_semaphore, #tpu.memory_space<semaphore_mem>> -> memref<1x!tpu.dma_semaphore, #tpu.memory_space<semaphore_mem>>
      %dma_start3A_902 = tpu.memref_squeeze %dma_start3A_901 : memref<1x!tpu.dma_semaphore, #tpu.memory_space<semaphore_mem>> -> memref<!tpu.dma_semaphore, #tpu.memory_space<semaphore_mem>>
      tpu.enqueue_indirect_dma source(%arg18 : memref<80x128xf32, #tpu.memory_space<vmem>>) target(%dma_start3A_900 : memref<10240x128xf32, #tpu.memory_space<vmem_shared>>) offsets(%arg14 : memref<80xi32, #tpu.memory_space<vmem>>) semaphore(%dma_start3A_902 : memref<!tpu.dma_semaphore, #tpu.memory_space<semaphore_mem>>) {add = true}
      %add3A_903 = arith.constant 4 : i32
      %add3A_904 = arith.addi %add3A_838, %add3A_903 : i32
      %min3A_905 = arith.constant 124 : i32
      %min3A_906 = arith.minsi %add3A_904, %min3A_905 : i32
      %mul3A_907 = arith.constant 10000 : i32
      %mul3A_908 = arith.muli %add3A, %mul3A_907 : i32
      %mul3A_909 = arith.constant 80 : i32
      %mul3A_910 = arith.muli %min3A_906, %mul3A_909 : i32
      %add3A_911 = arith.addi %mul3A_908, %mul3A_910 : i32
      %dma_start3A_912 = arith.constant 3 : i32
      %dma_start3A_913 = tpu.memref_slice %arg3[%add3A_911] : memref<320000xi32, #tpu.memory_space<hbm>> -> memref<80xi32, #tpu.memory_space<hbm>>
      %dma_start3A_914 = tpu.memref_slice %arg20[%dma_start3A_912] : memref<4x!tpu.dma_semaphore, #tpu.memory_space<semaphore_mem>> -> memref<1x!tpu.dma_semaphore, #tpu.memory_space<semaphore_mem>>
      %dma_start3A_915 = tpu.memref_squeeze %dma_start3A_914 : memref<1x!tpu.dma_semaphore, #tpu.memory_space<semaphore_mem>> -> memref<!tpu.dma_semaphore, #tpu.memory_space<semaphore_mem>>
      %dma_start3A_916 = tpu.memref_slice %arg3[%add3A_911] : memref<320000xi32, #tpu.memory_space<hbm>> -> memref<80xi32, #tpu.memory_space<hbm>>
      tpu.enqueue_dma source(%dma_start3A_916 : memref<80xi32, #tpu.memory_space<hbm>>) target(%arg10 : memref<80xi32, #tpu.memory_space<vmem>>) target_semaphore(%dma_start3A_915 : memref<!tpu.dma_semaphore, #tpu.memory_space<semaphore_mem>>)
    }
    %scan3A_430 = arith.constant 30 : i32
    %dma_wait3A_431 = arith.constant 0 : i32
    %dma_wait3A_432 = arith.constant 0 : i32
    %dma_wait3A_433 = arith.constant 0 : i32
    %dma_wait3A_434 = tpu.memref_slice %arg19[%dma_wait3A_432, %dma_wait3A_433] : memref<10240x128xf32, #tpu.memory_space<vmem_shared>> -> memref<10240x128xf32, #tpu.memory_space<vmem_shared>>
    %dma_wait3A_435 = tpu.memref_slice %arg23[%dma_wait3A_431] : memref<2x!tpu.dma_semaphore, #tpu.memory_space<semaphore_mem>> -> memref<1x!tpu.dma_semaphore, #tpu.memory_space<semaphore_mem>>
    %dma_wait3A_436 = tpu.memref_squeeze %dma_wait3A_435 : memref<1x!tpu.dma_semaphore, #tpu.memory_space<semaphore_mem>> -> memref<!tpu.dma_semaphore, #tpu.memory_space<semaphore_mem>>
    tpu.wait_indirect_dma semaphore(%dma_wait3A_436 : memref<!tpu.dma_semaphore, #tpu.memory_space<semaphore_mem>>) src(%arg17 : memref<80x128xf32, #tpu.memory_space<vmem>>) dst(%dma_wait3A_434 : memref<10240x128xf32, #tpu.memory_space<vmem_shared>>)
    %min3A_437 = arith.constant 126 : i32
    %min3A_438 = arith.constant 124 : i32
    %min3A_439 = arith.minsi %min3A_437, %min3A_438 : i32
    %mul3A_440 = arith.constant 10000 : i32
    %mul3A_441 = arith.muli %add3A, %mul3A_440 : i32
    %mul3A_442 = arith.constant 80 : i32
    %mul3A_443 = arith.muli %min3A_439, %mul3A_442 : i32
    %add3A_444 = arith.addi %mul3A_441, %mul3A_443 : i32
    %dma_wait3A_445 = arith.constant 2 : i32
    %dma_wait3A_446 = tpu.memref_slice %arg3[%add3A_444] : memref<320000xi32, #tpu.memory_space<hbm>> -> memref<80xi32, #tpu.memory_space<hbm>>
    %dma_wait3A_447 = tpu.memref_slice %arg20[%dma_wait3A_445] : memref<4x!tpu.dma_semaphore, #tpu.memory_space<semaphore_mem>> -> memref<1x!tpu.dma_semaphore, #tpu.memory_space<semaphore_mem>>
    %dma_wait3A_448 = tpu.memref_squeeze %dma_wait3A_447 : memref<1x!tpu.dma_semaphore, #tpu.memory_space<semaphore_mem>> -> memref<!tpu.dma_semaphore, #tpu.memory_space<semaphore_mem>>
    %dma_wait3A_449 = tpu.memref_slice %arg3[%add3A_444] : memref<320000xi32, #tpu.memory_space<hbm>> -> memref<80xi32, #tpu.memory_space<hbm>>
    tpu.wait_dma2 semaphore(%dma_wait3A_448 : memref<!tpu.dma_semaphore, #tpu.memory_space<semaphore_mem>>) src(%dma_wait3A_449 : memref<80xi32, #tpu.memory_space<hbm>>) dst(%arg9 : memref<80xi32, #tpu.memory_space<vmem>>)
    %dma_start3A_450 = arith.constant 2 : i32
    %dma_start3A_451 = arith.constant 0 : i32
    %dma_start3A_452 = arith.constant 0 : i32
    %dma_start3A_453 = tpu.memref_slice %arg2[%dma_start3A_451, %dma_start3A_452] : memref<10000x128xf32, #tpu.memory_space<hbm>> -> memref<10000x128xf32, #tpu.memory_space<hbm>>
    %dma_start3A_454 = tpu.memref_slice %arg21[%dma_start3A_450] : memref<4x!tpu.dma_semaphore, #tpu.memory_space<semaphore_mem>> -> memref<1x!tpu.dma_semaphore, #tpu.memory_space<semaphore_mem>>
    %dma_start3A_455 = tpu.memref_squeeze %dma_start3A_454 : memref<1x!tpu.dma_semaphore, #tpu.memory_space<semaphore_mem>> -> memref<!tpu.dma_semaphore, #tpu.memory_space<semaphore_mem>>
    tpu.enqueue_indirect_dma source(%dma_start3A_453 : memref<10000x128xf32, #tpu.memory_space<hbm>>) target(%arg17 : memref<80x128xf32, #tpu.memory_space<vmem>>) offsets(%arg9 : memref<80xi32, #tpu.memory_space<vmem>>) semaphore(%dma_start3A_455 : memref<!tpu.dma_semaphore, #tpu.memory_space<semaphore_mem>>)
    %min3A_456 = arith.constant 126 : i32
    %min3A_457 = arith.constant 124 : i32
    %min3A_458 = arith.minsi %min3A_456, %min3A_457 : i32
    %mul3A_459 = arith.constant 10000 : i32
    %mul3A_460 = arith.muli %add3A, %mul3A_459 : i32
    %mul3A_461 = arith.constant 80 : i32
    %mul3A_462 = arith.muli %min3A_458, %mul3A_461 : i32
    %add3A_463 = arith.addi %mul3A_460, %mul3A_462 : i32
    %dma_start3A_464 = arith.constant 2 : i32
    %dma_start3A_465 = tpu.memref_slice %arg4[%add3A_463] : memref<320000xi32, #tpu.memory_space<hbm>> -> memref<80xi32, #tpu.memory_space<hbm>>
    %dma_start3A_466 = tpu.memref_slice %arg22[%dma_start3A_464] : memref<4x!tpu.dma_semaphore, #tpu.memory_space<semaphore_mem>> -> memref<1x!tpu.dma_semaphore, #tpu.memory_space<semaphore_mem>>
    %dma_start3A_467 = tpu.memref_squeeze %dma_start3A_466 : memref<1x!tpu.dma_semaphore, #tpu.memory_space<semaphore_mem>> -> memref<!tpu.dma_semaphore, #tpu.memory_space<semaphore_mem>>
    %dma_start3A_468 = tpu.memref_slice %arg4[%add3A_463] : memref<320000xi32, #tpu.memory_space<hbm>> -> memref<80xi32, #tpu.memory_space<hbm>>
    tpu.enqueue_dma source(%dma_start3A_468 : memref<80xi32, #tpu.memory_space<hbm>>) target(%arg13 : memref<80xi32, #tpu.memory_space<vmem>>) target_semaphore(%dma_start3A_467 : memref<!tpu.dma_semaphore, #tpu.memory_space<semaphore_mem>>)
    %dma_wait3A_469 = arith.constant 0 : i32
    %dma_wait3A_470 = arith.constant 0 : i32
    %dma_wait3A_471 = arith.constant 0 : i32
    %dma_wait3A_472 = tpu.memref_slice %arg2[%dma_wait3A_470, %dma_wait3A_471] : memref<10000x128xf32, #tpu.memory_space<hbm>> -> memref<10000x128xf32, #tpu.memory_space<hbm>>
    %dma_wait3A_473 = tpu.memref_slice %arg21[%dma_wait3A_469] : memref<4x!tpu.dma_semaphore, #tpu.memory_space<semaphore_mem>> -> memref<1x!tpu.dma_semaphore, #tpu.memory_space<semaphore_mem>>
    %dma_wait3A_474 = tpu.memref_squeeze %dma_wait3A_473 : memref<1x!tpu.dma_semaphore, #tpu.memory_space<semaphore_mem>> -> memref<!tpu.dma_semaphore, #tpu.memory_space<semaphore_mem>>
    tpu.wait_indirect_dma semaphore(%dma_wait3A_474 : memref<!tpu.dma_semaphore, #tpu.memory_space<semaphore_mem>>) src(%dma_wait3A_472 : memref<10000x128xf32, #tpu.memory_space<hbm>>) dst(%arg15 : memref<80x128xf32, #tpu.memory_space<vmem>>)
    %min3A_475 = arith.constant 124 : i32
    %min3A_476 = arith.constant 124 : i32
    %min3A_477 = arith.minsi %min3A_475, %min3A_476 : i32
    %mul3A_478 = arith.constant 10000 : i32
    %mul3A_479 = arith.muli %add3A, %mul3A_478 : i32
    %mul3A_480 = arith.constant 80 : i32
    %mul3A_481 = arith.muli %min3A_477, %mul3A_480 : i32
    %add3A_482 = arith.addi %mul3A_479, %mul3A_481 : i32
    %dma_wait3A_483 = arith.constant 0 : i32
    %dma_wait3A_484 = tpu.memref_slice %arg4[%add3A_482] : memref<320000xi32, #tpu.memory_space<hbm>> -> memref<80xi32, #tpu.memory_space<hbm>>
    %dma_wait3A_485 = tpu.memref_slice %arg22[%dma_wait3A_483] : memref<4x!tpu.dma_semaphore, #tpu.memory_space<semaphore_mem>> -> memref<1x!tpu.dma_semaphore, #tpu.memory_space<semaphore_mem>>
    %dma_wait3A_486 = tpu.memref_squeeze %dma_wait3A_485 : memref<1x!tpu.dma_semaphore, #tpu.memory_space<semaphore_mem>> -> memref<!tpu.dma_semaphore, #tpu.memory_space<semaphore_mem>>
    %dma_wait3A_487 = tpu.memref_slice %arg4[%add3A_482] : memref<320000xi32, #tpu.memory_space<hbm>> -> memref<80xi32, #tpu.memory_space<hbm>>
    tpu.wait_dma2 semaphore(%dma_wait3A_486 : memref<!tpu.dma_semaphore, #tpu.memory_space<semaphore_mem>>) src(%dma_wait3A_487 : memref<80xi32, #tpu.memory_space<hbm>>) dst(%arg11 : memref<80xi32, #tpu.memory_space<vmem>>)
    %dma_start3A_488 = arith.constant 0 : i32
    %dma_start3A_489 = arith.constant 0 : i32
    %dma_start3A_490 = arith.constant 0 : i32
    %dma_start3A_491 = tpu.memref_slice %arg19[%dma_start3A_489, %dma_start3A_490] : memref<10240x128xf32, #tpu.memory_space<vmem_shared>> -> memref<10240x128xf32, #tpu.memory_space<vmem_shared>>
    %dma_start3A_492 = tpu.memref_slice %arg23[%dma_start3A_488] : memref<2x!tpu.dma_semaphore, #tpu.memory_space<semaphore_mem>> -> memref<1x!tpu.dma_semaphore, #tpu.memory_space<semaphore_mem>>
    %dma_start3A_493 = tpu.memref_squeeze %dma_start3A_492 : memref<1x!tpu.dma_semaphore, #tpu.memory_space<semaphore_mem>> -> memref<!tpu.dma_semaphore, #tpu.memory_space<semaphore_mem>>
    tpu.enqueue_indirect_dma source(%arg15 : memref<80x128xf32, #tpu.memory_space<vmem>>) target(%dma_start3A_491 : memref<10240x128xf32, #tpu.memory_space<vmem_shared>>) offsets(%arg11 : memref<80xi32, #tpu.memory_space<vmem>>) semaphore(%dma_start3A_493 : memref<!tpu.dma_semaphore, #tpu.memory_space<semaphore_mem>>) {add = true}
    %min3A_494 = arith.constant 128 : i32
    %min3A_495 = arith.constant 124 : i32
    %min3A_496 = arith.minsi %min3A_494, %min3A_495 : i32
    %mul3A_497 = arith.constant 10000 : i32
    %mul3A_498 = arith.muli %add3A, %mul3A_497 : i32
    %mul3A_499 = arith.constant 80 : i32
    %mul3A_500 = arith.muli %min3A_496, %mul3A_499 : i32
    %add3A_501 = arith.addi %mul3A_498, %mul3A_500 : i32
    %dma_start3A_502 = arith.constant 0 : i32
    %dma_start3A_503 = tpu.memref_slice %arg3[%add3A_501] : memref<320000xi32, #tpu.memory_space<hbm>> -> memref<80xi32, #tpu.memory_space<hbm>>
    %dma_start3A_504 = tpu.memref_slice %arg20[%dma_start3A_502] : memref<4x!tpu.dma_semaphore, #tpu.memory_space<semaphore_mem>> -> memref<1x!tpu.dma_semaphore, #tpu.memory_space<semaphore_mem>>
    %dma_start3A_505 = tpu.memref_squeeze %dma_start3A_504 : memref<1x!tpu.dma_semaphore, #tpu.memory_space<semaphore_mem>> -> memref<!tpu.dma_semaphore, #tpu.memory_space<semaphore_mem>>
    %dma_start3A_506 = tpu.memref_slice %arg3[%add3A_501] : memref<320000xi32, #tpu.memory_space<hbm>> -> memref<80xi32, #tpu.memory_space<hbm>>
    tpu.enqueue_dma source(%dma_start3A_506 : memref<80xi32, #tpu.memory_space<hbm>>) target(%arg7 : memref<80xi32, #tpu.memory_space<vmem>>) target_semaphore(%dma_start3A_505 : memref<!tpu.dma_semaphore, #tpu.memory_space<semaphore_mem>>)
    %dma_wait3A_507 = arith.constant 1 : i32
    %dma_wait3A_508 = arith.constant 0 : i32
    %dma_wait3A_509 = arith.constant 0 : i32
    %dma_wait3A_510 = tpu.memref_slice %arg19[%dma_wait3A_508, %dma_wait3A_509] : memref<10240x128xf32, #tpu.memory_space<vmem_shared>> -> memref<10240x128xf32, #tpu.memory_space<vmem_shared>>
    %dma_wait3A_511 = tpu.memref_slice %arg23[%dma_wait3A_507] : memref<2x!tpu.dma_semaphore, #tpu.memory_space<semaphore_mem>> -> memref<1x!tpu.dma_semaphore, #tpu.memory_space<semaphore_mem>>
    %dma_wait3A_512 = tpu.memref_squeeze %dma_wait3A_511 : memref<1x!tpu.dma_semaphore, #tpu.memory_space<semaphore_mem>> -> memref<!tpu.dma_semaphore, #tpu.memory_space<semaphore_mem>>
    tpu.wait_indirect_dma semaphore(%dma_wait3A_512 : memref<!tpu.dma_semaphore, #tpu.memory_space<semaphore_mem>>) src(%arg18 : memref<80x128xf32, #tpu.memory_space<vmem>>) dst(%dma_wait3A_510 : memref<10240x128xf32, #tpu.memory_space<vmem_shared>>)
    %dma_wait3A_513 = arith.constant 0 : i32
    %dma_wait3A_514 = arith.constant 0 : i32
    %dma_wait3A_515 = arith.constant 0 : i32
    %dma_wait3A_516 = tpu.memref_slice %arg19[%dma_wait3A_514, %dma_wait3A_515] : memref<10240x128xf32, #tpu.memory_space<vmem_shared>> -> memref<10240x128xf32, #tpu.memory_space<vmem_shared>>
    %dma_wait3A_517 = tpu.memref_slice %arg23[%dma_wait3A_513] : memref<2x!tpu.dma_semaphore, #tpu.memory_space<semaphore_mem>> -> memref<1x!tpu.dma_semaphore, #tpu.memory_space<semaphore_mem>>
    %dma_wait3A_518 = tpu.memref_squeeze %dma_wait3A_517 : memref<1x!tpu.dma_semaphore, #tpu.memory_space<semaphore_mem>> -> memref<!tpu.dma_semaphore, #tpu.memory_space<semaphore_mem>>
    tpu.wait_indirect_dma semaphore(%dma_wait3A_518 : memref<!tpu.dma_semaphore, #tpu.memory_space<semaphore_mem>>) src(%arg15 : memref<80x128xf32, #tpu.memory_space<vmem>>) dst(%dma_wait3A_516 : memref<10240x128xf32, #tpu.memory_space<vmem_shared>>)
    %dma_wait3A_519 = arith.constant 1 : i32
    %dma_wait3A_520 = arith.constant 0 : i32
    %dma_wait3A_521 = arith.constant 0 : i32
    %dma_wait3A_522 = tpu.memref_slice %arg2[%dma_wait3A_520, %dma_wait3A_521] : memref<10000x128xf32, #tpu.memory_space<hbm>> -> memref<10000x128xf32, #tpu.memory_space<hbm>>
    %dma_wait3A_523 = tpu.memref_slice %arg21[%dma_wait3A_519] : memref<4x!tpu.dma_semaphore, #tpu.memory_space<semaphore_mem>> -> memref<1x!tpu.dma_semaphore, #tpu.memory_space<semaphore_mem>>
    %dma_wait3A_524 = tpu.memref_squeeze %dma_wait3A_523 : memref<1x!tpu.dma_semaphore, #tpu.memory_space<semaphore_mem>> -> memref<!tpu.dma_semaphore, #tpu.memory_space<semaphore_mem>>
    tpu.wait_indirect_dma semaphore(%dma_wait3A_524 : memref<!tpu.dma_semaphore, #tpu.memory_space<semaphore_mem>>) src(%dma_wait3A_522 : memref<10000x128xf32, #tpu.memory_space<hbm>>) dst(%arg16 : memref<80x128xf32, #tpu.memory_space<vmem>>)
    %min3A_525 = arith.constant 125 : i32
    %min3A_526 = arith.constant 124 : i32
    %min3A_527 = arith.minsi %min3A_525, %min3A_526 : i32
    %mul3A_528 = arith.constant 10000 : i32
    %mul3A_529 = arith.muli %add3A, %mul3A_528 : i32
    %mul3A_530 = arith.constant 80 : i32
    %mul3A_531 = arith.muli %min3A_527, %mul3A_530 : i32
    %add3A_532 = arith.addi %mul3A_529, %mul3A_531 : i32
    %dma_wait3A_533 = arith.constant 1 : i32
    %dma_wait3A_534 = tpu.memref_slice %arg4[%add3A_532] : memref<320000xi32, #tpu.memory_space<hbm>> -> memref<80xi32, #tpu.memory_space<hbm>>
    %dma_wait3A_535 = tpu.memref_slice %arg22[%dma_wait3A_533] : memref<4x!tpu.dma_semaphore, #tpu.memory_space<semaphore_mem>> -> memref<1x!tpu.dma_semaphore, #tpu.memory_space<semaphore_mem>>
    %dma_wait3A_536 = tpu.memref_squeeze %dma_wait3A_535 : memref<1x!tpu.dma_semaphore, #tpu.memory_space<semaphore_mem>> -> memref<!tpu.dma_semaphore, #tpu.memory_space<semaphore_mem>>
    %dma_wait3A_537 = tpu.memref_slice %arg4[%add3A_532] : memref<320000xi32, #tpu.memory_space<hbm>> -> memref<80xi32, #tpu.memory_space<hbm>>
    tpu.wait_dma2 semaphore(%dma_wait3A_536 : memref<!tpu.dma_semaphore, #tpu.memory_space<semaphore_mem>>) src(%dma_wait3A_537 : memref<80xi32, #tpu.memory_space<hbm>>) dst(%arg12 : memref<80xi32, #tpu.memory_space<vmem>>)
    %dma_wait3A_538 = arith.constant 2 : i32
    %dma_wait3A_539 = arith.constant 0 : i32
    %dma_wait3A_540 = arith.constant 0 : i32
    %dma_wait3A_541 = tpu.memref_slice %arg2[%dma_wait3A_539, %dma_wait3A_540] : memref<10000x128xf32, #tpu.memory_space<hbm>> -> memref<10000x128xf32, #tpu.memory_space<hbm>>
    %dma_wait3A_542 = tpu.memref_slice %arg21[%dma_wait3A_538] : memref<4x!tpu.dma_semaphore, #tpu.memory_space<semaphore_mem>> -> memref<1x!tpu.dma_semaphore, #tpu.memory_space<semaphore_mem>>
    %dma_wait3A_543 = tpu.memref_squeeze %dma_wait3A_542 : memref<1x!tpu.dma_semaphore, #tpu.memory_space<semaphore_mem>> -> memref<!tpu.dma_semaphore, #tpu.memory_space<semaphore_mem>>
    tpu.wait_indirect_dma semaphore(%dma_wait3A_543 : memref<!tpu.dma_semaphore, #tpu.memory_space<semaphore_mem>>) src(%dma_wait3A_541 : memref<10000x128xf32, #tpu.memory_space<hbm>>) dst(%arg17 : memref<80x128xf32, #tpu.memory_space<vmem>>)
    %min3A_544 = arith.constant 126 : i32
    %min3A_545 = arith.constant 124 : i32
    %min3A_546 = arith.minsi %min3A_544, %min3A_545 : i32
    %mul3A_547 = arith.constant 10000 : i32
    %mul3A_548 = arith.muli %add3A, %mul3A_547 : i32
    %mul3A_549 = arith.constant 80 : i32
    %mul3A_550 = arith.muli %min3A_546, %mul3A_549 : i32
    %add3A_551 = arith.addi %mul3A_548, %mul3A_550 : i32
    %dma_wait3A_552 = arith.constant 2 : i32
    %dma_wait3A_553 = tpu.memref_slice %arg4[%add3A_551] : memref<320000xi32, #tpu.memory_space<hbm>> -> memref<80xi32, #tpu.memory_space<hbm>>
    %dma_wait3A_554 = tpu.memref_slice %arg22[%dma_wait3A_552] : memref<4x!tpu.dma_semaphore, #tpu.memory_space<semaphore_mem>> -> memref<1x!tpu.dma_semaphore, #tpu.memory_space<semaphore_mem>>
    %dma_wait3A_555 = tpu.memref_squeeze %dma_wait3A_554 : memref<1x!tpu.dma_semaphore, #tpu.memory_space<semaphore_mem>> -> memref<!tpu.dma_semaphore, #tpu.memory_space<semaphore_mem>>
    %dma_wait3A_556 = tpu.memref_slice %arg4[%add3A_551] : memref<320000xi32, #tpu.memory_space<hbm>> -> memref<80xi32, #tpu.memory_space<hbm>>
    tpu.wait_dma2 semaphore(%dma_wait3A_555 : memref<!tpu.dma_semaphore, #tpu.memory_space<semaphore_mem>>) src(%dma_wait3A_556 : memref<80xi32, #tpu.memory_space<hbm>>) dst(%arg13 : memref<80xi32, #tpu.memory_space<vmem>>)
    %min3A_557 = arith.constant 127 : i32
    %min3A_558 = arith.constant 124 : i32
    %min3A_559 = arith.minsi %min3A_557, %min3A_558 : i32
    %mul3A_560 = arith.constant 10000 : i32
    %mul3A_561 = arith.muli %add3A, %mul3A_560 : i32
    %mul3A_562 = arith.constant 80 : i32
    %mul3A_563 = arith.muli %min3A_559, %mul3A_562 : i32
    %add3A_564 = arith.addi %mul3A_561, %mul3A_563 : i32
    %dma_wait3A_565 = arith.constant 3 : i32
    %dma_wait3A_566 = tpu.memref_slice %arg3[%add3A_564] : memref<320000xi32, #tpu.memory_space<hbm>> -> memref<80xi32, #tpu.memory_space<hbm>>
    %dma_wait3A_567 = tpu.memref_slice %arg20[%dma_wait3A_565] : memref<4x!tpu.dma_semaphore, #tpu.memory_space<semaphore_mem>> -> memref<1x!tpu.dma_semaphore, #tpu.memory_space<semaphore_mem>>
    %dma_wait3A_568 = tpu.memref_squeeze %dma_wait3A_567 : memref<1x!tpu.dma_semaphore, #tpu.memory_space<semaphore_mem>> -> memref<!tpu.dma_semaphore, #tpu.memory_space<semaphore_mem>>
    %dma_wait3A_569 = tpu.memref_slice %arg3[%add3A_564] : memref<320000xi32, #tpu.memory_space<hbm>> -> memref<80xi32, #tpu.memory_space<hbm>>
    tpu.wait_dma2 semaphore(%dma_wait3A_568 : memref<!tpu.dma_semaphore, #tpu.memory_space<semaphore_mem>>) src(%dma_wait3A_569 : memref<80xi32, #tpu.memory_space<hbm>>) dst(%arg10 : memref<80xi32, #tpu.memory_space<vmem>>)
    %min3A_570 = arith.constant 128 : i32
    %min3A_571 = arith.constant 124 : i32
    %min3A_572 = arith.minsi %min3A_570, %min3A_571 : i32
    %mul3A_573 = arith.constant 10000 : i32
    %mul3A_574 = arith.muli %add3A, %mul3A_573 : i32
    %mul3A_575 = arith.constant 80 : i32
    %mul3A_576 = arith.muli %min3A_572, %mul3A_575 : i32
    %add3A_577 = arith.addi %mul3A_574, %mul3A_576 : i32
    %dma_wait3A_578 = arith.constant 0 : i32
    %dma_wait3A_579 = tpu.memref_slice %arg3[%add3A_577] : memref<320000xi32, #tpu.memory_space<hbm>> -> memref<80xi32, #tpu.memory_space<hbm>>
    %dma_wait3A_580 = tpu.memref_slice %arg20[%dma_wait3A_578] : memref<4x!tpu.dma_semaphore, #tpu.memory_space<semaphore_mem>> -> memref<1x!tpu.dma_semaphore, #tpu.memory_space<semaphore_mem>>
    %dma_wait3A_581 = tpu.memref_squeeze %dma_wait3A_580 : memref<1x!tpu.dma_semaphore, #tpu.memory_space<semaphore_mem>> -> memref<!tpu.dma_semaphore, #tpu.memory_space<semaphore_mem>>
    %dma_wait3A_582 = tpu.memref_slice %arg3[%add3A_577] : memref<320000xi32, #tpu.memory_space<hbm>> -> memref<80xi32, #tpu.memory_space<hbm>>
    tpu.wait_dma2 semaphore(%dma_wait3A_581 : memref<!tpu.dma_semaphore, #tpu.memory_space<semaphore_mem>>) src(%dma_wait3A_582 : memref<80xi32, #tpu.memory_space<hbm>>) dst(%arg7 : memref<80xi32, #tpu.memory_space<vmem>>)
    %barrier3A_583 = arith.constant 0 : index
    tpu.barrier barrier_id(%barrier3A_583)
    %mul3A_584 = arith.constant 640 : i32
    %mul3A_585 = arith.muli %arg1, %mul3A_584 : i32
    %mul3A_586 = arith.constant 640 : i32
    %mul3A_587 = arith.muli %arg1, %mul3A_586 : i32
    "tpu.region"() ({
      %run_scoped3A = tpu.sem_alloc : memref<!tpu.dma_semaphore, #tpu.memory_space<semaphore_mem>>
      %dma_start3A_588 = arith.constant 0 : i32
      %dma_start3A_589 = tpu.memref_slice %arg6[%arg0, %mul3A_587, %dma_start3A_588] : memref<2x10240x128xf32, #tpu.memory_space<hbm>> -> memref<1x640x128xf32, #tpu.memory_space<hbm>>
      %dma_start3A_590 = tpu.memref_squeeze %dma_start3A_589 : memref<1x640x128xf32, #tpu.memory_space<hbm>> -> memref<640x128xf32, #tpu.memory_space<hbm>>
      %dma_start3A_591 = arith.constant 0 : i32
      %dma_start3A_592 = tpu.memref_slice %arg19[%mul3A_585, %dma_start3A_591] : memref<10240x128xf32, #tpu.memory_space<vmem_shared>> -> memref<640x128xf32, #tpu.memory_space<vmem_shared>>
      tpu.enqueue_dma source(%dma_start3A_592 : memref<640x128xf32, #tpu.memory_space<vmem_shared>>) target(%dma_start3A_590 : memref<640x128xf32, #tpu.memory_space<hbm>>) target_semaphore(%run_scoped3A : memref<!tpu.dma_semaphore, #tpu.memory_space<semaphore_mem>>)
      %dma_wait3A_593 = arith.constant 0 : i32
      %dma_wait3A_594 = tpu.memref_slice %arg6[%arg0, %mul3A_587, %dma_wait3A_593] : memref<2x10240x128xf32, #tpu.memory_space<hbm>> -> memref<1x640x128xf32, #tpu.memory_space<hbm>>
      %dma_wait3A_595 = tpu.memref_squeeze %dma_wait3A_594 : memref<1x640x128xf32, #tpu.memory_space<hbm>> -> memref<640x128xf32, #tpu.memory_space<hbm>>
      %dma_wait3A_596 = arith.constant 0 : i32
      %dma_wait3A_597 = tpu.memref_slice %arg19[%mul3A_585, %dma_wait3A_596] : memref<10240x128xf32, #tpu.memory_space<vmem_shared>> -> memref<640x128xf32, #tpu.memory_space<vmem_shared>>
      tpu.wait_dma2 semaphore(%run_scoped3A : memref<!tpu.dma_semaphore, #tpu.memory_space<semaphore_mem>>) src(%dma_wait3A_597 : memref<640x128xf32, #tpu.memory_space<vmem_shared>>) dst(%dma_wait3A_595 : memref<640x128xf32, #tpu.memory_space<hbm>>)
      tpu.yield
    }) : () -> ()
    return
  }
}

#map = affine_map<(d0, d1) -> (0)>
#map1 = affine_map<(d0, d1) -> (0, 0)>
#map2 = affine_map<(d0, d1) -> (0, 0, 0)>
module attributes {stable_mosaic.version = 14 : i64} {
  func.func @_sc_degree(%arg0: i32, %arg1: i32, %arg2: memref<320000xi32, #tpu.memory_space<hbm>>, %arg3: memref<640x128xf32, #tpu.memory_space<hbm>>, %arg4: memref<80x128xf32, #tpu.memory_space<hbm>>, %arg5: memref<2x10240x128xf32, #tpu.memory_space<hbm>>, %arg6: memref<80xi32, #tpu.memory_space<vmem>>, %arg7: memref<80xi32, #tpu.memory_space<vmem>>, %arg8: memref<80xi32, #tpu.memory_space<vmem>>, %arg9: memref<80xi32, #tpu.memory_space<vmem>>, %arg10: memref<80xi32, #tpu.memory_space<vmem>>, %arg11: memref<80xi32, #tpu.memory_space<vmem>>, %arg12: memref<80xi32, #tpu.memory_space<vmem>>, %arg13: memref<80xi32, #tpu.memory_space<vmem>>, %arg14: memref<80x128xf32, #tpu.memory_space<vmem>>, %arg15: memref<10240x128xf32, #tpu.memory_space<vmem_shared>>, %arg16: memref<8x!tpu.dma_semaphore, #tpu.memory_space<semaphore_mem>>, %arg17: memref<4x!tpu.dma_semaphore, #tpu.memory_space<semaphore_mem>>) attributes {dimension_semantics = [#tpu.dimension_semantics<core_parallel>, #tpu.dimension_semantics<subcore_parallel>], iteration_bounds = array<i64: 2, 16>, scalar_prefetch = 0 : i64, scratch_operands = 12 : i64, tpu.core_type = #tpu.core_type<sc_vector_subcore>, window_params = [{transform_indices = #map}, {transform_indices = #map1}, {transform_indices = #map1}, {transform_indices = #map2}]} {
    %mul3A = arith.constant 2 : i32
    %mul3A_0 = arith.muli %arg1, %mul3A : i32
    %add3A = arith.addi %mul3A_0, %arg0 : i32
    %mul3A_1 = arith.constant 640 : i32
    %mul3A_2 = arith.muli %arg1, %mul3A_1 : i32
    "tpu.region"() ({
      %run_scoped3A = tpu.sem_alloc : memref<!tpu.dma_semaphore, #tpu.memory_space<semaphore_mem>>
      %dma_start3A_608 = arith.constant 0 : i32
      %dma_start3A_609 = tpu.memref_slice %arg15[%mul3A_2, %dma_start3A_608] : memref<10240x128xf32, #tpu.memory_space<vmem_shared>> -> memref<640x128xf32, #tpu.memory_space<vmem_shared>>
      tpu.enqueue_dma source(%arg3 : memref<640x128xf32, #tpu.memory_space<hbm>>) target(%dma_start3A_609 : memref<640x128xf32, #tpu.memory_space<vmem_shared>>) target_semaphore(%run_scoped3A : memref<!tpu.dma_semaphore, #tpu.memory_space<semaphore_mem>>)
      %dma_wait3A_610 = arith.constant 0 : i32
      %dma_wait3A_611 = tpu.memref_slice %arg15[%mul3A_2, %dma_wait3A_610] : memref<10240x128xf32, #tpu.memory_space<vmem_shared>> -> memref<640x128xf32, #tpu.memory_space<vmem_shared>>
      tpu.wait_dma2 semaphore(%run_scoped3A : memref<!tpu.dma_semaphore, #tpu.memory_space<semaphore_mem>>) src(%arg3 : memref<640x128xf32, #tpu.memory_space<hbm>>) dst(%dma_wait3A_611 : memref<640x128xf32, #tpu.memory_space<vmem_shared>>)
      tpu.yield
    }) : () -> ()
    "tpu.region"() ({
      %run_scoped3A = tpu.sem_alloc : memref<!tpu.dma_semaphore, #tpu.memory_space<semaphore_mem>>
      tpu.enqueue_dma source(%arg4 : memref<80x128xf32, #tpu.memory_space<hbm>>) target(%arg14 : memref<80x128xf32, #tpu.memory_space<vmem>>) target_semaphore(%run_scoped3A : memref<!tpu.dma_semaphore, #tpu.memory_space<semaphore_mem>>)
      tpu.wait_dma2 semaphore(%run_scoped3A : memref<!tpu.dma_semaphore, #tpu.memory_space<semaphore_mem>>) src(%arg4 : memref<80x128xf32, #tpu.memory_space<hbm>>) dst(%arg14 : memref<80x128xf32, #tpu.memory_space<vmem>>)
      tpu.yield
    }) : () -> ()
    %barrier3A = arith.constant 0 : index
    tpu.barrier barrier_id(%barrier3A)
    %min3A = arith.constant 0 : i32
    %min3A_3 = arith.constant 124 : i32
    %min3A_4 = arith.minsi %min3A, %min3A_3 : i32
    %mul3A_5 = arith.constant 10000 : i32
    %mul3A_6 = arith.muli %add3A, %mul3A_5 : i32
    %mul3A_7 = arith.constant 80 : i32
    %mul3A_8 = arith.muli %min3A_4, %mul3A_7 : i32
    %add3A_9 = arith.addi %mul3A_6, %mul3A_8 : i32
    %dma_start3A = arith.constant 0 : i32
    %dma_start3A_10 = tpu.memref_slice %arg2[%add3A_9] : memref<320000xi32, #tpu.memory_space<hbm>> -> memref<80xi32, #tpu.memory_space<hbm>>
    %dma_start3A_11 = tpu.memref_slice %arg16[%dma_start3A] : memref<8x!tpu.dma_semaphore, #tpu.memory_space<semaphore_mem>> -> memref<1x!tpu.dma_semaphore, #tpu.memory_space<semaphore_mem>>
    %dma_start3A_12 = tpu.memref_squeeze %dma_start3A_11 : memref<1x!tpu.dma_semaphore, #tpu.memory_space<semaphore_mem>> -> memref<!tpu.dma_semaphore, #tpu.memory_space<semaphore_mem>>
    %dma_start3A_13 = tpu.memref_slice %arg2[%add3A_9] : memref<320000xi32, #tpu.memory_space<hbm>> -> memref<80xi32, #tpu.memory_space<hbm>>
    tpu.enqueue_dma source(%dma_start3A_13 : memref<80xi32, #tpu.memory_space<hbm>>) target(%arg6 : memref<80xi32, #tpu.memory_space<vmem>>) target_semaphore(%dma_start3A_12 : memref<!tpu.dma_semaphore, #tpu.memory_space<semaphore_mem>>)
    %min3A_14 = arith.constant 1 : i32
    %min3A_15 = arith.constant 124 : i32
    %min3A_16 = arith.minsi %min3A_14, %min3A_15 : i32
    %mul3A_17 = arith.constant 10000 : i32
    %mul3A_18 = arith.muli %add3A, %mul3A_17 : i32
    %mul3A_19 = arith.constant 80 : i32
    %mul3A_20 = arith.muli %min3A_16, %mul3A_19 : i32
    %add3A_21 = arith.addi %mul3A_18, %mul3A_20 : i32
    %dma_start3A_22 = arith.constant 1 : i32
    %dma_start3A_23 = tpu.memref_slice %arg2[%add3A_21] : memref<320000xi32, #tpu.memory_space<hbm>> -> memref<80xi32, #tpu.memory_space<hbm>>
    %dma_start3A_24 = tpu.memref_slice %arg16[%dma_start3A_22] : memref<8x!tpu.dma_semaphore, #tpu.memory_space<semaphore_mem>> -> memref<1x!tpu.dma_semaphore, #tpu.memory_space<semaphore_mem>>
    %dma_start3A_25 = tpu.memref_squeeze %dma_start3A_24 : memref<1x!tpu.dma_semaphore, #tpu.memory_space<semaphore_mem>> -> memref<!tpu.dma_semaphore, #tpu.memory_space<semaphore_mem>>
    %dma_start3A_26 = tpu.memref_slice %arg2[%add3A_21] : memref<320000xi32, #tpu.memory_space<hbm>> -> memref<80xi32, #tpu.memory_space<hbm>>
    tpu.enqueue_dma source(%dma_start3A_26 : memref<80xi32, #tpu.memory_space<hbm>>) target(%arg7 : memref<80xi32, #tpu.memory_space<vmem>>) target_semaphore(%dma_start3A_25 : memref<!tpu.dma_semaphore, #tpu.memory_space<semaphore_mem>>)
    %min3A_27 = arith.constant 2 : i32
    %min3A_28 = arith.constant 124 : i32
    %min3A_29 = arith.minsi %min3A_27, %min3A_28 : i32
    %mul3A_30 = arith.constant 10000 : i32
    %mul3A_31 = arith.muli %add3A, %mul3A_30 : i32
    %mul3A_32 = arith.constant 80 : i32
    %mul3A_33 = arith.muli %min3A_29, %mul3A_32 : i32
    %add3A_34 = arith.addi %mul3A_31, %mul3A_33 : i32
    %dma_start3A_35 = arith.constant 2 : i32
    %dma_start3A_36 = tpu.memref_slice %arg2[%add3A_34] : memref<320000xi32, #tpu.memory_space<hbm>> -> memref<80xi32, #tpu.memory_space<hbm>>
    %dma_start3A_37 = tpu.memref_slice %arg16[%dma_start3A_35] : memref<8x!tpu.dma_semaphore, #tpu.memory_space<semaphore_mem>> -> memref<1x!tpu.dma_semaphore, #tpu.memory_space<semaphore_mem>>
    %dma_start3A_38 = tpu.memref_squeeze %dma_start3A_37 : memref<1x!tpu.dma_semaphore, #tpu.memory_space<semaphore_mem>> -> memref<!tpu.dma_semaphore, #tpu.memory_space<semaphore_mem>>
    %dma_start3A_39 = tpu.memref_slice %arg2[%add3A_34] : memref<320000xi32, #tpu.memory_space<hbm>> -> memref<80xi32, #tpu.memory_space<hbm>>
    tpu.enqueue_dma source(%dma_start3A_39 : memref<80xi32, #tpu.memory_space<hbm>>) target(%arg8 : memref<80xi32, #tpu.memory_space<vmem>>) target_semaphore(%dma_start3A_38 : memref<!tpu.dma_semaphore, #tpu.memory_space<semaphore_mem>>)
    %min3A_40 = arith.constant 3 : i32
    %min3A_41 = arith.constant 124 : i32
    %min3A_42 = arith.minsi %min3A_40, %min3A_41 : i32
    %mul3A_43 = arith.constant 10000 : i32
    %mul3A_44 = arith.muli %add3A, %mul3A_43 : i32
    %mul3A_45 = arith.constant 80 : i32
    %mul3A_46 = arith.muli %min3A_42, %mul3A_45 : i32
    %add3A_47 = arith.addi %mul3A_44, %mul3A_46 : i32
    %dma_start3A_48 = arith.constant 3 : i32
    %dma_start3A_49 = tpu.memref_slice %arg2[%add3A_47] : memref<320000xi32, #tpu.memory_space<hbm>> -> memref<80xi32, #tpu.memory_space<hbm>>
    %dma_start3A_50 = tpu.memref_slice %arg16[%dma_start3A_48] : memref<8x!tpu.dma_semaphore, #tpu.memory_space<semaphore_mem>> -> memref<1x!tpu.dma_semaphore, #tpu.memory_space<semaphore_mem>>
    %dma_start3A_51 = tpu.memref_squeeze %dma_start3A_50 : memref<1x!tpu.dma_semaphore, #tpu.memory_space<semaphore_mem>> -> memref<!tpu.dma_semaphore, #tpu.memory_space<semaphore_mem>>
    %dma_start3A_52 = tpu.memref_slice %arg2[%add3A_47] : memref<320000xi32, #tpu.memory_space<hbm>> -> memref<80xi32, #tpu.memory_space<hbm>>
    tpu.enqueue_dma source(%dma_start3A_52 : memref<80xi32, #tpu.memory_space<hbm>>) target(%arg9 : memref<80xi32, #tpu.memory_space<vmem>>) target_semaphore(%dma_start3A_51 : memref<!tpu.dma_semaphore, #tpu.memory_space<semaphore_mem>>)
    %min3A_53 = arith.constant 4 : i32
    %min3A_54 = arith.constant 124 : i32
    %min3A_55 = arith.minsi %min3A_53, %min3A_54 : i32
    %mul3A_56 = arith.constant 10000 : i32
    %mul3A_57 = arith.muli %add3A, %mul3A_56 : i32
    %mul3A_58 = arith.constant 80 : i32
    %mul3A_59 = arith.muli %min3A_55, %mul3A_58 : i32
    %add3A_60 = arith.addi %mul3A_57, %mul3A_59 : i32
    %dma_start3A_61 = arith.constant 4 : i32
    %dma_start3A_62 = tpu.memref_slice %arg2[%add3A_60] : memref<320000xi32, #tpu.memory_space<hbm>> -> memref<80xi32, #tpu.memory_space<hbm>>
    %dma_start3A_63 = tpu.memref_slice %arg16[%dma_start3A_61] : memref<8x!tpu.dma_semaphore, #tpu.memory_space<semaphore_mem>> -> memref<1x!tpu.dma_semaphore, #tpu.memory_space<semaphore_mem>>
    %dma_start3A_64 = tpu.memref_squeeze %dma_start3A_63 : memref<1x!tpu.dma_semaphore, #tpu.memory_space<semaphore_mem>> -> memref<!tpu.dma_semaphore, #tpu.memory_space<semaphore_mem>>
    %dma_start3A_65 = tpu.memref_slice %arg2[%add3A_60] : memref<320000xi32, #tpu.memory_space<hbm>> -> memref<80xi32, #tpu.memory_space<hbm>>
    tpu.enqueue_dma source(%dma_start3A_65 : memref<80xi32, #tpu.memory_space<hbm>>) target(%arg10 : memref<80xi32, #tpu.memory_space<vmem>>) target_semaphore(%dma_start3A_64 : memref<!tpu.dma_semaphore, #tpu.memory_space<semaphore_mem>>)
    %min3A_66 = arith.constant 0 : i32
    %min3A_67 = arith.constant 124 : i32
    %min3A_68 = arith.minsi %min3A_66, %min3A_67 : i32
    %mul3A_69 = arith.constant 10000 : i32
    %mul3A_70 = arith.muli %add3A, %mul3A_69 : i32
    %mul3A_71 = arith.constant 80 : i32
    %mul3A_72 = arith.muli %min3A_68, %mul3A_71 : i32
    %add3A_73 = arith.addi %mul3A_70, %mul3A_72 : i32
    %dma_wait3A = arith.constant 0 : i32
    %dma_wait3A_74 = tpu.memref_slice %arg2[%add3A_73] : memref<320000xi32, #tpu.memory_space<hbm>> -> memref<80xi32, #tpu.memory_space<hbm>>
    %dma_wait3A_75 = tpu.memref_slice %arg16[%dma_wait3A] : memref<8x!tpu.dma_semaphore, #tpu.memory_space<semaphore_mem>> -> memref<1x!tpu.dma_semaphore, #tpu.memory_space<semaphore_mem>>
    %dma_wait3A_76 = tpu.memref_squeeze %dma_wait3A_75 : memref<1x!tpu.dma_semaphore, #tpu.memory_space<semaphore_mem>> -> memref<!tpu.dma_semaphore, #tpu.memory_space<semaphore_mem>>
    %dma_wait3A_77 = tpu.memref_slice %arg2[%add3A_73] : memref<320000xi32, #tpu.memory_space<hbm>> -> memref<80xi32, #tpu.memory_space<hbm>>
    tpu.wait_dma2 semaphore(%dma_wait3A_76 : memref<!tpu.dma_semaphore, #tpu.memory_space<semaphore_mem>>) src(%dma_wait3A_77 : memref<80xi32, #tpu.memory_space<hbm>>) dst(%arg6 : memref<80xi32, #tpu.memory_space<vmem>>)
    %dma_start3A_78 = arith.constant 0 : i32
    %dma_start3A_79 = arith.constant 0 : i32
    %dma_start3A_80 = arith.constant 0 : i32
    %dma_start3A_81 = tpu.memref_slice %arg15[%dma_start3A_79, %dma_start3A_80] : memref<10240x128xf32, #tpu.memory_space<vmem_shared>> -> memref<10240x128xf32, #tpu.memory_space<vmem_shared>>
    %dma_start3A_82 = tpu.memref_slice %arg17[%dma_start3A_78] : memref<4x!tpu.dma_semaphore, #tpu.memory_space<semaphore_mem>> -> memref<1x!tpu.dma_semaphore, #tpu.memory_space<semaphore_mem>>
    %dma_start3A_83 = tpu.memref_squeeze %dma_start3A_82 : memref<1x!tpu.dma_semaphore, #tpu.memory_space<semaphore_mem>> -> memref<!tpu.dma_semaphore, #tpu.memory_space<semaphore_mem>>
    tpu.enqueue_indirect_dma source(%arg14 : memref<80x128xf32, #tpu.memory_space<vmem>>) target(%dma_start3A_81 : memref<10240x128xf32, #tpu.memory_space<vmem_shared>>) offsets(%arg6 : memref<80xi32, #tpu.memory_space<vmem>>) semaphore(%dma_start3A_83 : memref<!tpu.dma_semaphore, #tpu.memory_space<semaphore_mem>>) {add = true}
    %min3A_84 = arith.constant 5 : i32
    %min3A_85 = arith.constant 124 : i32
    %min3A_86 = arith.minsi %min3A_84, %min3A_85 : i32
    %mul3A_87 = arith.constant 10000 : i32
    %mul3A_88 = arith.muli %add3A, %mul3A_87 : i32
    %mul3A_89 = arith.constant 80 : i32
    %mul3A_90 = arith.muli %min3A_86, %mul3A_89 : i32
    %add3A_91 = arith.addi %mul3A_88, %mul3A_90 : i32
    %dma_start3A_92 = arith.constant 5 : i32
    %dma_start3A_93 = tpu.memref_slice %arg2[%add3A_91] : memref<320000xi32, #tpu.memory_space<hbm>> -> memref<80xi32, #tpu.memory_space<hbm>>
    %dma_start3A_94 = tpu.memref_slice %arg16[%dma_start3A_92] : memref<8x!tpu.dma_semaphore, #tpu.memory_space<semaphore_mem>> -> memref<1x!tpu.dma_semaphore, #tpu.memory_space<semaphore_mem>>
    %dma_start3A_95 = tpu.memref_squeeze %dma_start3A_94 : memref<1x!tpu.dma_semaphore, #tpu.memory_space<semaphore_mem>> -> memref<!tpu.dma_semaphore, #tpu.memory_space<semaphore_mem>>
    %dma_start3A_96 = tpu.memref_slice %arg2[%add3A_91] : memref<320000xi32, #tpu.memory_space<hbm>> -> memref<80xi32, #tpu.memory_space<hbm>>
    tpu.enqueue_dma source(%dma_start3A_96 : memref<80xi32, #tpu.memory_space<hbm>>) target(%arg11 : memref<80xi32, #tpu.memory_space<vmem>>) target_semaphore(%dma_start3A_95 : memref<!tpu.dma_semaphore, #tpu.memory_space<semaphore_mem>>)
    %min3A_97 = arith.constant 1 : i32
    %min3A_98 = arith.constant 124 : i32
    %min3A_99 = arith.minsi %min3A_97, %min3A_98 : i32
    %mul3A_100 = arith.constant 10000 : i32
    %mul3A_101 = arith.muli %add3A, %mul3A_100 : i32
    %mul3A_102 = arith.constant 80 : i32
    %mul3A_103 = arith.muli %min3A_99, %mul3A_102 : i32
    %add3A_104 = arith.addi %mul3A_101, %mul3A_103 : i32
    %dma_wait3A_105 = arith.constant 1 : i32
    %dma_wait3A_106 = tpu.memref_slice %arg2[%add3A_104] : memref<320000xi32, #tpu.memory_space<hbm>> -> memref<80xi32, #tpu.memory_space<hbm>>
    %dma_wait3A_107 = tpu.memref_slice %arg16[%dma_wait3A_105] : memref<8x!tpu.dma_semaphore, #tpu.memory_space<semaphore_mem>> -> memref<1x!tpu.dma_semaphore, #tpu.memory_space<semaphore_mem>>
    %dma_wait3A_108 = tpu.memref_squeeze %dma_wait3A_107 : memref<1x!tpu.dma_semaphore, #tpu.memory_space<semaphore_mem>> -> memref<!tpu.dma_semaphore, #tpu.memory_space<semaphore_mem>>
    %dma_wait3A_109 = tpu.memref_slice %arg2[%add3A_104] : memref<320000xi32, #tpu.memory_space<hbm>> -> memref<80xi32, #tpu.memory_space<hbm>>
    tpu.wait_dma2 semaphore(%dma_wait3A_108 : memref<!tpu.dma_semaphore, #tpu.memory_space<semaphore_mem>>) src(%dma_wait3A_109 : memref<80xi32, #tpu.memory_space<hbm>>) dst(%arg7 : memref<80xi32, #tpu.memory_space<vmem>>)
    %dma_start3A_110 = arith.constant 1 : i32
    %dma_start3A_111 = arith.constant 0 : i32
    %dma_start3A_112 = arith.constant 0 : i32
    %dma_start3A_113 = tpu.memref_slice %arg15[%dma_start3A_111, %dma_start3A_112] : memref<10240x128xf32, #tpu.memory_space<vmem_shared>> -> memref<10240x128xf32, #tpu.memory_space<vmem_shared>>
    %dma_start3A_114 = tpu.memref_slice %arg17[%dma_start3A_110] : memref<4x!tpu.dma_semaphore, #tpu.memory_space<semaphore_mem>> -> memref<1x!tpu.dma_semaphore, #tpu.memory_space<semaphore_mem>>
    %dma_start3A_115 = tpu.memref_squeeze %dma_start3A_114 : memref<1x!tpu.dma_semaphore, #tpu.memory_space<semaphore_mem>> -> memref<!tpu.dma_semaphore, #tpu.memory_space<semaphore_mem>>
    tpu.enqueue_indirect_dma source(%arg14 : memref<80x128xf32, #tpu.memory_space<vmem>>) target(%dma_start3A_113 : memref<10240x128xf32, #tpu.memory_space<vmem_shared>>) offsets(%arg7 : memref<80xi32, #tpu.memory_space<vmem>>) semaphore(%dma_start3A_115 : memref<!tpu.dma_semaphore, #tpu.memory_space<semaphore_mem>>) {add = true}
    %min3A_116 = arith.constant 6 : i32
    %min3A_117 = arith.constant 124 : i32
    %min3A_118 = arith.minsi %min3A_116, %min3A_117 : i32
    %mul3A_119 = arith.constant 10000 : i32
    %mul3A_120 = arith.muli %add3A, %mul3A_119 : i32
    %mul3A_121 = arith.constant 80 : i32
    %mul3A_122 = arith.muli %min3A_118, %mul3A_121 : i32
    %add3A_123 = arith.addi %mul3A_120, %mul3A_122 : i32
    %dma_start3A_124 = arith.constant 6 : i32
    %dma_start3A_125 = tpu.memref_slice %arg2[%add3A_123] : memref<320000xi32, #tpu.memory_space<hbm>> -> memref<80xi32, #tpu.memory_space<hbm>>
    %dma_start3A_126 = tpu.memref_slice %arg16[%dma_start3A_124] : memref<8x!tpu.dma_semaphore, #tpu.memory_space<semaphore_mem>> -> memref<1x!tpu.dma_semaphore, #tpu.memory_space<semaphore_mem>>
    %dma_start3A_127 = tpu.memref_squeeze %dma_start3A_126 : memref<1x!tpu.dma_semaphore, #tpu.memory_space<semaphore_mem>> -> memref<!tpu.dma_semaphore, #tpu.memory_space<semaphore_mem>>
    %dma_start3A_128 = tpu.memref_slice %arg2[%add3A_123] : memref<320000xi32, #tpu.memory_space<hbm>> -> memref<80xi32, #tpu.memory_space<hbm>>
    tpu.enqueue_dma source(%dma_start3A_128 : memref<80xi32, #tpu.memory_space<hbm>>) target(%arg12 : memref<80xi32, #tpu.memory_space<vmem>>) target_semaphore(%dma_start3A_127 : memref<!tpu.dma_semaphore, #tpu.memory_space<semaphore_mem>>)
    %min3A_129 = arith.constant 2 : i32
    %min3A_130 = arith.constant 124 : i32
    %min3A_131 = arith.minsi %min3A_129, %min3A_130 : i32
    %mul3A_132 = arith.constant 10000 : i32
    %mul3A_133 = arith.muli %add3A, %mul3A_132 : i32
    %mul3A_134 = arith.constant 80 : i32
    %mul3A_135 = arith.muli %min3A_131, %mul3A_134 : i32
    %add3A_136 = arith.addi %mul3A_133, %mul3A_135 : i32
    %dma_wait3A_137 = arith.constant 2 : i32
    %dma_wait3A_138 = tpu.memref_slice %arg2[%add3A_136] : memref<320000xi32, #tpu.memory_space<hbm>> -> memref<80xi32, #tpu.memory_space<hbm>>
    %dma_wait3A_139 = tpu.memref_slice %arg16[%dma_wait3A_137] : memref<8x!tpu.dma_semaphore, #tpu.memory_space<semaphore_mem>> -> memref<1x!tpu.dma_semaphore, #tpu.memory_space<semaphore_mem>>
    %dma_wait3A_140 = tpu.memref_squeeze %dma_wait3A_139 : memref<1x!tpu.dma_semaphore, #tpu.memory_space<semaphore_mem>> -> memref<!tpu.dma_semaphore, #tpu.memory_space<semaphore_mem>>
    %dma_wait3A_141 = tpu.memref_slice %arg2[%add3A_136] : memref<320000xi32, #tpu.memory_space<hbm>> -> memref<80xi32, #tpu.memory_space<hbm>>
    tpu.wait_dma2 semaphore(%dma_wait3A_140 : memref<!tpu.dma_semaphore, #tpu.memory_space<semaphore_mem>>) src(%dma_wait3A_141 : memref<80xi32, #tpu.memory_space<hbm>>) dst(%arg8 : memref<80xi32, #tpu.memory_space<vmem>>)
    %dma_start3A_142 = arith.constant 2 : i32
    %dma_start3A_143 = arith.constant 0 : i32
    %dma_start3A_144 = arith.constant 0 : i32
    %dma_start3A_145 = tpu.memref_slice %arg15[%dma_start3A_143, %dma_start3A_144] : memref<10240x128xf32, #tpu.memory_space<vmem_shared>> -> memref<10240x128xf32, #tpu.memory_space<vmem_shared>>
    %dma_start3A_146 = tpu.memref_slice %arg17[%dma_start3A_142] : memref<4x!tpu.dma_semaphore, #tpu.memory_space<semaphore_mem>> -> memref<1x!tpu.dma_semaphore, #tpu.memory_space<semaphore_mem>>
    %dma_start3A_147 = tpu.memref_squeeze %dma_start3A_146 : memref<1x!tpu.dma_semaphore, #tpu.memory_space<semaphore_mem>> -> memref<!tpu.dma_semaphore, #tpu.memory_space<semaphore_mem>>
    tpu.enqueue_indirect_dma source(%arg14 : memref<80x128xf32, #tpu.memory_space<vmem>>) target(%dma_start3A_145 : memref<10240x128xf32, #tpu.memory_space<vmem_shared>>) offsets(%arg8 : memref<80xi32, #tpu.memory_space<vmem>>) semaphore(%dma_start3A_147 : memref<!tpu.dma_semaphore, #tpu.memory_space<semaphore_mem>>) {add = true}
    %min3A_148 = arith.constant 7 : i32
    %min3A_149 = arith.constant 124 : i32
    %min3A_150 = arith.minsi %min3A_148, %min3A_149 : i32
    %mul3A_151 = arith.constant 10000 : i32
    %mul3A_152 = arith.muli %add3A, %mul3A_151 : i32
    %mul3A_153 = arith.constant 80 : i32
    %mul3A_154 = arith.muli %min3A_150, %mul3A_153 : i32
    %add3A_155 = arith.addi %mul3A_152, %mul3A_154 : i32
    %dma_start3A_156 = arith.constant 7 : i32
    %dma_start3A_157 = tpu.memref_slice %arg2[%add3A_155] : memref<320000xi32, #tpu.memory_space<hbm>> -> memref<80xi32, #tpu.memory_space<hbm>>
    %dma_start3A_158 = tpu.memref_slice %arg16[%dma_start3A_156] : memref<8x!tpu.dma_semaphore, #tpu.memory_space<semaphore_mem>> -> memref<1x!tpu.dma_semaphore, #tpu.memory_space<semaphore_mem>>
    %dma_start3A_159 = tpu.memref_squeeze %dma_start3A_158 : memref<1x!tpu.dma_semaphore, #tpu.memory_space<semaphore_mem>> -> memref<!tpu.dma_semaphore, #tpu.memory_space<semaphore_mem>>
    %dma_start3A_160 = tpu.memref_slice %arg2[%add3A_155] : memref<320000xi32, #tpu.memory_space<hbm>> -> memref<80xi32, #tpu.memory_space<hbm>>
    tpu.enqueue_dma source(%dma_start3A_160 : memref<80xi32, #tpu.memory_space<hbm>>) target(%arg13 : memref<80xi32, #tpu.memory_space<vmem>>) target_semaphore(%dma_start3A_159 : memref<!tpu.dma_semaphore, #tpu.memory_space<semaphore_mem>>)
    %min3A_161 = arith.constant 3 : i32
    %min3A_162 = arith.constant 124 : i32
    %min3A_163 = arith.minsi %min3A_161, %min3A_162 : i32
    %mul3A_164 = arith.constant 10000 : i32
    %mul3A_165 = arith.muli %add3A, %mul3A_164 : i32
    %mul3A_166 = arith.constant 80 : i32
    %mul3A_167 = arith.muli %min3A_163, %mul3A_166 : i32
    %add3A_168 = arith.addi %mul3A_165, %mul3A_167 : i32
    %dma_wait3A_169 = arith.constant 3 : i32
    %dma_wait3A_170 = tpu.memref_slice %arg2[%add3A_168] : memref<320000xi32, #tpu.memory_space<hbm>> -> memref<80xi32, #tpu.memory_space<hbm>>
    %dma_wait3A_171 = tpu.memref_slice %arg16[%dma_wait3A_169] : memref<8x!tpu.dma_semaphore, #tpu.memory_space<semaphore_mem>> -> memref<1x!tpu.dma_semaphore, #tpu.memory_space<semaphore_mem>>
    %dma_wait3A_172 = tpu.memref_squeeze %dma_wait3A_171 : memref<1x!tpu.dma_semaphore, #tpu.memory_space<semaphore_mem>> -> memref<!tpu.dma_semaphore, #tpu.memory_space<semaphore_mem>>
    %dma_wait3A_173 = tpu.memref_slice %arg2[%add3A_168] : memref<320000xi32, #tpu.memory_space<hbm>> -> memref<80xi32, #tpu.memory_space<hbm>>
    tpu.wait_dma2 semaphore(%dma_wait3A_172 : memref<!tpu.dma_semaphore, #tpu.memory_space<semaphore_mem>>) src(%dma_wait3A_173 : memref<80xi32, #tpu.memory_space<hbm>>) dst(%arg9 : memref<80xi32, #tpu.memory_space<vmem>>)
    %dma_start3A_174 = arith.constant 3 : i32
    %dma_start3A_175 = arith.constant 0 : i32
    %dma_start3A_176 = arith.constant 0 : i32
    %dma_start3A_177 = tpu.memref_slice %arg15[%dma_start3A_175, %dma_start3A_176] : memref<10240x128xf32, #tpu.memory_space<vmem_shared>> -> memref<10240x128xf32, #tpu.memory_space<vmem_shared>>
    %dma_start3A_178 = tpu.memref_slice %arg17[%dma_start3A_174] : memref<4x!tpu.dma_semaphore, #tpu.memory_space<semaphore_mem>> -> memref<1x!tpu.dma_semaphore, #tpu.memory_space<semaphore_mem>>
    %dma_start3A_179 = tpu.memref_squeeze %dma_start3A_178 : memref<1x!tpu.dma_semaphore, #tpu.memory_space<semaphore_mem>> -> memref<!tpu.dma_semaphore, #tpu.memory_space<semaphore_mem>>
    tpu.enqueue_indirect_dma source(%arg14 : memref<80x128xf32, #tpu.memory_space<vmem>>) target(%dma_start3A_177 : memref<10240x128xf32, #tpu.memory_space<vmem_shared>>) offsets(%arg9 : memref<80xi32, #tpu.memory_space<vmem>>) semaphore(%dma_start3A_179 : memref<!tpu.dma_semaphore, #tpu.memory_space<semaphore_mem>>) {add = true}
    %dma_wait3A_180 = arith.constant 0 : i32
    %dma_wait3A_181 = arith.constant 0 : i32
    %dma_wait3A_182 = arith.constant 0 : i32
    %dma_wait3A_183 = tpu.memref_slice %arg15[%dma_wait3A_181, %dma_wait3A_182] : memref<10240x128xf32, #tpu.memory_space<vmem_shared>> -> memref<10240x128xf32, #tpu.memory_space<vmem_shared>>
    %dma_wait3A_184 = tpu.memref_slice %arg17[%dma_wait3A_180] : memref<4x!tpu.dma_semaphore, #tpu.memory_space<semaphore_mem>> -> memref<1x!tpu.dma_semaphore, #tpu.memory_space<semaphore_mem>>
    %dma_wait3A_185 = tpu.memref_squeeze %dma_wait3A_184 : memref<1x!tpu.dma_semaphore, #tpu.memory_space<semaphore_mem>> -> memref<!tpu.dma_semaphore, #tpu.memory_space<semaphore_mem>>
    tpu.wait_indirect_dma semaphore(%dma_wait3A_185 : memref<!tpu.dma_semaphore, #tpu.memory_space<semaphore_mem>>) src(%arg14 : memref<80x128xf32, #tpu.memory_space<vmem>>) dst(%dma_wait3A_183 : memref<10240x128xf32, #tpu.memory_space<vmem_shared>>)
    %min3A_186 = arith.constant 8 : i32
    %min3A_187 = arith.constant 124 : i32
    %min3A_188 = arith.minsi %min3A_186, %min3A_187 : i32
    %mul3A_189 = arith.constant 10000 : i32
    %mul3A_190 = arith.muli %add3A, %mul3A_189 : i32
    %mul3A_191 = arith.constant 80 : i32
    %mul3A_192 = arith.muli %min3A_188, %mul3A_191 : i32
    %add3A_193 = arith.addi %mul3A_190, %mul3A_192 : i32
    %dma_start3A_194 = arith.constant 0 : i32
    %dma_start3A_195 = tpu.memref_slice %arg2[%add3A_193] : memref<320000xi32, #tpu.memory_space<hbm>> -> memref<80xi32, #tpu.memory_space<hbm>>
    %dma_start3A_196 = tpu.memref_slice %arg16[%dma_start3A_194] : memref<8x!tpu.dma_semaphore, #tpu.memory_space<semaphore_mem>> -> memref<1x!tpu.dma_semaphore, #tpu.memory_space<semaphore_mem>>
    %dma_start3A_197 = tpu.memref_squeeze %dma_start3A_196 : memref<1x!tpu.dma_semaphore, #tpu.memory_space<semaphore_mem>> -> memref<!tpu.dma_semaphore, #tpu.memory_space<semaphore_mem>>
    %dma_start3A_198 = tpu.memref_slice %arg2[%add3A_193] : memref<320000xi32, #tpu.memory_space<hbm>> -> memref<80xi32, #tpu.memory_space<hbm>>
    tpu.enqueue_dma source(%dma_start3A_198 : memref<80xi32, #tpu.memory_space<hbm>>) target(%arg6 : memref<80xi32, #tpu.memory_space<vmem>>) target_semaphore(%dma_start3A_197 : memref<!tpu.dma_semaphore, #tpu.memory_space<semaphore_mem>>)
    %min3A_199 = arith.constant 4 : i32
    %min3A_200 = arith.constant 124 : i32
    %min3A_201 = arith.minsi %min3A_199, %min3A_200 : i32
    %mul3A_202 = arith.constant 10000 : i32
    %mul3A_203 = arith.muli %add3A, %mul3A_202 : i32
    %mul3A_204 = arith.constant 80 : i32
    %mul3A_205 = arith.muli %min3A_201, %mul3A_204 : i32
    %add3A_206 = arith.addi %mul3A_203, %mul3A_205 : i32
    %dma_wait3A_207 = arith.constant 4 : i32
    %dma_wait3A_208 = tpu.memref_slice %arg2[%add3A_206] : memref<320000xi32, #tpu.memory_space<hbm>> -> memref<80xi32, #tpu.memory_space<hbm>>
    %dma_wait3A_209 = tpu.memref_slice %arg16[%dma_wait3A_207] : memref<8x!tpu.dma_semaphore, #tpu.memory_space<semaphore_mem>> -> memref<1x!tpu.dma_semaphore, #tpu.memory_space<semaphore_mem>>
    %dma_wait3A_210 = tpu.memref_squeeze %dma_wait3A_209 : memref<1x!tpu.dma_semaphore, #tpu.memory_space<semaphore_mem>> -> memref<!tpu.dma_semaphore, #tpu.memory_space<semaphore_mem>>
    %dma_wait3A_211 = tpu.memref_slice %arg2[%add3A_206] : memref<320000xi32, #tpu.memory_space<hbm>> -> memref<80xi32, #tpu.memory_space<hbm>>
    tpu.wait_dma2 semaphore(%dma_wait3A_210 : memref<!tpu.dma_semaphore, #tpu.memory_space<semaphore_mem>>) src(%dma_wait3A_211 : memref<80xi32, #tpu.memory_space<hbm>>) dst(%arg10 : memref<80xi32, #tpu.memory_space<vmem>>)
    %dma_start3A_212 = arith.constant 0 : i32
    %dma_start3A_213 = arith.constant 0 : i32
    %dma_start3A_214 = arith.constant 0 : i32
    %dma_start3A_215 = tpu.memref_slice %arg15[%dma_start3A_213, %dma_start3A_214] : memref<10240x128xf32, #tpu.memory_space<vmem_shared>> -> memref<10240x128xf32, #tpu.memory_space<vmem_shared>>
    %dma_start3A_216 = tpu.memref_slice %arg17[%dma_start3A_212] : memref<4x!tpu.dma_semaphore, #tpu.memory_space<semaphore_mem>> -> memref<1x!tpu.dma_semaphore, #tpu.memory_space<semaphore_mem>>
    %dma_start3A_217 = tpu.memref_squeeze %dma_start3A_216 : memref<1x!tpu.dma_semaphore, #tpu.memory_space<semaphore_mem>> -> memref<!tpu.dma_semaphore, #tpu.memory_space<semaphore_mem>>
    tpu.enqueue_indirect_dma source(%arg14 : memref<80x128xf32, #tpu.memory_space<vmem>>) target(%dma_start3A_215 : memref<10240x128xf32, #tpu.memory_space<vmem_shared>>) offsets(%arg10 : memref<80xi32, #tpu.memory_space<vmem>>) semaphore(%dma_start3A_217 : memref<!tpu.dma_semaphore, #tpu.memory_space<semaphore_mem>>) {add = true}
    %dma_wait3A_218 = arith.constant 1 : i32
    %dma_wait3A_219 = arith.constant 0 : i32
    %dma_wait3A_220 = arith.constant 0 : i32
    %dma_wait3A_221 = tpu.memref_slice %arg15[%dma_wait3A_219, %dma_wait3A_220] : memref<10240x128xf32, #tpu.memory_space<vmem_shared>> -> memref<10240x128xf32, #tpu.memory_space<vmem_shared>>
    %dma_wait3A_222 = tpu.memref_slice %arg17[%dma_wait3A_218] : memref<4x!tpu.dma_semaphore, #tpu.memory_space<semaphore_mem>> -> memref<1x!tpu.dma_semaphore, #tpu.memory_space<semaphore_mem>>
    %dma_wait3A_223 = tpu.memref_squeeze %dma_wait3A_222 : memref<1x!tpu.dma_semaphore, #tpu.memory_space<semaphore_mem>> -> memref<!tpu.dma_semaphore, #tpu.memory_space<semaphore_mem>>
    tpu.wait_indirect_dma semaphore(%dma_wait3A_223 : memref<!tpu.dma_semaphore, #tpu.memory_space<semaphore_mem>>) src(%arg14 : memref<80x128xf32, #tpu.memory_space<vmem>>) dst(%dma_wait3A_221 : memref<10240x128xf32, #tpu.memory_space<vmem_shared>>)
    %min3A_224 = arith.constant 9 : i32
    %min3A_225 = arith.constant 124 : i32
    %min3A_226 = arith.minsi %min3A_224, %min3A_225 : i32
    %mul3A_227 = arith.constant 10000 : i32
    %mul3A_228 = arith.muli %add3A, %mul3A_227 : i32
    %mul3A_229 = arith.constant 80 : i32
    %mul3A_230 = arith.muli %min3A_226, %mul3A_229 : i32
    %add3A_231 = arith.addi %mul3A_228, %mul3A_230 : i32
    %dma_start3A_232 = arith.constant 1 : i32
    %dma_start3A_233 = tpu.memref_slice %arg2[%add3A_231] : memref<320000xi32, #tpu.memory_space<hbm>> -> memref<80xi32, #tpu.memory_space<hbm>>
    %dma_start3A_234 = tpu.memref_slice %arg16[%dma_start3A_232] : memref<8x!tpu.dma_semaphore, #tpu.memory_space<semaphore_mem>> -> memref<1x!tpu.dma_semaphore, #tpu.memory_space<semaphore_mem>>
    %dma_start3A_235 = tpu.memref_squeeze %dma_start3A_234 : memref<1x!tpu.dma_semaphore, #tpu.memory_space<semaphore_mem>> -> memref<!tpu.dma_semaphore, #tpu.memory_space<semaphore_mem>>
    %dma_start3A_236 = tpu.memref_slice %arg2[%add3A_231] : memref<320000xi32, #tpu.memory_space<hbm>> -> memref<80xi32, #tpu.memory_space<hbm>>
    tpu.enqueue_dma source(%dma_start3A_236 : memref<80xi32, #tpu.memory_space<hbm>>) target(%arg7 : memref<80xi32, #tpu.memory_space<vmem>>) target_semaphore(%dma_start3A_235 : memref<!tpu.dma_semaphore, #tpu.memory_space<semaphore_mem>>)
    %min3A_237 = arith.constant 5 : i32
    %min3A_238 = arith.constant 124 : i32
    %min3A_239 = arith.minsi %min3A_237, %min3A_238 : i32
    %mul3A_240 = arith.constant 10000 : i32
    %mul3A_241 = arith.muli %add3A, %mul3A_240 : i32
    %mul3A_242 = arith.constant 80 : i32
    %mul3A_243 = arith.muli %min3A_239, %mul3A_242 : i32
    %add3A_244 = arith.addi %mul3A_241, %mul3A_243 : i32
    %dma_wait3A_245 = arith.constant 5 : i32
    %dma_wait3A_246 = tpu.memref_slice %arg2[%add3A_244] : memref<320000xi32, #tpu.memory_space<hbm>> -> memref<80xi32, #tpu.memory_space<hbm>>
    %dma_wait3A_247 = tpu.memref_slice %arg16[%dma_wait3A_245] : memref<8x!tpu.dma_semaphore, #tpu.memory_space<semaphore_mem>> -> memref<1x!tpu.dma_semaphore, #tpu.memory_space<semaphore_mem>>
    %dma_wait3A_248 = tpu.memref_squeeze %dma_wait3A_247 : memref<1x!tpu.dma_semaphore, #tpu.memory_space<semaphore_mem>> -> memref<!tpu.dma_semaphore, #tpu.memory_space<semaphore_mem>>
    %dma_wait3A_249 = tpu.memref_slice %arg2[%add3A_244] : memref<320000xi32, #tpu.memory_space<hbm>> -> memref<80xi32, #tpu.memory_space<hbm>>
    tpu.wait_dma2 semaphore(%dma_wait3A_248 : memref<!tpu.dma_semaphore, #tpu.memory_space<semaphore_mem>>) src(%dma_wait3A_249 : memref<80xi32, #tpu.memory_space<hbm>>) dst(%arg11 : memref<80xi32, #tpu.memory_space<vmem>>)
    %dma_start3A_250 = arith.constant 1 : i32
    %dma_start3A_251 = arith.constant 0 : i32
    %dma_start3A_252 = arith.constant 0 : i32
    %dma_start3A_253 = tpu.memref_slice %arg15[%dma_start3A_251, %dma_start3A_252] : memref<10240x128xf32, #tpu.memory_space<vmem_shared>> -> memref<10240x128xf32, #tpu.memory_space<vmem_shared>>
    %dma_start3A_254 = tpu.memref_slice %arg17[%dma_start3A_250] : memref<4x!tpu.dma_semaphore, #tpu.memory_space<semaphore_mem>> -> memref<1x!tpu.dma_semaphore, #tpu.memory_space<semaphore_mem>>
    %dma_start3A_255 = tpu.memref_squeeze %dma_start3A_254 : memref<1x!tpu.dma_semaphore, #tpu.memory_space<semaphore_mem>> -> memref<!tpu.dma_semaphore, #tpu.memory_space<semaphore_mem>>
    tpu.enqueue_indirect_dma source(%arg14 : memref<80x128xf32, #tpu.memory_space<vmem>>) target(%dma_start3A_253 : memref<10240x128xf32, #tpu.memory_space<vmem_shared>>) offsets(%arg11 : memref<80xi32, #tpu.memory_space<vmem>>) semaphore(%dma_start3A_255 : memref<!tpu.dma_semaphore, #tpu.memory_space<semaphore_mem>>) {add = true}
    %dma_wait3A_256 = arith.constant 2 : i32
    %dma_wait3A_257 = arith.constant 0 : i32
    %dma_wait3A_258 = arith.constant 0 : i32
    %dma_wait3A_259 = tpu.memref_slice %arg15[%dma_wait3A_257, %dma_wait3A_258] : memref<10240x128xf32, #tpu.memory_space<vmem_shared>> -> memref<10240x128xf32, #tpu.memory_space<vmem_shared>>
    %dma_wait3A_260 = tpu.memref_slice %arg17[%dma_wait3A_256] : memref<4x!tpu.dma_semaphore, #tpu.memory_space<semaphore_mem>> -> memref<1x!tpu.dma_semaphore, #tpu.memory_space<semaphore_mem>>
    %dma_wait3A_261 = tpu.memref_squeeze %dma_wait3A_260 : memref<1x!tpu.dma_semaphore, #tpu.memory_space<semaphore_mem>> -> memref<!tpu.dma_semaphore, #tpu.memory_space<semaphore_mem>>
    tpu.wait_indirect_dma semaphore(%dma_wait3A_261 : memref<!tpu.dma_semaphore, #tpu.memory_space<semaphore_mem>>) src(%arg14 : memref<80x128xf32, #tpu.memory_space<vmem>>) dst(%dma_wait3A_259 : memref<10240x128xf32, #tpu.memory_space<vmem_shared>>)
    %min3A_262 = arith.constant 10 : i32
    %min3A_263 = arith.constant 124 : i32
    %min3A_264 = arith.minsi %min3A_262, %min3A_263 : i32
    %mul3A_265 = arith.constant 10000 : i32
    %mul3A_266 = arith.muli %add3A, %mul3A_265 : i32
    %mul3A_267 = arith.constant 80 : i32
    %mul3A_268 = arith.muli %min3A_264, %mul3A_267 : i32
    %add3A_269 = arith.addi %mul3A_266, %mul3A_268 : i32
    %dma_start3A_270 = arith.constant 2 : i32
    %dma_start3A_271 = tpu.memref_slice %arg2[%add3A_269] : memref<320000xi32, #tpu.memory_space<hbm>> -> memref<80xi32, #tpu.memory_space<hbm>>
    %dma_start3A_272 = tpu.memref_slice %arg16[%dma_start3A_270] : memref<8x!tpu.dma_semaphore, #tpu.memory_space<semaphore_mem>> -> memref<1x!tpu.dma_semaphore, #tpu.memory_space<semaphore_mem>>
    %dma_start3A_273 = tpu.memref_squeeze %dma_start3A_272 : memref<1x!tpu.dma_semaphore, #tpu.memory_space<semaphore_mem>> -> memref<!tpu.dma_semaphore, #tpu.memory_space<semaphore_mem>>
    %dma_start3A_274 = tpu.memref_slice %arg2[%add3A_269] : memref<320000xi32, #tpu.memory_space<hbm>> -> memref<80xi32, #tpu.memory_space<hbm>>
    tpu.enqueue_dma source(%dma_start3A_274 : memref<80xi32, #tpu.memory_space<hbm>>) target(%arg8 : memref<80xi32, #tpu.memory_space<vmem>>) target_semaphore(%dma_start3A_273 : memref<!tpu.dma_semaphore, #tpu.memory_space<semaphore_mem>>)
    %min3A_275 = arith.constant 6 : i32
    %min3A_276 = arith.constant 124 : i32
    %min3A_277 = arith.minsi %min3A_275, %min3A_276 : i32
    %mul3A_278 = arith.constant 10000 : i32
    %mul3A_279 = arith.muli %add3A, %mul3A_278 : i32
    %mul3A_280 = arith.constant 80 : i32
    %mul3A_281 = arith.muli %min3A_277, %mul3A_280 : i32
    %add3A_282 = arith.addi %mul3A_279, %mul3A_281 : i32
    %dma_wait3A_283 = arith.constant 6 : i32
    %dma_wait3A_284 = tpu.memref_slice %arg2[%add3A_282] : memref<320000xi32, #tpu.memory_space<hbm>> -> memref<80xi32, #tpu.memory_space<hbm>>
    %dma_wait3A_285 = tpu.memref_slice %arg16[%dma_wait3A_283] : memref<8x!tpu.dma_semaphore, #tpu.memory_space<semaphore_mem>> -> memref<1x!tpu.dma_semaphore, #tpu.memory_space<semaphore_mem>>
    %dma_wait3A_286 = tpu.memref_squeeze %dma_wait3A_285 : memref<1x!tpu.dma_semaphore, #tpu.memory_space<semaphore_mem>> -> memref<!tpu.dma_semaphore, #tpu.memory_space<semaphore_mem>>
    %dma_wait3A_287 = tpu.memref_slice %arg2[%add3A_282] : memref<320000xi32, #tpu.memory_space<hbm>> -> memref<80xi32, #tpu.memory_space<hbm>>
    tpu.wait_dma2 semaphore(%dma_wait3A_286 : memref<!tpu.dma_semaphore, #tpu.memory_space<semaphore_mem>>) src(%dma_wait3A_287 : memref<80xi32, #tpu.memory_space<hbm>>) dst(%arg12 : memref<80xi32, #tpu.memory_space<vmem>>)
    %dma_start3A_288 = arith.constant 2 : i32
    %dma_start3A_289 = arith.constant 0 : i32
    %dma_start3A_290 = arith.constant 0 : i32
    %dma_start3A_291 = tpu.memref_slice %arg15[%dma_start3A_289, %dma_start3A_290] : memref<10240x128xf32, #tpu.memory_space<vmem_shared>> -> memref<10240x128xf32, #tpu.memory_space<vmem_shared>>
    %dma_start3A_292 = tpu.memref_slice %arg17[%dma_start3A_288] : memref<4x!tpu.dma_semaphore, #tpu.memory_space<semaphore_mem>> -> memref<1x!tpu.dma_semaphore, #tpu.memory_space<semaphore_mem>>
    %dma_start3A_293 = tpu.memref_squeeze %dma_start3A_292 : memref<1x!tpu.dma_semaphore, #tpu.memory_space<semaphore_mem>> -> memref<!tpu.dma_semaphore, #tpu.memory_space<semaphore_mem>>
    tpu.enqueue_indirect_dma source(%arg14 : memref<80x128xf32, #tpu.memory_space<vmem>>) target(%dma_start3A_291 : memref<10240x128xf32, #tpu.memory_space<vmem_shared>>) offsets(%arg12 : memref<80xi32, #tpu.memory_space<vmem>>) semaphore(%dma_start3A_293 : memref<!tpu.dma_semaphore, #tpu.memory_space<semaphore_mem>>) {add = true}
    %dma_wait3A_294 = arith.constant 3 : i32
    %dma_wait3A_295 = arith.constant 0 : i32
    %dma_wait3A_296 = arith.constant 0 : i32
    %dma_wait3A_297 = tpu.memref_slice %arg15[%dma_wait3A_295, %dma_wait3A_296] : memref<10240x128xf32, #tpu.memory_space<vmem_shared>> -> memref<10240x128xf32, #tpu.memory_space<vmem_shared>>
    %dma_wait3A_298 = tpu.memref_slice %arg17[%dma_wait3A_294] : memref<4x!tpu.dma_semaphore, #tpu.memory_space<semaphore_mem>> -> memref<1x!tpu.dma_semaphore, #tpu.memory_space<semaphore_mem>>
    %dma_wait3A_299 = tpu.memref_squeeze %dma_wait3A_298 : memref<1x!tpu.dma_semaphore, #tpu.memory_space<semaphore_mem>> -> memref<!tpu.dma_semaphore, #tpu.memory_space<semaphore_mem>>
    tpu.wait_indirect_dma semaphore(%dma_wait3A_299 : memref<!tpu.dma_semaphore, #tpu.memory_space<semaphore_mem>>) src(%arg14 : memref<80x128xf32, #tpu.memory_space<vmem>>) dst(%dma_wait3A_297 : memref<10240x128xf32, #tpu.memory_space<vmem_shared>>)
    %min3A_300 = arith.constant 11 : i32
    %min3A_301 = arith.constant 124 : i32
    %min3A_302 = arith.minsi %min3A_300, %min3A_301 : i32
    %mul3A_303 = arith.constant 10000 : i32
    %mul3A_304 = arith.muli %add3A, %mul3A_303 : i32
    %mul3A_305 = arith.constant 80 : i32
    %mul3A_306 = arith.muli %min3A_302, %mul3A_305 : i32
    %add3A_307 = arith.addi %mul3A_304, %mul3A_306 : i32
    %dma_start3A_308 = arith.constant 3 : i32
    %dma_start3A_309 = tpu.memref_slice %arg2[%add3A_307] : memref<320000xi32, #tpu.memory_space<hbm>> -> memref<80xi32, #tpu.memory_space<hbm>>
    %dma_start3A_310 = tpu.memref_slice %arg16[%dma_start3A_308] : memref<8x!tpu.dma_semaphore, #tpu.memory_space<semaphore_mem>> -> memref<1x!tpu.dma_semaphore, #tpu.memory_space<semaphore_mem>>
    %dma_start3A_311 = tpu.memref_squeeze %dma_start3A_310 : memref<1x!tpu.dma_semaphore, #tpu.memory_space<semaphore_mem>> -> memref<!tpu.dma_semaphore, #tpu.memory_space<semaphore_mem>>
    %dma_start3A_312 = tpu.memref_slice %arg2[%add3A_307] : memref<320000xi32, #tpu.memory_space<hbm>> -> memref<80xi32, #tpu.memory_space<hbm>>
    tpu.enqueue_dma source(%dma_start3A_312 : memref<80xi32, #tpu.memory_space<hbm>>) target(%arg9 : memref<80xi32, #tpu.memory_space<vmem>>) target_semaphore(%dma_start3A_311 : memref<!tpu.dma_semaphore, #tpu.memory_space<semaphore_mem>>)
    %min3A_313 = arith.constant 7 : i32
    %min3A_314 = arith.constant 124 : i32
    %min3A_315 = arith.minsi %min3A_313, %min3A_314 : i32
    %mul3A_316 = arith.constant 10000 : i32
    %mul3A_317 = arith.muli %add3A, %mul3A_316 : i32
    %mul3A_318 = arith.constant 80 : i32
    %mul3A_319 = arith.muli %min3A_315, %mul3A_318 : i32
    %add3A_320 = arith.addi %mul3A_317, %mul3A_319 : i32
    %dma_wait3A_321 = arith.constant 7 : i32
    %dma_wait3A_322 = tpu.memref_slice %arg2[%add3A_320] : memref<320000xi32, #tpu.memory_space<hbm>> -> memref<80xi32, #tpu.memory_space<hbm>>
    %dma_wait3A_323 = tpu.memref_slice %arg16[%dma_wait3A_321] : memref<8x!tpu.dma_semaphore, #tpu.memory_space<semaphore_mem>> -> memref<1x!tpu.dma_semaphore, #tpu.memory_space<semaphore_mem>>
    %dma_wait3A_324 = tpu.memref_squeeze %dma_wait3A_323 : memref<1x!tpu.dma_semaphore, #tpu.memory_space<semaphore_mem>> -> memref<!tpu.dma_semaphore, #tpu.memory_space<semaphore_mem>>
    %dma_wait3A_325 = tpu.memref_slice %arg2[%add3A_320] : memref<320000xi32, #tpu.memory_space<hbm>> -> memref<80xi32, #tpu.memory_space<hbm>>
    tpu.wait_dma2 semaphore(%dma_wait3A_324 : memref<!tpu.dma_semaphore, #tpu.memory_space<semaphore_mem>>) src(%dma_wait3A_325 : memref<80xi32, #tpu.memory_space<hbm>>) dst(%arg13 : memref<80xi32, #tpu.memory_space<vmem>>)
    %dma_start3A_326 = arith.constant 3 : i32
    %dma_start3A_327 = arith.constant 0 : i32
    %dma_start3A_328 = arith.constant 0 : i32
    %dma_start3A_329 = tpu.memref_slice %arg15[%dma_start3A_327, %dma_start3A_328] : memref<10240x128xf32, #tpu.memory_space<vmem_shared>> -> memref<10240x128xf32, #tpu.memory_space<vmem_shared>>
    %dma_start3A_330 = tpu.memref_slice %arg17[%dma_start3A_326] : memref<4x!tpu.dma_semaphore, #tpu.memory_space<semaphore_mem>> -> memref<1x!tpu.dma_semaphore, #tpu.memory_space<semaphore_mem>>
    %dma_start3A_331 = tpu.memref_squeeze %dma_start3A_330 : memref<1x!tpu.dma_semaphore, #tpu.memory_space<semaphore_mem>> -> memref<!tpu.dma_semaphore, #tpu.memory_space<semaphore_mem>>
    tpu.enqueue_indirect_dma source(%arg14 : memref<80x128xf32, #tpu.memory_space<vmem>>) target(%dma_start3A_329 : memref<10240x128xf32, #tpu.memory_space<vmem_shared>>) offsets(%arg13 : memref<80xi32, #tpu.memory_space<vmem>>) semaphore(%dma_start3A_331 : memref<!tpu.dma_semaphore, #tpu.memory_space<semaphore_mem>>) {add = true}
    %scan3A = arith.constant 0 : i32
    %scan3A_332 = arith.constant 1 : i32
    %scan3A_333 = arith.constant 14 : i32
    %scan3A_334 = arith.addi %scan3A_332, %scan3A_333 : i32
    %scan3A_335 = arith.constant 1 : i32
    scf.for %scan3A_608 = %scan3A_332 to %scan3A_334 step %scan3A_335  : i32 {
      %mul3A_609 = arith.constant 8 : i32
      %mul3A_610 = arith.muli %mul3A_609, %scan3A_608 : i32
      %add3A_611 = arith.constant 0 : i32
      %add3A_612 = arith.addi %mul3A_610, %add3A_611 : i32
      %dma_wait3A_613 = arith.constant 0 : i32
      %dma_wait3A_614 = arith.constant 0 : i32
      %dma_wait3A_615 = arith.constant 0 : i32
      %dma_wait3A_616 = tpu.memref_slice %arg15[%dma_wait3A_614, %dma_wait3A_615] : memref<10240x128xf32, #tpu.memory_space<vmem_shared>> -> memref<10240x128xf32, #tpu.memory_space<vmem_shared>>
      %dma_wait3A_617 = tpu.memref_slice %arg17[%dma_wait3A_613] : memref<4x!tpu.dma_semaphore, #tpu.memory_space<semaphore_mem>> -> memref<1x!tpu.dma_semaphore, #tpu.memory_space<semaphore_mem>>
      %dma_wait3A_618 = tpu.memref_squeeze %dma_wait3A_617 : memref<1x!tpu.dma_semaphore, #tpu.memory_space<semaphore_mem>> -> memref<!tpu.dma_semaphore, #tpu.memory_space<semaphore_mem>>
      tpu.wait_indirect_dma semaphore(%dma_wait3A_618 : memref<!tpu.dma_semaphore, #tpu.memory_space<semaphore_mem>>) src(%arg14 : memref<80x128xf32, #tpu.memory_space<vmem>>) dst(%dma_wait3A_616 : memref<10240x128xf32, #tpu.memory_space<vmem_shared>>)
      %add3A_619 = arith.constant 4 : i32
      %add3A_620 = arith.addi %add3A_612, %add3A_619 : i32
      %min3A_621 = arith.constant 124 : i32
      %min3A_622 = arith.minsi %add3A_620, %min3A_621 : i32
      %mul3A_623 = arith.constant 10000 : i32
      %mul3A_624 = arith.muli %add3A, %mul3A_623 : i32
      %mul3A_625 = arith.constant 80 : i32
      %mul3A_626 = arith.muli %min3A_622, %mul3A_625 : i32
      %add3A_627 = arith.addi %mul3A_624, %mul3A_626 : i32
      %dma_start3A_628 = arith.constant 4 : i32
      %dma_start3A_629 = tpu.memref_slice %arg2[%add3A_627] : memref<320000xi32, #tpu.memory_space<hbm>> -> memref<80xi32, #tpu.memory_space<hbm>>
      %dma_start3A_630 = tpu.memref_slice %arg16[%dma_start3A_628] : memref<8x!tpu.dma_semaphore, #tpu.memory_space<semaphore_mem>> -> memref<1x!tpu.dma_semaphore, #tpu.memory_space<semaphore_mem>>
      %dma_start3A_631 = tpu.memref_squeeze %dma_start3A_630 : memref<1x!tpu.dma_semaphore, #tpu.memory_space<semaphore_mem>> -> memref<!tpu.dma_semaphore, #tpu.memory_space<semaphore_mem>>
      %dma_start3A_632 = tpu.memref_slice %arg2[%add3A_627] : memref<320000xi32, #tpu.memory_space<hbm>> -> memref<80xi32, #tpu.memory_space<hbm>>
      tpu.enqueue_dma source(%dma_start3A_632 : memref<80xi32, #tpu.memory_space<hbm>>) target(%arg10 : memref<80xi32, #tpu.memory_space<vmem>>) target_semaphore(%dma_start3A_631 : memref<!tpu.dma_semaphore, #tpu.memory_space<semaphore_mem>>)
      %min3A_633 = arith.constant 124 : i32
      %min3A_634 = arith.minsi %add3A_612, %min3A_633 : i32
      %mul3A_635 = arith.constant 10000 : i32
      %mul3A_636 = arith.muli %add3A, %mul3A_635 : i32
      %mul3A_637 = arith.constant 80 : i32
      %mul3A_638 = arith.muli %min3A_634, %mul3A_637 : i32
      %add3A_639 = arith.addi %mul3A_636, %mul3A_638 : i32
      %dma_wait3A_640 = arith.constant 0 : i32
      %dma_wait3A_641 = tpu.memref_slice %arg2[%add3A_639] : memref<320000xi32, #tpu.memory_space<hbm>> -> memref<80xi32, #tpu.memory_space<hbm>>
      %dma_wait3A_642 = tpu.memref_slice %arg16[%dma_wait3A_640] : memref<8x!tpu.dma_semaphore, #tpu.memory_space<semaphore_mem>> -> memref<1x!tpu.dma_semaphore, #tpu.memory_space<semaphore_mem>>
      %dma_wait3A_643 = tpu.memref_squeeze %dma_wait3A_642 : memref<1x!tpu.dma_semaphore, #tpu.memory_space<semaphore_mem>> -> memref<!tpu.dma_semaphore, #tpu.memory_space<semaphore_mem>>
      %dma_wait3A_644 = tpu.memref_slice %arg2[%add3A_639] : memref<320000xi32, #tpu.memory_space<hbm>> -> memref<80xi32, #tpu.memory_space<hbm>>
      tpu.wait_dma2 semaphore(%dma_wait3A_643 : memref<!tpu.dma_semaphore, #tpu.memory_space<semaphore_mem>>) src(%dma_wait3A_644 : memref<80xi32, #tpu.memory_space<hbm>>) dst(%arg6 : memref<80xi32, #tpu.memory_space<vmem>>)
      %dma_start3A_645 = arith.constant 0 : i32
      %dma_start3A_646 = arith.constant 0 : i32
      %dma_start3A_647 = arith.constant 0 : i32
      %dma_start3A_648 = tpu.memref_slice %arg15[%dma_start3A_646, %dma_start3A_647] : memref<10240x128xf32, #tpu.memory_space<vmem_shared>> -> memref<10240x128xf32, #tpu.memory_space<vmem_shared>>
      %dma_start3A_649 = tpu.memref_slice %arg17[%dma_start3A_645] : memref<4x!tpu.dma_semaphore, #tpu.memory_space<semaphore_mem>> -> memref<1x!tpu.dma_semaphore, #tpu.memory_space<semaphore_mem>>
      %dma_start3A_650 = tpu.memref_squeeze %dma_start3A_649 : memref<1x!tpu.dma_semaphore, #tpu.memory_space<semaphore_mem>> -> memref<!tpu.dma_semaphore, #tpu.memory_space<semaphore_mem>>
      tpu.enqueue_indirect_dma source(%arg14 : memref<80x128xf32, #tpu.memory_space<vmem>>) target(%dma_start3A_648 : memref<10240x128xf32, #tpu.memory_space<vmem_shared>>) offsets(%arg6 : memref<80xi32, #tpu.memory_space<vmem>>) semaphore(%dma_start3A_650 : memref<!tpu.dma_semaphore, #tpu.memory_space<semaphore_mem>>) {add = true}
      %mul3A_651 = arith.constant 8 : i32
      %mul3A_652 = arith.muli %mul3A_651, %scan3A_608 : i32
      %add3A_653 = arith.constant 1 : i32
      %add3A_654 = arith.addi %mul3A_652, %add3A_653 : i32
      %dma_wait3A_655 = arith.constant 1 : i32
      %dma_wait3A_656 = arith.constant 0 : i32
      %dma_wait3A_657 = arith.constant 0 : i32
      %dma_wait3A_658 = tpu.memref_slice %arg15[%dma_wait3A_656, %dma_wait3A_657] : memref<10240x128xf32, #tpu.memory_space<vmem_shared>> -> memref<10240x128xf32, #tpu.memory_space<vmem_shared>>
      %dma_wait3A_659 = tpu.memref_slice %arg17[%dma_wait3A_655] : memref<4x!tpu.dma_semaphore, #tpu.memory_space<semaphore_mem>> -> memref<1x!tpu.dma_semaphore, #tpu.memory_space<semaphore_mem>>
      %dma_wait3A_660 = tpu.memref_squeeze %dma_wait3A_659 : memref<1x!tpu.dma_semaphore, #tpu.memory_space<semaphore_mem>> -> memref<!tpu.dma_semaphore, #tpu.memory_space<semaphore_mem>>
      tpu.wait_indirect_dma semaphore(%dma_wait3A_660 : memref<!tpu.dma_semaphore, #tpu.memory_space<semaphore_mem>>) src(%arg14 : memref<80x128xf32, #tpu.memory_space<vmem>>) dst(%dma_wait3A_658 : memref<10240x128xf32, #tpu.memory_space<vmem_shared>>)
      %add3A_661 = arith.constant 4 : i32
      %add3A_662 = arith.addi %add3A_654, %add3A_661 : i32
      %min3A_663 = arith.constant 124 : i32
      %min3A_664 = arith.minsi %add3A_662, %min3A_663 : i32
      %mul3A_665 = arith.constant 10000 : i32
      %mul3A_666 = arith.muli %add3A, %mul3A_665 : i32
      %mul3A_667 = arith.constant 80 : i32
      %mul3A_668 = arith.muli %min3A_664, %mul3A_667 : i32
      %add3A_669 = arith.addi %mul3A_666, %mul3A_668 : i32
      %dma_start3A_670 = arith.constant 5 : i32
      %dma_start3A_671 = tpu.memref_slice %arg2[%add3A_669] : memref<320000xi32, #tpu.memory_space<hbm>> -> memref<80xi32, #tpu.memory_space<hbm>>
      %dma_start3A_672 = tpu.memref_slice %arg16[%dma_start3A_670] : memref<8x!tpu.dma_semaphore, #tpu.memory_space<semaphore_mem>> -> memref<1x!tpu.dma_semaphore, #tpu.memory_space<semaphore_mem>>
      %dma_start3A_673 = tpu.memref_squeeze %dma_start3A_672 : memref<1x!tpu.dma_semaphore, #tpu.memory_space<semaphore_mem>> -> memref<!tpu.dma_semaphore, #tpu.memory_space<semaphore_mem>>
      %dma_start3A_674 = tpu.memref_slice %arg2[%add3A_669] : memref<320000xi32, #tpu.memory_space<hbm>> -> memref<80xi32, #tpu.memory_space<hbm>>
      tpu.enqueue_dma source(%dma_start3A_674 : memref<80xi32, #tpu.memory_space<hbm>>) target(%arg11 : memref<80xi32, #tpu.memory_space<vmem>>) target_semaphore(%dma_start3A_673 : memref<!tpu.dma_semaphore, #tpu.memory_space<semaphore_mem>>)
      %min3A_675 = arith.constant 124 : i32
      %min3A_676 = arith.minsi %add3A_654, %min3A_675 : i32
      %mul3A_677 = arith.constant 10000 : i32
      %mul3A_678 = arith.muli %add3A, %mul3A_677 : i32
      %mul3A_679 = arith.constant 80 : i32
      %mul3A_680 = arith.muli %min3A_676, %mul3A_679 : i32
      %add3A_681 = arith.addi %mul3A_678, %mul3A_680 : i32
      %dma_wait3A_682 = arith.constant 1 : i32
      %dma_wait3A_683 = tpu.memref_slice %arg2[%add3A_681] : memref<320000xi32, #tpu.memory_space<hbm>> -> memref<80xi32, #tpu.memory_space<hbm>>
      %dma_wait3A_684 = tpu.memref_slice %arg16[%dma_wait3A_682] : memref<8x!tpu.dma_semaphore, #tpu.memory_space<semaphore_mem>> -> memref<1x!tpu.dma_semaphore, #tpu.memory_space<semaphore_mem>>
      %dma_wait3A_685 = tpu.memref_squeeze %dma_wait3A_684 : memref<1x!tpu.dma_semaphore, #tpu.memory_space<semaphore_mem>> -> memref<!tpu.dma_semaphore, #tpu.memory_space<semaphore_mem>>
      %dma_wait3A_686 = tpu.memref_slice %arg2[%add3A_681] : memref<320000xi32, #tpu.memory_space<hbm>> -> memref<80xi32, #tpu.memory_space<hbm>>
      tpu.wait_dma2 semaphore(%dma_wait3A_685 : memref<!tpu.dma_semaphore, #tpu.memory_space<semaphore_mem>>) src(%dma_wait3A_686 : memref<80xi32, #tpu.memory_space<hbm>>) dst(%arg7 : memref<80xi32, #tpu.memory_space<vmem>>)
      %dma_start3A_687 = arith.constant 1 : i32
      %dma_start3A_688 = arith.constant 0 : i32
      %dma_start3A_689 = arith.constant 0 : i32
      %dma_start3A_690 = tpu.memref_slice %arg15[%dma_start3A_688, %dma_start3A_689] : memref<10240x128xf32, #tpu.memory_space<vmem_shared>> -> memref<10240x128xf32, #tpu.memory_space<vmem_shared>>
      %dma_start3A_691 = tpu.memref_slice %arg17[%dma_start3A_687] : memref<4x!tpu.dma_semaphore, #tpu.memory_space<semaphore_mem>> -> memref<1x!tpu.dma_semaphore, #tpu.memory_space<semaphore_mem>>
      %dma_start3A_692 = tpu.memref_squeeze %dma_start3A_691 : memref<1x!tpu.dma_semaphore, #tpu.memory_space<semaphore_mem>> -> memref<!tpu.dma_semaphore, #tpu.memory_space<semaphore_mem>>
      tpu.enqueue_indirect_dma source(%arg14 : memref<80x128xf32, #tpu.memory_space<vmem>>) target(%dma_start3A_690 : memref<10240x128xf32, #tpu.memory_space<vmem_shared>>) offsets(%arg7 : memref<80xi32, #tpu.memory_space<vmem>>) semaphore(%dma_start3A_692 : memref<!tpu.dma_semaphore, #tpu.memory_space<semaphore_mem>>) {add = true}
      %mul3A_693 = arith.constant 8 : i32
      %mul3A_694 = arith.muli %mul3A_693, %scan3A_608 : i32
      %add3A_695 = arith.constant 2 : i32
      %add3A_696 = arith.addi %mul3A_694, %add3A_695 : i32
      %dma_wait3A_697 = arith.constant 2 : i32
      %dma_wait3A_698 = arith.constant 0 : i32
      %dma_wait3A_699 = arith.constant 0 : i32
      %dma_wait3A_700 = tpu.memref_slice %arg15[%dma_wait3A_698, %dma_wait3A_699] : memref<10240x128xf32, #tpu.memory_space<vmem_shared>> -> memref<10240x128xf32, #tpu.memory_space<vmem_shared>>
      %dma_wait3A_701 = tpu.memref_slice %arg17[%dma_wait3A_697] : memref<4x!tpu.dma_semaphore, #tpu.memory_space<semaphore_mem>> -> memref<1x!tpu.dma_semaphore, #tpu.memory_space<semaphore_mem>>
      %dma_wait3A_702 = tpu.memref_squeeze %dma_wait3A_701 : memref<1x!tpu.dma_semaphore, #tpu.memory_space<semaphore_mem>> -> memref<!tpu.dma_semaphore, #tpu.memory_space<semaphore_mem>>
      tpu.wait_indirect_dma semaphore(%dma_wait3A_702 : memref<!tpu.dma_semaphore, #tpu.memory_space<semaphore_mem>>) src(%arg14 : memref<80x128xf32, #tpu.memory_space<vmem>>) dst(%dma_wait3A_700 : memref<10240x128xf32, #tpu.memory_space<vmem_shared>>)
      %add3A_703 = arith.constant 4 : i32
      %add3A_704 = arith.addi %add3A_696, %add3A_703 : i32
      %min3A_705 = arith.constant 124 : i32
      %min3A_706 = arith.minsi %add3A_704, %min3A_705 : i32
      %mul3A_707 = arith.constant 10000 : i32
      %mul3A_708 = arith.muli %add3A, %mul3A_707 : i32
      %mul3A_709 = arith.constant 80 : i32
      %mul3A_710 = arith.muli %min3A_706, %mul3A_709 : i32
      %add3A_711 = arith.addi %mul3A_708, %mul3A_710 : i32
      %dma_start3A_712 = arith.constant 6 : i32
      %dma_start3A_713 = tpu.memref_slice %arg2[%add3A_711] : memref<320000xi32, #tpu.memory_space<hbm>> -> memref<80xi32, #tpu.memory_space<hbm>>
      %dma_start3A_714 = tpu.memref_slice %arg16[%dma_start3A_712] : memref<8x!tpu.dma_semaphore, #tpu.memory_space<semaphore_mem>> -> memref<1x!tpu.dma_semaphore, #tpu.memory_space<semaphore_mem>>
      %dma_start3A_715 = tpu.memref_squeeze %dma_start3A_714 : memref<1x!tpu.dma_semaphore, #tpu.memory_space<semaphore_mem>> -> memref<!tpu.dma_semaphore, #tpu.memory_space<semaphore_mem>>
      %dma_start3A_716 = tpu.memref_slice %arg2[%add3A_711] : memref<320000xi32, #tpu.memory_space<hbm>> -> memref<80xi32, #tpu.memory_space<hbm>>
      tpu.enqueue_dma source(%dma_start3A_716 : memref<80xi32, #tpu.memory_space<hbm>>) target(%arg12 : memref<80xi32, #tpu.memory_space<vmem>>) target_semaphore(%dma_start3A_715 : memref<!tpu.dma_semaphore, #tpu.memory_space<semaphore_mem>>)
      %min3A_717 = arith.constant 124 : i32
      %min3A_718 = arith.minsi %add3A_696, %min3A_717 : i32
      %mul3A_719 = arith.constant 10000 : i32
      %mul3A_720 = arith.muli %add3A, %mul3A_719 : i32
      %mul3A_721 = arith.constant 80 : i32
      %mul3A_722 = arith.muli %min3A_718, %mul3A_721 : i32
      %add3A_723 = arith.addi %mul3A_720, %mul3A_722 : i32
      %dma_wait3A_724 = arith.constant 2 : i32
      %dma_wait3A_725 = tpu.memref_slice %arg2[%add3A_723] : memref<320000xi32, #tpu.memory_space<hbm>> -> memref<80xi32, #tpu.memory_space<hbm>>
      %dma_wait3A_726 = tpu.memref_slice %arg16[%dma_wait3A_724] : memref<8x!tpu.dma_semaphore, #tpu.memory_space<semaphore_mem>> -> memref<1x!tpu.dma_semaphore, #tpu.memory_space<semaphore_mem>>
      %dma_wait3A_727 = tpu.memref_squeeze %dma_wait3A_726 : memref<1x!tpu.dma_semaphore, #tpu.memory_space<semaphore_mem>> -> memref<!tpu.dma_semaphore, #tpu.memory_space<semaphore_mem>>
      %dma_wait3A_728 = tpu.memref_slice %arg2[%add3A_723] : memref<320000xi32, #tpu.memory_space<hbm>> -> memref<80xi32, #tpu.memory_space<hbm>>
      tpu.wait_dma2 semaphore(%dma_wait3A_727 : memref<!tpu.dma_semaphore, #tpu.memory_space<semaphore_mem>>) src(%dma_wait3A_728 : memref<80xi32, #tpu.memory_space<hbm>>) dst(%arg8 : memref<80xi32, #tpu.memory_space<vmem>>)
      %dma_start3A_729 = arith.constant 2 : i32
      %dma_start3A_730 = arith.constant 0 : i32
      %dma_start3A_731 = arith.constant 0 : i32
      %dma_start3A_732 = tpu.memref_slice %arg15[%dma_start3A_730, %dma_start3A_731] : memref<10240x128xf32, #tpu.memory_space<vmem_shared>> -> memref<10240x128xf32, #tpu.memory_space<vmem_shared>>
      %dma_start3A_733 = tpu.memref_slice %arg17[%dma_start3A_729] : memref<4x!tpu.dma_semaphore, #tpu.memory_space<semaphore_mem>> -> memref<1x!tpu.dma_semaphore, #tpu.memory_space<semaphore_mem>>
      %dma_start3A_734 = tpu.memref_squeeze %dma_start3A_733 : memref<1x!tpu.dma_semaphore, #tpu.memory_space<semaphore_mem>> -> memref<!tpu.dma_semaphore, #tpu.memory_space<semaphore_mem>>
      tpu.enqueue_indirect_dma source(%arg14 : memref<80x128xf32, #tpu.memory_space<vmem>>) target(%dma_start3A_732 : memref<10240x128xf32, #tpu.memory_space<vmem_shared>>) offsets(%arg8 : memref<80xi32, #tpu.memory_space<vmem>>) semaphore(%dma_start3A_734 : memref<!tpu.dma_semaphore, #tpu.memory_space<semaphore_mem>>) {add = true}
      %mul3A_735 = arith.constant 8 : i32
      %mul3A_736 = arith.muli %mul3A_735, %scan3A_608 : i32
      %add3A_737 = arith.constant 3 : i32
      %add3A_738 = arith.addi %mul3A_736, %add3A_737 : i32
      %dma_wait3A_739 = arith.constant 3 : i32
      %dma_wait3A_740 = arith.constant 0 : i32
      %dma_wait3A_741 = arith.constant 0 : i32
      %dma_wait3A_742 = tpu.memref_slice %arg15[%dma_wait3A_740, %dma_wait3A_741] : memref<10240x128xf32, #tpu.memory_space<vmem_shared>> -> memref<10240x128xf32, #tpu.memory_space<vmem_shared>>
      %dma_wait3A_743 = tpu.memref_slice %arg17[%dma_wait3A_739] : memref<4x!tpu.dma_semaphore, #tpu.memory_space<semaphore_mem>> -> memref<1x!tpu.dma_semaphore, #tpu.memory_space<semaphore_mem>>
      %dma_wait3A_744 = tpu.memref_squeeze %dma_wait3A_743 : memref<1x!tpu.dma_semaphore, #tpu.memory_space<semaphore_mem>> -> memref<!tpu.dma_semaphore, #tpu.memory_space<semaphore_mem>>
      tpu.wait_indirect_dma semaphore(%dma_wait3A_744 : memref<!tpu.dma_semaphore, #tpu.memory_space<semaphore_mem>>) src(%arg14 : memref<80x128xf32, #tpu.memory_space<vmem>>) dst(%dma_wait3A_742 : memref<10240x128xf32, #tpu.memory_space<vmem_shared>>)
      %add3A_745 = arith.constant 4 : i32
      %add3A_746 = arith.addi %add3A_738, %add3A_745 : i32
      %min3A_747 = arith.constant 124 : i32
      %min3A_748 = arith.minsi %add3A_746, %min3A_747 : i32
      %mul3A_749 = arith.constant 10000 : i32
      %mul3A_750 = arith.muli %add3A, %mul3A_749 : i32
      %mul3A_751 = arith.constant 80 : i32
      %mul3A_752 = arith.muli %min3A_748, %mul3A_751 : i32
      %add3A_753 = arith.addi %mul3A_750, %mul3A_752 : i32
      %dma_start3A_754 = arith.constant 7 : i32
      %dma_start3A_755 = tpu.memref_slice %arg2[%add3A_753] : memref<320000xi32, #tpu.memory_space<hbm>> -> memref<80xi32, #tpu.memory_space<hbm>>
      %dma_start3A_756 = tpu.memref_slice %arg16[%dma_start3A_754] : memref<8x!tpu.dma_semaphore, #tpu.memory_space<semaphore_mem>> -> memref<1x!tpu.dma_semaphore, #tpu.memory_space<semaphore_mem>>
      %dma_start3A_757 = tpu.memref_squeeze %dma_start3A_756 : memref<1x!tpu.dma_semaphore, #tpu.memory_space<semaphore_mem>> -> memref<!tpu.dma_semaphore, #tpu.memory_space<semaphore_mem>>
      %dma_start3A_758 = tpu.memref_slice %arg2[%add3A_753] : memref<320000xi32, #tpu.memory_space<hbm>> -> memref<80xi32, #tpu.memory_space<hbm>>
      tpu.enqueue_dma source(%dma_start3A_758 : memref<80xi32, #tpu.memory_space<hbm>>) target(%arg13 : memref<80xi32, #tpu.memory_space<vmem>>) target_semaphore(%dma_start3A_757 : memref<!tpu.dma_semaphore, #tpu.memory_space<semaphore_mem>>)
      %min3A_759 = arith.constant 124 : i32
      %min3A_760 = arith.minsi %add3A_738, %min3A_759 : i32
      %mul3A_761 = arith.constant 10000 : i32
      %mul3A_762 = arith.muli %add3A, %mul3A_761 : i32
      %mul3A_763 = arith.constant 80 : i32
      %mul3A_764 = arith.muli %min3A_760, %mul3A_763 : i32
      %add3A_765 = arith.addi %mul3A_762, %mul3A_764 : i32
      %dma_wait3A_766 = arith.constant 3 : i32
      %dma_wait3A_767 = tpu.memref_slice %arg2[%add3A_765] : memref<320000xi32, #tpu.memory_space<hbm>> -> memref<80xi32, #tpu.memory_space<hbm>>
      %dma_wait3A_768 = tpu.memref_slice %arg16[%dma_wait3A_766] : memref<8x!tpu.dma_semaphore, #tpu.memory_space<semaphore_mem>> -> memref<1x!tpu.dma_semaphore, #tpu.memory_space<semaphore_mem>>
      %dma_wait3A_769 = tpu.memref_squeeze %dma_wait3A_768 : memref<1x!tpu.dma_semaphore, #tpu.memory_space<semaphore_mem>> -> memref<!tpu.dma_semaphore, #tpu.memory_space<semaphore_mem>>
      %dma_wait3A_770 = tpu.memref_slice %arg2[%add3A_765] : memref<320000xi32, #tpu.memory_space<hbm>> -> memref<80xi32, #tpu.memory_space<hbm>>
      tpu.wait_dma2 semaphore(%dma_wait3A_769 : memref<!tpu.dma_semaphore, #tpu.memory_space<semaphore_mem>>) src(%dma_wait3A_770 : memref<80xi32, #tpu.memory_space<hbm>>) dst(%arg9 : memref<80xi32, #tpu.memory_space<vmem>>)
      %dma_start3A_771 = arith.constant 3 : i32
      %dma_start3A_772 = arith.constant 0 : i32
      %dma_start3A_773 = arith.constant 0 : i32
      %dma_start3A_774 = tpu.memref_slice %arg15[%dma_start3A_772, %dma_start3A_773] : memref<10240x128xf32, #tpu.memory_space<vmem_shared>> -> memref<10240x128xf32, #tpu.memory_space<vmem_shared>>
      %dma_start3A_775 = tpu.memref_slice %arg17[%dma_start3A_771] : memref<4x!tpu.dma_semaphore, #tpu.memory_space<semaphore_mem>> -> memref<1x!tpu.dma_semaphore, #tpu.memory_space<semaphore_mem>>
      %dma_start3A_776 = tpu.memref_squeeze %dma_start3A_775 : memref<1x!tpu.dma_semaphore, #tpu.memory_space<semaphore_mem>> -> memref<!tpu.dma_semaphore, #tpu.memory_space<semaphore_mem>>
      tpu.enqueue_indirect_dma source(%arg14 : memref<80x128xf32, #tpu.memory_space<vmem>>) target(%dma_start3A_774 : memref<10240x128xf32, #tpu.memory_space<vmem_shared>>) offsets(%arg9 : memref<80xi32, #tpu.memory_space<vmem>>) semaphore(%dma_start3A_776 : memref<!tpu.dma_semaphore, #tpu.memory_space<semaphore_mem>>) {add = true}
      %mul3A_777 = arith.constant 8 : i32
      %mul3A_778 = arith.muli %mul3A_777, %scan3A_608 : i32
      %add3A_779 = arith.constant 4 : i32
      %add3A_780 = arith.addi %mul3A_778, %add3A_779 : i32
      %dma_wait3A_781 = arith.constant 0 : i32
      %dma_wait3A_782 = arith.constant 0 : i32
      %dma_wait3A_783 = arith.constant 0 : i32
      %dma_wait3A_784 = tpu.memref_slice %arg15[%dma_wait3A_782, %dma_wait3A_783] : memref<10240x128xf32, #tpu.memory_space<vmem_shared>> -> memref<10240x128xf32, #tpu.memory_space<vmem_shared>>
      %dma_wait3A_785 = tpu.memref_slice %arg17[%dma_wait3A_781] : memref<4x!tpu.dma_semaphore, #tpu.memory_space<semaphore_mem>> -> memref<1x!tpu.dma_semaphore, #tpu.memory_space<semaphore_mem>>
      %dma_wait3A_786 = tpu.memref_squeeze %dma_wait3A_785 : memref<1x!tpu.dma_semaphore, #tpu.memory_space<semaphore_mem>> -> memref<!tpu.dma_semaphore, #tpu.memory_space<semaphore_mem>>
      tpu.wait_indirect_dma semaphore(%dma_wait3A_786 : memref<!tpu.dma_semaphore, #tpu.memory_space<semaphore_mem>>) src(%arg14 : memref<80x128xf32, #tpu.memory_space<vmem>>) dst(%dma_wait3A_784 : memref<10240x128xf32, #tpu.memory_space<vmem_shared>>)
      %add3A_787 = arith.constant 4 : i32
      %add3A_788 = arith.addi %add3A_780, %add3A_787 : i32
      %min3A_789 = arith.constant 124 : i32
      %min3A_790 = arith.minsi %add3A_788, %min3A_789 : i32
      %mul3A_791 = arith.constant 10000 : i32
      %mul3A_792 = arith.muli %add3A, %mul3A_791 : i32
      %mul3A_793 = arith.constant 80 : i32
      %mul3A_794 = arith.muli %min3A_790, %mul3A_793 : i32
      %add3A_795 = arith.addi %mul3A_792, %mul3A_794 : i32
      %dma_start3A_796 = arith.constant 0 : i32
      %dma_start3A_797 = tpu.memref_slice %arg2[%add3A_795] : memref<320000xi32, #tpu.memory_space<hbm>> -> memref<80xi32, #tpu.memory_space<hbm>>
      %dma_start3A_798 = tpu.memref_slice %arg16[%dma_start3A_796] : memref<8x!tpu.dma_semaphore, #tpu.memory_space<semaphore_mem>> -> memref<1x!tpu.dma_semaphore, #tpu.memory_space<semaphore_mem>>
      %dma_start3A_799 = tpu.memref_squeeze %dma_start3A_798 : memref<1x!tpu.dma_semaphore, #tpu.memory_space<semaphore_mem>> -> memref<!tpu.dma_semaphore, #tpu.memory_space<semaphore_mem>>
      %dma_start3A_800 = tpu.memref_slice %arg2[%add3A_795] : memref<320000xi32, #tpu.memory_space<hbm>> -> memref<80xi32, #tpu.memory_space<hbm>>
      tpu.enqueue_dma source(%dma_start3A_800 : memref<80xi32, #tpu.memory_space<hbm>>) target(%arg6 : memref<80xi32, #tpu.memory_space<vmem>>) target_semaphore(%dma_start3A_799 : memref<!tpu.dma_semaphore, #tpu.memory_space<semaphore_mem>>)
      %min3A_801 = arith.constant 124 : i32
      %min3A_802 = arith.minsi %add3A_780, %min3A_801 : i32
      %mul3A_803 = arith.constant 10000 : i32
      %mul3A_804 = arith.muli %add3A, %mul3A_803 : i32
      %mul3A_805 = arith.constant 80 : i32
      %mul3A_806 = arith.muli %min3A_802, %mul3A_805 : i32
      %add3A_807 = arith.addi %mul3A_804, %mul3A_806 : i32
      %dma_wait3A_808 = arith.constant 4 : i32
      %dma_wait3A_809 = tpu.memref_slice %arg2[%add3A_807] : memref<320000xi32, #tpu.memory_space<hbm>> -> memref<80xi32, #tpu.memory_space<hbm>>
      %dma_wait3A_810 = tpu.memref_slice %arg16[%dma_wait3A_808] : memref<8x!tpu.dma_semaphore, #tpu.memory_space<semaphore_mem>> -> memref<1x!tpu.dma_semaphore, #tpu.memory_space<semaphore_mem>>
      %dma_wait3A_811 = tpu.memref_squeeze %dma_wait3A_810 : memref<1x!tpu.dma_semaphore, #tpu.memory_space<semaphore_mem>> -> memref<!tpu.dma_semaphore, #tpu.memory_space<semaphore_mem>>
      %dma_wait3A_812 = tpu.memref_slice %arg2[%add3A_807] : memref<320000xi32, #tpu.memory_space<hbm>> -> memref<80xi32, #tpu.memory_space<hbm>>
      tpu.wait_dma2 semaphore(%dma_wait3A_811 : memref<!tpu.dma_semaphore, #tpu.memory_space<semaphore_mem>>) src(%dma_wait3A_812 : memref<80xi32, #tpu.memory_space<hbm>>) dst(%arg10 : memref<80xi32, #tpu.memory_space<vmem>>)
      %dma_start3A_813 = arith.constant 0 : i32
      %dma_start3A_814 = arith.constant 0 : i32
      %dma_start3A_815 = arith.constant 0 : i32
      %dma_start3A_816 = tpu.memref_slice %arg15[%dma_start3A_814, %dma_start3A_815] : memref<10240x128xf32, #tpu.memory_space<vmem_shared>> -> memref<10240x128xf32, #tpu.memory_space<vmem_shared>>
      %dma_start3A_817 = tpu.memref_slice %arg17[%dma_start3A_813] : memref<4x!tpu.dma_semaphore, #tpu.memory_space<semaphore_mem>> -> memref<1x!tpu.dma_semaphore, #tpu.memory_space<semaphore_mem>>
      %dma_start3A_818 = tpu.memref_squeeze %dma_start3A_817 : memref<1x!tpu.dma_semaphore, #tpu.memory_space<semaphore_mem>> -> memref<!tpu.dma_semaphore, #tpu.memory_space<semaphore_mem>>
      tpu.enqueue_indirect_dma source(%arg14 : memref<80x128xf32, #tpu.memory_space<vmem>>) target(%dma_start3A_816 : memref<10240x128xf32, #tpu.memory_space<vmem_shared>>) offsets(%arg10 : memref<80xi32, #tpu.memory_space<vmem>>) semaphore(%dma_start3A_818 : memref<!tpu.dma_semaphore, #tpu.memory_space<semaphore_mem>>) {add = true}
      %mul3A_819 = arith.constant 8 : i32
      %mul3A_820 = arith.muli %mul3A_819, %scan3A_608 : i32
      %add3A_821 = arith.constant 5 : i32
      %add3A_822 = arith.addi %mul3A_820, %add3A_821 : i32
      %dma_wait3A_823 = arith.constant 1 : i32
      %dma_wait3A_824 = arith.constant 0 : i32
      %dma_wait3A_825 = arith.constant 0 : i32
      %dma_wait3A_826 = tpu.memref_slice %arg15[%dma_wait3A_824, %dma_wait3A_825] : memref<10240x128xf32, #tpu.memory_space<vmem_shared>> -> memref<10240x128xf32, #tpu.memory_space<vmem_shared>>
      %dma_wait3A_827 = tpu.memref_slice %arg17[%dma_wait3A_823] : memref<4x!tpu.dma_semaphore, #tpu.memory_space<semaphore_mem>> -> memref<1x!tpu.dma_semaphore, #tpu.memory_space<semaphore_mem>>
      %dma_wait3A_828 = tpu.memref_squeeze %dma_wait3A_827 : memref<1x!tpu.dma_semaphore, #tpu.memory_space<semaphore_mem>> -> memref<!tpu.dma_semaphore, #tpu.memory_space<semaphore_mem>>
      tpu.wait_indirect_dma semaphore(%dma_wait3A_828 : memref<!tpu.dma_semaphore, #tpu.memory_space<semaphore_mem>>) src(%arg14 : memref<80x128xf32, #tpu.memory_space<vmem>>) dst(%dma_wait3A_826 : memref<10240x128xf32, #tpu.memory_space<vmem_shared>>)
      %add3A_829 = arith.constant 4 : i32
      %add3A_830 = arith.addi %add3A_822, %add3A_829 : i32
      %min3A_831 = arith.constant 124 : i32
      %min3A_832 = arith.minsi %add3A_830, %min3A_831 : i32
      %mul3A_833 = arith.constant 10000 : i32
      %mul3A_834 = arith.muli %add3A, %mul3A_833 : i32
      %mul3A_835 = arith.constant 80 : i32
      %mul3A_836 = arith.muli %min3A_832, %mul3A_835 : i32
      %add3A_837 = arith.addi %mul3A_834, %mul3A_836 : i32
      %dma_start3A_838 = arith.constant 1 : i32
      %dma_start3A_839 = tpu.memref_slice %arg2[%add3A_837] : memref<320000xi32, #tpu.memory_space<hbm>> -> memref<80xi32, #tpu.memory_space<hbm>>
      %dma_start3A_840 = tpu.memref_slice %arg16[%dma_start3A_838] : memref<8x!tpu.dma_semaphore, #tpu.memory_space<semaphore_mem>> -> memref<1x!tpu.dma_semaphore, #tpu.memory_space<semaphore_mem>>
      %dma_start3A_841 = tpu.memref_squeeze %dma_start3A_840 : memref<1x!tpu.dma_semaphore, #tpu.memory_space<semaphore_mem>> -> memref<!tpu.dma_semaphore, #tpu.memory_space<semaphore_mem>>
      %dma_start3A_842 = tpu.memref_slice %arg2[%add3A_837] : memref<320000xi32, #tpu.memory_space<hbm>> -> memref<80xi32, #tpu.memory_space<hbm>>
      tpu.enqueue_dma source(%dma_start3A_842 : memref<80xi32, #tpu.memory_space<hbm>>) target(%arg7 : memref<80xi32, #tpu.memory_space<vmem>>) target_semaphore(%dma_start3A_841 : memref<!tpu.dma_semaphore, #tpu.memory_space<semaphore_mem>>)
      %min3A_843 = arith.constant 124 : i32
      %min3A_844 = arith.minsi %add3A_822, %min3A_843 : i32
      %mul3A_845 = arith.constant 10000 : i32
      %mul3A_846 = arith.muli %add3A, %mul3A_845 : i32
      %mul3A_847 = arith.constant 80 : i32
      %mul3A_848 = arith.muli %min3A_844, %mul3A_847 : i32
      %add3A_849 = arith.addi %mul3A_846, %mul3A_848 : i32
      %dma_wait3A_850 = arith.constant 5 : i32
      %dma_wait3A_851 = tpu.memref_slice %arg2[%add3A_849] : memref<320000xi32, #tpu.memory_space<hbm>> -> memref<80xi32, #tpu.memory_space<hbm>>
      %dma_wait3A_852 = tpu.memref_slice %arg16[%dma_wait3A_850] : memref<8x!tpu.dma_semaphore, #tpu.memory_space<semaphore_mem>> -> memref<1x!tpu.dma_semaphore, #tpu.memory_space<semaphore_mem>>
      %dma_wait3A_853 = tpu.memref_squeeze %dma_wait3A_852 : memref<1x!tpu.dma_semaphore, #tpu.memory_space<semaphore_mem>> -> memref<!tpu.dma_semaphore, #tpu.memory_space<semaphore_mem>>
      %dma_wait3A_854 = tpu.memref_slice %arg2[%add3A_849] : memref<320000xi32, #tpu.memory_space<hbm>> -> memref<80xi32, #tpu.memory_space<hbm>>
      tpu.wait_dma2 semaphore(%dma_wait3A_853 : memref<!tpu.dma_semaphore, #tpu.memory_space<semaphore_mem>>) src(%dma_wait3A_854 : memref<80xi32, #tpu.memory_space<hbm>>) dst(%arg11 : memref<80xi32, #tpu.memory_space<vmem>>)
      %dma_start3A_855 = arith.constant 1 : i32
      %dma_start3A_856 = arith.constant 0 : i32
      %dma_start3A_857 = arith.constant 0 : i32
      %dma_start3A_858 = tpu.memref_slice %arg15[%dma_start3A_856, %dma_start3A_857] : memref<10240x128xf32, #tpu.memory_space<vmem_shared>> -> memref<10240x128xf32, #tpu.memory_space<vmem_shared>>
      %dma_start3A_859 = tpu.memref_slice %arg17[%dma_start3A_855] : memref<4x!tpu.dma_semaphore, #tpu.memory_space<semaphore_mem>> -> memref<1x!tpu.dma_semaphore, #tpu.memory_space<semaphore_mem>>
      %dma_start3A_860 = tpu.memref_squeeze %dma_start3A_859 : memref<1x!tpu.dma_semaphore, #tpu.memory_space<semaphore_mem>> -> memref<!tpu.dma_semaphore, #tpu.memory_space<semaphore_mem>>
      tpu.enqueue_indirect_dma source(%arg14 : memref<80x128xf32, #tpu.memory_space<vmem>>) target(%dma_start3A_858 : memref<10240x128xf32, #tpu.memory_space<vmem_shared>>) offsets(%arg11 : memref<80xi32, #tpu.memory_space<vmem>>) semaphore(%dma_start3A_860 : memref<!tpu.dma_semaphore, #tpu.memory_space<semaphore_mem>>) {add = true}
      %mul3A_861 = arith.constant 8 : i32
      %mul3A_862 = arith.muli %mul3A_861, %scan3A_608 : i32
      %add3A_863 = arith.constant 6 : i32
      %add3A_864 = arith.addi %mul3A_862, %add3A_863 : i32
      %dma_wait3A_865 = arith.constant 2 : i32
      %dma_wait3A_866 = arith.constant 0 : i32
      %dma_wait3A_867 = arith.constant 0 : i32
      %dma_wait3A_868 = tpu.memref_slice %arg15[%dma_wait3A_866, %dma_wait3A_867] : memref<10240x128xf32, #tpu.memory_space<vmem_shared>> -> memref<10240x128xf32, #tpu.memory_space<vmem_shared>>
      %dma_wait3A_869 = tpu.memref_slice %arg17[%dma_wait3A_865] : memref<4x!tpu.dma_semaphore, #tpu.memory_space<semaphore_mem>> -> memref<1x!tpu.dma_semaphore, #tpu.memory_space<semaphore_mem>>
      %dma_wait3A_870 = tpu.memref_squeeze %dma_wait3A_869 : memref<1x!tpu.dma_semaphore, #tpu.memory_space<semaphore_mem>> -> memref<!tpu.dma_semaphore, #tpu.memory_space<semaphore_mem>>
      tpu.wait_indirect_dma semaphore(%dma_wait3A_870 : memref<!tpu.dma_semaphore, #tpu.memory_space<semaphore_mem>>) src(%arg14 : memref<80x128xf32, #tpu.memory_space<vmem>>) dst(%dma_wait3A_868 : memref<10240x128xf32, #tpu.memory_space<vmem_shared>>)
      %add3A_871 = arith.constant 4 : i32
      %add3A_872 = arith.addi %add3A_864, %add3A_871 : i32
      %min3A_873 = arith.constant 124 : i32
      %min3A_874 = arith.minsi %add3A_872, %min3A_873 : i32
      %mul3A_875 = arith.constant 10000 : i32
      %mul3A_876 = arith.muli %add3A, %mul3A_875 : i32
      %mul3A_877 = arith.constant 80 : i32
      %mul3A_878 = arith.muli %min3A_874, %mul3A_877 : i32
      %add3A_879 = arith.addi %mul3A_876, %mul3A_878 : i32
      %dma_start3A_880 = arith.constant 2 : i32
      %dma_start3A_881 = tpu.memref_slice %arg2[%add3A_879] : memref<320000xi32, #tpu.memory_space<hbm>> -> memref<80xi32, #tpu.memory_space<hbm>>
      %dma_start3A_882 = tpu.memref_slice %arg16[%dma_start3A_880] : memref<8x!tpu.dma_semaphore, #tpu.memory_space<semaphore_mem>> -> memref<1x!tpu.dma_semaphore, #tpu.memory_space<semaphore_mem>>
      %dma_start3A_883 = tpu.memref_squeeze %dma_start3A_882 : memref<1x!tpu.dma_semaphore, #tpu.memory_space<semaphore_mem>> -> memref<!tpu.dma_semaphore, #tpu.memory_space<semaphore_mem>>
      %dma_start3A_884 = tpu.memref_slice %arg2[%add3A_879] : memref<320000xi32, #tpu.memory_space<hbm>> -> memref<80xi32, #tpu.memory_space<hbm>>
      tpu.enqueue_dma source(%dma_start3A_884 : memref<80xi32, #tpu.memory_space<hbm>>) target(%arg8 : memref<80xi32, #tpu.memory_space<vmem>>) target_semaphore(%dma_start3A_883 : memref<!tpu.dma_semaphore, #tpu.memory_space<semaphore_mem>>)
      %min3A_885 = arith.constant 124 : i32
      %min3A_886 = arith.minsi %add3A_864, %min3A_885 : i32
      %mul3A_887 = arith.constant 10000 : i32
      %mul3A_888 = arith.muli %add3A, %mul3A_887 : i32
      %mul3A_889 = arith.constant 80 : i32
      %mul3A_890 = arith.muli %min3A_886, %mul3A_889 : i32
      %add3A_891 = arith.addi %mul3A_888, %mul3A_890 : i32
      %dma_wait3A_892 = arith.constant 6 : i32
      %dma_wait3A_893 = tpu.memref_slice %arg2[%add3A_891] : memref<320000xi32, #tpu.memory_space<hbm>> -> memref<80xi32, #tpu.memory_space<hbm>>
      %dma_wait3A_894 = tpu.memref_slice %arg16[%dma_wait3A_892] : memref<8x!tpu.dma_semaphore, #tpu.memory_space<semaphore_mem>> -> memref<1x!tpu.dma_semaphore, #tpu.memory_space<semaphore_mem>>
      %dma_wait3A_895 = tpu.memref_squeeze %dma_wait3A_894 : memref<1x!tpu.dma_semaphore, #tpu.memory_space<semaphore_mem>> -> memref<!tpu.dma_semaphore, #tpu.memory_space<semaphore_mem>>
      %dma_wait3A_896 = tpu.memref_slice %arg2[%add3A_891] : memref<320000xi32, #tpu.memory_space<hbm>> -> memref<80xi32, #tpu.memory_space<hbm>>
      tpu.wait_dma2 semaphore(%dma_wait3A_895 : memref<!tpu.dma_semaphore, #tpu.memory_space<semaphore_mem>>) src(%dma_wait3A_896 : memref<80xi32, #tpu.memory_space<hbm>>) dst(%arg12 : memref<80xi32, #tpu.memory_space<vmem>>)
      %dma_start3A_897 = arith.constant 2 : i32
      %dma_start3A_898 = arith.constant 0 : i32
      %dma_start3A_899 = arith.constant 0 : i32
      %dma_start3A_900 = tpu.memref_slice %arg15[%dma_start3A_898, %dma_start3A_899] : memref<10240x128xf32, #tpu.memory_space<vmem_shared>> -> memref<10240x128xf32, #tpu.memory_space<vmem_shared>>
      %dma_start3A_901 = tpu.memref_slice %arg17[%dma_start3A_897] : memref<4x!tpu.dma_semaphore, #tpu.memory_space<semaphore_mem>> -> memref<1x!tpu.dma_semaphore, #tpu.memory_space<semaphore_mem>>
      %dma_start3A_902 = tpu.memref_squeeze %dma_start3A_901 : memref<1x!tpu.dma_semaphore, #tpu.memory_space<semaphore_mem>> -> memref<!tpu.dma_semaphore, #tpu.memory_space<semaphore_mem>>
      tpu.enqueue_indirect_dma source(%arg14 : memref<80x128xf32, #tpu.memory_space<vmem>>) target(%dma_start3A_900 : memref<10240x128xf32, #tpu.memory_space<vmem_shared>>) offsets(%arg12 : memref<80xi32, #tpu.memory_space<vmem>>) semaphore(%dma_start3A_902 : memref<!tpu.dma_semaphore, #tpu.memory_space<semaphore_mem>>) {add = true}
      %mul3A_903 = arith.constant 8 : i32
      %mul3A_904 = arith.muli %mul3A_903, %scan3A_608 : i32
      %add3A_905 = arith.constant 7 : i32
      %add3A_906 = arith.addi %mul3A_904, %add3A_905 : i32
      %dma_wait3A_907 = arith.constant 3 : i32
      %dma_wait3A_908 = arith.constant 0 : i32
      %dma_wait3A_909 = arith.constant 0 : i32
      %dma_wait3A_910 = tpu.memref_slice %arg15[%dma_wait3A_908, %dma_wait3A_909] : memref<10240x128xf32, #tpu.memory_space<vmem_shared>> -> memref<10240x128xf32, #tpu.memory_space<vmem_shared>>
      %dma_wait3A_911 = tpu.memref_slice %arg17[%dma_wait3A_907] : memref<4x!tpu.dma_semaphore, #tpu.memory_space<semaphore_mem>> -> memref<1x!tpu.dma_semaphore, #tpu.memory_space<semaphore_mem>>
      %dma_wait3A_912 = tpu.memref_squeeze %dma_wait3A_911 : memref<1x!tpu.dma_semaphore, #tpu.memory_space<semaphore_mem>> -> memref<!tpu.dma_semaphore, #tpu.memory_space<semaphore_mem>>
      tpu.wait_indirect_dma semaphore(%dma_wait3A_912 : memref<!tpu.dma_semaphore, #tpu.memory_space<semaphore_mem>>) src(%arg14 : memref<80x128xf32, #tpu.memory_space<vmem>>) dst(%dma_wait3A_910 : memref<10240x128xf32, #tpu.memory_space<vmem_shared>>)
      %add3A_913 = arith.constant 4 : i32
      %add3A_914 = arith.addi %add3A_906, %add3A_913 : i32
      %min3A_915 = arith.constant 124 : i32
      %min3A_916 = arith.minsi %add3A_914, %min3A_915 : i32
      %mul3A_917 = arith.constant 10000 : i32
      %mul3A_918 = arith.muli %add3A, %mul3A_917 : i32
      %mul3A_919 = arith.constant 80 : i32
      %mul3A_920 = arith.muli %min3A_916, %mul3A_919 : i32
      %add3A_921 = arith.addi %mul3A_918, %mul3A_920 : i32
      %dma_start3A_922 = arith.constant 3 : i32
      %dma_start3A_923 = tpu.memref_slice %arg2[%add3A_921] : memref<320000xi32, #tpu.memory_space<hbm>> -> memref<80xi32, #tpu.memory_space<hbm>>
      %dma_start3A_924 = tpu.memref_slice %arg16[%dma_start3A_922] : memref<8x!tpu.dma_semaphore, #tpu.memory_space<semaphore_mem>> -> memref<1x!tpu.dma_semaphore, #tpu.memory_space<semaphore_mem>>
      %dma_start3A_925 = tpu.memref_squeeze %dma_start3A_924 : memref<1x!tpu.dma_semaphore, #tpu.memory_space<semaphore_mem>> -> memref<!tpu.dma_semaphore, #tpu.memory_space<semaphore_mem>>
      %dma_start3A_926 = tpu.memref_slice %arg2[%add3A_921] : memref<320000xi32, #tpu.memory_space<hbm>> -> memref<80xi32, #tpu.memory_space<hbm>>
      tpu.enqueue_dma source(%dma_start3A_926 : memref<80xi32, #tpu.memory_space<hbm>>) target(%arg9 : memref<80xi32, #tpu.memory_space<vmem>>) target_semaphore(%dma_start3A_925 : memref<!tpu.dma_semaphore, #tpu.memory_space<semaphore_mem>>)
      %min3A_927 = arith.constant 124 : i32
      %min3A_928 = arith.minsi %add3A_906, %min3A_927 : i32
      %mul3A_929 = arith.constant 10000 : i32
      %mul3A_930 = arith.muli %add3A, %mul3A_929 : i32
      %mul3A_931 = arith.constant 80 : i32
      %mul3A_932 = arith.muli %min3A_928, %mul3A_931 : i32
      %add3A_933 = arith.addi %mul3A_930, %mul3A_932 : i32
      %dma_wait3A_934 = arith.constant 7 : i32
      %dma_wait3A_935 = tpu.memref_slice %arg2[%add3A_933] : memref<320000xi32, #tpu.memory_space<hbm>> -> memref<80xi32, #tpu.memory_space<hbm>>
      %dma_wait3A_936 = tpu.memref_slice %arg16[%dma_wait3A_934] : memref<8x!tpu.dma_semaphore, #tpu.memory_space<semaphore_mem>> -> memref<1x!tpu.dma_semaphore, #tpu.memory_space<semaphore_mem>>
      %dma_wait3A_937 = tpu.memref_squeeze %dma_wait3A_936 : memref<1x!tpu.dma_semaphore, #tpu.memory_space<semaphore_mem>> -> memref<!tpu.dma_semaphore, #tpu.memory_space<semaphore_mem>>
      %dma_wait3A_938 = tpu.memref_slice %arg2[%add3A_933] : memref<320000xi32, #tpu.memory_space<hbm>> -> memref<80xi32, #tpu.memory_space<hbm>>
      tpu.wait_dma2 semaphore(%dma_wait3A_937 : memref<!tpu.dma_semaphore, #tpu.memory_space<semaphore_mem>>) src(%dma_wait3A_938 : memref<80xi32, #tpu.memory_space<hbm>>) dst(%arg13 : memref<80xi32, #tpu.memory_space<vmem>>)
      %dma_start3A_939 = arith.constant 3 : i32
      %dma_start3A_940 = arith.constant 0 : i32
      %dma_start3A_941 = arith.constant 0 : i32
      %dma_start3A_942 = tpu.memref_slice %arg15[%dma_start3A_940, %dma_start3A_941] : memref<10240x128xf32, #tpu.memory_space<vmem_shared>> -> memref<10240x128xf32, #tpu.memory_space<vmem_shared>>
      %dma_start3A_943 = tpu.memref_slice %arg17[%dma_start3A_939] : memref<4x!tpu.dma_semaphore, #tpu.memory_space<semaphore_mem>> -> memref<1x!tpu.dma_semaphore, #tpu.memory_space<semaphore_mem>>
      %dma_start3A_944 = tpu.memref_squeeze %dma_start3A_943 : memref<1x!tpu.dma_semaphore, #tpu.memory_space<semaphore_mem>> -> memref<!tpu.dma_semaphore, #tpu.memory_space<semaphore_mem>>
      tpu.enqueue_indirect_dma source(%arg14 : memref<80x128xf32, #tpu.memory_space<vmem>>) target(%dma_start3A_942 : memref<10240x128xf32, #tpu.memory_space<vmem_shared>>) offsets(%arg13 : memref<80xi32, #tpu.memory_space<vmem>>) semaphore(%dma_start3A_944 : memref<!tpu.dma_semaphore, #tpu.memory_space<semaphore_mem>>) {add = true}
    }
    %scan3A_336 = arith.constant 14 : i32
    %dma_wait3A_337 = arith.constant 0 : i32
    %dma_wait3A_338 = arith.constant 0 : i32
    %dma_wait3A_339 = arith.constant 0 : i32
    %dma_wait3A_340 = tpu.memref_slice %arg15[%dma_wait3A_338, %dma_wait3A_339] : memref<10240x128xf32, #tpu.memory_space<vmem_shared>> -> memref<10240x128xf32, #tpu.memory_space<vmem_shared>>
    %dma_wait3A_341 = tpu.memref_slice %arg17[%dma_wait3A_337] : memref<4x!tpu.dma_semaphore, #tpu.memory_space<semaphore_mem>> -> memref<1x!tpu.dma_semaphore, #tpu.memory_space<semaphore_mem>>
    %dma_wait3A_342 = tpu.memref_squeeze %dma_wait3A_341 : memref<1x!tpu.dma_semaphore, #tpu.memory_space<semaphore_mem>> -> memref<!tpu.dma_semaphore, #tpu.memory_space<semaphore_mem>>
    tpu.wait_indirect_dma semaphore(%dma_wait3A_342 : memref<!tpu.dma_semaphore, #tpu.memory_space<semaphore_mem>>) src(%arg14 : memref<80x128xf32, #tpu.memory_space<vmem>>) dst(%dma_wait3A_340 : memref<10240x128xf32, #tpu.memory_space<vmem_shared>>)
    %min3A_343 = arith.constant 124 : i32
    %min3A_344 = arith.constant 124 : i32
    %min3A_345 = arith.minsi %min3A_343, %min3A_344 : i32
    %mul3A_346 = arith.constant 10000 : i32
    %mul3A_347 = arith.muli %add3A, %mul3A_346 : i32
    %mul3A_348 = arith.constant 80 : i32
    %mul3A_349 = arith.muli %min3A_345, %mul3A_348 : i32
    %add3A_350 = arith.addi %mul3A_347, %mul3A_349 : i32
    %dma_start3A_351 = arith.constant 4 : i32
    %dma_start3A_352 = tpu.memref_slice %arg2[%add3A_350] : memref<320000xi32, #tpu.memory_space<hbm>> -> memref<80xi32, #tpu.memory_space<hbm>>
    %dma_start3A_353 = tpu.memref_slice %arg16[%dma_start3A_351] : memref<8x!tpu.dma_semaphore, #tpu.memory_space<semaphore_mem>> -> memref<1x!tpu.dma_semaphore, #tpu.memory_space<semaphore_mem>>
    %dma_start3A_354 = tpu.memref_squeeze %dma_start3A_353 : memref<1x!tpu.dma_semaphore, #tpu.memory_space<semaphore_mem>> -> memref<!tpu.dma_semaphore, #tpu.memory_space<semaphore_mem>>
    %dma_start3A_355 = tpu.memref_slice %arg2[%add3A_350] : memref<320000xi32, #tpu.memory_space<hbm>> -> memref<80xi32, #tpu.memory_space<hbm>>
    tpu.enqueue_dma source(%dma_start3A_355 : memref<80xi32, #tpu.memory_space<hbm>>) target(%arg10 : memref<80xi32, #tpu.memory_space<vmem>>) target_semaphore(%dma_start3A_354 : memref<!tpu.dma_semaphore, #tpu.memory_space<semaphore_mem>>)
    %min3A_356 = arith.constant 120 : i32
    %min3A_357 = arith.constant 124 : i32
    %min3A_358 = arith.minsi %min3A_356, %min3A_357 : i32
    %mul3A_359 = arith.constant 10000 : i32
    %mul3A_360 = arith.muli %add3A, %mul3A_359 : i32
    %mul3A_361 = arith.constant 80 : i32
    %mul3A_362 = arith.muli %min3A_358, %mul3A_361 : i32
    %add3A_363 = arith.addi %mul3A_360, %mul3A_362 : i32
    %dma_wait3A_364 = arith.constant 0 : i32
    %dma_wait3A_365 = tpu.memref_slice %arg2[%add3A_363] : memref<320000xi32, #tpu.memory_space<hbm>> -> memref<80xi32, #tpu.memory_space<hbm>>
    %dma_wait3A_366 = tpu.memref_slice %arg16[%dma_wait3A_364] : memref<8x!tpu.dma_semaphore, #tpu.memory_space<semaphore_mem>> -> memref<1x!tpu.dma_semaphore, #tpu.memory_space<semaphore_mem>>
    %dma_wait3A_367 = tpu.memref_squeeze %dma_wait3A_366 : memref<1x!tpu.dma_semaphore, #tpu.memory_space<semaphore_mem>> -> memref<!tpu.dma_semaphore, #tpu.memory_space<semaphore_mem>>
    %dma_wait3A_368 = tpu.memref_slice %arg2[%add3A_363] : memref<320000xi32, #tpu.memory_space<hbm>> -> memref<80xi32, #tpu.memory_space<hbm>>
    tpu.wait_dma2 semaphore(%dma_wait3A_367 : memref<!tpu.dma_semaphore, #tpu.memory_space<semaphore_mem>>) src(%dma_wait3A_368 : memref<80xi32, #tpu.memory_space<hbm>>) dst(%arg6 : memref<80xi32, #tpu.memory_space<vmem>>)
    %dma_start3A_369 = arith.constant 0 : i32
    %dma_start3A_370 = arith.constant 0 : i32
    %dma_start3A_371 = arith.constant 0 : i32
    %dma_start3A_372 = tpu.memref_slice %arg15[%dma_start3A_370, %dma_start3A_371] : memref<10240x128xf32, #tpu.memory_space<vmem_shared>> -> memref<10240x128xf32, #tpu.memory_space<vmem_shared>>
    %dma_start3A_373 = tpu.memref_slice %arg17[%dma_start3A_369] : memref<4x!tpu.dma_semaphore, #tpu.memory_space<semaphore_mem>> -> memref<1x!tpu.dma_semaphore, #tpu.memory_space<semaphore_mem>>
    %dma_start3A_374 = tpu.memref_squeeze %dma_start3A_373 : memref<1x!tpu.dma_semaphore, #tpu.memory_space<semaphore_mem>> -> memref<!tpu.dma_semaphore, #tpu.memory_space<semaphore_mem>>
    tpu.enqueue_indirect_dma source(%arg14 : memref<80x128xf32, #tpu.memory_space<vmem>>) target(%dma_start3A_372 : memref<10240x128xf32, #tpu.memory_space<vmem_shared>>) offsets(%arg6 : memref<80xi32, #tpu.memory_space<vmem>>) semaphore(%dma_start3A_374 : memref<!tpu.dma_semaphore, #tpu.memory_space<semaphore_mem>>) {add = true}
    %dma_wait3A_375 = arith.constant 1 : i32
    %dma_wait3A_376 = arith.constant 0 : i32
    %dma_wait3A_377 = arith.constant 0 : i32
    %dma_wait3A_378 = tpu.memref_slice %arg15[%dma_wait3A_376, %dma_wait3A_377] : memref<10240x128xf32, #tpu.memory_space<vmem_shared>> -> memref<10240x128xf32, #tpu.memory_space<vmem_shared>>
    %dma_wait3A_379 = tpu.memref_slice %arg17[%dma_wait3A_375] : memref<4x!tpu.dma_semaphore, #tpu.memory_space<semaphore_mem>> -> memref<1x!tpu.dma_semaphore, #tpu.memory_space<semaphore_mem>>
    %dma_wait3A_380 = tpu.memref_squeeze %dma_wait3A_379 : memref<1x!tpu.dma_semaphore, #tpu.memory_space<semaphore_mem>> -> memref<!tpu.dma_semaphore, #tpu.memory_space<semaphore_mem>>
    tpu.wait_indirect_dma semaphore(%dma_wait3A_380 : memref<!tpu.dma_semaphore, #tpu.memory_space<semaphore_mem>>) src(%arg14 : memref<80x128xf32, #tpu.memory_space<vmem>>) dst(%dma_wait3A_378 : memref<10240x128xf32, #tpu.memory_space<vmem_shared>>)
    %min3A_381 = arith.constant 125 : i32
    %min3A_382 = arith.constant 124 : i32
    %min3A_383 = arith.minsi %min3A_381, %min3A_382 : i32
    %mul3A_384 = arith.constant 10000 : i32
    %mul3A_385 = arith.muli %add3A, %mul3A_384 : i32
    %mul3A_386 = arith.constant 80 : i32
    %mul3A_387 = arith.muli %min3A_383, %mul3A_386 : i32
    %add3A_388 = arith.addi %mul3A_385, %mul3A_387 : i32
    %dma_start3A_389 = arith.constant 5 : i32
    %dma_start3A_390 = tpu.memref_slice %arg2[%add3A_388] : memref<320000xi32, #tpu.memory_space<hbm>> -> memref<80xi32, #tpu.memory_space<hbm>>
    %dma_start3A_391 = tpu.memref_slice %arg16[%dma_start3A_389] : memref<8x!tpu.dma_semaphore, #tpu.memory_space<semaphore_mem>> -> memref<1x!tpu.dma_semaphore, #tpu.memory_space<semaphore_mem>>
    %dma_start3A_392 = tpu.memref_squeeze %dma_start3A_391 : memref<1x!tpu.dma_semaphore, #tpu.memory_space<semaphore_mem>> -> memref<!tpu.dma_semaphore, #tpu.memory_space<semaphore_mem>>
    %dma_start3A_393 = tpu.memref_slice %arg2[%add3A_388] : memref<320000xi32, #tpu.memory_space<hbm>> -> memref<80xi32, #tpu.memory_space<hbm>>
    tpu.enqueue_dma source(%dma_start3A_393 : memref<80xi32, #tpu.memory_space<hbm>>) target(%arg11 : memref<80xi32, #tpu.memory_space<vmem>>) target_semaphore(%dma_start3A_392 : memref<!tpu.dma_semaphore, #tpu.memory_space<semaphore_mem>>)
    %min3A_394 = arith.constant 121 : i32
    %min3A_395 = arith.constant 124 : i32
    %min3A_396 = arith.minsi %min3A_394, %min3A_395 : i32
    %mul3A_397 = arith.constant 10000 : i32
    %mul3A_398 = arith.muli %add3A, %mul3A_397 : i32
    %mul3A_399 = arith.constant 80 : i32
    %mul3A_400 = arith.muli %min3A_396, %mul3A_399 : i32
    %add3A_401 = arith.addi %mul3A_398, %mul3A_400 : i32
    %dma_wait3A_402 = arith.constant 1 : i32
    %dma_wait3A_403 = tpu.memref_slice %arg2[%add3A_401] : memref<320000xi32, #tpu.memory_space<hbm>> -> memref<80xi32, #tpu.memory_space<hbm>>
    %dma_wait3A_404 = tpu.memref_slice %arg16[%dma_wait3A_402] : memref<8x!tpu.dma_semaphore, #tpu.memory_space<semaphore_mem>> -> memref<1x!tpu.dma_semaphore, #tpu.memory_space<semaphore_mem>>
    %dma_wait3A_405 = tpu.memref_squeeze %dma_wait3A_404 : memref<1x!tpu.dma_semaphore, #tpu.memory_space<semaphore_mem>> -> memref<!tpu.dma_semaphore, #tpu.memory_space<semaphore_mem>>
    %dma_wait3A_406 = tpu.memref_slice %arg2[%add3A_401] : memref<320000xi32, #tpu.memory_space<hbm>> -> memref<80xi32, #tpu.memory_space<hbm>>
    tpu.wait_dma2 semaphore(%dma_wait3A_405 : memref<!tpu.dma_semaphore, #tpu.memory_space<semaphore_mem>>) src(%dma_wait3A_406 : memref<80xi32, #tpu.memory_space<hbm>>) dst(%arg7 : memref<80xi32, #tpu.memory_space<vmem>>)
    %dma_start3A_407 = arith.constant 1 : i32
    %dma_start3A_408 = arith.constant 0 : i32
    %dma_start3A_409 = arith.constant 0 : i32
    %dma_start3A_410 = tpu.memref_slice %arg15[%dma_start3A_408, %dma_start3A_409] : memref<10240x128xf32, #tpu.memory_space<vmem_shared>> -> memref<10240x128xf32, #tpu.memory_space<vmem_shared>>
    %dma_start3A_411 = tpu.memref_slice %arg17[%dma_start3A_407] : memref<4x!tpu.dma_semaphore, #tpu.memory_space<semaphore_mem>> -> memref<1x!tpu.dma_semaphore, #tpu.memory_space<semaphore_mem>>
    %dma_start3A_412 = tpu.memref_squeeze %dma_start3A_411 : memref<1x!tpu.dma_semaphore, #tpu.memory_space<semaphore_mem>> -> memref<!tpu.dma_semaphore, #tpu.memory_space<semaphore_mem>>
    tpu.enqueue_indirect_dma source(%arg14 : memref<80x128xf32, #tpu.memory_space<vmem>>) target(%dma_start3A_410 : memref<10240x128xf32, #tpu.memory_space<vmem_shared>>) offsets(%arg7 : memref<80xi32, #tpu.memory_space<vmem>>) semaphore(%dma_start3A_412 : memref<!tpu.dma_semaphore, #tpu.memory_space<semaphore_mem>>) {add = true}
    %dma_wait3A_413 = arith.constant 2 : i32
    %dma_wait3A_414 = arith.constant 0 : i32
    %dma_wait3A_415 = arith.constant 0 : i32
    %dma_wait3A_416 = tpu.memref_slice %arg15[%dma_wait3A_414, %dma_wait3A_415] : memref<10240x128xf32, #tpu.memory_space<vmem_shared>> -> memref<10240x128xf32, #tpu.memory_space<vmem_shared>>
    %dma_wait3A_417 = tpu.memref_slice %arg17[%dma_wait3A_413] : memref<4x!tpu.dma_semaphore, #tpu.memory_space<semaphore_mem>> -> memref<1x!tpu.dma_semaphore, #tpu.memory_space<semaphore_mem>>
    %dma_wait3A_418 = tpu.memref_squeeze %dma_wait3A_417 : memref<1x!tpu.dma_semaphore, #tpu.memory_space<semaphore_mem>> -> memref<!tpu.dma_semaphore, #tpu.memory_space<semaphore_mem>>
    tpu.wait_indirect_dma semaphore(%dma_wait3A_418 : memref<!tpu.dma_semaphore, #tpu.memory_space<semaphore_mem>>) src(%arg14 : memref<80x128xf32, #tpu.memory_space<vmem>>) dst(%dma_wait3A_416 : memref<10240x128xf32, #tpu.memory_space<vmem_shared>>)
    %min3A_419 = arith.constant 126 : i32
    %min3A_420 = arith.constant 124 : i32
    %min3A_421 = arith.minsi %min3A_419, %min3A_420 : i32
    %mul3A_422 = arith.constant 10000 : i32
    %mul3A_423 = arith.muli %add3A, %mul3A_422 : i32
    %mul3A_424 = arith.constant 80 : i32
    %mul3A_425 = arith.muli %min3A_421, %mul3A_424 : i32
    %add3A_426 = arith.addi %mul3A_423, %mul3A_425 : i32
    %dma_start3A_427 = arith.constant 6 : i32
    %dma_start3A_428 = tpu.memref_slice %arg2[%add3A_426] : memref<320000xi32, #tpu.memory_space<hbm>> -> memref<80xi32, #tpu.memory_space<hbm>>
    %dma_start3A_429 = tpu.memref_slice %arg16[%dma_start3A_427] : memref<8x!tpu.dma_semaphore, #tpu.memory_space<semaphore_mem>> -> memref<1x!tpu.dma_semaphore, #tpu.memory_space<semaphore_mem>>
    %dma_start3A_430 = tpu.memref_squeeze %dma_start3A_429 : memref<1x!tpu.dma_semaphore, #tpu.memory_space<semaphore_mem>> -> memref<!tpu.dma_semaphore, #tpu.memory_space<semaphore_mem>>
    %dma_start3A_431 = tpu.memref_slice %arg2[%add3A_426] : memref<320000xi32, #tpu.memory_space<hbm>> -> memref<80xi32, #tpu.memory_space<hbm>>
    tpu.enqueue_dma source(%dma_start3A_431 : memref<80xi32, #tpu.memory_space<hbm>>) target(%arg12 : memref<80xi32, #tpu.memory_space<vmem>>) target_semaphore(%dma_start3A_430 : memref<!tpu.dma_semaphore, #tpu.memory_space<semaphore_mem>>)
    %min3A_432 = arith.constant 122 : i32
    %min3A_433 = arith.constant 124 : i32
    %min3A_434 = arith.minsi %min3A_432, %min3A_433 : i32
    %mul3A_435 = arith.constant 10000 : i32
    %mul3A_436 = arith.muli %add3A, %mul3A_435 : i32
    %mul3A_437 = arith.constant 80 : i32
    %mul3A_438 = arith.muli %min3A_434, %mul3A_437 : i32
    %add3A_439 = arith.addi %mul3A_436, %mul3A_438 : i32
    %dma_wait3A_440 = arith.constant 2 : i32
    %dma_wait3A_441 = tpu.memref_slice %arg2[%add3A_439] : memref<320000xi32, #tpu.memory_space<hbm>> -> memref<80xi32, #tpu.memory_space<hbm>>
    %dma_wait3A_442 = tpu.memref_slice %arg16[%dma_wait3A_440] : memref<8x!tpu.dma_semaphore, #tpu.memory_space<semaphore_mem>> -> memref<1x!tpu.dma_semaphore, #tpu.memory_space<semaphore_mem>>
    %dma_wait3A_443 = tpu.memref_squeeze %dma_wait3A_442 : memref<1x!tpu.dma_semaphore, #tpu.memory_space<semaphore_mem>> -> memref<!tpu.dma_semaphore, #tpu.memory_space<semaphore_mem>>
    %dma_wait3A_444 = tpu.memref_slice %arg2[%add3A_439] : memref<320000xi32, #tpu.memory_space<hbm>> -> memref<80xi32, #tpu.memory_space<hbm>>
    tpu.wait_dma2 semaphore(%dma_wait3A_443 : memref<!tpu.dma_semaphore, #tpu.memory_space<semaphore_mem>>) src(%dma_wait3A_444 : memref<80xi32, #tpu.memory_space<hbm>>) dst(%arg8 : memref<80xi32, #tpu.memory_space<vmem>>)
    %dma_start3A_445 = arith.constant 2 : i32
    %dma_start3A_446 = arith.constant 0 : i32
    %dma_start3A_447 = arith.constant 0 : i32
    %dma_start3A_448 = tpu.memref_slice %arg15[%dma_start3A_446, %dma_start3A_447] : memref<10240x128xf32, #tpu.memory_space<vmem_shared>> -> memref<10240x128xf32, #tpu.memory_space<vmem_shared>>
    %dma_start3A_449 = tpu.memref_slice %arg17[%dma_start3A_445] : memref<4x!tpu.dma_semaphore, #tpu.memory_space<semaphore_mem>> -> memref<1x!tpu.dma_semaphore, #tpu.memory_space<semaphore_mem>>
    %dma_start3A_450 = tpu.memref_squeeze %dma_start3A_449 : memref<1x!tpu.dma_semaphore, #tpu.memory_space<semaphore_mem>> -> memref<!tpu.dma_semaphore, #tpu.memory_space<semaphore_mem>>
    tpu.enqueue_indirect_dma source(%arg14 : memref<80x128xf32, #tpu.memory_space<vmem>>) target(%dma_start3A_448 : memref<10240x128xf32, #tpu.memory_space<vmem_shared>>) offsets(%arg8 : memref<80xi32, #tpu.memory_space<vmem>>) semaphore(%dma_start3A_450 : memref<!tpu.dma_semaphore, #tpu.memory_space<semaphore_mem>>) {add = true}
    %dma_wait3A_451 = arith.constant 3 : i32
    %dma_wait3A_452 = arith.constant 0 : i32
    %dma_wait3A_453 = arith.constant 0 : i32
    %dma_wait3A_454 = tpu.memref_slice %arg15[%dma_wait3A_452, %dma_wait3A_453] : memref<10240x128xf32, #tpu.memory_space<vmem_shared>> -> memref<10240x128xf32, #tpu.memory_space<vmem_shared>>
    %dma_wait3A_455 = tpu.memref_slice %arg17[%dma_wait3A_451] : memref<4x!tpu.dma_semaphore, #tpu.memory_space<semaphore_mem>> -> memref<1x!tpu.dma_semaphore, #tpu.memory_space<semaphore_mem>>
    %dma_wait3A_456 = tpu.memref_squeeze %dma_wait3A_455 : memref<1x!tpu.dma_semaphore, #tpu.memory_space<semaphore_mem>> -> memref<!tpu.dma_semaphore, #tpu.memory_space<semaphore_mem>>
    tpu.wait_indirect_dma semaphore(%dma_wait3A_456 : memref<!tpu.dma_semaphore, #tpu.memory_space<semaphore_mem>>) src(%arg14 : memref<80x128xf32, #tpu.memory_space<vmem>>) dst(%dma_wait3A_454 : memref<10240x128xf32, #tpu.memory_space<vmem_shared>>)
    %min3A_457 = arith.constant 127 : i32
    %min3A_458 = arith.constant 124 : i32
    %min3A_459 = arith.minsi %min3A_457, %min3A_458 : i32
    %mul3A_460 = arith.constant 10000 : i32
    %mul3A_461 = arith.muli %add3A, %mul3A_460 : i32
    %mul3A_462 = arith.constant 80 : i32
    %mul3A_463 = arith.muli %min3A_459, %mul3A_462 : i32
    %add3A_464 = arith.addi %mul3A_461, %mul3A_463 : i32
    %dma_start3A_465 = arith.constant 7 : i32
    %dma_start3A_466 = tpu.memref_slice %arg2[%add3A_464] : memref<320000xi32, #tpu.memory_space<hbm>> -> memref<80xi32, #tpu.memory_space<hbm>>
    %dma_start3A_467 = tpu.memref_slice %arg16[%dma_start3A_465] : memref<8x!tpu.dma_semaphore, #tpu.memory_space<semaphore_mem>> -> memref<1x!tpu.dma_semaphore, #tpu.memory_space<semaphore_mem>>
    %dma_start3A_468 = tpu.memref_squeeze %dma_start3A_467 : memref<1x!tpu.dma_semaphore, #tpu.memory_space<semaphore_mem>> -> memref<!tpu.dma_semaphore, #tpu.memory_space<semaphore_mem>>
    %dma_start3A_469 = tpu.memref_slice %arg2[%add3A_464] : memref<320000xi32, #tpu.memory_space<hbm>> -> memref<80xi32, #tpu.memory_space<hbm>>
    tpu.enqueue_dma source(%dma_start3A_469 : memref<80xi32, #tpu.memory_space<hbm>>) target(%arg13 : memref<80xi32, #tpu.memory_space<vmem>>) target_semaphore(%dma_start3A_468 : memref<!tpu.dma_semaphore, #tpu.memory_space<semaphore_mem>>)
    %min3A_470 = arith.constant 123 : i32
    %min3A_471 = arith.constant 124 : i32
    %min3A_472 = arith.minsi %min3A_470, %min3A_471 : i32
    %mul3A_473 = arith.constant 10000 : i32
    %mul3A_474 = arith.muli %add3A, %mul3A_473 : i32
    %mul3A_475 = arith.constant 80 : i32
    %mul3A_476 = arith.muli %min3A_472, %mul3A_475 : i32
    %add3A_477 = arith.addi %mul3A_474, %mul3A_476 : i32
    %dma_wait3A_478 = arith.constant 3 : i32
    %dma_wait3A_479 = tpu.memref_slice %arg2[%add3A_477] : memref<320000xi32, #tpu.memory_space<hbm>> -> memref<80xi32, #tpu.memory_space<hbm>>
    %dma_wait3A_480 = tpu.memref_slice %arg16[%dma_wait3A_478] : memref<8x!tpu.dma_semaphore, #tpu.memory_space<semaphore_mem>> -> memref<1x!tpu.dma_semaphore, #tpu.memory_space<semaphore_mem>>
    %dma_wait3A_481 = tpu.memref_squeeze %dma_wait3A_480 : memref<1x!tpu.dma_semaphore, #tpu.memory_space<semaphore_mem>> -> memref<!tpu.dma_semaphore, #tpu.memory_space<semaphore_mem>>
    %dma_wait3A_482 = tpu.memref_slice %arg2[%add3A_477] : memref<320000xi32, #tpu.memory_space<hbm>> -> memref<80xi32, #tpu.memory_space<hbm>>
    tpu.wait_dma2 semaphore(%dma_wait3A_481 : memref<!tpu.dma_semaphore, #tpu.memory_space<semaphore_mem>>) src(%dma_wait3A_482 : memref<80xi32, #tpu.memory_space<hbm>>) dst(%arg9 : memref<80xi32, #tpu.memory_space<vmem>>)
    %dma_start3A_483 = arith.constant 3 : i32
    %dma_start3A_484 = arith.constant 0 : i32
    %dma_start3A_485 = arith.constant 0 : i32
    %dma_start3A_486 = tpu.memref_slice %arg15[%dma_start3A_484, %dma_start3A_485] : memref<10240x128xf32, #tpu.memory_space<vmem_shared>> -> memref<10240x128xf32, #tpu.memory_space<vmem_shared>>
    %dma_start3A_487 = tpu.memref_slice %arg17[%dma_start3A_483] : memref<4x!tpu.dma_semaphore, #tpu.memory_space<semaphore_mem>> -> memref<1x!tpu.dma_semaphore, #tpu.memory_space<semaphore_mem>>
    %dma_start3A_488 = tpu.memref_squeeze %dma_start3A_487 : memref<1x!tpu.dma_semaphore, #tpu.memory_space<semaphore_mem>> -> memref<!tpu.dma_semaphore, #tpu.memory_space<semaphore_mem>>
    tpu.enqueue_indirect_dma source(%arg14 : memref<80x128xf32, #tpu.memory_space<vmem>>) target(%dma_start3A_486 : memref<10240x128xf32, #tpu.memory_space<vmem_shared>>) offsets(%arg9 : memref<80xi32, #tpu.memory_space<vmem>>) semaphore(%dma_start3A_488 : memref<!tpu.dma_semaphore, #tpu.memory_space<semaphore_mem>>) {add = true}
    %dma_wait3A_489 = arith.constant 0 : i32
    %dma_wait3A_490 = arith.constant 0 : i32
    %dma_wait3A_491 = arith.constant 0 : i32
    %dma_wait3A_492 = tpu.memref_slice %arg15[%dma_wait3A_490, %dma_wait3A_491] : memref<10240x128xf32, #tpu.memory_space<vmem_shared>> -> memref<10240x128xf32, #tpu.memory_space<vmem_shared>>
    %dma_wait3A_493 = tpu.memref_slice %arg17[%dma_wait3A_489] : memref<4x!tpu.dma_semaphore, #tpu.memory_space<semaphore_mem>> -> memref<1x!tpu.dma_semaphore, #tpu.memory_space<semaphore_mem>>
    %dma_wait3A_494 = tpu.memref_squeeze %dma_wait3A_493 : memref<1x!tpu.dma_semaphore, #tpu.memory_space<semaphore_mem>> -> memref<!tpu.dma_semaphore, #tpu.memory_space<semaphore_mem>>
    tpu.wait_indirect_dma semaphore(%dma_wait3A_494 : memref<!tpu.dma_semaphore, #tpu.memory_space<semaphore_mem>>) src(%arg14 : memref<80x128xf32, #tpu.memory_space<vmem>>) dst(%dma_wait3A_492 : memref<10240x128xf32, #tpu.memory_space<vmem_shared>>)
    %min3A_495 = arith.constant 128 : i32
    %min3A_496 = arith.constant 124 : i32
    %min3A_497 = arith.minsi %min3A_495, %min3A_496 : i32
    %mul3A_498 = arith.constant 10000 : i32
    %mul3A_499 = arith.muli %add3A, %mul3A_498 : i32
    %mul3A_500 = arith.constant 80 : i32
    %mul3A_501 = arith.muli %min3A_497, %mul3A_500 : i32
    %add3A_502 = arith.addi %mul3A_499, %mul3A_501 : i32
    %dma_start3A_503 = arith.constant 0 : i32
    %dma_start3A_504 = tpu.memref_slice %arg2[%add3A_502] : memref<320000xi32, #tpu.memory_space<hbm>> -> memref<80xi32, #tpu.memory_space<hbm>>
    %dma_start3A_505 = tpu.memref_slice %arg16[%dma_start3A_503] : memref<8x!tpu.dma_semaphore, #tpu.memory_space<semaphore_mem>> -> memref<1x!tpu.dma_semaphore, #tpu.memory_space<semaphore_mem>>
    %dma_start3A_506 = tpu.memref_squeeze %dma_start3A_505 : memref<1x!tpu.dma_semaphore, #tpu.memory_space<semaphore_mem>> -> memref<!tpu.dma_semaphore, #tpu.memory_space<semaphore_mem>>
    %dma_start3A_507 = tpu.memref_slice %arg2[%add3A_502] : memref<320000xi32, #tpu.memory_space<hbm>> -> memref<80xi32, #tpu.memory_space<hbm>>
    tpu.enqueue_dma source(%dma_start3A_507 : memref<80xi32, #tpu.memory_space<hbm>>) target(%arg6 : memref<80xi32, #tpu.memory_space<vmem>>) target_semaphore(%dma_start3A_506 : memref<!tpu.dma_semaphore, #tpu.memory_space<semaphore_mem>>)
    %min3A_508 = arith.constant 124 : i32
    %min3A_509 = arith.constant 124 : i32
    %min3A_510 = arith.minsi %min3A_508, %min3A_509 : i32
    %mul3A_511 = arith.constant 10000 : i32
    %mul3A_512 = arith.muli %add3A, %mul3A_511 : i32
    %mul3A_513 = arith.constant 80 : i32
    %mul3A_514 = arith.muli %min3A_510, %mul3A_513 : i32
    %add3A_515 = arith.addi %mul3A_512, %mul3A_514 : i32
    %dma_wait3A_516 = arith.constant 4 : i32
    %dma_wait3A_517 = tpu.memref_slice %arg2[%add3A_515] : memref<320000xi32, #tpu.memory_space<hbm>> -> memref<80xi32, #tpu.memory_space<hbm>>
    %dma_wait3A_518 = tpu.memref_slice %arg16[%dma_wait3A_516] : memref<8x!tpu.dma_semaphore, #tpu.memory_space<semaphore_mem>> -> memref<1x!tpu.dma_semaphore, #tpu.memory_space<semaphore_mem>>
    %dma_wait3A_519 = tpu.memref_squeeze %dma_wait3A_518 : memref<1x!tpu.dma_semaphore, #tpu.memory_space<semaphore_mem>> -> memref<!tpu.dma_semaphore, #tpu.memory_space<semaphore_mem>>
    %dma_wait3A_520 = tpu.memref_slice %arg2[%add3A_515] : memref<320000xi32, #tpu.memory_space<hbm>> -> memref<80xi32, #tpu.memory_space<hbm>>
    tpu.wait_dma2 semaphore(%dma_wait3A_519 : memref<!tpu.dma_semaphore, #tpu.memory_space<semaphore_mem>>) src(%dma_wait3A_520 : memref<80xi32, #tpu.memory_space<hbm>>) dst(%arg10 : memref<80xi32, #tpu.memory_space<vmem>>)
    %dma_start3A_521 = arith.constant 0 : i32
    %dma_start3A_522 = arith.constant 0 : i32
    %dma_start3A_523 = arith.constant 0 : i32
    %dma_start3A_524 = tpu.memref_slice %arg15[%dma_start3A_522, %dma_start3A_523] : memref<10240x128xf32, #tpu.memory_space<vmem_shared>> -> memref<10240x128xf32, #tpu.memory_space<vmem_shared>>
    %dma_start3A_525 = tpu.memref_slice %arg17[%dma_start3A_521] : memref<4x!tpu.dma_semaphore, #tpu.memory_space<semaphore_mem>> -> memref<1x!tpu.dma_semaphore, #tpu.memory_space<semaphore_mem>>
    %dma_start3A_526 = tpu.memref_squeeze %dma_start3A_525 : memref<1x!tpu.dma_semaphore, #tpu.memory_space<semaphore_mem>> -> memref<!tpu.dma_semaphore, #tpu.memory_space<semaphore_mem>>
    tpu.enqueue_indirect_dma source(%arg14 : memref<80x128xf32, #tpu.memory_space<vmem>>) target(%dma_start3A_524 : memref<10240x128xf32, #tpu.memory_space<vmem_shared>>) offsets(%arg10 : memref<80xi32, #tpu.memory_space<vmem>>) semaphore(%dma_start3A_526 : memref<!tpu.dma_semaphore, #tpu.memory_space<semaphore_mem>>) {add = true}
    %dma_wait3A_527 = arith.constant 1 : i32
    %dma_wait3A_528 = arith.constant 0 : i32
    %dma_wait3A_529 = arith.constant 0 : i32
    %dma_wait3A_530 = tpu.memref_slice %arg15[%dma_wait3A_528, %dma_wait3A_529] : memref<10240x128xf32, #tpu.memory_space<vmem_shared>> -> memref<10240x128xf32, #tpu.memory_space<vmem_shared>>
    %dma_wait3A_531 = tpu.memref_slice %arg17[%dma_wait3A_527] : memref<4x!tpu.dma_semaphore, #tpu.memory_space<semaphore_mem>> -> memref<1x!tpu.dma_semaphore, #tpu.memory_space<semaphore_mem>>
    %dma_wait3A_532 = tpu.memref_squeeze %dma_wait3A_531 : memref<1x!tpu.dma_semaphore, #tpu.memory_space<semaphore_mem>> -> memref<!tpu.dma_semaphore, #tpu.memory_space<semaphore_mem>>
    tpu.wait_indirect_dma semaphore(%dma_wait3A_532 : memref<!tpu.dma_semaphore, #tpu.memory_space<semaphore_mem>>) src(%arg14 : memref<80x128xf32, #tpu.memory_space<vmem>>) dst(%dma_wait3A_530 : memref<10240x128xf32, #tpu.memory_space<vmem_shared>>)
    %dma_wait3A_533 = arith.constant 2 : i32
    %dma_wait3A_534 = arith.constant 0 : i32
    %dma_wait3A_535 = arith.constant 0 : i32
    %dma_wait3A_536 = tpu.memref_slice %arg15[%dma_wait3A_534, %dma_wait3A_535] : memref<10240x128xf32, #tpu.memory_space<vmem_shared>> -> memref<10240x128xf32, #tpu.memory_space<vmem_shared>>
    %dma_wait3A_537 = tpu.memref_slice %arg17[%dma_wait3A_533] : memref<4x!tpu.dma_semaphore, #tpu.memory_space<semaphore_mem>> -> memref<1x!tpu.dma_semaphore, #tpu.memory_space<semaphore_mem>>
    %dma_wait3A_538 = tpu.memref_squeeze %dma_wait3A_537 : memref<1x!tpu.dma_semaphore, #tpu.memory_space<semaphore_mem>> -> memref<!tpu.dma_semaphore, #tpu.memory_space<semaphore_mem>>
    tpu.wait_indirect_dma semaphore(%dma_wait3A_538 : memref<!tpu.dma_semaphore, #tpu.memory_space<semaphore_mem>>) src(%arg14 : memref<80x128xf32, #tpu.memory_space<vmem>>) dst(%dma_wait3A_536 : memref<10240x128xf32, #tpu.memory_space<vmem_shared>>)
    %dma_wait3A_539 = arith.constant 3 : i32
    %dma_wait3A_540 = arith.constant 0 : i32
    %dma_wait3A_541 = arith.constant 0 : i32
    %dma_wait3A_542 = tpu.memref_slice %arg15[%dma_wait3A_540, %dma_wait3A_541] : memref<10240x128xf32, #tpu.memory_space<vmem_shared>> -> memref<10240x128xf32, #tpu.memory_space<vmem_shared>>
    %dma_wait3A_543 = tpu.memref_slice %arg17[%dma_wait3A_539] : memref<4x!tpu.dma_semaphore, #tpu.memory_space<semaphore_mem>> -> memref<1x!tpu.dma_semaphore, #tpu.memory_space<semaphore_mem>>
    %dma_wait3A_544 = tpu.memref_squeeze %dma_wait3A_543 : memref<1x!tpu.dma_semaphore, #tpu.memory_space<semaphore_mem>> -> memref<!tpu.dma_semaphore, #tpu.memory_space<semaphore_mem>>
    tpu.wait_indirect_dma semaphore(%dma_wait3A_544 : memref<!tpu.dma_semaphore, #tpu.memory_space<semaphore_mem>>) src(%arg14 : memref<80x128xf32, #tpu.memory_space<vmem>>) dst(%dma_wait3A_542 : memref<10240x128xf32, #tpu.memory_space<vmem_shared>>)
    %dma_wait3A_545 = arith.constant 0 : i32
    %dma_wait3A_546 = arith.constant 0 : i32
    %dma_wait3A_547 = arith.constant 0 : i32
    %dma_wait3A_548 = tpu.memref_slice %arg15[%dma_wait3A_546, %dma_wait3A_547] : memref<10240x128xf32, #tpu.memory_space<vmem_shared>> -> memref<10240x128xf32, #tpu.memory_space<vmem_shared>>
    %dma_wait3A_549 = tpu.memref_slice %arg17[%dma_wait3A_545] : memref<4x!tpu.dma_semaphore, #tpu.memory_space<semaphore_mem>> -> memref<1x!tpu.dma_semaphore, #tpu.memory_space<semaphore_mem>>
    %dma_wait3A_550 = tpu.memref_squeeze %dma_wait3A_549 : memref<1x!tpu.dma_semaphore, #tpu.memory_space<semaphore_mem>> -> memref<!tpu.dma_semaphore, #tpu.memory_space<semaphore_mem>>
    tpu.wait_indirect_dma semaphore(%dma_wait3A_550 : memref<!tpu.dma_semaphore, #tpu.memory_space<semaphore_mem>>) src(%arg14 : memref<80x128xf32, #tpu.memory_space<vmem>>) dst(%dma_wait3A_548 : memref<10240x128xf32, #tpu.memory_space<vmem_shared>>)
    %min3A_551 = arith.constant 125 : i32
    %min3A_552 = arith.constant 124 : i32
    %min3A_553 = arith.minsi %min3A_551, %min3A_552 : i32
    %mul3A_554 = arith.constant 10000 : i32
    %mul3A_555 = arith.muli %add3A, %mul3A_554 : i32
    %mul3A_556 = arith.constant 80 : i32
    %mul3A_557 = arith.muli %min3A_553, %mul3A_556 : i32
    %add3A_558 = arith.addi %mul3A_555, %mul3A_557 : i32
    %dma_wait3A_559 = arith.constant 5 : i32
    %dma_wait3A_560 = tpu.memref_slice %arg2[%add3A_558] : memref<320000xi32, #tpu.memory_space<hbm>> -> memref<80xi32, #tpu.memory_space<hbm>>
    %dma_wait3A_561 = tpu.memref_slice %arg16[%dma_wait3A_559] : memref<8x!tpu.dma_semaphore, #tpu.memory_space<semaphore_mem>> -> memref<1x!tpu.dma_semaphore, #tpu.memory_space<semaphore_mem>>
    %dma_wait3A_562 = tpu.memref_squeeze %dma_wait3A_561 : memref<1x!tpu.dma_semaphore, #tpu.memory_space<semaphore_mem>> -> memref<!tpu.dma_semaphore, #tpu.memory_space<semaphore_mem>>
    %dma_wait3A_563 = tpu.memref_slice %arg2[%add3A_558] : memref<320000xi32, #tpu.memory_space<hbm>> -> memref<80xi32, #tpu.memory_space<hbm>>
    tpu.wait_dma2 semaphore(%dma_wait3A_562 : memref<!tpu.dma_semaphore, #tpu.memory_space<semaphore_mem>>) src(%dma_wait3A_563 : memref<80xi32, #tpu.memory_space<hbm>>) dst(%arg11 : memref<80xi32, #tpu.memory_space<vmem>>)
    %min3A_564 = arith.constant 126 : i32
    %min3A_565 = arith.constant 124 : i32
    %min3A_566 = arith.minsi %min3A_564, %min3A_565 : i32
    %mul3A_567 = arith.constant 10000 : i32
    %mul3A_568 = arith.muli %add3A, %mul3A_567 : i32
    %mul3A_569 = arith.constant 80 : i32
    %mul3A_570 = arith.muli %min3A_566, %mul3A_569 : i32
    %add3A_571 = arith.addi %mul3A_568, %mul3A_570 : i32
    %dma_wait3A_572 = arith.constant 6 : i32
    %dma_wait3A_573 = tpu.memref_slice %arg2[%add3A_571] : memref<320000xi32, #tpu.memory_space<hbm>> -> memref<80xi32, #tpu.memory_space<hbm>>
    %dma_wait3A_574 = tpu.memref_slice %arg16[%dma_wait3A_572] : memref<8x!tpu.dma_semaphore, #tpu.memory_space<semaphore_mem>> -> memref<1x!tpu.dma_semaphore, #tpu.memory_space<semaphore_mem>>
    %dma_wait3A_575 = tpu.memref_squeeze %dma_wait3A_574 : memref<1x!tpu.dma_semaphore, #tpu.memory_space<semaphore_mem>> -> memref<!tpu.dma_semaphore, #tpu.memory_space<semaphore_mem>>
    %dma_wait3A_576 = tpu.memref_slice %arg2[%add3A_571] : memref<320000xi32, #tpu.memory_space<hbm>> -> memref<80xi32, #tpu.memory_space<hbm>>
    tpu.wait_dma2 semaphore(%dma_wait3A_575 : memref<!tpu.dma_semaphore, #tpu.memory_space<semaphore_mem>>) src(%dma_wait3A_576 : memref<80xi32, #tpu.memory_space<hbm>>) dst(%arg12 : memref<80xi32, #tpu.memory_space<vmem>>)
    %min3A_577 = arith.constant 127 : i32
    %min3A_578 = arith.constant 124 : i32
    %min3A_579 = arith.minsi %min3A_577, %min3A_578 : i32
    %mul3A_580 = arith.constant 10000 : i32
    %mul3A_581 = arith.muli %add3A, %mul3A_580 : i32
    %mul3A_582 = arith.constant 80 : i32
    %mul3A_583 = arith.muli %min3A_579, %mul3A_582 : i32
    %add3A_584 = arith.addi %mul3A_581, %mul3A_583 : i32
    %dma_wait3A_585 = arith.constant 7 : i32
    %dma_wait3A_586 = tpu.memref_slice %arg2[%add3A_584] : memref<320000xi32, #tpu.memory_space<hbm>> -> memref<80xi32, #tpu.memory_space<hbm>>
    %dma_wait3A_587 = tpu.memref_slice %arg16[%dma_wait3A_585] : memref<8x!tpu.dma_semaphore, #tpu.memory_space<semaphore_mem>> -> memref<1x!tpu.dma_semaphore, #tpu.memory_space<semaphore_mem>>
    %dma_wait3A_588 = tpu.memref_squeeze %dma_wait3A_587 : memref<1x!tpu.dma_semaphore, #tpu.memory_space<semaphore_mem>> -> memref<!tpu.dma_semaphore, #tpu.memory_space<semaphore_mem>>
    %dma_wait3A_589 = tpu.memref_slice %arg2[%add3A_584] : memref<320000xi32, #tpu.memory_space<hbm>> -> memref<80xi32, #tpu.memory_space<hbm>>
    tpu.wait_dma2 semaphore(%dma_wait3A_588 : memref<!tpu.dma_semaphore, #tpu.memory_space<semaphore_mem>>) src(%dma_wait3A_589 : memref<80xi32, #tpu.memory_space<hbm>>) dst(%arg13 : memref<80xi32, #tpu.memory_space<vmem>>)
    %min3A_590 = arith.constant 128 : i32
    %min3A_591 = arith.constant 124 : i32
    %min3A_592 = arith.minsi %min3A_590, %min3A_591 : i32
    %mul3A_593 = arith.constant 10000 : i32
    %mul3A_594 = arith.muli %add3A, %mul3A_593 : i32
    %mul3A_595 = arith.constant 80 : i32
    %mul3A_596 = arith.muli %min3A_592, %mul3A_595 : i32
    %add3A_597 = arith.addi %mul3A_594, %mul3A_596 : i32
    %dma_wait3A_598 = arith.constant 0 : i32
    %dma_wait3A_599 = tpu.memref_slice %arg2[%add3A_597] : memref<320000xi32, #tpu.memory_space<hbm>> -> memref<80xi32, #tpu.memory_space<hbm>>
    %dma_wait3A_600 = tpu.memref_slice %arg16[%dma_wait3A_598] : memref<8x!tpu.dma_semaphore, #tpu.memory_space<semaphore_mem>> -> memref<1x!tpu.dma_semaphore, #tpu.memory_space<semaphore_mem>>
    %dma_wait3A_601 = tpu.memref_squeeze %dma_wait3A_600 : memref<1x!tpu.dma_semaphore, #tpu.memory_space<semaphore_mem>> -> memref<!tpu.dma_semaphore, #tpu.memory_space<semaphore_mem>>
    %dma_wait3A_602 = tpu.memref_slice %arg2[%add3A_597] : memref<320000xi32, #tpu.memory_space<hbm>> -> memref<80xi32, #tpu.memory_space<hbm>>
    tpu.wait_dma2 semaphore(%dma_wait3A_601 : memref<!tpu.dma_semaphore, #tpu.memory_space<semaphore_mem>>) src(%dma_wait3A_602 : memref<80xi32, #tpu.memory_space<hbm>>) dst(%arg6 : memref<80xi32, #tpu.memory_space<vmem>>)
    %barrier3A_603 = arith.constant 0 : index
    tpu.barrier barrier_id(%barrier3A_603)
    %mul3A_604 = arith.constant 640 : i32
    %mul3A_605 = arith.muli %arg1, %mul3A_604 : i32
    %mul3A_606 = arith.constant 640 : i32
    %mul3A_607 = arith.muli %arg1, %mul3A_606 : i32
    "tpu.region"() ({
      %run_scoped3A = tpu.sem_alloc : memref<!tpu.dma_semaphore, #tpu.memory_space<semaphore_mem>>
      %dma_start3A_608 = arith.constant 0 : i32
      %dma_start3A_609 = tpu.memref_slice %arg5[%arg0, %mul3A_607, %dma_start3A_608] : memref<2x10240x128xf32, #tpu.memory_space<hbm>> -> memref<1x640x128xf32, #tpu.memory_space<hbm>>
      %dma_start3A_610 = tpu.memref_squeeze %dma_start3A_609 : memref<1x640x128xf32, #tpu.memory_space<hbm>> -> memref<640x128xf32, #tpu.memory_space<hbm>>
      %dma_start3A_611 = arith.constant 0 : i32
      %dma_start3A_612 = tpu.memref_slice %arg15[%mul3A_605, %dma_start3A_611] : memref<10240x128xf32, #tpu.memory_space<vmem_shared>> -> memref<640x128xf32, #tpu.memory_space<vmem_shared>>
      tpu.enqueue_dma source(%dma_start3A_612 : memref<640x128xf32, #tpu.memory_space<vmem_shared>>) target(%dma_start3A_610 : memref<640x128xf32, #tpu.memory_space<hbm>>) target_semaphore(%run_scoped3A : memref<!tpu.dma_semaphore, #tpu.memory_space<semaphore_mem>>)
      %dma_wait3A_613 = arith.constant 0 : i32
      %dma_wait3A_614 = tpu.memref_slice %arg5[%arg0, %mul3A_607, %dma_wait3A_613] : memref<2x10240x128xf32, #tpu.memory_space<hbm>> -> memref<1x640x128xf32, #tpu.memory_space<hbm>>
      %dma_wait3A_615 = tpu.memref_squeeze %dma_wait3A_614 : memref<1x640x128xf32, #tpu.memory_space<hbm>> -> memref<640x128xf32, #tpu.memory_space<hbm>>
      %dma_wait3A_616 = arith.constant 0 : i32
      %dma_wait3A_617 = tpu.memref_slice %arg15[%mul3A_605, %dma_wait3A_616] : memref<10240x128xf32, #tpu.memory_space<vmem_shared>> -> memref<640x128xf32, #tpu.memory_space<vmem_shared>>
      tpu.wait_dma2 semaphore(%run_scoped3A : memref<!tpu.dma_semaphore, #tpu.memory_space<semaphore_mem>>) src(%dma_wait3A_617 : memref<640x128xf32, #tpu.memory_space<vmem_shared>>) dst(%dma_wait3A_615 : memref<640x128xf32, #tpu.memory_space<hbm>>)
      tpu.yield
    }) : () -> ()
    return
  }
}

module attributes {stable_mosaic.version = 14 : i64} {
  func.func @_tc_embed_body(%arg0: i32, %arg1: memref<2000x128xf32, #tpu.memory_space<vmem>>, %arg2: memref<128x128xf32, #tpu.memory_space<vmem>>, %arg3: memref<1x128xf32, #tpu.memory_space<vmem>>, %arg4: memref<1x128xf32, #tpu.memory_space<vmem>>, %arg5: memref<1x128xf32, #tpu.memory_space<vmem>>, %arg6: memref<2x2000x128xf32, #tpu.memory_space<vmem>>, %arg7: memref<2000x128xf32, #tpu.memory_space<vmem>>, %arg8: memref<2000x1xf32, #tpu.memory_space<vmem>>) attributes {dimension_semantics = [#tpu.dimension_semantics<arbitrary>], iteration_bounds = array<i64: 5>, scalar_prefetch = 0 : i64, scratch_operands = 0 : i64, tpu.core_type = #tpu.core_type<tc>, window_params = [{transform_indices = @transform_0, window_bounds = array<i64: 2000, 128>}, {pipeline_mode = #tpu.pipeline_mode<synchronous>, transform_indices = @transform_1, window_bounds = array<i64: 128, 128>}, {pipeline_mode = #tpu.pipeline_mode<synchronous>, transform_indices = @transform_2, window_bounds = array<i64: 1, 128>}, {pipeline_mode = #tpu.pipeline_mode<synchronous>, transform_indices = @transform_3, window_bounds = array<i64: 1, 128>}, {pipeline_mode = #tpu.pipeline_mode<synchronous>, transform_indices = @transform_4, window_bounds = array<i64: 1, 128>}, {transform_indices = @transform_5, window_bounds = array<i64: 2, 2000, 128>}, {transform_indices = @transform_6, window_bounds = array<i64: 2000, 128>}, {transform_indices = @transform_7, window_bounds = array<i64: 2000, 1>}]} {
    %get3A = arith.constant 0 : index
    %get3A_0 = arith.constant 0 : index
    %get3A_1 = vector.load %arg1[%get3A, %get3A_0] : memref<2000x128xf32, #tpu.memory_space<vmem>>, vector<2000x128xf32>
    %get3A_2 = arith.constant 0 : index
    %get3A_3 = arith.constant 0 : index
    %get3A_4 = vector.load %arg2[%get3A_2, %get3A_3] : memref<128x128xf32, #tpu.memory_space<vmem>>, vector<128x128xf32>
    %dot_general3A = arith.constant dense<0.000000e+00> : vector<2000x128xf32>
    %dot_general3A_5 = tpu.matmul %get3A_1, %get3A_4, %dot_general3A {dimension_numbers = #tpu.dot_dimension_numbers<[1], [0], [0], [1], [0, 0, 1, 1], [], []>, transpose_lhs_hint = false} : vector<2000x128xf32>, vector<128x128xf32>, vector<2000x128xf32> -> vector<2000x128xf32>
    %get3A_6 = arith.constant 0 : index
    %get3A_7 = arith.constant 0 : index
    %get3A_8 = vector.load %arg3[%get3A_6, %get3A_7] : memref<1x128xf32, #tpu.memory_space<vmem>>, vector<1x128xf32>
    %add3A = vector.broadcast %get3A_8 : vector<1x128xf32> to vector<2000x128xf32>
    %add3A_9 = arith.addf %dot_general3A_5, %add3A : vector<2000x128xf32>
    %max3A = arith.constant 0.000000e+00 : f32
    %max3A_10 = vector.broadcast %max3A : f32 to vector<2000x128xf32>
    %max3A_11 = arith.maximumf %add3A_9, %max3A_10 : vector<2000x128xf32>
    %get3A_12 = arith.constant 0 : index
    %get3A_13 = arith.constant 0 : index
    %get3A_14 = vector.load %arg4[%get3A_12, %get3A_13] : memref<1x128xf32, #tpu.memory_space<vmem>>, vector<1x128xf32>
    %mul3A = arith.constant 0.999994993 : f32
    %mul3A_15 = vector.broadcast %mul3A : f32 to vector<1x128xf32>
    %mul3A_16 = arith.mulf %get3A_14, %mul3A_15 : vector<1x128xf32>
    %mul3A_17 = vector.broadcast %mul3A_16 : vector<1x128xf32> to vector<2000x128xf32>
    %mul3A_18 = arith.mulf %max3A_11, %mul3A_17 : vector<2000x128xf32>
    %get3A_19 = arith.constant 0 : index
    %get3A_20 = arith.constant 0 : index
    %get3A_21 = vector.load %arg5[%get3A_19, %get3A_20] : memref<1x128xf32, #tpu.memory_space<vmem>>, vector<1x128xf32>
    %add3A_22 = vector.broadcast %get3A_21 : vector<1x128xf32> to vector<2000x128xf32>
    %add3A_23 = arith.addf %mul3A_18, %add3A_22 : vector<2000x128xf32>
    %get3A_24 = arith.constant 0 : index
    %get3A_25 = arith.constant 0 : index
    %get3A_26 = arith.constant 0 : index
    %get3A_27 = vector.load %arg6[%get3A_24, %get3A_25, %get3A_26] : memref<2x2000x128xf32, #tpu.memory_space<vmem>>, vector<1x2000x1xf32>
    %get3A_28 = vector.shape_cast %get3A_27 : vector<1x2000x1xf32> to vector<2000x1xf32>
    %get3A_29 = arith.constant 1 : index
    %get3A_30 = arith.constant 0 : index
    %get3A_31 = arith.constant 0 : index
    %get3A_32 = vector.load %arg6[%get3A_29, %get3A_30, %get3A_31] : memref<2x2000x128xf32, #tpu.memory_space<vmem>>, vector<1x2000x1xf32>
    %get3A_33 = vector.shape_cast %get3A_32 : vector<1x2000x1xf32> to vector<2000x1xf32>
    %add3A_34 = arith.addf %get3A_28, %get3A_33 : vector<2000x1xf32>
    %add3A_35 = arith.constant 1.000000e+00 : f32
    %add3A_36 = vector.broadcast %add3A_35 : f32 to vector<2000x1xf32>
    %add3A_37 = arith.addf %add3A_34, %add3A_36 : vector<2000x1xf32>
    %rsqrt3A = math.rsqrt %add3A_37 : vector<2000x1xf32>
    %swap3A = arith.constant 0 : index
    %swap3A_38 = arith.constant 0 : index
    %swap3A_39 = vector.load %arg8[%swap3A, %swap3A_38] : memref<2000x1xf32, #tpu.memory_space<vmem>>, vector<2000x1xf32>
    tpu.vector_store %arg8[%swap3A, %swap3A_38], %rsqrt3A {strides = array<i32>} : memref<2000x1xf32, #tpu.memory_space<vmem>>, vector<2000x1xf32>,
    %mul3A_40 = vector.broadcast %rsqrt3A : vector<2000x1xf32> to vector<2000x128xf32>
    %mul3A_41 = arith.mulf %add3A_23, %mul3A_40 : vector<2000x128xf32>
    %swap3A_42 = arith.constant 0 : index
    %swap3A_43 = arith.constant 0 : index
    %swap3A_44 = vector.load %arg7[%swap3A_42, %swap3A_43] : memref<2000x128xf32, #tpu.memory_space<vmem>>, vector<2000x128xf32>
    tpu.vector_store %arg7[%swap3A_42, %swap3A_43], %mul3A_41 {strides = array<i32>} : memref<2000x128xf32, #tpu.memory_space<vmem>>, vector<2000x128xf32>,
    return
  }
  func.func @transform_0(%arg0: i32) -> (i32, i32) {
    %c0_i32 = arith.constant 0 : i32
    %c0_i32_0 = arith.constant 0 : i32
    return %arg0, %c0_i32 : i32, i32
  }
  func.func @transform_1(%arg0: i32) -> (i32, i32) {
    %c0_i32 = arith.constant 0 : i32
    %c0_i32_0 = arith.constant 0 : i32
    %c0_i32_1 = arith.constant 0 : i32
    return %c0_i32, %c0_i32_0 : i32, i32
  }
  func.func @transform_2(%arg0: i32) -> (i32, i32) {
    %c0_i32 = arith.constant 0 : i32
    %c0_i32_0 = arith.constant 0 : i32
    %c0_i32_1 = arith.constant 0 : i32
    return %c0_i32, %c0_i32_0 : i32, i32
  }
  func.func @transform_3(%arg0: i32) -> (i32, i32) {
    %c0_i32 = arith.constant 0 : i32
    %c0_i32_0 = arith.constant 0 : i32
    %c0_i32_1 = arith.constant 0 : i32
    return %c0_i32, %c0_i32_0 : i32, i32
  }
  func.func @transform_4(%arg0: i32) -> (i32, i32) {
    %c0_i32 = arith.constant 0 : i32
    %c0_i32_0 = arith.constant 0 : i32
    %c0_i32_1 = arith.constant 0 : i32
    return %c0_i32, %c0_i32_0 : i32, i32
  }
  func.func @transform_5(%arg0: i32) -> (i32, i32, i32) {
    %c0_i32 = arith.constant 0 : i32
    %c0_i32_0 = arith.constant 0 : i32
    %c0_i32_1 = arith.constant 0 : i32
    return %c0_i32, %arg0, %c0_i32_0 : i32, i32, i32
  }
  func.func @transform_6(%arg0: i32) -> (i32, i32) {
    %c0_i32 = arith.constant 0 : i32
    %c0_i32_0 = arith.constant 0 : i32
    return %arg0, %c0_i32 : i32, i32
  }
  func.func @transform_7(%arg0: i32) -> (i32, i32) {
    %c0_i32 = arith.constant 0 : i32
    %c0_i32_0 = arith.constant 0 : i32
    return %arg0, %c0_i32 : i32, i32
  }
}

module attributes {stable_mosaic.version = 14 : i64} {
  func.func @_tc_head_body(%arg0: i32, %arg1: memref<2x2000x128xf32, #tpu.memory_space<vmem>>, %arg2: memref<2000x128xf32, #tpu.memory_space<vmem>>, %arg3: memref<2000x1xf32, #tpu.memory_space<vmem>>, %arg4: memref<128x128xf32, #tpu.memory_space<vmem>>, %arg5: memref<1x128xf32, #tpu.memory_space<vmem>>, %arg6: memref<128x64xf32, #tpu.memory_space<vmem>>, %arg7: memref<1x64xf32, #tpu.memory_space<vmem>>, %arg8: memref<64x32xf32, #tpu.memory_space<vmem>>, %arg9: memref<1x32xf32, #tpu.memory_space<vmem>>, %arg10: memref<32x18xf32, #tpu.memory_space<vmem>>, %arg11: memref<1x18xf32, #tpu.memory_space<vmem>>, %arg12: memref<2000x18xf32, #tpu.memory_space<vmem>>) attributes {dimension_semantics = [#tpu.dimension_semantics<arbitrary>], iteration_bounds = array<i64: 5>, scalar_prefetch = 0 : i64, scratch_operands = 0 : i64, tpu.core_type = #tpu.core_type<tc>, window_params = [{transform_indices = @transform_0, window_bounds = array<i64: 2, 2000, 128>}, {transform_indices = @transform_1, window_bounds = array<i64: 2000, 128>}, {transform_indices = @transform_2, window_bounds = array<i64: 2000, 1>}, {pipeline_mode = #tpu.pipeline_mode<synchronous>, transform_indices = @transform_3, window_bounds = array<i64: 128, 128>}, {pipeline_mode = #tpu.pipeline_mode<synchronous>, transform_indices = @transform_4, window_bounds = array<i64: 1, 128>}, {pipeline_mode = #tpu.pipeline_mode<synchronous>, transform_indices = @transform_5, window_bounds = array<i64: 128, 64>}, {pipeline_mode = #tpu.pipeline_mode<synchronous>, transform_indices = @transform_6, window_bounds = array<i64: 1, 64>}, {pipeline_mode = #tpu.pipeline_mode<synchronous>, transform_indices = @transform_7, window_bounds = array<i64: 64, 32>}, {pipeline_mode = #tpu.pipeline_mode<synchronous>, transform_indices = @transform_8, window_bounds = array<i64: 1, 32>}, {pipeline_mode = #tpu.pipeline_mode<synchronous>, transform_indices = @transform_9, window_bounds = array<i64: 32, 18>}, {pipeline_mode = #tpu.pipeline_mode<synchronous>, transform_indices = @transform_10, window_bounds = array<i64: 1, 18>}, {transform_indices = @transform_11, window_bounds = array<i64: 2000, 18>}]} {
    %get3A = arith.constant 0 : index
    %get3A_0 = arith.constant 0 : index
    %get3A_1 = arith.constant 0 : index
    %get3A_2 = vector.load %arg1[%get3A, %get3A_0, %get3A_1] : memref<2x2000x128xf32, #tpu.memory_space<vmem>>, vector<1x2000x128xf32>
    %get3A_3 = vector.shape_cast %get3A_2 : vector<1x2000x128xf32> to vector<2000x128xf32>
    %get3A_4 = arith.constant 1 : index
    %get3A_5 = arith.constant 0 : index
    %get3A_6 = arith.constant 0 : index
    %get3A_7 = vector.load %arg1[%get3A_4, %get3A_5, %get3A_6] : memref<2x2000x128xf32, #tpu.memory_space<vmem>>, vector<1x2000x128xf32>
    %get3A_8 = vector.shape_cast %get3A_7 : vector<1x2000x128xf32> to vector<2000x128xf32>
    %add3A = arith.addf %get3A_3, %get3A_8 : vector<2000x128xf32>
    %get3A_9 = arith.constant 0 : index
    %get3A_10 = arith.constant 0 : index
    %get3A_11 = vector.load %arg2[%get3A_9, %get3A_10] : memref<2000x128xf32, #tpu.memory_space<vmem>>, vector<2000x128xf32>
    %add3A_12 = arith.addf %add3A, %get3A_11 : vector<2000x128xf32>
    %get3A_13 = arith.constant 0 : index
    %get3A_14 = arith.constant 0 : index
    %get3A_15 = vector.load %arg3[%get3A_13, %get3A_14] : memref<2000x1xf32, #tpu.memory_space<vmem>>, vector<2000x1xf32>
    %mul3A = vector.broadcast %get3A_15 : vector<2000x1xf32> to vector<2000x128xf32>
    %mul3A_16 = arith.mulf %add3A_12, %mul3A : vector<2000x128xf32>
    %get3A_17 = arith.constant 0 : index
    %get3A_18 = arith.constant 0 : index
    %get3A_19 = vector.load %arg4[%get3A_17, %get3A_18] : memref<128x128xf32, #tpu.memory_space<vmem>>, vector<128x128xf32>
    %dot_general3A = arith.constant dense<0.000000e+00> : vector<2000x128xf32>
    %dot_general3A_20 = tpu.matmul %mul3A_16, %get3A_19, %dot_general3A {dimension_numbers = #tpu.dot_dimension_numbers<[1], [0], [0], [1], [0, 0, 1, 1], [], []>, transpose_lhs_hint = false} : vector<2000x128xf32>, vector<128x128xf32>, vector<2000x128xf32> -> vector<2000x128xf32>
    %get3A_21 = arith.constant 0 : index
    %get3A_22 = arith.constant 0 : index
    %get3A_23 = vector.load %arg5[%get3A_21, %get3A_22] : memref<1x128xf32, #tpu.memory_space<vmem>>, vector<1x128xf32>
    %add3A_24 = vector.broadcast %get3A_23 : vector<1x128xf32> to vector<2000x128xf32>
    %add3A_25 = arith.addf %dot_general3A_20, %add3A_24 : vector<2000x128xf32>
    %max3A = arith.constant 0.000000e+00 : f32
    %max3A_26 = vector.broadcast %max3A : f32 to vector<2000x128xf32>
    %max3A_27 = arith.maximumf %add3A_25, %max3A_26 : vector<2000x128xf32>
    %get3A_28 = arith.constant 0 : index
    %get3A_29 = arith.constant 0 : index
    %get3A_30 = vector.load %arg6[%get3A_28, %get3A_29] : memref<128x64xf32, #tpu.memory_space<vmem>>, vector<128x64xf32>
    %dot_general3A_31 = arith.constant dense<0.000000e+00> : vector<2000x64xf32>
    %dot_general3A_32 = tpu.matmul %max3A_27, %get3A_30, %dot_general3A_31 {dimension_numbers = #tpu.dot_dimension_numbers<[1], [0], [0], [1], [0, 0, 1, 1], [], []>, transpose_lhs_hint = false} : vector<2000x128xf32>, vector<128x64xf32>, vector<2000x64xf32> -> vector<2000x64xf32>
    %get3A_33 = arith.constant 0 : index
    %get3A_34 = arith.constant 0 : index
    %get3A_35 = vector.load %arg7[%get3A_33, %get3A_34] : memref<1x64xf32, #tpu.memory_space<vmem>>, vector<1x64xf32>
    %add3A_36 = vector.broadcast %get3A_35 : vector<1x64xf32> to vector<2000x64xf32>
    %add3A_37 = arith.addf %dot_general3A_32, %add3A_36 : vector<2000x64xf32>
    %max3A_38 = arith.constant 0.000000e+00 : f32
    %max3A_39 = vector.broadcast %max3A_38 : f32 to vector<2000x64xf32>
    %max3A_40 = arith.maximumf %add3A_37, %max3A_39 : vector<2000x64xf32>
    %get3A_41 = arith.constant 0 : index
    %get3A_42 = arith.constant 0 : index
    %get3A_43 = vector.load %arg8[%get3A_41, %get3A_42] : memref<64x32xf32, #tpu.memory_space<vmem>>, vector<64x32xf32>
    %dot_general3A_44 = arith.constant dense<0.000000e+00> : vector<2000x32xf32>
    %dot_general3A_45 = tpu.matmul %max3A_40, %get3A_43, %dot_general3A_44 {dimension_numbers = #tpu.dot_dimension_numbers<[1], [0], [0], [1], [0, 0, 1, 1], [], []>, transpose_lhs_hint = false} : vector<2000x64xf32>, vector<64x32xf32>, vector<2000x32xf32> -> vector<2000x32xf32>
    %get3A_46 = arith.constant 0 : index
    %get3A_47 = arith.constant 0 : index
    %get3A_48 = vector.load %arg9[%get3A_46, %get3A_47] : memref<1x32xf32, #tpu.memory_space<vmem>>, vector<1x32xf32>
    %add3A_49 = vector.broadcast %get3A_48 : vector<1x32xf32> to vector<2000x32xf32>
    %add3A_50 = arith.addf %dot_general3A_45, %add3A_49 : vector<2000x32xf32>
    %max3A_51 = arith.constant 0.000000e+00 : f32
    %max3A_52 = vector.broadcast %max3A_51 : f32 to vector<2000x32xf32>
    %max3A_53 = arith.maximumf %add3A_50, %max3A_52 : vector<2000x32xf32>
    %get3A_54 = arith.constant 0 : index
    %get3A_55 = arith.constant 0 : index
    %get3A_56 = vector.load %arg10[%get3A_54, %get3A_55] : memref<32x18xf32, #tpu.memory_space<vmem>>, vector<32x18xf32>
    %dot_general3A_57 = arith.constant dense<0.000000e+00> : vector<2000x18xf32>
    %dot_general3A_58 = tpu.matmul %max3A_53, %get3A_56, %dot_general3A_57 {dimension_numbers = #tpu.dot_dimension_numbers<[1], [0], [0], [1], [0, 0, 1, 1], [], []>, transpose_lhs_hint = false} : vector<2000x32xf32>, vector<32x18xf32>, vector<2000x18xf32> -> vector<2000x18xf32>
    %get3A_59 = arith.constant 0 : index
    %get3A_60 = arith.constant 0 : index
    %get3A_61 = vector.load %arg11[%get3A_59, %get3A_60] : memref<1x18xf32, #tpu.memory_space<vmem>>, vector<1x18xf32>
    %add3A_62 = vector.broadcast %get3A_61 : vector<1x18xf32> to vector<2000x18xf32>
    %add3A_63 = arith.addf %dot_general3A_58, %add3A_62 : vector<2000x18xf32>
    %neg3A = arith.constant 0.000000e+00 : f32
    %neg3A_64 = vector.broadcast %neg3A : f32 to vector<2000x18xf32>
    %neg3A_65 = arith.subf %neg3A_64, %add3A_63 : vector<2000x18xf32>
    %exp3A = math.exp %neg3A_65 : vector<2000x18xf32>
    %add3A_66 = arith.constant 1.000000e+00 : f32
    %add3A_67 = vector.broadcast %add3A_66 : f32 to vector<2000x18xf32>
    %add3A_68 = arith.addf %add3A_67, %exp3A : vector<2000x18xf32>
    %div3A = arith.constant 1.000000e+00 : f32
    %div3A_69 = vector.broadcast %div3A : f32 to vector<2000x18xf32>
    %div3A_70 = arith.divf %div3A_69, %add3A_68 : vector<2000x18xf32>
    %swap3A = arith.constant 0 : index
    %swap3A_71 = arith.constant 0 : index
    %swap3A_72 = vector.load %arg12[%swap3A, %swap3A_71] : memref<2000x18xf32, #tpu.memory_space<vmem>>, vector<2000x18xf32>
    tpu.vector_store %arg12[%swap3A, %swap3A_71], %div3A_70 {strides = array<i32>} : memref<2000x18xf32, #tpu.memory_space<vmem>>, vector<2000x18xf32>,
    return
  }
  func.func @transform_0(%arg0: i32) -> (i32, i32, i32) {
    %c0_i32 = arith.constant 0 : i32
    %c0_i32_0 = arith.constant 0 : i32
    %c0_i32_1 = arith.constant 0 : i32
    return %c0_i32, %arg0, %c0_i32_0 : i32, i32, i32
  }
  func.func @transform_1(%arg0: i32) -> (i32, i32) {
    %c0_i32 = arith.constant 0 : i32
    %c0_i32_0 = arith.constant 0 : i32
    return %arg0, %c0_i32 : i32, i32
  }
  func.func @transform_2(%arg0: i32) -> (i32, i32) {
    %c0_i32 = arith.constant 0 : i32
    %c0_i32_0 = arith.constant 0 : i32
    return %arg0, %c0_i32 : i32, i32
  }
  func.func @transform_3(%arg0: i32) -> (i32, i32) {
    %c0_i32 = arith.constant 0 : i32
    %c0_i32_0 = arith.constant 0 : i32
    %c0_i32_1 = arith.constant 0 : i32
    return %c0_i32, %c0_i32_0 : i32, i32
  }
  func.func @transform_4(%arg0: i32) -> (i32, i32) {
    %c0_i32 = arith.constant 0 : i32
    %c0_i32_0 = arith.constant 0 : i32
    %c0_i32_1 = arith.constant 0 : i32
    return %c0_i32, %c0_i32_0 : i32, i32
  }
  func.func @transform_5(%arg0: i32) -> (i32, i32) {
    %c0_i32 = arith.constant 0 : i32
    %c0_i32_0 = arith.constant 0 : i32
    %c0_i32_1 = arith.constant 0 : i32
    return %c0_i32, %c0_i32_0 : i32, i32
  }
  func.func @transform_6(%arg0: i32) -> (i32, i32) {
    %c0_i32 = arith.constant 0 : i32
    %c0_i32_0 = arith.constant 0 : i32
    %c0_i32_1 = arith.constant 0 : i32
    return %c0_i32, %c0_i32_0 : i32, i32
  }
  func.func @transform_7(%arg0: i32) -> (i32, i32) {
    %c0_i32 = arith.constant 0 : i32
    %c0_i32_0 = arith.constant 0 : i32
    %c0_i32_1 = arith.constant 0 : i32
    return %c0_i32, %c0_i32_0 : i32, i32
  }
  func.func @transform_8(%arg0: i32) -> (i32, i32) {
    %c0_i32 = arith.constant 0 : i32
    %c0_i32_0 = arith.constant 0 : i32
    %c0_i32_1 = arith.constant 0 : i32
    return %c0_i32, %c0_i32_0 : i32, i32
  }
  func.func @transform_9(%arg0: i32) -> (i32, i32) {
    %c0_i32 = arith.constant 0 : i32
    %c0_i32_0 = arith.constant 0 : i32
    %c0_i32_1 = arith.constant 0 : i32
    return %c0_i32, %c0_i32_0 : i32, i32
  }
  func.func @transform_10(%arg0: i32) -> (i32, i32) {
    %c0_i32 = arith.constant 0 : i32
    %c0_i32_0 = arith.constant 0 : i32
    %c0_i32_1 = arith.constant 0 : i32
    return %c0_i32, %c0_i32_0 : i32, i32
  }
  func.func @transform_11(%arg0: i32) -> (i32, i32) {
    %c0_i32 = arith.constant 0 : i32
    %c0_i32_0 = arith.constant 0 : i32
    return %arg0, %c0_i32 : i32, i32
  }
}

</mosaic_0001>

<sc_bundles>
// kernel: kernel.6.cloned.1.call-start
scs
__scs_entry_jumppad:
0x0: {  	(pc) =	sbr.rel $0x88, $3  }
0x1: {  	(tag) =	ssettag $0x0;
	lr =	simm.s32 $0x1  }
0x2: {  	[smem:$0x3F93] =	sst lr;
	_ =	strace $0xD0000000  }
0x3: {  	_ = 	snop  }
0x4: {  	_ = 	snop  }
0x5: {  	_ = 	snop  }
0x6: {  	_ = 	snop  }
0x7: {  	_ = 	snop  }
__scs_overlays_trampoline_lowered:
0x8: {  	[smem:$0x3FA2] =	sst s0  }
0x9: {  	[smem:$0x3FA3] =	sst s1  }
0xa: {  	[smem:$0x3FA4] =	sst s2  }
0xb: {  	[smem:$0x3FA5] =	sst s3  }
0xc: {  	[smem:$0x3FA6] =	sst s4  }
0xd: {  	[smem:$0x3FA7] =	sst s5  }
0xe: {  	[smem:$0x3FA8] =	sst s6  }
0xf: {  	[smem:$0x3FA9] =	sst s7  }
0x10: {  	[smem:$0x3FAA] =	sst s8  }
0x11: {  	[smem:$0x3FAB] =	sst s9;
	s0 =	simm.s32 @!p0 $0x0  }
0x12: {  	s1 =	sld [smem:$0x3F91];
	s0 =	simm.s32 @p0 $0x1  }
0x13: {  	[smem:$0x3FAC] =	sst s0;
	s0 =	simm.s32 @!p1 $0x0  }
0x14: {  	s2 =	sld [smem:$0x3F90];
	s0 =	simm.s32 @p1 $0x1  }
0x15: {  	[smem:$0x3FAD] =	sst s0;
	s0 =	simm.s32 @!p2 $0x0  }
0x16: {  	s3 =	sld [smem:$0x3FDB];
	s0 =	simm.s32 @p2 $0x1  }
0x17: {  	s4 =	simm.s32 $0x1BF5;
	[smem:$0x3FAF] =	sst s0  }
0x18: {  	s0 =	sld [smem:$0x3F92];
	_ =	swait.ge [sflag:s4], $0x0  }
0x19: {  	s7 =	sld [smem:$0x3F93]  }
0x1a: {  	s8 =	sadd.s32 $0xFFFFE003, lr  }
0x1b: {  	s9 =	sadd.s32 $0xFFFFFEF7, lr;
	s5 =	simm.s32 $0xFFFFFFFF;
	p2 =	slt.u32 s8, $0xFFFFF086  }
0x1c: {  	p1 =	slt.u32 s9, $0xF7A;
	s5 =	simm.s32 @!p2 $0x0  }
0x1d: {  	s5 =	simm.s32 @p1 $0x1;
	p0 =	seq.s32 s7, s2  }
0x1e: {  	s7 =	smul.u32 @!p0 $0xF7A, s2;
	p2 =	seq.s32 @!p0 s5, $0x0  }
0x1f: {  	s9 =	smul.u32 $0xF7A, s1;
	s8 =	simm.s32 @!p0 $0x1BF5;
	p2 =	por !p2, p0  }
0x20: {  	[sflag:s8] =	ssyncset.s32 @!p0 $0xFFFFF086;
	s6 =	sadd.s32 @!p0 s3, s7;
	s7 =	simm.s32 @!p0 $0x108  }
0x21: {  	s3 =	sadd.s32 s3, s9;
	s6 =	sadd.s32 @!p0 $0x88, s6;
	s7 =	simm.s32 @p2 $0x1082  }
0x22: {  	[simem:s7], [sflag:s8] =	dma.local @!p0 [hbm:s6], $0xF7A  }
0x23: {  	s9 =	sor.u32 $0xD0000000, s2;
	s6 =	simm.s32 $0x108;
	_ =	swait.ge @!p0 [sflag:s8], $0x0  }
0x24: {  	s3 =	sadd.s32 $0x88, s3;
	s6 =	simm.s32 @!p1 $0x1082;
	[sflag:s4] =	ssyncset.s32 $0xFFFFF086  }
0x25: {  	[simem:s6], [sflag:s4] =	dma.local [hbm:s3], $0xF7A  }
0x26: {  	[smem:$0x3F93] =	sst s1;
	(tag) =	ssettag s2;
	_ =	strace s9  }
0x27: {  	s1 =	sld [smem:$0x3FA3]  }
0x28: {  	s2 =	sld [smem:$0x3FA4]  }
0x29: {  	s4 =	sld [smem:$0x3FA6]  }
0x2a: {  	p0 =	seq.s32 s5, $0x0;
	s5 =	sld [smem:$0x3FA7]  }
0x2b: {  	s6 =	sld [smem:$0x3FA8]  }
0x2c: {  	s7 =	sld [smem:$0x3FA9]  }
0x2d: {  	s3 =	simm.s32 $0x108;
	s8 =	sld [smem:$0x3FAA]  }
0x2e: {  	s3 =	simm.s32 @!p0 $0x1082;
	s9 =	sld [smem:$0x3FAB]  }
0x2f: {  	lr =	sadd.s32 s0, s3;
	s0 =	sld [smem:$0x3FA2]  }
0x30: {  	s3 =	sld [smem:$0x3FA5]  }
0x31: {  	[smem:$0x3FAE] =	sst s10  }
0x32: {  	s10 =	sld [smem:$0x3FAC];
	_ =	sdelay $0x3  }
0x33: {  	p0 =	seq.s32 s10, $0x1;
	s10 =	sld [smem:$0x3FAE];
	_ =	sdelay $0x3  }
0x34: {  	[smem:$0x3FAE] =	sst s10  }
0x35: {  	s10 =	sld [smem:$0x3FAD];
	_ =	sdelay $0x3  }
0x36: {  	p1 =	seq.s32 s10, $0x1;
	s10 =	sld [smem:$0x3FAE];
	_ =	sdelay $0x3  }
0x37: {  	[smem:$0x3FAE] =	sst s10  }
0x38: {  	s10 =	sld [smem:$0x3FAF]  }
0x39: {  	_ = 	snop;
	(pc) =	sbr.ind lr, $3  }
0x3a: {  	_ = 	snop  }
0x3b: {  	_ = 	snop  }
0x3c: {  	p2 =	seq.s32 s10, $0x1;
	s10 =	sld [smem:$0x3FAE]  }
0x3d: {  	_ =	shalt  }
0x3e: {  	_ =	shalt  }
0x3f: {  	_ =	shalt  }
0x40: {  	_ =	shalt  }
0x41: {  	_ =	shalt  }
0x42: {  	_ =	shalt  }
0x43: {  	_ =	shalt  }
0x44: {  	_ =	shalt  }
0x45: {  	_ =	shalt  }
0x46: {  	_ =	shalt  }
0x47: {  	_ =	shalt  }
0x48: {  	_ =	shalt  }
0x49: {  	_ =	shalt  }
0x4a: {  	_ =	shalt  }
0x4b: {  	_ =	shalt  }
0x4c: {  	_ =	shalt  }
0x4d: {  	_ =	shalt  }
0x4e: {  	_ =	shalt  }
0x4f: {  	_ =	shalt  }
0x50: {  	_ =	shalt  }
0x51: {  	_ =	shalt  }
0x52: {  	_ =	shalt  }
0x53: {  	_ =	shalt  }
0x54: {  	_ =	shalt  }
0x55: {  	_ =	shalt  }
0x56: {  	_ =	shalt  }
0x57: {  	_ =	shalt  }
0x58: {  	_ =	shalt  }
0x59: {  	_ =	shalt  }
0x5a: {  	_ =	shalt  }
0x5b: {  	_ =	shalt  }
0x5c: {  	_ =	shalt  }
0x5d: {  	_ =	shalt  }
0x5e: {  	_ =	shalt  }
0x5f: {  	_ =	shalt  }
0x60: {  	_ =	shalt  }
0x61: {  	_ =	shalt  }
0x62: {  	_ =	shalt  }
0x63: {  	_ =	shalt  }
0x64: {  	_ =	shalt  }
0x65: {  	_ =	shalt  }
0x66: {  	_ =	shalt  }
0x67: {  	_ =	shalt  }
0x68: {  	_ =	shalt  }
0x69: {  	_ =	shalt  }
0x6a: {  	_ =	shalt  }
0x6b: {  	_ =	shalt  }
0x6c: {  	_ =	shalt  }
0x6d: {  	_ =	shalt  }
0x6e: {  	_ =	shalt  }
0x6f: {  	_ =	shalt  }
0x70: {  	_ =	shalt  }
0x71: {  	_ =	shalt  }
0x72: {  	_ =	shalt  }
0x73: {  	_ =	shalt  }
0x74: {  	_ =	shalt  }
0x75: {  	_ =	shalt  }
0x76: {  	_ =	shalt  }
0x77: {  	_ =	shalt  }
0x78: {  	_ =	shalt  }
0x79: {  	_ =	shalt  }
0x7a: {  	_ =	shalt  }
0x7b: {  	_ =	shalt  }
0x7c: {  	_ =	shalt  }
0x7d: {  	_ =	shalt  }
0x7e: {  	_ =	shalt  }
0x7f: {  	_ =	shalt  }
0x80: {  	_ =	shalt  }
0x81: {  	_ =	shalt  }
0x82: {  	_ =	shalt  }
0x83: {  	_ =	shalt  }
0x84: {  	_ =	shalt  }
0x85: {  	_ =	shalt  }
0x86: {  	_ =	shalt  }
0x87: {  	_ =	shalt  }
.Lfunc_end0:
.L_simem_size_0:
called_computation_lowered:
.L_overlay_start_0:
0x88: {  	s2 =	sld [smem:$0x3FD9]  }
0x89: {  	s3 =	sld [smem:$0x3FFE];
	_ =	sdelay $0x1  }
0x8a: {  	s1 =	srdreg.scid  }
0x8b: {  	s0 =	sand.u32 $0x1, s1  }
0x8c: {  	s17 =	sshll.u32 s0, $0xA;
	s2 =	sadd.s32 s3, s2  }
0x8d: {  	s2 =	sadd.s32 s2, s17  }
0x8e: {  	[smem:$0x3FBA] =	sst s2  }
0x8f: {  	_ = 	snop  }
0x90: {  	s2 =	sld [smem:$0x3FD0];
	(tm) =	ssettm $0x1  }
0x91: {  	s18 =	sld [smem:$0x3FFB];
	_ =	sdelay $0x3  }
0x92: {  	_ =	strace s18  }
0x93: {  	s3 =	sld [smem:$0x3FFC];
	_ =	sdelay $0x3  }
0x94: {  	_ =	strace s3  }
0x95: {  	s3 =	sld [smem:$0x3FFD];
	_ =	sdelay $0x3  }
0x96: {  	_ =	strace s3  }
0x97: {  	_ =	strace $0x8FFFFFFF  }
0x98: {  	s19 =	sld [smem:$0x3FDB];
	_ =	sdelay $0x1  }
0x99: {  	s4 =	simm.s32 $_scs_section_size  }
0x9a: {  	s5 =	simm.s32 $_size__tile_overlayer_lowered;
	s6 =	simm.s32 $_tile_overlayer_lowered  }
0x9b: {  	s22 =	simm.s32 $0x1BFF;
	s21 =	sshll.u32 s6, $0x1;
	s3 =	sadd.s32 s4, s19  }
0x9c: {  	s7 =	simm.s32 $0x0;
	s20 =	sshll.u32 s5, $0x1;
	s5 =	sadd.s32 s21, s3  }
0x9d: {  	[timem:s7], [sflag:s22] =	dma.local [hbm:s5], s20  }
0x9e: {  	_ =	swait.ge [sflag:s22], s20  }
0x9f: {  	s4 =	ssub.s32 $0x0, s20;
	[sflag:s22] =	ssyncset.done $0x0  }
0xa0: {  	[sflag:s22] =	ssyncadd.s32 s4;
	_ =	sdelay $0x1  }
0xa1: {  	s23 =	simm.s32 $0x1B8B  }
0xa2: {  	_ =	swait.ge [sflag:s23], $0x1  }
0xa3: {  	[sflag:s23] =	ssyncset.done $0x0  }
0xa4: {  	s25 =	simm.s32 $0x1B8E;
	s24 =	sld [smem:$0x3FFE];
	[sflag:s23] =	ssyncadd.s32 $0xFFFFFFFF  }
0xa5: {  	s26 =	simm.s32 $execute0_lowered;
	[smem:$0x3FD2] =	sst s25  }
0xa6: {  	s5 =	sshll.u32 s26, $0x1;
	_ =	strace $0x80000046;
	[dreg:$0x1] =	wrdreg $0xFFFFFFFF  }
0xa7: {  	s28 =	simm.s32 $_size_execute0_lowered;
	s3 =	sadd.s32 s3, s5;
	[dreg:$0x0] =	wrdreg $0x0  }
0xa8: {  	s5 =	sshll.u32 s28, $0x1;
	[dreg:$0x2] =	wrdreg s3  }
0xa9: {  	[dreg:$0x3] =	wrdreg s5  }
0xaa: {  	[dreg:$0x4] =	wrdreg $0xC0  }
0xab: {  	_ =	task [dreg:s7], $0x5FFFF  }
0xac: {  	[dreg:$0x1] =	wrdreg $0xFFFFFFFF  }
0xad: {  	[dreg:$0x0] =	wrdreg $0x60  }
0xae: {  	[dreg:$0x2] =	wrdreg s24  }
0xaf: {  	[dreg:$0x3] =	wrdreg s2  }
0xb0: {  	[dreg:$0x4] =	wrdreg $0x2C000  }
0xb1: {  	[dreg:$0x5] =	wrdreg $0x9  }
0xb2: {  	_ =	task.clear_ibuf [dreg:s7], $0x6FFFF;
	_ =	strace $0x90000046  }
0xb3: {  	s29 =	simm.s32 $0x9;
	_ =	strace $0x80000048  }
0xb4: {  	_ =	swait.ge [sflag:s29], $0x1  }
0xb5: {  	[sflag:s29] =	ssyncadd.s32 $0xFFFFFFFF  }
0xb6: {  	_ =	strace $0x90000048  }
0xb7: {  	_ =	sfence  }
0xb8: {  	s30 =	sld [smem:$0x0];
	_ =	sdelay $0x2  }
0xb9: {  	s31 =	sshll.u32 s1, $0xD;
	s1 =	sshrl.u32 s1, $0x2  }
0xba: {  	s3 =	sand.u32 $0x4000, s31;
	s1 =	sadd.s32 s1, s30  }
0xbb: {  	s0 =	sor.u32 s3, s0;
	s1 =	sshll.u32 s1, $0x11  }
0xbc: {  	s0 =	sor.u32 s1, s0  }
0xbd: {  	s0 =	sadd.s32 $0x8F2B, s0  }
0xbe: {  	[sflag:s0] =	ssyncadd.remote.s32 $0x1  }
0xbf: {  	_ =	sfence.sel $0xFFFF  }
0xc0: {  	[dreg:$0x0] =	wrdreg $0xFFFFFFFF;
	(pc) =	sbr.abs _section_cstart, $3  }
0xc1: {  	[dreg:$0x1] =	wrdreg $0xFFFFFFFF  }
0xc2: {  	_ =	task.clear_ibuf [dreg:s7], $0x2FFFF;
	_ =	strace $0x9FFFFFFF  }
0xc3: {  	(tm) =	ssettm $0x7FFFFFFF  }
tec
execute0_lowered:
.L_overlay_start_1:
0x0: {  	(tag) =	ssettag $0x1  }
0x1: {  	s1 =	rddreg [dreg:$0x0]  }
0x2: {  	s2 =	rddreg [dreg:$0x2]  }
0x3: {  	s4 =	simm.s32 $0x0;
	s0 =	srdreg.scid;
	s9 =	stileid.u32  }
0x4: {  	s28 =	simm.s32 $0x180;
	s29 =	simm.s32 $0x200;
	s30 =	simm.s32 $0x1  }
0x5: {  	s31 =	simm.s32 $0x50;
	[smem:$0x7FF] =	sst s4;
	s6 =	smul.u32 $0x14000, s9  }
0x6: {  	s3 =	sand.u32 $0x1, s0;
	s0 =	sadd.s32 $0xCA00, s1;
	s16 =	smul.u32 $0x50000, s9  }
0x7: {  	s7 =	sadd.s32 $0x16800, s1;
	s14 =	sshll.u32 s9, $0x1;
	s19 =	smul.u32 $0x4E20, s9  }
0x8: {  	s18 =	sshll.u32 s9, $0x6;
	s5 =	smul.u32 $0x140000, s3;
	_ =	strace $0x80000047  }
0x9: {  	[dreg:$0xc] =	wrdreg s7;
	s15 =	sor.u32 s3, s14;
	s8 =	ssub.s32 $0x2, s3  }
0xa: {  	s3 =	smul.u32 $0x2710, s3;
	s17 =	sshrl.u32 s8, $0x1;
	s7 =	sshrl.u32 s16, $0x2  }
0xb: {  	s5 =	sadd.s32 s6, s5;
	s6 =	smul.u32 $0x2710, s15;
	s7 =	sadd.s32 s7, s2  }
0xc: {  	s3 =	sadd.s32 s3, s19;
	s5 =	sshrl.u32 s5, $0x3;
	[dreg:$0xd] =	wrdreg s7  }
0xd: {  	s10 =	sadd.s32 $0x5F0, s3;
	s12 =	sadd.s32 $0x5A0, s3;
	s6 =	sshrl.u32 s6, $0x3  }
0xe: {  	s16 =	sadd.s32 $0x500, s3;
	s1 =	sadd.s32 s5, s1;
	s7 =	sadd.s32 s0, s6  }
0xf: {  	s5 =	ssub.s32 s8, s17;
	s1 =	sadd.s32 $0x16E00, s1;
	[dreg:$0xe] =	wrdreg s7  }
0x10: {  	s19 =	sadd.s32 $0x460, s3;
	s5 =	smax.u32 s5, $0x1;
	[dreg:$0x1a] =	wrdreg s1  }
0x11: {  	s8 =	sor.u32 $0x1C0D, s18;
	s20 =	sadd.s32 $0xA, s7;
	[dreg:$0x1b] =	wrdreg s5  }
0x12: {  	s17 =	sshrl.u32 s16, $0x3;
	s21 =	sadd.s32 $0x14, s7;
	[dreg:$0xf] =	wrdreg s20  }
0x13: {  	s18 =	sadd.s32 $0x4B0, s3;
	s22 =	sadd.s32 $0x1E, s7;
	[dreg:$0x10] =	wrdreg s21  }
0x14: {  	s16 =	simm.s32 $0xC;
	s23 =	sadd.s32 $0x28, s7;
	[dreg:$0x11] =	wrdreg s22  }
0x15: {  	s6 =	sshrl.u32 s10, $0x3;
	s24 =	sadd.s32 $0x32, s7;
	[dreg:$0x12] =	wrdreg s23  }
0x16: {  	s10 =	sadd.s32 $0x550, s3;
	s25 =	sadd.s32 $0x3C, s7;
	[dreg:$0x13] =	wrdreg s24  }
0x17: {  	s26 =	sadd.s32 $0x46, s7;
	s9 =	sadd.s32 $0x50, s7;
	[dreg:$0x14] =	wrdreg s25  }
0x18: {  	s11 =	sadd.s32 $0x5A, s7;
	s6 =	sadd.s32 s6, s0;
	[dreg:$0x15] =	wrdreg s26  }
0x19: {  	s14 =	sshrl.u32 s10, $0x3;
	s1 =	simm.s32 $0x300;
	[dreg:$0x16] =	wrdreg s9  }
0x1a: {  	s5 =	simm.s32 $0x3;
	s10 =	simm.s32 $0x9;
	[dreg:$0x17] =	wrdreg s11  }
0x1b: {  	s9 =	sshrl.u32 s12, $0x3;
	[dreg:$0x4] =	wrdreg s6;
	s15 =	sadd.s32 s14, s0  }
0x1c: {  	s6 =	sadd.s32 s17, s0;
	s21 =	sshrl.u32 s19, $0x3;
	s22 =	sadd.s32 $0x64, s7  }
0x1d: {  	s24 =	sadd.s32 $0x6E, s7;
	s25 =	sadd.s32 $0x410, s3;
	s3 =	sadd.s32 $0x3C0, s3  }
0x1e: {  	s11 =	simm.s32 $0x5;
	s12 =	simm.s32 $0xA;
	[dreg:$0x6] =	wrdreg s15  }
0x1f: {  	s14 =	simm.s32 $0xB;
	s17 =	simm.s32 $0x8;
	[dreg:$0x7] =	wrdreg s6  }
0x20: {  	s13 =	sadd.s32 s9, s0;
	s9 =	sshrl.u32 s18, $0x3;
	[dreg:$0x18] =	wrdreg s22  }
0x21: {  	s23 =	sadd.s32 s21, s0;
	[dreg:$0x19] =	wrdreg s24;
	s6 =	sshrl.u32 s25, $0x3  }
0x22: {  	s3 =	sshrl.u32 s3, $0x3;
	s24 =	simm.s32 $0x400;
	s25 =	simm.s32 $0x80  }
0x23: {  	s15 =	simm.s32 $0x7;
	s18 =	simm.s32 $0x0;
	[dreg:$0x5] =	wrdreg s13  }
0x24: {  	s20 =	sadd.s32 s9, s0;
	[dreg:$0x9] =	wrdreg s23;
	s26 =	sadd.s32 s6, s0  }
0x25: {  	s0 =	sadd.s32 s3, s0;
	s23 =	simm.s32 $0xD;
	s3 =	simm.s32 $0x2  }
0x26: {  	s6 =	simm.s32 $0x380;
	s9 =	simm.s32 $0x4;
	[dreg:$0x8] =	wrdreg s20  }
0x27: {  	s13 =	simm.s32 $0x6;
	s20 =	sadd.s32 $0x4D8, s7;
	[dreg:$0xa] =	wrdreg s26  }
0x28: {  	[dreg:$0xb] =	wrdreg s0;
	s26 =	simm.s32 $0x100;
	s0 =	simm.s32 $0x280  }
.LBB2_1:
0x29: {  	s7 =	rddreg [dreg:$0xd]  }
0x2a: {  	s22 =	rddreg [dreg:$0x1];
	s19 =	sshrl.u32 s7, $0x3  }
0x2b: {  	[spmem:s19], [sflag:s8] =	dma.local [hbm:s22], $0x2800  }
0x2c: {  	_ =	swait.ge [sflag:s23], $0x2800  }
0x2d: {  	[sflag:s23] =	ssyncset.done $0x0  }
0x2e: {  	s21 =	rddreg [dreg:$0xc];
	[sflag:s23] =	ssyncadd.s32 $0xFFFFD800  }
0x2f: {  	[tilespmem:s24], [sflag:$0xD] =	stream.linear.gather [hbm4b:s21+s4], $0x2800, $0x38;
	[tilespmem:$0x16C00] =	vst v63  }
0x30: {  	_ =	swait.ge [sflag:s23], $0x2800  }
0x31: {  	[sflag:s23] =	ssyncset.done $0x0  }
0x32: {  	[sflag:s23] =	ssyncadd.s32 $0xFFFFD800  }
0x33: {  	[bflag:$0x0] =	sbarrier.arrive $0xFFFF  }
0x34: {  	s22 =	rddreg [dreg:$0xe]  }
0x35: {  	[tilespmem:s4], [sflag:$0x1] =	stream.linear.gather [hbm4b:s22+s4], $0x50, $0x38;
	[tilespmem:$0x16C00] =	vst v63  }
0x36: {  	s21 =	rddreg [dreg:$0xf]  }
0x37: {  	[tilespmem:s25], [sflag:$0x2] =	stream.linear.gather [hbm4b:s21+s4], $0x50, $0x38;
	[tilespmem:$0x16C00] =	vst v63  }
0x38: {  	s22 =	rddreg [dreg:$0x10]  }
0x39: {  	[tilespmem:s26], [sflag:$0x3] =	stream.linear.gather [hbm4b:s22+s4], $0x50, $0x38;
	[tilespmem:$0x16C00] =	vst v63  }
0x3a: {  	s21 =	rddreg [dreg:$0x11]  }
0x3b: {  	[tilespmem:s28], [sflag:$0x4] =	stream.linear.gather [hbm4b:s21+s4], $0x50, $0x38;
	[tilespmem:$0x16C00] =	vst v63  }
0x3c: {  	s22 =	rddreg [dreg:$0x12]  }
0x3d: {  	[tilespmem:s29], [sflag:$0x5] =	stream.linear.gather [hbm4b:s22+s4], $0x50, $0x38;
	[tilespmem:$0x16C00] =	vst v63  }
0x3e: {  	_ =	swait.ge [sflag:s30], $0x50  }
0x3f: {  	[sflag:s30] =	ssyncset.done $0x0  }
0x40: {  	[sflag:s30] =	ssyncadd.s32 $0xFFFFFFB0  }
0x41: {  	[spmem:s2] =	stream.indirect.scatter.add.f32 [tilespmem:s24], [sflag:$0x9], $0x80, s4, s31, $0xb8;
	[tilespmem:$0x16C00] =	vst v63  }
0x42: {  	s21 =	rddreg [dreg:$0x13]  }
0x43: {  	[tilespmem:s0], [sflag:$0x6] =	stream.linear.gather [hbm4b:s21+s4], $0x50, $0x38;
	[tilespmem:$0x16C00] =	vst v63  }
0x44: {  	_ =	swait.ge [sflag:s3], $0x50  }
0x45: {  	[sflag:s3] =	ssyncset.done $0x0  }
0x46: {  	[sflag:s3] =	ssyncadd.s32 $0xFFFFFFB0  }
0x47: {  	[spmem:s2] =	stream.indirect.scatter.add.f32 [tilespmem:s24], [sflag:$0xA], $0x80, s25, s31, $0xb8;
	[tilespmem:$0x16C00] =	vst v63  }
0x48: {  	s22 =	rddreg [dreg:$0x14]  }
0x49: {  	[tilespmem:s1], [sflag:$0x7] =	stream.linear.gather [hbm4b:s22+s4], $0x50, $0x38;
	[tilespmem:$0x16C00] =	vst v63  }
0x4a: {  	_ =	swait.ge [sflag:s5], $0x50  }
0x4b: {  	[sflag:s5] =	ssyncset.done $0x0  }
0x4c: {  	[sflag:s5] =	ssyncadd.s32 $0xFFFFFFB0  }
0x4d: {  	[spmem:s2] =	stream.indirect.scatter.add.f32 [tilespmem:s24], [sflag:$0xB], $0x80, s26, s31, $0xb8;
	[tilespmem:$0x16C00] =	vst v63  }
0x4e: {  	s21 =	rddreg [dreg:$0x15]  }
0x4f: {  	[tilespmem:s6], [sflag:$0x8] =	stream.linear.gather [hbm4b:s21+s4], $0x50, $0x38;
	[tilespmem:$0x16C00] =	vst v63  }
0x50: {  	_ =	swait.ge [sflag:s9], $0x50  }
0x51: {  	[sflag:s9] =	ssyncset.done $0x0  }
0x52: {  	[sflag:s9] =	ssyncadd.s32 $0xFFFFFFB0  }
0x53: {  	[spmem:s2] =	stream.indirect.scatter.add.f32 [tilespmem:s24], [sflag:$0xC], $0x80, s28, s31, $0xb8;
	[tilespmem:$0x16C00] =	vst v63  }
0x54: {  	_ =	swait.ge [sflag:s10], $0x2800  }
0x55: {  	[sflag:s10] =	ssyncset.done $0x0  }
0x56: {  	s22 =	rddreg [dreg:$0x16];
	[sflag:s10] =	ssyncadd.s32 $0xFFFFD800  }
0x57: {  	[tilespmem:s4], [sflag:$0x1] =	stream.linear.gather [hbm4b:s22+s4], $0x50, $0x38;
	[tilespmem:$0x16C00] =	vst v63  }
0x58: {  	_ =	swait.ge [sflag:s11], $0x50  }
0x59: {  	[sflag:s11] =	ssyncset.done $0x0  }
0x5a: {  	[sflag:s11] =	ssyncadd.s32 $0xFFFFFFB0  }
0x5b: {  	[spmem:s2] =	stream.indirect.scatter.add.f32 [tilespmem:s24], [sflag:$0x9], $0x80, s29, s31, $0xb8;
	[tilespmem:$0x16C00] =	vst v63  }
0x5c: {  	_ =	swait.ge [sflag:s12], $0x2800  }
0x5d: {  	[sflag:s12] =	ssyncset.done $0x0  }
0x5e: {  	s21 =	rddreg [dreg:$0x17];
	[sflag:s12] =	ssyncadd.s32 $0xFFFFD800  }
0x5f: {  	[tilespmem:s25], [sflag:$0x2] =	stream.linear.gather [hbm4b:s21+s4], $0x50, $0x38;
	[tilespmem:$0x16C00] =	vst v63  }
0x60: {  	_ =	swait.ge [sflag:s13], $0x50  }
0x61: {  	[sflag:s13] =	ssyncset.done $0x0  }
0x62: {  	[sflag:s13] =	ssyncadd.s32 $0xFFFFFFB0  }
0x63: {  	[spmem:s2] =	stream.indirect.scatter.add.f32 [tilespmem:s24], [sflag:$0xA], $0x80, s0, s31, $0xb8;
	[tilespmem:$0x16C00] =	vst v63  }
0x64: {  	_ =	swait.ge [sflag:s14], $0x2800  }
0x65: {  	[sflag:s14] =	ssyncset.done $0x0  }
0x66: {  	s22 =	rddreg [dreg:$0x18];
	[sflag:s14] =	ssyncadd.s32 $0xFFFFD800  }
0x67: {  	[tilespmem:s26], [sflag:$0x3] =	stream.linear.gather [hbm4b:s22+s4], $0x50, $0x38;
	[tilespmem:$0x16C00] =	vst v63  }
0x68: {  	_ =	swait.ge [sflag:s15], $0x50  }
0x69: {  	[sflag:s15] =	ssyncset.done $0x0  }
0x6a: {  	[sflag:s15] =	ssyncadd.s32 $0xFFFFFFB0  }
0x6b: {  	[spmem:s2] =	stream.indirect.scatter.add.f32 [tilespmem:s24], [sflag:$0xB], $0x80, s1, s31, $0xb8;
	[tilespmem:$0x16C00] =	vst v63  }
0x6c: {  	_ =	swait.ge [sflag:s16], $0x2800  }
0x6d: {  	[sflag:s16] =	ssyncset.done $0x0  }
0x6e: {  	s21 =	rddreg [dreg:$0x19];
	[sflag:s16] =	ssyncadd.s32 $0xFFFFD800  }
0x6f: {  	[tilespmem:s28], [sflag:$0x4] =	stream.linear.gather [hbm4b:s21+s4], $0x50, $0x38;
	[tilespmem:$0x16C00] =	vst v63  }
0x70: {  	_ =	swait.ge [sflag:s17], $0x50  }
0x71: {  	[sflag:s17] =	ssyncset.done $0x0  }
0x72: {  	[sflag:s17] =	ssyncadd.s32 $0xFFFFFFB0  }
0x73: {  	[spmem:s2] =	stream.indirect.scatter.add.f32 [tilespmem:s24], [sflag:$0xC], $0x80, s6, s31, $0xb8;
	[tilespmem:$0x16C00] =	vst v63  }
0x74: {  	_ =	swait.ge [sflag:s10], $0x2800  }
0x75: {  	s21 =	rddreg [dreg:$0xb];
	[sflag:s10] =	ssyncset.done $0x0  }
0x76: {  	[sflag:s10] =	ssyncadd.s32 $0xFFFFD800;
	s21 =	sadd.s32 $0x0, s21  }
0x77: {  	[tilespmem:s29], [sflag:$0x5] =	stream.linear.gather [hbm4b:s21+s4], $0x50, $0x38;
	[tilespmem:$0x16C00] =	vst v63  }
0x78: {  	_ =	swait.ge [sflag:s30], $0x50  }
0x79: {  	[sflag:s30] =	ssyncset.done $0x0  }
0x7a: {  	[sflag:s30] =	ssyncadd.s32 $0xFFFFFFB0  }
0x7b: {  	[spmem:s2] =	stream.indirect.scatter.add.f32 [tilespmem:s24], [sflag:$0x9], $0x80, s4, s31, $0xb8;
	[tilespmem:$0x16C00] =	vst v63  }
0x7c: {  	_ =	swait.ge [sflag:s12], $0x2800  }
0x7d: {  	s22 =	rddreg [dreg:$0xa];
	[sflag:s12] =	ssyncset.done $0x0  }
0x7e: {  	[sflag:s12] =	ssyncadd.s32 $0xFFFFD800;
	s21 =	sadd.s32 $0x0, s22  }
0x7f: {  	[tilespmem:s0], [sflag:$0x6] =	stream.linear.gather [hbm4b:s21+s4], $0x50, $0x38;
	[tilespmem:$0x16C00] =	vst v63  }
0x80: {  	_ =	swait.ge [sflag:s3], $0x50  }
0x81: {  	[sflag:s3] =	ssyncset.done $0x0  }
0x82: {  	[sflag:s3] =	ssyncadd.s32 $0xFFFFFFB0  }
0x83: {  	[spmem:s2] =	stream.indirect.scatter.add.f32 [tilespmem:s24], [sflag:$0xA], $0x80, s25, s31, $0xb8;
	[tilespmem:$0x16C00] =	vst v63  }
0x84: {  	_ =	swait.ge [sflag:s14], $0x2800  }
0x85: {  	s7 =	rddreg [dreg:$0x9];
	[sflag:s14] =	ssyncset.done $0x0  }
0x86: {  	[sflag:s14] =	ssyncadd.s32 $0xFFFFD800;
	s21 =	sadd.s32 $0x0, s7  }
0x87: {  	[tilespmem:s1], [sflag:$0x7] =	stream.linear.gather [hbm4b:s21+s4], $0x50, $0x38;
	[tilespmem:$0x16C00] =	vst v63  }
0x88: {  	_ =	swait.ge [sflag:s5], $0x50  }
0x89: {  	[sflag:s5] =	ssyncset.done $0x0  }
0x8a: {  	[sflag:s5] =	ssyncadd.s32 $0xFFFFFFB0  }
0x8b: {  	[spmem:s2] =	stream.indirect.scatter.add.f32 [tilespmem:s24], [sflag:$0xB], $0x80, s26, s31, $0xb8;
	[tilespmem:$0x16C00] =	vst v63  }
0x8c: {  	_ =	swait.ge [sflag:s16], $0x2800  }
0x8d: {  	s22 =	rddreg [dreg:$0x8];
	[sflag:s16] =	ssyncset.done $0x0  }
0x8e: {  	[sflag:s16] =	ssyncadd.s32 $0xFFFFD800;
	s21 =	sadd.s32 $0x0, s22  }
0x8f: {  	[tilespmem:s6], [sflag:$0x8] =	stream.linear.gather [hbm4b:s21+s4], $0x50, $0x38;
	[tilespmem:$0x16C00] =	vst v63  }
0x90: {  	_ =	swait.ge [sflag:s9], $0x50  }
0x91: {  	[sflag:s9] =	ssyncset.done $0x0  }
0x92: {  	[sflag:s9] =	ssyncadd.s32 $0xFFFFFFB0  }
0x93: {  	[spmem:s2] =	stream.indirect.scatter.add.f32 [tilespmem:s24], [sflag:$0xC], $0x80, s28, s31, $0xb8;
	[tilespmem:$0x16C00] =	vst v63  }
0x94: {  	_ =	swait.ge [sflag:s10], $0x2800  }
0x95: {  	s7 =	rddreg [dreg:$0x7];
	[sflag:s10] =	ssyncset.done $0x0  }
0x96: {  	[sflag:s10] =	ssyncadd.s32 $0xFFFFD800;
	s21 =	sadd.s32 $0x0, s7  }
0x97: {  	[tilespmem:s4], [sflag:$0x1] =	stream.linear.gather [hbm4b:s21+s4], $0x50, $0x38;
	[tilespmem:$0x16C00] =	vst v63  }
0x98: {  	_ =	swait.ge [sflag:s11], $0x50  }
0x99: {  	[sflag:s11] =	ssyncset.done $0x0  }
0x9a: {  	[sflag:s11] =	ssyncadd.s32 $0xFFFFFFB0  }
0x9b: {  	[spmem:s2] =	stream.indirect.scatter.add.f32 [tilespmem:s24], [sflag:$0x9], $0x80, s29, s31, $0xb8;
	[tilespmem:$0x16C00] =	vst v63  }
0x9c: {  	_ =	swait.ge [sflag:s12], $0x2800  }
0x9d: {  	s22 =	rddreg [dreg:$0x6];
	[sflag:s12] =	ssyncset.done $0x0  }
0x9e: {  	[sflag:s12] =	ssyncadd.s32 $0xFFFFD800;
	s21 =	sadd.s32 $0x0, s22  }
0x9f: {  	[tilespmem:s25], [sflag:$0x2] =	stream.linear.gather [hbm4b:s21+s4], $0x50, $0x38;
	[tilespmem:$0x16C00] =	vst v63  }
0xa0: {  	_ =	swait.ge [sflag:s13], $0x50  }
0xa1: {  	[sflag:s13] =	ssyncset.done $0x0  }
0xa2: {  	[sflag:s13] =	ssyncadd.s32 $0xFFFFFFB0  }
0xa3: {  	[spmem:s2] =	stream.indirect.scatter.add.f32 [tilespmem:s24], [sflag:$0xA], $0x80, s0, s31, $0xb8;
	[tilespmem:$0x16C00] =	vst v63  }
0xa4: {  	_ =	swait.ge [sflag:s14], $0x2800  }
0xa5: {  	s7 =	rddreg [dreg:$0x5];
	[sflag:s14] =	ssyncset.done $0x0  }
0xa6: {  	[sflag:s14] =	ssyncadd.s32 $0xFFFFD800;
	s21 =	sadd.s32 $0x0, s7  }
0xa7: {  	[tilespmem:s26], [sflag:$0x3] =	stream.linear.gather [hbm4b:s21+s4], $0x50, $0x38;
	[tilespmem:$0x16C00] =	vst v63  }
0xa8: {  	_ =	swait.ge [sflag:s15], $0x50  }
0xa9: {  	[sflag:s15] =	ssyncset.done $0x0  }
0xaa: {  	[sflag:s15] =	ssyncadd.s32 $0xFFFFFFB0  }
0xab: {  	[spmem:s2] =	stream.indirect.scatter.add.f32 [tilespmem:s24], [sflag:$0xB], $0x80, s1, s31, $0xb8;
	[tilespmem:$0x16C00] =	vst v63  }
0xac: {  	_ =	swait.ge [sflag:s16], $0x2800  }
0xad: {  	s22 =	rddreg [dreg:$0x4];
	[sflag:s16] =	ssyncset.done $0x0  }
0xae: {  	[sflag:s16] =	ssyncadd.s32 $0xFFFFD800;
	s21 =	sadd.s32 $0x0, s22  }
0xaf: {  	[tilespmem:s28], [sflag:$0x4] =	stream.linear.gather [hbm4b:s21+s4], $0x50, $0x38;
	[tilespmem:$0x16C00] =	vst v63  }
0xb0: {  	_ =	swait.ge [sflag:s17], $0x50  }
0xb1: {  	[sflag:s17] =	ssyncset.done $0x0  }
0xb2: {  	s21 =	simm.s32 $0x50;
	[sflag:s17] =	ssyncadd.s32 $0xFFFFFFB0  }
.LBB2_2:
0xb3: {  	[spmem:s2] =	stream.indirect.scatter.add.f32 [tilespmem:s24], [sflag:$0xC], $0x80, s6, s31, $0xb8;
	[tilespmem:$0x16C00] =	vst v63  }
0xb4: {  	_ =	swait.ge [sflag:s10], $0x2800  }
0xb5: {  	s22 =	smov.u32 s21;
	s7 =	rddreg [dreg:$0xb];
	[sflag:s10] =	ssyncset.done $0x0  }
0xb6: {  	[sflag:s10] =	ssyncadd.s32 $0xFFFFD800;
	s7 =	sadd.s32 s22, s7  }
0xb7: {  	[tilespmem:s29], [sflag:$0x5] =	stream.linear.gather [hbm4b:s7+s4], $0x50, $0x38;
	[tilespmem:$0x16C00] =	vst v63  }
0xb8: {  	_ =	swait.ge [sflag:s30], $0x50  }
0xb9: {  	[sflag:s30] =	ssyncset.done $0x0  }
0xba: {  	[sflag:s30] =	ssyncadd.s32 $0xFFFFFFB0  }
0xbb: {  	[spmem:s2] =	stream.indirect.scatter.add.f32 [tilespmem:s24], [sflag:$0x9], $0x80, s4, s31, $0xb8;
	[tilespmem:$0x16C00] =	vst v63  }
0xbc: {  	_ =	swait.ge [sflag:s12], $0x2800  }
0xbd: {  	s7 =	rddreg [dreg:$0xa];
	[sflag:s12] =	ssyncset.done $0x0  }
0xbe: {  	[sflag:s12] =	ssyncadd.s32 $0xFFFFD800;
	s7 =	sadd.s32 s22, s7  }
0xbf: {  	[tilespmem:s0], [sflag:$0x6] =	stream.linear.gather [hbm4b:s7+s4], $0x50, $0x38;
	[tilespmem:$0x16C00] =	vst v63  }
0xc0: {  	_ =	swait.ge [sflag:s3], $0x50  }
0xc1: {  	[sflag:s3] =	ssyncset.done $0x0  }
0xc2: {  	[sflag:s3] =	ssyncadd.s32 $0xFFFFFFB0  }
0xc3: {  	[spmem:s2] =	stream.indirect.scatter.add.f32 [tilespmem:s24], [sflag:$0xA], $0x80, s25, s31, $0xb8;
	[tilespmem:$0x16C00] =	vst v63  }
0xc4: {  	_ =	swait.ge [sflag:s14], $0x2800  }
0xc5: {  	s7 =	rddreg [dreg:$0x9];
	[sflag:s14] =	ssyncset.done $0x0  }
0xc6: {  	[sflag:s14] =	ssyncadd.s32 $0xFFFFD800;
	s7 =	sadd.s32 s22, s7  }
0xc7: {  	[tilespmem:s1], [sflag:$0x7] =	stream.linear.gather [hbm4b:s7+s4], $0x50, $0x38;
	[tilespmem:$0x16C00] =	vst v63  }
0xc8: {  	_ =	swait.ge [sflag:s5], $0x50  }
0xc9: {  	[sflag:s5] =	ssyncset.done $0x0  }
0xca: {  	[sflag:s5] =	ssyncadd.s32 $0xFFFFFFB0  }
0xcb: {  	[spmem:s2] =	stream.indirect.scatter.add.f32 [tilespmem:s24], [sflag:$0xB], $0x80, s26, s31, $0xb8;
	[tilespmem:$0x16C00] =	vst v63  }
0xcc: {  	_ =	swait.ge [sflag:s16], $0x2800  }
0xcd: {  	s7 =	rddreg [dreg:$0x8];
	[sflag:s16] =	ssyncset.done $0x0  }
0xce: {  	[sflag:s16] =	ssyncadd.s32 $0xFFFFD800;
	s7 =	sadd.s32 s22, s7  }
0xcf: {  	[tilespmem:s6], [sflag:$0x8] =	stream.linear.gather [hbm4b:s7+s4], $0x50, $0x38;
	[tilespmem:$0x16C00] =	vst v63  }
0xd0: {  	_ =	swait.ge [sflag:s9], $0x50  }
0xd1: {  	[sflag:s9] =	ssyncset.done $0x0  }
0xd2: {  	[sflag:s9] =	ssyncadd.s32 $0xFFFFFFB0  }
0xd3: {  	[spmem:s2] =	stream.indirect.scatter.add.f32 [tilespmem:s24], [sflag:$0xC], $0x80, s28, s31, $0xb8;
	[tilespmem:$0x16C00] =	vst v63  }
0xd4: {  	_ =	swait.ge [sflag:s10], $0x2800  }
0xd5: {  	s7 =	rddreg [dreg:$0x7];
	[sflag:s10] =	ssyncset.done $0x0  }
0xd6: {  	[sflag:s10] =	ssyncadd.s32 $0xFFFFD800;
	s7 =	sadd.s32 s22, s7  }
0xd7: {  	[tilespmem:s4], [sflag:$0x1] =	stream.linear.gather [hbm4b:s7+s4], $0x50, $0x38;
	[tilespmem:$0x16C00] =	vst v63  }
0xd8: {  	_ =	swait.ge [sflag:s11], $0x50  }
0xd9: {  	[sflag:s11] =	ssyncset.done $0x0  }
0xda: {  	[sflag:s11] =	ssyncadd.s32 $0xFFFFFFB0  }
0xdb: {  	[spmem:s2] =	stream.indirect.scatter.add.f32 [tilespmem:s24], [sflag:$0x9], $0x80, s29, s31, $0xb8;
	[tilespmem:$0x16C00] =	vst v63  }
0xdc: {  	_ =	swait.ge [sflag:s12], $0x2800  }
0xdd: {  	s7 =	rddreg [dreg:$0x6];
	[sflag:s12] =	ssyncset.done $0x0  }
0xde: {  	[sflag:s12] =	ssyncadd.s32 $0xFFFFD800;
	s7 =	sadd.s32 s22, s7  }
0xdf: {  	[tilespmem:s25], [sflag:$0x2] =	stream.linear.gather [hbm4b:s7+s4], $0x50, $0x38;
	[tilespmem:$0x16C00] =	vst v63  }
0xe0: {  	_ =	swait.ge [sflag:s13], $0x50  }
0xe1: {  	[sflag:s13] =	ssyncset.done $0x0  }
0xe2: {  	[sflag:s13] =	ssyncadd.s32 $0xFFFFFFB0  }
0xe3: {  	[spmem:s2] =	stream.indirect.scatter.add.f32 [tilespmem:s24], [sflag:$0xA], $0x80, s0, s31, $0xb8;
	[tilespmem:$0x16C00] =	vst v63  }
0xe4: {  	_ =	swait.ge [sflag:s14], $0x2800  }
0xe5: {  	s7 =	rddreg [dreg:$0x5];
	[sflag:s14] =	ssyncset.done $0x0  }
0xe6: {  	[sflag:s14] =	ssyncadd.s32 $0xFFFFD800;
	s7 =	sadd.s32 s22, s7  }
0xe7: {  	[tilespmem:s26], [sflag:$0x3] =	stream.linear.gather [hbm4b:s7+s4], $0x50, $0x38;
	[tilespmem:$0x16C00] =	vst v63  }
0xe8: {  	_ =	swait.ge [sflag:s15], $0x50  }
0xe9: {  	[sflag:s15] =	ssyncset.done $0x0  }
0xea: {  	[sflag:s15] =	ssyncadd.s32 $0xFFFFFFB0  }
0xeb: {  	[spmem:s2] =	stream.indirect.scatter.add.f32 [tilespmem:s24], [sflag:$0xB], $0x80, s1, s31, $0xb8;
	[tilespmem:$0x16C00] =	vst v63  }
0xec: {  	_ =	swait.ge [sflag:s16], $0x2800  }
0xed: {  	p0 =	sne.s32 s21, $0x410;
	s7 =	rddreg [dreg:$0x4];
	[sflag:s16] =	ssyncset.done $0x0  }
.Ltmp0:
0xee: {  	[sflag:s16] =	ssyncadd.s32 $0xFFFFD800;
	s7 =	sadd.s32 s22, s7;
	(pc) =	sbr.rel @p0 .LBB2_2-.Ltmp0, $4  }
0xef: {  	[tilespmem:s28], [sflag:$0x4] =	stream.linear.gather [hbm4b:s7+s4], $0x50, $0x38;
	[tilespmem:$0x16C00] =	vst v63  }
0xf0: {  	_ =	swait.ge [sflag:s17], $0x50  }
0xf1: {  	[sflag:s17] =	ssyncset.done $0x0  }
0xf2: {  	s21 =	sadd.s32 $0x50, s21;
	[sflag:s17] =	ssyncadd.s32 $0xFFFFFFB0  }
0xf3: {  	[spmem:s2] =	stream.indirect.scatter.add.f32 [tilespmem:s24], [sflag:$0xC], $0x80, s6, s31, $0xb8;
	[tilespmem:$0x16C00] =	vst v63  }
0xf4: {  	_ =	swait.ge [sflag:s10], $0x2800  }
0xf5: {  	[sflag:s10] =	ssyncset.done $0x0  }
0xf6: {  	[sflag:s10] =	ssyncadd.s32 $0xFFFFD800  }
0xf7: {  	[tilespmem:s29], [sflag:$0x5] =	stream.linear.gather [hbm4b:s20+s4], $0x50, $0x38;
	[tilespmem:$0x16C00] =	vst v63  }
0xf8: {  	_ =	swait.ge [sflag:s30], $0x50  }
0xf9: {  	[sflag:s30] =	ssyncset.done $0x0  }
0xfa: {  	[sflag:s30] =	ssyncadd.s32 $0xFFFFFFB0  }
0xfb: {  	[spmem:s2] =	stream.indirect.scatter.add.f32 [tilespmem:s24], [sflag:$0x9], $0x80, s4, s31, $0xb8;
	[tilespmem:$0x16C00] =	vst v63  }
0xfc: {  	_ =	swait.ge [sflag:s12], $0x2800  }
0xfd: {  	[sflag:s12] =	ssyncset.done $0x0  }
0xfe: {  	[sflag:s12] =	ssyncadd.s32 $0xFFFFD800  }
0xff: {  	[tilespmem:s0], [sflag:$0x6] =	stream.linear.gather [hbm4b:s20+s4], $0x50, $0x38;
	[tilespmem:$0x16C00] =	vst v63  }
0x100: {  	_ =	swait.ge [sflag:s3], $0x50  }
0x101: {  	[sflag:s3] =	ssyncset.done $0x0  }
0x102: {  	[sflag:s3] =	ssyncadd.s32 $0xFFFFFFB0  }
0x103: {  	[spmem:s2] =	stream.indirect.scatter.add.f32 [tilespmem:s24], [sflag:$0xA], $0x80, s25, s31, $0xb8;
	[tilespmem:$0x16C00] =	vst v63  }
0x104: {  	_ =	swait.ge [sflag:s14], $0x2800  }
0x105: {  	[sflag:s14] =	ssyncset.done $0x0  }
0x106: {  	[sflag:s14] =	ssyncadd.s32 $0xFFFFD800  }
0x107: {  	[tilespmem:s1], [sflag:$0x7] =	stream.linear.gather [hbm4b:s20+s4], $0x50, $0x38;
	[tilespmem:$0x16C00] =	vst v63  }
0x108: {  	_ =	swait.ge [sflag:s5], $0x50  }
0x109: {  	[sflag:s5] =	ssyncset.done $0x0  }
0x10a: {  	[sflag:s5] =	ssyncadd.s32 $0xFFFFFFB0  }
0x10b: {  	[spmem:s2] =	stream.indirect.scatter.add.f32 [tilespmem:s24], [sflag:$0xB], $0x80, s26, s31, $0xb8;
	[tilespmem:$0x16C00] =	vst v63  }
0x10c: {  	_ =	swait.ge [sflag:s16], $0x2800  }
0x10d: {  	[sflag:s16] =	ssyncset.done $0x0  }
0x10e: {  	[sflag:s16] =	ssyncadd.s32 $0xFFFFD800  }
0x10f: {  	[tilespmem:s6], [sflag:$0x8] =	stream.linear.gather [hbm4b:s20+s4], $0x50, $0x38;
	[tilespmem:$0x16C00] =	vst v63  }
0x110: {  	_ =	swait.ge [sflag:s9], $0x50  }
0x111: {  	[sflag:s9] =	ssyncset.done $0x0  }
0x112: {  	[sflag:s9] =	ssyncadd.s32 $0xFFFFFFB0  }
0x113: {  	[spmem:s2] =	stream.indirect.scatter.add.f32 [tilespmem:s24], [sflag:$0xC], $0x80, s28, s31, $0xb8;
	[tilespmem:$0x16C00] =	vst v63  }
0x114: {  	_ =	swait.ge [sflag:s10], $0x2800  }
0x115: {  	[sflag:s10] =	ssyncset.done $0x0  }
0x116: {  	[sflag:s10] =	ssyncadd.s32 $0xFFFFD800  }
0x117: {  	[tilespmem:s4], [sflag:$0x1] =	stream.linear.gather [hbm4b:s20+s4], $0x50, $0x38;
	[tilespmem:$0x16C00] =	vst v63  }
0x118: {  	_ =	swait.ge [sflag:s11], $0x50  }
0x119: {  	[sflag:s11] =	ssyncset.done $0x0  }
0x11a: {  	[sflag:s11] =	ssyncadd.s32 $0xFFFFFFB0  }
0x11b: {  	[spmem:s2] =	stream.indirect.scatter.add.f32 [tilespmem:s24], [sflag:$0x9], $0x80, s29, s31, $0xb8;
	[tilespmem:$0x16C00] =	vst v63  }
0x11c: {  	_ =	swait.ge [sflag:s12], $0x2800  }
0x11d: {  	[sflag:s12] =	ssyncset.done $0x0  }
0x11e: {  	[sflag:s12] =	ssyncadd.s32 $0xFFFFD800  }
0x11f: {  	_ =	swait.ge [sflag:s14], $0x2800  }
0x120: {  	[sflag:s14] =	ssyncset.done $0x0  }
0x121: {  	[sflag:s14] =	ssyncadd.s32 $0xFFFFD800  }
0x122: {  	_ =	swait.ge [sflag:s16], $0x2800  }
0x123: {  	[sflag:s16] =	ssyncset.done $0x0  }
0x124: {  	[sflag:s16] =	ssyncadd.s32 $0xFFFFD800  }
0x125: {  	_ =	swait.ge [sflag:s10], $0x2800  }
0x126: {  	[sflag:s10] =	ssyncset.done $0x0  }
0x127: {  	[sflag:s10] =	ssyncadd.s32 $0xFFFFD800  }
0x128: {  	_ =	swait.ge [sflag:s13], $0x50  }
0x129: {  	[sflag:s13] =	ssyncset.done $0x0  }
0x12a: {  	[sflag:s13] =	ssyncadd.s32 $0xFFFFFFB0  }
0x12b: {  	_ =	swait.ge [sflag:s15], $0x50  }
0x12c: {  	[sflag:s15] =	ssyncset.done $0x0  }
0x12d: {  	[sflag:s15] =	ssyncadd.s32 $0xFFFFFFB0  }
0x12e: {  	_ =	swait.ge [sflag:s17], $0x50  }
0x12f: {  	[sflag:s17] =	ssyncset.done $0x0  }
0x130: {  	[sflag:s17] =	ssyncadd.s32 $0xFFFFFFB0  }
0x131: {  	_ =	swait.ge [sflag:s30], $0x50  }
0x132: {  	[sflag:s30] =	ssyncset.done $0x0  }
0x133: {  	[sflag:s30] =	ssyncadd.s32 $0xFFFFFFB0  }
0x134: {  	[bflag:$0x0] =	sbarrier.arrive $0xFFFF  }
0x135: {  	s7 =	rddreg [dreg:$0x1a]  }
0x136: {  	[hbm:s7], [sflag:s8] =	dma.local [spmem:s19], $0x2800  }
0x137: {  	_ =	swait.ge [sflag:s23], $0x2800  }
0x138: {  	s18 =	sadd.s32 $0x1, s18;
	s22 =	rddreg [dreg:$0x1b]  }
0x139: {  	p0 =	sne.s32 s18, s22  }
.Ltmp1:
0x13a: {  	_ = 	snop;
	(pc) =	sbr.rel @p0 .LBB2_1-.Ltmp1, $3  }
0x13b: {  	_ =	sdelay $0x1  }
0x13c: {  	[sflag:s23] =	ssyncset.done $0x0  }
0x13d: {  	[sflag:s23] =	ssyncadd.s32 $0xFFFFD800  }
0x13e: {  	_ =	sfence.sel $0x180000  }
0x13f: {  	[bflag:$0x0] =	sbarrier.arrive $0xFFFF  }
0x140: {  	_ =	strace $0x90000047  }
0x141: {  	s0 =	stileid.u32;
	[bflag:$0x2] =	sbarrier.arrive $0xFFFF  }
0x142: {  	p0 =	sne.s32 s0, $0x0;
	s0 =	rddreg [dreg:$0x3]  }
0x143: {  	s0 =	sadd.s32 @!p0 $0x100000, s0  }
0x144: {  	[sflag:s0] =	ssyncadd.tile.s32 @!p0 $0x1;
	_ =	shalt  }
.Lfunc_end2:
_tile_overlayer_lowered:
.L_overlay_start_2:
0x145: {  	(tag) =	ssettag $0x2  }
0x146: {  	s0 =	rddreg [dreg:$0x0];
	s2 =	stileid.u32  }
0x147: {  	s1 =	rddreg [dreg:$0x1];
	p0 =	sne.s32 s2, $0x0  }
0x148: {  	s3 =	rddreg [dreg:$0x2];
	[bflag:$0x3] =	sbarrier.arrive $0xFFFF;
	s2 =	simm.s32 @!p0 $0x1C0D  }
0x149: {  	[timem:s3], [sflag:s2] =	dma.local @!p0 [hbm:s0], s1  }
0x14a: {  	s0 =	simm.s32 @!p0 $0xD  }
0x14b: {  	_ =	swait.ge @!p0 [sflag:s0], s1  }
0x14c: {  	s1 =	ssub.s32 @!p0 $0x0, s1;
	[sflag:s0] =	ssyncset.done @!p0 $0x0  }
0x14d: {  	[sflag:s0] =	ssyncadd.s32 @!p0 s1  }
0x14e: {  	[bflag:$0x3] =	sbarrier.arrive $0xFFFF  }
0x14f: {  	_ =	shalt  }

// kernel: kernel.9.cloned.1.call-start
scs
__scs_entry_jumppad:
0x0: {  	(pc) =	sbr.rel $0x88, $3  }
0x1: {  	(tag) =	ssettag $0x0;
	lr =	simm.s32 $0x1  }
0x2: {  	[smem:$0x3F93] =	sst lr;
	_ =	strace $0xD0000000  }
0x3: {  	_ = 	snop  }
0x4: {  	_ = 	snop  }
0x5: {  	_ = 	snop  }
0x6: {  	_ = 	snop  }
0x7: {  	_ = 	snop  }
__scs_overlays_trampoline_lowered:
0x8: {  	[smem:$0x3FA2] =	sst s0  }
0x9: {  	[smem:$0x3FA3] =	sst s1  }
0xa: {  	[smem:$0x3FA4] =	sst s2  }
0xb: {  	[smem:$0x3FA5] =	sst s3  }
0xc: {  	[smem:$0x3FA6] =	sst s4  }
0xd: {  	[smem:$0x3FA7] =	sst s5  }
0xe: {  	[smem:$0x3FA8] =	sst s6  }
0xf: {  	[smem:$0x3FA9] =	sst s7  }
0x10: {  	[smem:$0x3FAA] =	sst s8  }
0x11: {  	[smem:$0x3FAB] =	sst s9;
	s0 =	simm.s32 @!p0 $0x0  }
0x12: {  	s1 =	sld [smem:$0x3F91];
	s0 =	simm.s32 @p0 $0x1  }
0x13: {  	[smem:$0x3FAC] =	sst s0;
	s0 =	simm.s32 @!p1 $0x0  }
0x14: {  	s2 =	sld [smem:$0x3F90];
	s0 =	simm.s32 @p1 $0x1  }
0x15: {  	[smem:$0x3FAD] =	sst s0;
	s0 =	simm.s32 @!p2 $0x0  }
0x16: {  	s3 =	sld [smem:$0x3FDB];
	s0 =	simm.s32 @p2 $0x1  }
0x17: {  	s4 =	simm.s32 $0x1BF5;
	[smem:$0x3FAF] =	sst s0  }
0x18: {  	s0 =	sld [smem:$0x3F92];
	_ =	swait.ge [sflag:s4], $0x0  }
0x19: {  	s7 =	sld [smem:$0x3F93]  }
0x1a: {  	s8 =	sadd.s32 $0xFFFFE003, lr  }
0x1b: {  	s9 =	sadd.s32 $0xFFFFFEF7, lr;
	s5 =	simm.s32 $0xFFFFFFFF;
	p2 =	slt.u32 s8, $0xFFFFF086  }
0x1c: {  	p1 =	slt.u32 s9, $0xF7A;
	s5 =	simm.s32 @!p2 $0x0  }
0x1d: {  	s5 =	simm.s32 @p1 $0x1;
	p0 =	seq.s32 s7, s2  }
0x1e: {  	s7 =	smul.u32 @!p0 $0xF7A, s2;
	p2 =	seq.s32 @!p0 s5, $0x0  }
0x1f: {  	s9 =	smul.u32 $0xF7A, s1;
	s8 =	simm.s32 @!p0 $0x1BF5;
	p2 =	por !p2, p0  }
0x20: {  	[sflag:s8] =	ssyncset.s32 @!p0 $0xFFFFF086;
	s6 =	sadd.s32 @!p0 s3, s7;
	s7 =	simm.s32 @!p0 $0x108  }
0x21: {  	s3 =	sadd.s32 s3, s9;
	s6 =	sadd.s32 @!p0 $0x88, s6;
	s7 =	simm.s32 @p2 $0x1082  }
0x22: {  	[simem:s7], [sflag:s8] =	dma.local @!p0 [hbm:s6], $0xF7A  }
0x23: {  	s9 =	sor.u32 $0xD0000000, s2;
	s6 =	simm.s32 $0x108;
	_ =	swait.ge @!p0 [sflag:s8], $0x0  }
0x24: {  	s3 =	sadd.s32 $0x88, s3;
	s6 =	simm.s32 @!p1 $0x1082;
	[sflag:s4] =	ssyncset.s32 $0xFFFFF086  }
0x25: {  	[simem:s6], [sflag:s4] =	dma.local [hbm:s3], $0xF7A  }
0x26: {  	[smem:$0x3F93] =	sst s1;
	(tag) =	ssettag s2;
	_ =	strace s9  }
0x27: {  	s1 =	sld [smem:$0x3FA3]  }
0x28: {  	s2 =	sld [smem:$0x3FA4]  }
0x29: {  	s4 =	sld [smem:$0x3FA6]  }
0x2a: {  	p0 =	seq.s32 s5, $0x0;
	s5 =	sld [smem:$0x3FA7]  }
0x2b: {  	s6 =	sld [smem:$0x3FA8]  }
0x2c: {  	s7 =	sld [smem:$0x3FA9]  }
0x2d: {  	s3 =	simm.s32 $0x108;
	s8 =	sld [smem:$0x3FAA]  }
0x2e: {  	s3 =	simm.s32 @!p0 $0x1082;
	s9 =	sld [smem:$0x3FAB]  }
0x2f: {  	lr =	sadd.s32 s0, s3;
	s0 =	sld [smem:$0x3FA2]  }
0x30: {  	s3 =	sld [smem:$0x3FA5]  }
0x31: {  	[smem:$0x3FAE] =	sst s10  }
0x32: {  	s10 =	sld [smem:$0x3FAC];
	_ =	sdelay $0x3  }
0x33: {  	p0 =	seq.s32 s10, $0x1;
	s10 =	sld [smem:$0x3FAE];
	_ =	sdelay $0x3  }
0x34: {  	[smem:$0x3FAE] =	sst s10  }
0x35: {  	s10 =	sld [smem:$0x3FAD];
	_ =	sdelay $0x3  }
0x36: {  	p1 =	seq.s32 s10, $0x1;
	s10 =	sld [smem:$0x3FAE];
	_ =	sdelay $0x3  }
0x37: {  	[smem:$0x3FAE] =	sst s10  }
0x38: {  	s10 =	sld [smem:$0x3FAF]  }
0x39: {  	_ = 	snop;
	(pc) =	sbr.ind lr, $3  }
0x3a: {  	_ = 	snop  }
0x3b: {  	_ = 	snop  }
0x3c: {  	p2 =	seq.s32 s10, $0x1;
	s10 =	sld [smem:$0x3FAE]  }
0x3d: {  	_ =	shalt  }
0x3e: {  	_ =	shalt  }
0x3f: {  	_ =	shalt  }
0x40: {  	_ =	shalt  }
0x41: {  	_ =	shalt  }
0x42: {  	_ =	shalt  }
0x43: {  	_ =	shalt  }
0x44: {  	_ =	shalt  }
0x45: {  	_ =	shalt  }
0x46: {  	_ =	shalt  }
0x47: {  	_ =	shalt  }
0x48: {  	_ =	shalt  }
0x49: {  	_ =	shalt  }
0x4a: {  	_ =	shalt  }
0x4b: {  	_ =	shalt  }
0x4c: {  	_ =	shalt  }
0x4d: {  	_ =	shalt  }
0x4e: {  	_ =	shalt  }
0x4f: {  	_ =	shalt  }
0x50: {  	_ =	shalt  }
0x51: {  	_ =	shalt  }
0x52: {  	_ =	shalt  }
0x53: {  	_ =	shalt  }
0x54: {  	_ =	shalt  }
0x55: {  	_ =	shalt  }
0x56: {  	_ =	shalt  }
0x57: {  	_ =	shalt  }
0x58: {  	_ =	shalt  }
0x59: {  	_ =	shalt  }
0x5a: {  	_ =	shalt  }
0x5b: {  	_ =	shalt  }
0x5c: {  	_ =	shalt  }
0x5d: {  	_ =	shalt  }
0x5e: {  	_ =	shalt  }
0x5f: {  	_ =	shalt  }
0x60: {  	_ =	shalt  }
0x61: {  	_ =	shalt  }
0x62: {  	_ =	shalt  }
0x63: {  	_ =	shalt  }
0x64: {  	_ =	shalt  }
0x65: {  	_ =	shalt  }
0x66: {  	_ =	shalt  }
0x67: {  	_ =	shalt  }
0x68: {  	_ =	shalt  }
0x69: {  	_ =	shalt  }
0x6a: {  	_ =	shalt  }
0x6b: {  	_ =	shalt  }
0x6c: {  	_ =	shalt  }
0x6d: {  	_ =	shalt  }
0x6e: {  	_ =	shalt  }
0x6f: {  	_ =	shalt  }
0x70: {  	_ =	shalt  }
0x71: {  	_ =	shalt  }
0x72: {  	_ =	shalt  }
0x73: {  	_ =	shalt  }
0x74: {  	_ =	shalt  }
0x75: {  	_ =	shalt  }
0x76: {  	_ =	shalt  }
0x77: {  	_ =	shalt  }
0x78: {  	_ =	shalt  }
0x79: {  	_ =	shalt  }
0x7a: {  	_ =	shalt  }
0x7b: {  	_ =	shalt  }
0x7c: {  	_ =	shalt  }
0x7d: {  	_ =	shalt  }
0x7e: {  	_ =	shalt  }
0x7f: {  	_ =	shalt  }
0x80: {  	_ =	shalt  }
0x81: {  	_ =	shalt  }
0x82: {  	_ =	shalt  }
0x83: {  	_ =	shalt  }
0x84: {  	_ =	shalt  }
0x85: {  	_ =	shalt  }
0x86: {  	_ =	shalt  }
0x87: {  	_ =	shalt  }
.Lfunc_end0:
.L_simem_size_0:
called_computation.1_lowered:
.L_overlay_start_0:
0x88: {  	s2 =	sld [smem:$0x3FD9]  }
0x89: {  	s3 =	sld [smem:$0x3FFE];
	_ =	sdelay $0x1  }
0x8a: {  	s1 =	srdreg.scid  }
0x8b: {  	s0 =	sand.u32 $0x1, s1  }
0x8c: {  	s17 =	sshll.u32 s0, $0xA;
	s2 =	sadd.s32 s3, s2  }
0x8d: {  	s2 =	sadd.s32 s2, s17  }
0x8e: {  	[smem:$0x3FBA] =	sst s2  }
0x8f: {  	_ = 	snop  }
0x90: {  	s2 =	sld [smem:$0x3FD0];
	(tm) =	ssettm $0x1  }
0x91: {  	s18 =	sld [smem:$0x3FFB];
	_ =	sdelay $0x3  }
0x92: {  	_ =	strace s18  }
0x93: {  	s3 =	sld [smem:$0x3FFC];
	_ =	sdelay $0x3  }
0x94: {  	_ =	strace s3  }
0x95: {  	s3 =	sld [smem:$0x3FFD];
	_ =	sdelay $0x3  }
0x96: {  	_ =	strace s3  }
0x97: {  	_ =	strace $0x8FFFFFFF  }
0x98: {  	s19 =	sld [smem:$0x3FDB];
	_ =	sdelay $0x1  }
0x99: {  	s4 =	simm.s32 $_scs_section_size  }
0x9a: {  	s5 =	simm.s32 $_size__tile_overlayer_lowered;
	s6 =	simm.s32 $_tile_overlayer_lowered  }
0x9b: {  	s22 =	simm.s32 $0x1BFF;
	s21 =	sshll.u32 s6, $0x1;
	s3 =	sadd.s32 s4, s19  }
0x9c: {  	s7 =	simm.s32 $0x0;
	s20 =	sshll.u32 s5, $0x1;
	s5 =	sadd.s32 s21, s3  }
0x9d: {  	[timem:s7], [sflag:s22] =	dma.local [hbm:s5], s20  }
0x9e: {  	_ =	swait.ge [sflag:s22], s20  }
0x9f: {  	s4 =	ssub.s32 $0x0, s20;
	[sflag:s22] =	ssyncset.done $0x0  }
0xa0: {  	[sflag:s22] =	ssyncadd.s32 s4;
	_ =	sdelay $0x1  }
0xa1: {  	s23 =	simm.s32 $0x1B8B  }
0xa2: {  	_ =	swait.ge [sflag:s23], $0x1  }
0xa3: {  	[sflag:s23] =	ssyncset.done $0x0  }
0xa4: {  	s25 =	simm.s32 $0x1B8E;
	s24 =	sld [smem:$0x3FFE];
	[sflag:s23] =	ssyncadd.s32 $0xFFFFFFFF  }
0xa5: {  	s26 =	simm.s32 $execute0_lowered;
	[smem:$0x3FD2] =	sst s25  }
0xa6: {  	s5 =	sshll.u32 s26, $0x1;
	_ =	strace $0x80000049;
	[dreg:$0x1] =	wrdreg $0xFFFFFFFF  }
0xa7: {  	s28 =	simm.s32 $_size_execute0_lowered;
	s3 =	sadd.s32 s3, s5;
	[dreg:$0x0] =	wrdreg $0x0  }
0xa8: {  	s5 =	sshll.u32 s28, $0x1;
	[dreg:$0x2] =	wrdreg s3  }
0xa9: {  	[dreg:$0x3] =	wrdreg s5  }
0xaa: {  	[dreg:$0x4] =	wrdreg $0xC0  }
0xab: {  	_ =	task [dreg:s7], $0x5FFFF  }
0xac: {  	[dreg:$0x1] =	wrdreg $0xFFFFFFFF  }
0xad: {  	[dreg:$0x0] =	wrdreg $0x60  }
0xae: {  	[dreg:$0x2] =	wrdreg s24  }
0xaf: {  	[dreg:$0x3] =	wrdreg s2  }
0xb0: {  	[dreg:$0x4] =	wrdreg $0xA4000  }
0xb1: {  	[dreg:$0x5] =	wrdreg $0x9  }
0xb2: {  	_ =	task.clear_ibuf [dreg:s7], $0x6FFFF;
	_ =	strace $0x90000049  }
0xb3: {  	s29 =	simm.s32 $0x9;
	_ =	strace $0x8000004B  }
0xb4: {  	_ =	swait.ge [sflag:s29], $0x1  }
0xb5: {  	[sflag:s29] =	ssyncadd.s32 $0xFFFFFFFF  }
0xb6: {  	_ =	strace $0x9000004B  }
0xb7: {  	_ =	sfence  }
0xb8: {  	s30 =	sld [smem:$0x0];
	_ =	sdelay $0x2  }
0xb9: {  	s31 =	sshll.u32 s1, $0xD;
	s1 =	sshrl.u32 s1, $0x2  }
0xba: {  	s3 =	sand.u32 $0x4000, s31;
	s1 =	sadd.s32 s1, s30  }
0xbb: {  	s0 =	sor.u32 s3, s0;
	s1 =	sshll.u32 s1, $0x11  }
0xbc: {  	s0 =	sor.u32 s1, s0  }
0xbd: {  	s0 =	sadd.s32 $0x8F2B, s0  }
0xbe: {  	[sflag:s0] =	ssyncadd.remote.s32 $0x1  }
0xbf: {  	_ =	sfence.sel $0xFFFF  }
0xc0: {  	[dreg:$0x0] =	wrdreg $0xFFFFFFFF;
	(pc) =	sbr.abs _section_cstart, $3  }
0xc1: {  	[dreg:$0x1] =	wrdreg $0xFFFFFFFF  }
0xc2: {  	_ =	task.clear_ibuf [dreg:s7], $0x2FFFF;
	_ =	strace $0x9FFFFFFF  }
0xc3: {  	(tm) =	ssettm $0x7FFFFFFF  }
tec
execute0_lowered:
.L_overlay_start_1:
0x0: {  	(tag) =	ssettag $0x1  }
0x1: {  	s0 =	rddreg [dreg:$0x0]  }
0x2: {  	s2 =	rddreg [dreg:$0x2]  }
0x3: {  	s1 =	srdreg.scid;
	s4 =	simm.s32 $0x0;
	s12 =	stileid.u32  }
0x4: {  	s1 =	sand.u32 $0x1, s1;
	[smem:$0x7FF] =	sst s4;
	s7 =	smul.u32 $0x14000, s12  }
0x5: {  	s5 =	sadd.s32 $0x16800, s0;
	s6 =	sadd.s32 $0x2C00, s0;
	s9 =	smul.u32 $0x50000, s12  }
0x6: {  	s10 =	sshll.u32 s12, $0x1;
	s14 =	sshll.u32 s12, $0x6;
	s12 =	smul.u32 $0x4E20, s12  }
0x7: {  	s30 =	sadd.s32 $0xCA00, s0;
	s3 =	smul.u32 $0x140000, s1;
	_ =	strace $0x8000004A  }
0x8: {  	s8 =	ssub.s32 $0x2, s1;
	s20 =	sor.u32 $0x1C0F, s14;
	[dreg:$0x6] =	wrdreg s6  }
0x9: {  	s11 =	sshrl.u32 s8, $0x1;
	s13 =	sshrl.u32 s9, $0x2;
	s3 =	sadd.s32 s7, s3  }
0xa: {  	[dreg:$0x8] =	wrdreg s20;
	s7 =	sor.u32 s1, s10;
	s3 =	sshrl.u32 s3, $0x3  }
0xb: {  	s13 =	sadd.s32 s13, s2;
	s7 =	smul.u32 $0x2710, s7;
	s0 =	sadd.s32 s3, s0  }
0xc: {  	[dreg:$0x7] =	wrdreg s13;
	s3 =	ssub.s32 s8, s11;
	s0 =	sadd.s32 $0x3DA00, s0  }
0xd: {  	s8 =	sshrl.u32 s7, $0x3;
	s3 =	smax.u32 s3, $0x1;
	[dreg:$0x19] =	wrdreg s0  }
0xe: {  	s1 =	smul.u32 $0x2710, s1;
	s29 =	sadd.s32 s6, s8;
	[dreg:$0x1a] =	wrdreg s3  }
0xf: {  	s15 =	sadd.s32 $0xA, s8;
	s2 =	sadd.s32 s30, s8;
	[dreg:$0x14] =	wrdreg s29  }
0x10: {  	s10 =	sadd.s32 $0x14, s8;
	s14 =	sadd.s32 s6, s15;
	[dreg:$0x15] =	wrdreg s2  }
0x11: {  	s11 =	sadd.s32 $0x1E, s8;
	s16 =	sadd.s32 s6, s10;
	[dreg:$0x9] =	wrdreg s14  }
0x12: {  	s31 =	simm.s32 $0x7C00;
	s17 =	sadd.s32 s6, s11;
	[dreg:$0xa] =	wrdreg s16  }
0x13: {  	s1 =	sadd.s32 s1, s12;
	s9 =	sadd.s32 s30, s15;
	[dreg:$0xb] =	wrdreg s17  }
0x14: {  	s18 =	sadd.s32 $0x28, s8;
	s10 =	sadd.s32 s30, s10;
	[dreg:$0xc] =	wrdreg s9  }
0x15: {  	s12 =	sadd.s32 $0x230, s1;
	s19 =	sadd.s32 s6, s18;
	[dreg:$0xd] =	wrdreg s10  }
0x16: {  	s0 =	sshrl.u32 s12, $0x3;
	s21 =	sadd.s32 s30, s11;
	[dreg:$0xe] =	wrdreg s19  }
0x17: {  	s28 =	sadd.s32 $0x230, s7;
	s0 =	sadd.s32 s0, s30;
	[dreg:$0xf] =	wrdreg s21  }
0x18: {  	s15 =	sadd.s32 $0x1E0, s7;
	s2 =	simm.s32 $0x0;
	[dreg:$0x1b] =	wrdreg s0  }
0x19: {  	s14 =	sadd.s32 $0x190, s7;
	s9 =	sadd.s32 s30, s18;
	[dreg:$0x5] =	wrdreg s15  }
0x1a: {  	s23 =	sshrl.u32 s15, $0x3;
	s10 =	sshrl.u32 s28, $0x3;
	[dreg:$0x10] =	wrdreg s9  }
0x1b: {  	s22 =	sshrl.u32 s14, $0x3;
	s24 =	sadd.s32 s6, s23;
	[dreg:$0x4] =	wrdreg s14  }
0x1c: {  	s9 =	sadd.s32 $0x4D8, s8;
	s8 =	sadd.s32 s6, s10;
	[dreg:$0x11] =	wrdreg s24  }
0x1d: {  	s16 =	sadd.s32 $0x280, s1;
	s25 =	sadd.s32 s6, s22;
	[dreg:$0x16] =	wrdreg s8  }
0x1e: {  	s18 =	sadd.s32 $0x1E0, s1;
	s26 =	sadd.s32 s30, s22;
	[dreg:$0x12] =	wrdreg s25  }
0x1f: {  	s1 =	simm.s32 $0x2C00;
	s11 =	sadd.s32 s6, s9;
	[dreg:$0x13] =	wrdreg s26  }
0x20: {  	s17 =	sshrl.u32 s16, $0x3;
	s7 =	sadd.s32 s30, s9;
	[dreg:$0x17] =	wrdreg s11  }
0x21: {  	s0 =	sshrl.u32 s18, $0x3;
	s19 =	sadd.s32 s17, s30;
	[dreg:$0x18] =	wrdreg s7  }
0x22: {  	s16 =	simm.s32 $0xE;
	s21 =	sadd.s32 s17, s6;
	[dreg:$0x1c] =	wrdreg s19  }
0x23: {  	s22 =	sadd.s32 $0x4000, s13;
	s0 =	sadd.s32 s0, s30;
	[dreg:$0x1d] =	wrdreg s21  }
0x24: {  	s24 =	sadd.s32 $0x8000, s13;
	[dreg:$0x1e] =	wrdreg s0;
	s23 =	sshrl.u32 s22, $0x3  }
0x25: {  	s0 =	sshrl.u32 s24, $0x3;
	s25 =	sadd.s32 $0xC000, s13;
	s26 =	sadd.s32 $0x10000, s13  }
0x26: {  	s11 =	simm.s32 $0x2;
	s13 =	simm.s32 $0x380;
	[dreg:$0x1f] =	wrdreg s23  }
0x27: {  	[smem:$0x7FB] =	sst s0;
	s0 =	sshrl.u32 s25, $0x3;
	s29 =	sshrl.u32 s26, $0x3  }
0x28: {  	s23 =	simm.s32 $0xF;
	s26 =	simm.s32 $0x80;
	[smem:$0x7FC] =	sst s0  }
0x29: {  	s25 =	simm.s32 $0x50;
	[smem:$0x7FD] =	sst s29;
	s0 =	simm.s32 $0x280  }
.LBB2_1:
0x2a: {  	[smem:$0x7F9] =	sst s2  }
0x2b: {  	s12 =	rddreg [dreg:$0x7]  }
0x2c: {  	s19 =	rddreg [dreg:$0x1];
	s10 =	sshrl.u32 s12, $0x3  }
0x2d: {  	[smem:$0x7FA] =	sst s10  }
0x2e: {  	[spmem:s10], [sflag:s20] =	dma.local [hbm:s19], $0x800  }
0x2f: {  	_ =	swait.ge [sflag:s23], $0x800  }
0x30: {  	[sflag:s23] =	ssyncset.done $0x0  }
0x31: {  	s8 =	rddreg [dreg:$0x1f];
	[sflag:s23] =	ssyncadd.s32 $0xFFFFF800  }
0x32: {  	[spmem:s8], [sflag:s20] =	dma.local [hbm:s19], $0x800  }
0x33: {  	_ =	swait.ge [sflag:s23], $0x800  }
0x34: {  	s12 =	sld [smem:$0x7FB]  }
0x35: {  	[sflag:s23] =	ssyncset.done $0x0  }
0x36: {  	[sflag:s23] =	ssyncadd.s32 $0xFFFFF800  }
0x37: {  	[spmem:s12], [sflag:s20] =	dma.local [hbm:s19], $0x800  }
0x38: {  	_ =	swait.ge [sflag:s23], $0x800  }
0x39: {  	s14 =	sld [smem:$0x7FC]  }
0x3a: {  	[sflag:s23] =	ssyncset.done $0x0  }
0x3b: {  	[sflag:s23] =	ssyncadd.s32 $0xFFFFF800  }
0x3c: {  	[spmem:s14], [sflag:s20] =	dma.local [hbm:s19], $0x800  }
0x3d: {  	_ =	swait.ge [sflag:s23], $0x800  }
0x3e: {  	s15 =	sld [smem:$0x7FD]  }
0x3f: {  	[sflag:s23] =	ssyncset.done $0x0  }
0x40: {  	[sflag:s23] =	ssyncadd.s32 $0xFFFFF800  }
0x41: {  	[spmem:s15], [sflag:s20] =	dma.local [hbm:s19], $0x800  }
0x42: {  	_ =	swait.ge [sflag:s23], $0x800  }
0x43: {  	[sflag:s23] =	ssyncset.done $0x0  }
0x44: {  	[sflag:s23] =	ssyncadd.s32 $0xFFFFF800  }
0x45: {  	[bflag:$0x0] =	sbarrier.arrive $0xFFFF  }
0x46: {  	s17 =	rddreg [dreg:$0x14]  }
0x47: {  	[tilespmem:s4], [sflag:$0x1] =	stream.linear.gather [hbm4b:s17+s4], $0x50, $0x38;
	[tilespmem:$0x1E400] =	vst v63  }
0x48: {  	s18 =	rddreg [dreg:$0x9]  }
0x49: {  	[tilespmem:s26], [sflag:$0x2] =	stream.linear.gather [hbm4b:s18+s4], $0x50, $0x38;
	[tilespmem:$0x1E400] =	vst v63  }
0x4a: {  	s20 =	simm.s32 $0x100;
	s19 =	rddreg [dreg:$0xa]  }
0x4b: {  	[tilespmem:s20], [sflag:$0x3] =	stream.linear.gather [hbm4b:s19+s4], $0x50, $0x38;
	[tilespmem:$0x1E400] =	vst v63  }
0x4c: {  	s23 =	simm.s32 $0x180;
	s22 =	rddreg [dreg:$0xb]  }
0x4d: {  	[tilespmem:s23], [sflag:$0x4] =	stream.linear.gather [hbm4b:s22+s4], $0x50, $0x38;
	[tilespmem:$0x1E400] =	vst v63  }
0x4e: {  	s14 =	simm.s32 $0x200;
	s15 =	simm.s32 $0x1;
	s24 =	rddreg [dreg:$0x15]  }
0x4f: {  	[tilespmem:s14], [sflag:$0x9] =	stream.linear.gather [hbm4b:s24+s4], $0x50, $0x38;
	[tilespmem:$0x1E400] =	vst v63  }
0x50: {  	_ =	swait.ge [sflag:s15], $0x50  }
0x51: {  	[sflag:s15] =	ssyncset.done $0x0  }
0x52: {  	s10 =	simm.s32 $0x400;
	[sflag:s15] =	ssyncadd.s32 $0xFFFFFFB0  }
0x53: {  	[tilespmem:s10], [sflag:$0x5] =	stream.indirect.gather [hbm4b:s5+s25], $0x80, s4, s25, $0xb8;
	[tilespmem:$0x1E400] =	vst v63  }
0x54: {  	s29 =	rddreg [dreg:$0xc]  }
0x55: {  	[tilespmem:s0], [sflag:$0xA] =	stream.linear.gather [hbm4b:s29+s4], $0x50, $0x38;
	[tilespmem:$0x1E400] =	vst v63  }
0x56: {  	_ =	swait.ge [sflag:s11], $0x50  }
0x57: {  	[sflag:s11] =	ssyncset.done $0x0  }
0x58: {  	s22 =	simm.s32 $0x3;
	[sflag:s11] =	ssyncadd.s32 $0xFFFFFFB0  }
0x59: {  	[tilespmem:s1], [sflag:$0x6] =	stream.indirect.gather [hbm4b:s5+s25], $0x80, s26, s25, $0xb8;
	[tilespmem:$0x1E400] =	vst v63  }
0x5a: {  	_ =	swait.ge [sflag:s22], $0x50  }
0x5b: {  	[sflag:s22] =	ssyncset.done $0x0  }
0x5c: {  	s21 =	simm.s32 $0x100;
	s6 =	simm.s32 $0x5400;
	[sflag:s22] =	ssyncadd.s32 $0xFFFFFFB0  }
0x5d: {  	[tilespmem:s6], [sflag:$0x7] =	stream.indirect.gather [hbm4b:s5+s25], $0x80, s21, s25, $0xb8;
	[tilespmem:$0x1E400] =	vst v63  }
0x5e: {  	s3 =	simm.s32 $0x300;
	s17 =	simm.s32 $0x5;
	s2 =	rddreg [dreg:$0xd]  }
0x5f: {  	[tilespmem:s3], [sflag:$0xB] =	stream.linear.gather [hbm4b:s2+s4], $0x50, $0x38;
	[tilespmem:$0x1E400] =	vst v63  }
0x60: {  	_ =	swait.ge [sflag:s17], $0x2800  }
0x61: {  	[sflag:s17] =	ssyncset.done $0x0  }
0x62: {  	s18 =	simm.s32 $0x9;
	[sflag:s17] =	ssyncadd.s32 $0xFFFFD800  }
0x63: {  	_ =	swait.ge [sflag:s18], $0x50  }
0x64: {  	[sflag:s18] =	ssyncset.done $0x0  }
0x65: {  	[sflag:s18] =	ssyncadd.s32 $0xFFFFFFB0  }
0x66: {  	s7 =	rddreg [dreg:$0x2]  }
0x67: {  	[spmem:s7] =	stream.indirect.scatter.add.f32 [tilespmem:s10], [sflag:$0xD], $0x80, s14, s25, $0xb8;
	[tilespmem:$0x1E400] =	vst v63  }
0x68: {  	s2 =	simm.s32 $0x4;
	s6 =	rddreg [dreg:$0xe]  }
0x69: {  	[tilespmem:s4], [sflag:$0x1] =	stream.linear.gather [hbm4b:s6+s4], $0x50, $0x38;
	[tilespmem:$0x1E400] =	vst v63  }
0x6a: {  	_ =	swait.ge [sflag:s2], $0x50  }
0x6b: {  	[sflag:s2] =	ssyncset.done $0x0  }
0x6c: {  	[sflag:s2] =	ssyncadd.s32 $0xFFFFFFB0  }
0x6d: {  	[tilespmem:s31], [sflag:$0x8] =	stream.indirect.gather [hbm4b:s5+s25], $0x80, s23, s25, $0xb8;
	[tilespmem:$0x1E400] =	vst v63  }
0x6e: {  	s19 =	simm.s32 $0x6;
	s8 =	rddreg [dreg:$0xf]  }
0x6f: {  	[tilespmem:s13], [sflag:$0xC] =	stream.linear.gather [hbm4b:s8+s4], $0x50, $0x38;
	[tilespmem:$0x1E400] =	vst v63  }
0x70: {  	_ =	swait.ge [sflag:s19], $0x2800  }
0x71: {  	[sflag:s19] =	ssyncset.done $0x0  }
0x72: {  	s20 =	simm.s32 $0xA;
	[sflag:s19] =	ssyncadd.s32 $0xFFFFD800  }
0x73: {  	_ =	swait.ge [sflag:s20], $0x50  }
0x74: {  	[sflag:s20] =	ssyncset.done $0x0  }
0x75: {  	[sflag:s20] =	ssyncadd.s32 $0xFFFFFFB0  }
0x76: {  	[spmem:s7] =	stream.indirect.scatter.add.f32 [tilespmem:s1], [sflag:$0xE], $0x80, s0, s25, $0xb8;
	[tilespmem:$0x1E400] =	vst v63  }
0x77: {  	s6 =	simm.s32 $0xD;
	s12 =	rddreg [dreg:$0x12]  }
0x78: {  	[tilespmem:s26], [sflag:$0x2] =	stream.linear.gather [hbm4b:s12+s4], $0x50, $0x38;
	[tilespmem:$0x1E400] =	vst v63  }
0x79: {  	_ =	swait.ge [sflag:s6], $0x2800  }
0x7a: {  	[sflag:s6] =	ssyncset.done $0x0  }
0x7b: {  	[sflag:s6] =	ssyncadd.s32 $0xFFFFD800  }
0x7c: {  	_ =	swait.ge [sflag:s15], $0x50  }
0x7d: {  	[sflag:s15] =	ssyncset.done $0x0  }
0x7e: {  	[sflag:s15] =	ssyncadd.s32 $0xFFFFFFB0  }
0x7f: {  	[tilespmem:s10], [sflag:$0x5] =	stream.indirect.gather [hbm4b:s5+s25], $0x80, s4, s25, $0xb8;
	[tilespmem:$0x1E400] =	vst v63  }
0x80: {  	s21 =	rddreg [dreg:$0x10]  }
0x81: {  	[tilespmem:s14], [sflag:$0x9] =	stream.linear.gather [hbm4b:s21+s4], $0x50, $0x38;
	[tilespmem:$0x1E400] =	vst v63  }
0x82: {  	s21 =	simm.s32 $0x7  }
0x83: {  	_ =	swait.ge [sflag:s21], $0x2800  }
0x84: {  	[sflag:s21] =	ssyncset.done $0x0  }
0x85: {  	s29 =	simm.s32 $0xB;
	[sflag:s21] =	ssyncadd.s32 $0xFFFFD800  }
0x86: {  	_ =	swait.ge [sflag:s29], $0x50  }
0x87: {  	[sflag:s29] =	ssyncset.done $0x0  }
0x88: {  	s9 =	simm.s32 $0x5400;
	s24 =	simm.s32 $0x300;
	[sflag:s29] =	ssyncadd.s32 $0xFFFFFFB0  }
0x89: {  	[spmem:s7] =	stream.indirect.scatter.add.f32 [tilespmem:s9], [sflag:$0xD], $0x80, s24, s25, $0xb8;
	[tilespmem:$0x1E400] =	vst v63  }
0x8a: {  	s12 =	simm.s32 $0x100;
	s24 =	rddreg [dreg:$0x11]  }
0x8b: {  	[tilespmem:s12], [sflag:$0x3] =	stream.linear.gather [hbm4b:s24+s4], $0x50, $0x38;
	[tilespmem:$0x1E400] =	vst v63  }
0x8c: {  	_ =	swait.ge [sflag:s16], $0x2800  }
0x8d: {  	[sflag:s16] =	ssyncset.done $0x0  }
0x8e: {  	[sflag:s16] =	ssyncadd.s32 $0xFFFFD800  }
0x8f: {  	_ =	swait.ge [sflag:s11], $0x50  }
0x90: {  	[sflag:s11] =	ssyncset.done $0x0  }
0x91: {  	[sflag:s11] =	ssyncadd.s32 $0xFFFFFFB0  }
0x92: {  	[tilespmem:s1], [sflag:$0x6] =	stream.indirect.gather [hbm4b:s5+s25], $0x80, s26, s25, $0xb8;
	[tilespmem:$0x1E400] =	vst v63  }
0x93: {  	s24 =	simm.s32 $0x8;
	s9 =	rddreg [dreg:$0x13]  }
0x94: {  	[tilespmem:s0], [sflag:$0xA] =	stream.linear.gather [hbm4b:s9+s4], $0x50, $0x38;
	[tilespmem:$0x1E400] =	vst v63  }
0x95: {  	_ =	swait.ge [sflag:s24], $0x2800  }
0x96: {  	[sflag:s24] =	ssyncset.done $0x0  }
0x97: {  	s9 =	simm.s32 $0xC;
	[sflag:s24] =	ssyncadd.s32 $0xFFFFD800  }
0x98: {  	_ =	swait.ge [sflag:s9], $0x50  }
0x99: {  	[sflag:s9] =	ssyncset.done $0x0  }
0x9a: {  	[sflag:s9] =	ssyncadd.s32 $0xFFFFFFB0  }
0x9b: {  	[spmem:s7] =	stream.indirect.scatter.add.f32 [tilespmem:s31], [sflag:$0xE], $0x80, s13, s25, $0xb8;
	[tilespmem:$0x1E400] =	vst v63  }
0x9c: {  	s13 =	rddreg [dreg:$0x16]  }
0x9d: {  	[tilespmem:s23], [sflag:$0x4] =	stream.linear.gather [hbm4b:s13+s4], $0x50, $0x38;
	[tilespmem:$0x1E400] =	vst v63  }
0x9e: {  	_ =	swait.ge [sflag:s6], $0x2800  }
0x9f: {  	[sflag:s6] =	ssyncset.done $0x0  }
0xa0: {  	[sflag:s6] =	ssyncadd.s32 $0xFFFFD800  }
0xa1: {  	_ =	swait.ge [sflag:s22], $0x50  }
0xa2: {  	[sflag:s22] =	ssyncset.done $0x0  }
0xa3: {  	s3 =	simm.s32 $0x5400;
	[sflag:s22] =	ssyncadd.s32 $0xFFFFFFB0  }
0xa4: {  	[tilespmem:s3], [sflag:$0x7] =	stream.indirect.gather [hbm4b:s5+s25], $0x80, s12, s25, $0xb8;
	[tilespmem:$0x1E400] =	vst v63  }
0xa5: {  	s13 =	rddreg [dreg:$0x1e];
	s12 =	simm.s32 $0x300  }
0xa6: {  	[tilespmem:s12], [sflag:$0xB] =	stream.linear.gather [hbm4b:s13+s4], $0x50, $0x38;
	[tilespmem:$0x1E400] =	vst v63  }
0xa7: {  	_ =	swait.ge [sflag:s17], $0x2800  }
0xa8: {  	[sflag:s17] =	ssyncset.done $0x0  }
0xa9: {  	[sflag:s17] =	ssyncadd.s32 $0xFFFFD800  }
0xaa: {  	_ =	swait.ge [sflag:s18], $0x50  }
0xab: {  	[sflag:s18] =	ssyncset.done $0x0  }
0xac: {  	[sflag:s18] =	ssyncadd.s32 $0xFFFFFFB0  }
0xad: {  	[spmem:s7] =	stream.indirect.scatter.add.f32 [tilespmem:s10], [sflag:$0xD], $0x80, s14, s25, $0xb8;
	[tilespmem:$0x1E400] =	vst v63  }
0xae: {  	s12 =	rddreg [dreg:$0x1d]  }
0xaf: {  	[tilespmem:s4], [sflag:$0x1] =	stream.linear.gather [hbm4b:s12+s4], $0x50, $0x38;
	[tilespmem:$0x1E400] =	vst v63  }
0xb0: {  	_ =	swait.ge [sflag:s16], $0x2800  }
0xb1: {  	[sflag:s16] =	ssyncset.done $0x0  }
0xb2: {  	[sflag:s16] =	ssyncadd.s32 $0xFFFFD800  }
0xb3: {  	_ =	swait.ge [sflag:s2], $0x50  }
0xb4: {  	[sflag:s2] =	ssyncset.done $0x0  }
0xb5: {  	[sflag:s2] =	ssyncadd.s32 $0xFFFFFFB0  }
0xb6: {  	[tilespmem:s31], [sflag:$0x8] =	stream.indirect.gather [hbm4b:s5+s25], $0x80, s23, s25, $0xb8;
	[tilespmem:$0x1E400] =	vst v63  }
0xb7: {  	s22 =	simm.s32 $0x380;
	s8 =	rddreg [dreg:$0x1b]  }
0xb8: {  	[tilespmem:s22], [sflag:$0xC] =	stream.linear.gather [hbm4b:s8+s4], $0x50, $0x38;
	[tilespmem:$0x1E400] =	vst v63  }
0xb9: {  	_ =	swait.ge [sflag:s19], $0x2800  }
0xba: {  	[sflag:s19] =	ssyncset.done $0x0  }
0xbb: {  	[sflag:s19] =	ssyncadd.s32 $0xFFFFD800  }
0xbc: {  	s18 =	smin.u32 s2, $0x77;
	_ =	swait.ge [sflag:s20], $0x50  }
0xbd: {  	s19 =	smul.u32 $0x50, s18;
	[sflag:s20] =	ssyncset.done $0x0  }
0xbe: {  	[sflag:s20] =	ssyncadd.s32 $0xFFFFFFB0;
	s20 =	rddreg [dreg:$0x4]  }
0xbf: {  	s19 =	sadd.s32 s19, s20  }
0xc0: {  	[spmem:s7] =	stream.indirect.scatter.add.f32 [tilespmem:s1], [sflag:$0xE], $0x80, s0, s25, $0xb8;
	[tilespmem:$0x1E400] =	vst v63  }
0xc1: {  	s3 =	rddreg [dreg:$0x6];
	s19 =	sshrl.u32 s19, $0x3  }
0xc2: {  	s23 =	sadd.s32 s3, s19  }
0xc3: {  	[tilespmem:s26], [sflag:$0x2] =	stream.linear.gather [hbm4b:s23+s4], $0x50, $0x38;
	[tilespmem:$0x1E400] =	vst v63  }
0xc4: {  	_ =	swait.ge [sflag:s6], $0x2800  }
0xc5: {  	[sflag:s6] =	ssyncset.done $0x0  }
0xc6: {  	[sflag:s6] =	ssyncadd.s32 $0xFFFFD800  }
0xc7: {  	_ =	swait.ge [sflag:s15], $0x50  }
0xc8: {  	[sflag:s15] =	ssyncset.done $0x0  }
0xc9: {  	[sflag:s15] =	ssyncadd.s32 $0xFFFFFFB0  }
0xca: {  	[tilespmem:s10], [sflag:$0x5] =	stream.indirect.gather [hbm4b:s5+s25], $0x80, s4, s25, $0xb8;
	[tilespmem:$0x1E400] =	vst v63  }
0xcb: {  	s10 =	rddreg [dreg:$0x1c]  }
0xcc: {  	[tilespmem:s14], [sflag:$0x9] =	stream.linear.gather [hbm4b:s10+s4], $0x50, $0x38;
	[tilespmem:$0x1E400] =	vst v63  }
0xcd: {  	_ =	swait.ge [sflag:s21], $0x2800  }
0xce: {  	[sflag:s21] =	ssyncset.done $0x0  }
0xcf: {  	s15 =	smin.u32 s2, $0x76;
	[sflag:s21] =	ssyncadd.s32 $0xFFFFD800  }
0xd0: {  	s20 =	smul.u32 $0x50, s15;
	_ =	swait.ge [sflag:s29], $0x50  }
0xd1: {  	s17 =	rddreg [dreg:$0x5]  }
0xd2: {  	s18 =	simm.s32 $0x5400;
	[sflag:s29] =	ssyncset.done $0x0;
	s20 =	sadd.s32 s20, s17  }
0xd3: {  	s21 =	simm.s32 $0x300;
	[sflag:s29] =	ssyncadd.s32 $0xFFFFFFB0;
	s20 =	sshrl.u32 s20, $0x3  }
0xd4: {  	[spmem:s7] =	stream.indirect.scatter.add.f32 [tilespmem:s18], [sflag:$0xD], $0x80, s21, s25, $0xb8;
	[tilespmem:$0x1E400] =	vst v63  }
0xd5: {  	s23 =	simm.s32 $0x100;
	s20 =	sadd.s32 s3, s20  }
0xd6: {  	[tilespmem:s23], [sflag:$0x3] =	stream.linear.gather [hbm4b:s20+s4], $0x50, $0x38;
	[tilespmem:$0x1E400] =	vst v63  }
0xd7: {  	_ =	swait.ge [sflag:s16], $0x2800  }
0xd8: {  	[sflag:s16] =	ssyncset.done $0x0  }
0xd9: {  	[sflag:s16] =	ssyncadd.s32 $0xFFFFD800  }
0xda: {  	_ =	swait.ge [sflag:s11], $0x50  }
0xdb: {  	[sflag:s11] =	ssyncset.done $0x0  }
0xdc: {  	[sflag:s11] =	ssyncadd.s32 $0xFFFFFFB0  }
0xdd: {  	[tilespmem:s1], [sflag:$0x6] =	stream.indirect.gather [hbm4b:s5+s25], $0x80, s26, s25, $0xb8;
	[tilespmem:$0x1E400] =	vst v63  }
0xde: {  	s19 =	sadd.s32 s30, s19  }
0xdf: {  	[tilespmem:s0], [sflag:$0xA] =	stream.linear.gather [hbm4b:s19+s4], $0x50, $0x38;
	[tilespmem:$0x1E400] =	vst v63  }
0xe0: {  	_ =	swait.ge [sflag:s24], $0x2800  }
0xe1: {  	[sflag:s24] =	ssyncset.done $0x0  }
0xe2: {  	[sflag:s24] =	ssyncadd.s32 $0xFFFFD800  }
0xe3: {  	_ =	swait.ge [sflag:s9], $0x50  }
0xe4: {  	s29 =	smin.u32 s2, $0x75;
	[sflag:s9] =	ssyncset.done $0x0  }
0xe5: {  	s21 =	smov.u32 s8;
	s19 =	smul.u32 $0x50, s29;
	[sflag:s9] =	ssyncadd.s32 $0xFFFFFFB0  }
0xe6: {  	[spmem:s7] =	stream.indirect.scatter.add.f32 [tilespmem:s31], [sflag:$0xE], $0x80, s22, s25, $0xb8;
	[tilespmem:$0x1E400] =	vst v63  }
0xe7: {  	s23 =	simm.s32 $0x8;
	s20 =	sadd.s32 $0x28, s12;
	s31 =	sadd.s32 s19, s28  }
0xe8: {  	s19 =	sadd.s32 $0x28, s13;
	s22 =	smov.u32 s10;
	s26 =	sshrl.u32 s31, $0x3  }
.LBB2_2:
0xe9: {  	s10 =	smov.u32 s28;
	s3 =	rddreg [dreg:$0x6]  }
0xea: {  	s12 =	simm.s32 $0x180;
	s2 =	simm.s32 $0xD;
	s28 =	sadd.s32 s3, s26  }
0xeb: {  	[tilespmem:s12], [sflag:$0x4] =	stream.linear.gather [hbm4b:s28+s4], $0x50, $0x38;
	[tilespmem:$0x1E400] =	vst v63  }
0xec: {  	_ =	swait.ge [sflag:s2], $0x2800  }
0xed: {  	[sflag:s2] =	ssyncset.done $0x0  }
0xee: {  	s0 =	simm.s32 $0x3;
	[sflag:s2] =	ssyncadd.s32 $0xFFFFD800  }
0xef: {  	_ =	swait.ge [sflag:s0], $0x50  }
0xf0: {  	[sflag:s0] =	ssyncset.done $0x0  }
0xf1: {  	s29 =	simm.s32 $0x100;
	s7 =	simm.s32 $0x5400;
	[sflag:s0] =	ssyncadd.s32 $0xFFFFFFB0  }
0xf2: {  	[tilespmem:s7], [sflag:$0x7] =	stream.indirect.gather [hbm4b:s5+s25], $0x80, s29, s25, $0xb8;
	[tilespmem:$0x1E400] =	vst v63  }
0xf3: {  	s18 =	simm.s32 $0x300;
	s1 =	simm.s32 $0x5  }
0xf4: {  	[tilespmem:s18], [sflag:$0xB] =	stream.linear.gather [hbm4b:s19+s4], $0x50, $0x38;
	[tilespmem:$0x1E400] =	vst v63  }
0xf5: {  	_ =	swait.ge [sflag:s1], $0x2800  }
0xf6: {  	[sflag:s1] =	ssyncset.done $0x0  }
0xf7: {  	s6 =	simm.s32 $0x9;
	[sflag:s1] =	ssyncadd.s32 $0xFFFFD800  }
0xf8: {  	_ =	swait.ge [sflag:s6], $0x50  }
0xf9: {  	[sflag:s6] =	ssyncset.done $0x0  }
0xfa: {  	[sflag:s6] =	ssyncadd.s32 $0xFFFFFFB0  }
0xfb: {  	s31 =	simm.s32 $0x200;
	s11 =	simm.s32 $0x400;
	s13 =	rddreg [dreg:$0x2]  }
0xfc: {  	[spmem:s13] =	stream.indirect.scatter.add.f32 [tilespmem:s11], [sflag:$0xD], $0x80, s31, s25, $0xb8;
	[tilespmem:$0x1E400] =	vst v63  }
0xfd: {  	_ = 	snop  }
0xfe: {  	[tilespmem:s4], [sflag:$0x1] =	stream.linear.gather [hbm4b:s20+s4], $0x50, $0x38;
	[tilespmem:$0x1E400] =	vst v63  }
0xff: {  	_ =	swait.ge [sflag:s16], $0x2800  }
0x100: {  	[sflag:s16] =	ssyncset.done $0x0  }
0x101: {  	s8 =	simm.s32 $0x4;
	[sflag:s16] =	ssyncadd.s32 $0xFFFFD800  }
0x102: {  	_ =	swait.ge [sflag:s8], $0x50  }
0x103: {  	[sflag:s8] =	ssyncset.done $0x0  }
0x104: {  	s6 =	simm.s32 $0x7C00;
	[sflag:s8] =	ssyncadd.s32 $0xFFFFFFB0  }
0x105: {  	[tilespmem:s6], [sflag:$0x8] =	stream.indirect.gather [hbm4b:s5+s25], $0x80, s12, s25, $0xb8;
	[tilespmem:$0x1E400] =	vst v63  }
0x106: {  	s21 =	sadd.s32 $0x28, s21;
	s9 =	simm.s32 $0x6;
	s1 =	simm.s32 $0x380  }
0x107: {  	[tilespmem:s1], [sflag:$0xC] =	stream.linear.gather [hbm4b:s21+s4], $0x50, $0x38;
	[tilespmem:$0x1E400] =	vst v63  }
0x108: {  	_ =	swait.ge [sflag:s9], $0x2800  }
0x109: {  	s26 =	smov.u32 s23;
	[sflag:s9] =	ssyncset.done $0x0  }
0x10a: {  	s28 =	smin.u32 s26, $0x77;
	s12 =	simm.s32 $0xA;
	[sflag:s9] =	ssyncadd.s32 $0xFFFFD800  }
0x10b: {  	s28 =	smul.u32 $0x50, s28;
	_ =	swait.ge [sflag:s12], $0x50  }
0x10c: {  	s24 =	simm.s32 $0x2C00;
	[sflag:s12] =	ssyncset.done $0x0;
	s15 =	rddreg [dreg:$0x4]  }
0x10d: {  	s9 =	simm.s32 $0x280;
	[sflag:s12] =	ssyncadd.s32 $0xFFFFFFB0;
	s28 =	sadd.s32 s28, s15  }
0x10e: {  	[spmem:s13] =	stream.indirect.scatter.add.f32 [tilespmem:s24], [sflag:$0xE], $0x80, s9, s25, $0xb8;
	[tilespmem:$0x1E400] =	vst v63  }
0x10f: {  	s28 =	sshrl.u32 s28, $0x3  }
0x110: {  	s8 =	simm.s32 $0x80;
	s12 =	smov.u32 s30;
	s30 =	sadd.s32 s3, s28  }
0x111: {  	[tilespmem:s8], [sflag:$0x2] =	stream.linear.gather [hbm4b:s30+s4], $0x50, $0x38;
	[tilespmem:$0x1E400] =	vst v63  }
0x112: {  	_ =	swait.ge [sflag:s2], $0x2800  }
0x113: {  	[sflag:s2] =	ssyncset.done $0x0  }
0x114: {  	s15 =	simm.s32 $0x1;
	[sflag:s2] =	ssyncadd.s32 $0xFFFFD800  }
0x115: {  	_ =	swait.ge [sflag:s15], $0x50  }
0x116: {  	[sflag:s15] =	ssyncset.done $0x0  }
0x117: {  	[sflag:s15] =	ssyncadd.s32 $0xFFFFFFB0  }
0x118: {  	[tilespmem:s11], [sflag:$0x5] =	stream.indirect.gather [hbm4b:s5+s25], $0x80, s4, s25, $0xb8;
	[tilespmem:$0x1E400] =	vst v63  }
0x119: {  	s22 =	sadd.s32 $0x28, s22;
	s17 =	simm.s32 $0x7  }
0x11a: {  	[tilespmem:s31], [sflag:$0x9] =	stream.linear.gather [hbm4b:s22+s4], $0x50, $0x38;
	[tilespmem:$0x1E400] =	vst v63  }
0x11b: {  	_ =	swait.ge [sflag:s17], $0x2800  }
0x11c: {  	[sflag:s17] =	ssyncset.done $0x0  }
0x11d: {  	s30 =	smin.u32 s26, $0x76;
	s2 =	simm.s32 $0xB;
	[sflag:s17] =	ssyncadd.s32 $0xFFFFD800  }
0x11e: {  	s30 =	smul.u32 $0x50, s30;
	_ =	swait.ge [sflag:s2], $0x50  }
0x11f: {  	s17 =	rddreg [dreg:$0x5]  }
0x120: {  	[sflag:s2] =	ssyncset.done $0x0;
	s30 =	sadd.s32 s30, s17  }
0x121: {  	[sflag:s2] =	ssyncadd.s32 $0xFFFFFFB0;
	s30 =	sshrl.u32 s30, $0x3  }
0x122: {  	[spmem:s13] =	stream.indirect.scatter.add.f32 [tilespmem:s7], [sflag:$0xD], $0x80, s18, s25, $0xb8;
	[tilespmem:$0x1E400] =	vst v63  }
0x123: {  	s30 =	sadd.s32 s3, s30  }
0x124: {  	[tilespmem:s29], [sflag:$0x3] =	stream.linear.gather [hbm4b:s30+s4], $0x50, $0x38;
	[tilespmem:$0x1E400] =	vst v63  }
0x125: {  	_ =	swait.ge [sflag:s16], $0x2800  }
0x126: {  	[sflag:s16] =	ssyncset.done $0x0  }
0x127: {  	s11 =	simm.s32 $0x2;
	[sflag:s16] =	ssyncadd.s32 $0xFFFFD800  }
0x128: {  	p0 =	sne.s32 s23, $0x78;
	_ =	swait.ge [sflag:s11], $0x50  }
0x129: {  	s14 =	simm.s32 $0x180;
	s23 =	sadd.s32 $0x4, s23;
	[sflag:s11] =	ssyncset.done $0x0  }
0x12a: {  	s0 =	simm.s32 $0x400;
	s26 =	smin.u32 s26, $0x75;
	[sflag:s11] =	ssyncadd.s32 $0xFFFFFFB0  }
0x12b: {  	[tilespmem:s24], [sflag:$0x6] =	stream.indirect.gather [hbm4b:s5+s25], $0x80, s8, s25, $0xb8;
	[tilespmem:$0x1E400] =	vst v63  }
0x12c: {  	s28 =	sadd.s32 s12, s28;
	s26 =	smul.u32 $0x50, s26;
	s24 =	simm.s32 $0x8  }
0x12d: {  	[tilespmem:s9], [sflag:$0xA] =	stream.linear.gather [hbm4b:s28+s4], $0x50, $0x38;
	[tilespmem:$0x1E400] =	vst v63  }
0x12e: {  	s19 =	sadd.s32 $0x28, s19;
	s26 =	sadd.s32 s26, s10;
	_ =	swait.ge [sflag:s24], $0x2800  }
0x12f: {  	s20 =	sadd.s32 $0x28, s20;
	s26 =	sshrl.u32 s26, $0x3;
	[sflag:s24] =	ssyncset.done $0x0  }
.Ltmp0:
0x130: {  	s29 =	simm.s32 $0xC;
	[sflag:s24] =	ssyncadd.s32 $0xFFFFD800;
	(pc) =	sbr.rel @p0 .LBB2_2-.Ltmp0, $4  }
0x131: {  	s15 =	simm.s32 $0x200;
	s31 =	simm.s32 $0x100;
	_ =	swait.ge [sflag:s29], $0x50  }
0x132: {  	s17 =	simm.s32 $0x5400;
	s2 =	simm.s32 $0x300;
	[sflag:s29] =	ssyncset.done $0x0  }
0x133: {  	s30 =	smov.u32 s12;
	s28 =	smov.u32 s10;
	[sflag:s29] =	ssyncadd.s32 $0xFFFFFFB0  }
0x134: {  	[spmem:s13] =	stream.indirect.scatter.add.f32 [tilespmem:s6], [sflag:$0xE], $0x80, s1, s25, $0xb8;
	[tilespmem:$0x1E400] =	vst v63  }
0x135: {  	s1 =	rddreg [dreg:$0x6]  }
0x136: {  	s3 =	simm.s32 $0xD;
	s19 =	sadd.s32 s1, s26  }
0x137: {  	[tilespmem:s14], [sflag:$0x4] =	stream.linear.gather [hbm4b:s19+s4], $0x50, $0x38;
	[tilespmem:$0x1E400] =	vst v63  }
0x138: {  	_ =	swait.ge [sflag:s3], $0x2800  }
0x139: {  	[sflag:s3] =	ssyncset.done $0x0  }
0x13a: {  	s12 =	simm.s32 $0x3;
	[sflag:s3] =	ssyncadd.s32 $0xFFFFD800  }
0x13b: {  	_ =	swait.ge [sflag:s12], $0x50  }
0x13c: {  	[sflag:s12] =	ssyncset.done $0x0  }
0x13d: {  	[sflag:s12] =	ssyncadd.s32 $0xFFFFFFB0  }
0x13e: {  	[tilespmem:s17], [sflag:$0x7] =	stream.indirect.gather [hbm4b:s5+s25], $0x80, s31, s25, $0xb8;
	[tilespmem:$0x1E400] =	vst v63  }
0x13f: {  	s13 =	simm.s32 $0x5;
	s10 =	rddreg [dreg:$0x18]  }
0x140: {  	[tilespmem:s2], [sflag:$0xB] =	stream.linear.gather [hbm4b:s10+s4], $0x50, $0x38;
	[tilespmem:$0x1E400] =	vst v63  }
0x141: {  	_ =	swait.ge [sflag:s13], $0x2800  }
0x142: {  	[sflag:s13] =	ssyncset.done $0x0  }
0x143: {  	s14 =	simm.s32 $0x9;
	[sflag:s13] =	ssyncadd.s32 $0xFFFFD800  }
0x144: {  	_ =	swait.ge [sflag:s14], $0x50  }
0x145: {  	[sflag:s14] =	ssyncset.done $0x0  }
0x146: {  	[sflag:s14] =	ssyncadd.s32 $0xFFFFFFB0  }
0x147: {  	s1 =	rddreg [dreg:$0x2]  }
0x148: {  	[spmem:s1] =	stream.indirect.scatter.add.f32 [tilespmem:s0], [sflag:$0xD], $0x80, s15, s25, $0xb8;
	[tilespmem:$0x1E400] =	vst v63  }
0x149: {  	s15 =	rddreg [dreg:$0x17]  }
0x14a: {  	[tilespmem:s4], [sflag:$0x1] =	stream.linear.gather [hbm4b:s15+s4], $0x50, $0x38;
	[tilespmem:$0x1E400] =	vst v63  }
0x14b: {  	_ =	swait.ge [sflag:s16], $0x2800  }
0x14c: {  	[sflag:s16] =	ssyncset.done $0x0  }
0x14d: {  	[sflag:s16] =	ssyncadd.s32 $0xFFFFD800  }
0x14e: {  	_ =	swait.ge [sflag:s3], $0x2800  }
0x14f: {  	[sflag:s3] =	ssyncset.done $0x0  }
0x150: {  	s17 =	simm.s32 $0x6;
	[sflag:s3] =	ssyncadd.s32 $0xFFFFD800  }
0x151: {  	_ =	swait.ge [sflag:s17], $0x2800  }
0x152: {  	[sflag:s17] =	ssyncset.done $0x0  }
0x153: {  	s18 =	simm.s32 $0xA;
	[sflag:s17] =	ssyncadd.s32 $0xFFFFD800  }
0x154: {  	_ =	swait.ge [sflag:s18], $0x50  }
0x155: {  	[sflag:s18] =	ssyncset.done $0x0  }
0x156: {  	s19 =	simm.s32 $0x7;
	[sflag:s18] =	ssyncadd.s32 $0xFFFFFFB0  }
0x157: {  	_ =	swait.ge [sflag:s19], $0x2800  }
0x158: {  	[sflag:s19] =	ssyncset.done $0x0  }
0x159: {  	s20 =	simm.s32 $0xB;
	[sflag:s19] =	ssyncadd.s32 $0xFFFFD800  }
0x15a: {  	_ =	swait.ge [sflag:s20], $0x50  }
0x15b: {  	[sflag:s20] =	ssyncset.done $0x0  }
0x15c: {  	s21 =	simm.s32 $0x4;
	[sflag:s20] =	ssyncadd.s32 $0xFFFFFFB0  }
0x15d: {  	_ =	swait.ge [sflag:s21], $0x50  }
0x15e: {  	[sflag:s21] =	ssyncset.done $0x0  }
0x15f: {  	s22 =	simm.s32 $0x1;
	[sflag:s21] =	ssyncadd.s32 $0xFFFFFFB0  }
0x160: {  	_ =	swait.ge [sflag:s22], $0x50  }
0x161: {  	[sflag:s22] =	ssyncset.done $0x0  }
0x162: {  	[sflag:s22] =	ssyncadd.s32 $0xFFFFFFB0  }
0x163: {  	[bflag:$0x0] =	sbarrier.arrive $0xFFFF  }
0x164: {  	s24 =	sld [smem:$0x7FA]  }
0x165: {  	s20 =	rddreg [dreg:$0x8]  }
0x166: {  	s23 =	rddreg [dreg:$0x19]  }
0x167: {  	[hbm:s23], [sflag:s20] =	dma.local [spmem:s24], $0x2800  }
0x168: {  	s23 =	simm.s32 $0xF  }
0x169: {  	_ =	swait.ge [sflag:s23], $0x2800  }
0x16a: {  	s26 =	sld [smem:$0x7F9];
	_ =	sdelay $0x2  }
0x16b: {  	s29 =	rddreg [dreg:$0x1a];
	s2 =	sadd.s32 $0x1, s26  }
0x16c: {  	p0 =	sne.s32 s2, s29  }
.Ltmp1:
0x16d: {  	_ = 	snop;
	(pc) =	sbr.rel @p0 .LBB2_1-.Ltmp1, $4  }
0x16e: {  	_ = 	snop  }
0x16f: {  	s31 =	simm.s32 $0x7C00  }
0x170: {  	s13 =	simm.s32 $0x380;
	s0 =	simm.s32 $0x280;
	[sflag:s23] =	ssyncset.done $0x0  }
0x171: {  	s1 =	simm.s32 $0x2C00;
	[sflag:s23] =	ssyncadd.s32 $0xFFFFD800;
	s26 =	simm.s32 $0x80  }
0x172: {  	_ =	sfence.sel $0x180000  }
0x173: {  	[bflag:$0x0] =	sbarrier.arrive $0xFFFF  }
0x174: {  	_ =	strace $0x9000004A  }
0x175: {  	s0 =	stileid.u32;
	[bflag:$0x2] =	sbarrier.arrive $0xFFFF  }
0x176: {  	p0 =	sne.s32 s0, $0x0;
	s0 =	rddreg [dreg:$0x3]  }
0x177: {  	s0 =	sadd.s32 @!p0 $0x100000, s0  }
0x178: {  	[sflag:s0] =	ssyncadd.tile.s32 @!p0 $0x1;
	_ =	shalt  }
.Lfunc_end2:
_tile_overlayer_lowered:
.L_overlay_start_2:
0x179: {  	(tag) =	ssettag $0x2  }
0x17a: {  	s0 =	rddreg [dreg:$0x0];
	s2 =	stileid.u32  }
0x17b: {  	s1 =	rddreg [dreg:$0x1];
	p0 =	sne.s32 s2, $0x0  }
0x17c: {  	s3 =	rddreg [dreg:$0x2];
	[bflag:$0x3] =	sbarrier.arrive $0xFFFF;
	s2 =	simm.s32 @!p0 $0x1C0F  }
0x17d: {  	[timem:s3], [sflag:s2] =	dma.local @!p0 [hbm:s0], s1  }
0x17e: {  	s0 =	simm.s32 @!p0 $0xF  }
0x17f: {  	_ =	swait.ge @!p0 [sflag:s0], s1  }
0x180: {  	s1 =	ssub.s32 @!p0 $0x0, s1;
	[sflag:s0] =	ssyncset.done @!p0 $0x0  }
0x181: {  	[sflag:s0] =	ssyncadd.s32 @!p0 s1  }
0x182: {  	[bflag:$0x3] =	sbarrier.arrive $0xFFFF  }
0x183: {  	_ =	shalt  }

</sc_bundles>
